<compile_context>
chip_gen: v7x
topology: tpu7x:2x2x1
jax: 0.10.2.dev20260603
libtpu: 0.0.44.dev20260713+nightly
codegen_flags: <defaults>
</compile_context>

<pallas_src>
import functools
import math

import jax
import jax.numpy as jnp
import numpy as np
from jax import lax
from jax.experimental import pallas as pl
from jax.experimental.pallas import tpu as pltpu
from jax.experimental.pallas import tpu_sc as plsc

D_MODEL = 1024
SEQ = 4096
BATCH = 4
NC, NS, L = 2, 16, 16
NW = NC * NS
S_PER_W = SEQ // NW
S_CHUNK = 4
NCHUNK = S_PER_W // S_CHUNK
ROWS = BATCH * S_CHUNK
B_TOTAL = BATCH * SEQ
SCALE = math.sqrt(D_MODEL)
GDEPTH = 4
ODEPTH = 2


def _pe_table() -> np.ndarray:
    pos = np.arange(SEQ, dtype=np.float32)[:, None]
    div = np.exp(
        np.arange(0, D_MODEL, 2, dtype=np.float32) * (-math.log(10000.0) / D_MODEL)
    )
    pe = np.zeros((SEQ, D_MODEL), dtype=np.float32)
    pe[:, 0::2] = np.sin(pos * div)
    pe[:, 1::2] = np.cos(pos * div)
    return pe


_PE = _pe_table()

_MESH = plsc.VectorSubcoreMesh(core_axis_name="c", subcore_axis_name="s")


@functools.partial(
    pl.kernel,
    mesh=_MESH,
    out_type=jax.ShapeDtypeStruct((B_TOTAL, D_MODEL), jnp.float32),
    scratch_types=(
        [pltpu.VMEM((NCHUNK, ROWS), jnp.int32)]
        + [pltpu.VMEM((ROWS, D_MODEL), jnp.float32)] * GDEPTH
        + [pltpu.VMEM((S_CHUNK, D_MODEL), jnp.float32)] * GDEPTH
        + [pltpu.VMEM((ROWS, D_MODEL), jnp.float32)] * ODEPTH
        + [pltpu.SemaphoreType.DMA] * (3 * GDEPTH + ODEPTH)
    ),
)
def _embed_sc(x_hbm, table_hbm, pe_hbm, out_hbm, idx_v, *bufs):
    rows = bufs[0:GDEPTH]
    pe = bufs[GDEPTH : 2 * GDEPTH]
    outv = bufs[2 * GDEPTH : 2 * GDEPTH + ODEPTH]
    gsem = bufs[2 * GDEPTH + ODEPTH : 3 * GDEPTH + ODEPTH]
    psem = bufs[3 * GDEPTH + ODEPTH : 4 * GDEPTH + ODEPTH]
    osem = bufs[4 * GDEPTH + ODEPTH : 4 * GDEPTH + 2 * ODEPTH]
    g2sem = bufs[4 * GDEPTH + 2 * ODEPTH :]

    wid = lax.axis_index("s") * NC + lax.axis_index("c")
    s_base = wid * S_PER_W
    pltpu.sync_copy(x_hbm.at[wid], idx_v)

    H = ROWS // 2

    def issue_in(c, p):
        pltpu.async_copy(
            table_hbm.at[idx_v.at[c].at[pl.ds(0, H)]], rows[p].at[pl.ds(0, H)], gsem[p]
        )
        pltpu.async_copy(
            table_hbm.at[idx_v.at[c].at[pl.ds(H, H)]], rows[p].at[pl.ds(H, H)], g2sem[p]
        )
        pltpu.async_copy(
            pe_hbm.at[pl.ds(s_base + c * S_CHUNK, S_CHUNK)], pe[p], psem[p]
        )

    def wait_in(c, p):
        pltpu.make_async_copy(
            table_hbm.at[idx_v.at[c].at[pl.ds(0, H)]], rows[p].at[pl.ds(0, H)], gsem[p]
        ).wait()
        pltpu.make_async_copy(
            table_hbm.at[idx_v.at[c].at[pl.ds(H, H)]], rows[p].at[pl.ds(H, H)], g2sem[p]
        ).wait()
        pltpu.make_async_copy(
            pe_hbm.at[pl.ds(s_base, S_CHUNK)], pe[p], psem[p]
        ).wait()

    def out_slices(c, po):
        for b in range(BATCH):
            yield (
                outv[po].at[pl.ds(b * S_CHUNK, S_CHUNK)],
                out_hbm.at[pl.ds(b * SEQ + s_base + c * S_CHUNK, S_CHUNK)],
                osem[po],
            )

    def drain_out(c, po):
        for src, dst, sem in out_slices(c, po):
            pltpu.make_async_copy(src, dst, sem).wait()

    def chunk_body(c, p, po):
        @pl.when(c + GDEPTH - 1 < NCHUNK)
        def _():
            issue_in(c + GDEPTH - 1, (p + GDEPTH - 1) % GDEPTH)

        wait_in(c, p)

        @pl.when(c >= ODEPTH)
        def _():
            drain_out(c - ODEPTH, po)

        rv, ov, pv = rows[p], outv[po], pe[p]

        @plsc.parallel_loop(0, D_MODEL // L, unroll=8)
        def col_body(k):
            sl = pl.ds(pl.multiple_of(k * L, L), L)
            for r in range(S_CHUNK):
                pvv = pv[r, sl]
                for b in range(BATCH):
                    row = b * S_CHUNK + r
                    ov[row, sl] = rv[row, sl] * SCALE + pvv

        for src, dst, sem in out_slices(c, po):
            pltpu.async_copy(src, dst, sem)

    for c0 in range(GDEPTH - 1):
        issue_in(c0, c0)

    def quad_body(i, _):
        for j in range(GDEPTH):
            chunk_body(GDEPTH * i + j, j, j % ODEPTH)
        return 0

    lax.fori_loop(0, NCHUNK // GDEPTH, quad_body, 0)

    drain_out(NCHUNK - 2, (NCHUNK - 2) % ODEPTH)
    drain_out(NCHUNK - 1, (NCHUNK - 1) % ODEPTH)


def kernel(x, table):
    idx = (
        x.astype(jnp.int32)
        .reshape(BATCH, NW, NCHUNK, S_CHUNK)
        .transpose(1, 2, 0, 3)
        .reshape(NW, NCHUNK, ROWS)
    )
    pe = jnp.asarray(_PE)
    out = _embed_sc(idx, table, pe)
    return out.reshape(BATCH, SEQ, D_MODEL)

# --- scband reference (transcript-rebuilt; emitter-appended) ---
"""Pipeline reference for scband-transformer-embedding-71700184039848 (READ-ONLY COPY).

The authoritative reference and input builder live on the scoring server;
editing this copy changes nothing except your own understanding.
"""

import jax, jax.numpy as jnp
import numpy as np
import math

D_MODEL = 1024
VOCAB = 100000
MAX_LEN = 8192


def _positional_encoding(seq_len, d_model):
    pos = jnp.arange(seq_len, dtype=jnp.float32)[:, None]
    div = jnp.exp(jnp.arange(0, d_model, 2, dtype=jnp.float32) * (-math.log(10000.0) / d_model))
    pe = jnp.zeros((seq_len, d_model), dtype=jnp.float32)
    pe = pe.at[:, 0::2].set(jnp.sin(pos * div))
    pe = pe.at[:, 1::2].set(jnp.cos(pos * div))
    return pe


def setup_inputs(seed: int = 0) -> dict:
    key = jax.random.key(seed)
    k1, k2 = jax.random.split(key)
    x = jax.random.randint(k1, (4, 4096), 0, VOCAB)
    table = jax.random.normal(k2, (VOCAB, D_MODEL), dtype=jnp.float32) * 0.02
    return {"x": x, "table": table}


def reference(x, table):
    # token embedding lookup scaled by sqrt(d_model)
    tok = jnp.take(table, x, axis=0) * math.sqrt(D_MODEL)
    # sinusoidal positional encoding (non-learned buffer), sliced to seq_len
    pe = _positional_encoding(MAX_LEN, D_MODEL)[: x.shape[1]]
    # dropout is identity in eval / p=0.0
    return tok + pe[None, :, :]

if __name__ == "__main__":
    import jax
    _d = setup_inputs()
    print(jax.jit(kernel)(*tuple(_d.values())))

</pallas_src>

<mosaic_0001>
#map = affine_map<(d0, d1) -> (0, 0, 0)>
#map1 = affine_map<(d0, d1) -> (0, 0)>
module attributes {stable_mosaic.version = 14 : i64} {
  func.func @_embed_sc(%arg0: i32, %arg1: i32, %arg2: memref<32x32x16xi32, #tpu.memory_space<hbm>>, %arg3: memref<100000x1024xf32, #tpu.memory_space<hbm>>, %arg4: memref<4096x1024xf32, #tpu.memory_space<hbm>>, %arg5: memref<16384x1024xf32, #tpu.memory_space<hbm>>, %arg6: memref<32x16xi32, #tpu.memory_space<vmem>>, %arg7: memref<16x1024xf32, #tpu.memory_space<vmem>>, %arg8: memref<16x1024xf32, #tpu.memory_space<vmem>>, %arg9: memref<16x1024xf32, #tpu.memory_space<vmem>>, %arg10: memref<16x1024xf32, #tpu.memory_space<vmem>>, %arg11: memref<4x1024xf32, #tpu.memory_space<vmem>>, %arg12: memref<4x1024xf32, #tpu.memory_space<vmem>>, %arg13: memref<4x1024xf32, #tpu.memory_space<vmem>>, %arg14: memref<4x1024xf32, #tpu.memory_space<vmem>>, %arg15: memref<16x1024xf32, #tpu.memory_space<vmem>>, %arg16: memref<16x1024xf32, #tpu.memory_space<vmem>>, %arg17: memref<!tpu.dma_semaphore, #tpu.memory_space<semaphore_mem>>, %arg18: memref<!tpu.dma_semaphore, #tpu.memory_space<semaphore_mem>>, %arg19: memref<!tpu.dma_semaphore, #tpu.memory_space<semaphore_mem>>, %arg20: memref<!tpu.dma_semaphore, #tpu.memory_space<semaphore_mem>>, %arg21: memref<!tpu.dma_semaphore, #tpu.memory_space<semaphore_mem>>, %arg22: memref<!tpu.dma_semaphore, #tpu.memory_space<semaphore_mem>>, %arg23: memref<!tpu.dma_semaphore, #tpu.memory_space<semaphore_mem>>, %arg24: memref<!tpu.dma_semaphore, #tpu.memory_space<semaphore_mem>>, %arg25: memref<!tpu.dma_semaphore, #tpu.memory_space<semaphore_mem>>, %arg26: memref<!tpu.dma_semaphore, #tpu.memory_space<semaphore_mem>>, %arg27: memref<!tpu.dma_semaphore, #tpu.memory_space<semaphore_mem>>, %arg28: memref<!tpu.dma_semaphore, #tpu.memory_space<semaphore_mem>>, %arg29: memref<!tpu.dma_semaphore, #tpu.memory_space<semaphore_mem>>, %arg30: memref<!tpu.dma_semaphore, #tpu.memory_space<semaphore_mem>>) attributes {dimension_semantics = [#tpu.dimension_semantics<core_parallel>, #tpu.dimension_semantics<subcore_parallel>], iteration_bounds = array<i64: 2, 16>, scalar_prefetch = 0 : i64, scratch_operands = 25 : i64, tpu.core_type = #tpu.core_type<sc_vector_subcore>, window_params = [{transform_indices = #map}, {transform_indices = #map1}, {transform_indices = #map1}, {transform_indices = #map1}]} {
    %mul3A = arith.constant 2 : i32
    %mul3A_0 = arith.muli %arg1, %mul3A : i32
    %add3A = arith.addi %mul3A_0, %arg0 : i32
    %mul3A_1 = arith.constant 128 : i32
    %mul3A_2 = arith.muli %add3A, %mul3A_1 : i32
    "tpu.region"() ({
      %run_scoped3A = tpu.sem_alloc : memref<!tpu.dma_semaphore, #tpu.memory_space<semaphore_mem>>
      %dma_start3A_209 = arith.constant 0 : i32
      %dma_start3A_210 = arith.constant 0 : i32
      %dma_start3A_211 = tpu.memref_slice %arg2[%add3A, %dma_start3A_209, %dma_start3A_210] : memref<32x32x16xi32, #tpu.memory_space<hbm>> -> memref<1x32x16xi32, #tpu.memory_space<hbm>>
      %dma_start3A_212 = tpu.memref_squeeze %dma_start3A_211 : memref<1x32x16xi32, #tpu.memory_space<hbm>> -> memref<32x16xi32, #tpu.memory_space<hbm>>
      %dma_start3A_213 = arith.constant 0 : i32
      %dma_start3A_214 = arith.constant 0 : i32
      %dma_start3A_215 = tpu.memref_slice %arg2[%add3A, %dma_start3A_213, %dma_start3A_214] : memref<32x32x16xi32, #tpu.memory_space<hbm>> -> memref<1x32x16xi32, #tpu.memory_space<hbm>>
      %dma_start3A_216 = tpu.memref_squeeze %dma_start3A_215 : memref<1x32x16xi32, #tpu.memory_space<hbm>> -> memref<32x16xi32, #tpu.memory_space<hbm>>
      tpu.enqueue_dma source(%dma_start3A_216 : memref<32x16xi32, #tpu.memory_space<hbm>>) target(%arg6 : memref<32x16xi32, #tpu.memory_space<vmem>>) target_semaphore(%run_scoped3A : memref<!tpu.dma_semaphore, #tpu.memory_space<semaphore_mem>>)
      %dma_wait3A_217 = arith.constant 0 : i32
      %dma_wait3A_218 = arith.constant 0 : i32
      %dma_wait3A_219 = tpu.memref_slice %arg2[%add3A, %dma_wait3A_217, %dma_wait3A_218] : memref<32x32x16xi32, #tpu.memory_space<hbm>> -> memref<1x32x16xi32, #tpu.memory_space<hbm>>
      %dma_wait3A_220 = tpu.memref_squeeze %dma_wait3A_219 : memref<1x32x16xi32, #tpu.memory_space<hbm>> -> memref<32x16xi32, #tpu.memory_space<hbm>>
      %dma_wait3A_221 = arith.constant 0 : i32
      %dma_wait3A_222 = arith.constant 0 : i32
      %dma_wait3A_223 = tpu.memref_slice %arg2[%add3A, %dma_wait3A_221, %dma_wait3A_222] : memref<32x32x16xi32, #tpu.memory_space<hbm>> -> memref<1x32x16xi32, #tpu.memory_space<hbm>>
      %dma_wait3A_224 = tpu.memref_squeeze %dma_wait3A_223 : memref<1x32x16xi32, #tpu.memory_space<hbm>> -> memref<32x16xi32, #tpu.memory_space<hbm>>
      tpu.wait_dma2 semaphore(%run_scoped3A : memref<!tpu.dma_semaphore, #tpu.memory_space<semaphore_mem>>) src(%dma_wait3A_224 : memref<32x16xi32, #tpu.memory_space<hbm>>) dst(%arg6 : memref<32x16xi32, #tpu.memory_space<vmem>>)
      tpu.yield
    }) : () -> ()
    %dma_start3A = arith.constant 0 : i32
    %dma_start3A_3 = arith.constant 0 : i32
    %dma_start3A_4 = arith.constant 0 : i32
    %dma_start3A_5 = tpu.memref_slice %arg7[%dma_start3A_3, %dma_start3A_4] : memref<16x1024xf32, #tpu.memory_space<vmem>> -> memref<8x1024xf32, #tpu.memory_space<vmem>>
    %dma_start3A_6 = arith.constant 0 : i32
    %dma_start3A_7 = tpu.memref_slice %arg6[%dma_start3A, %dma_start3A_6] : memref<32x16xi32, #tpu.memory_space<vmem>> -> memref<1x16xi32, #tpu.memory_space<vmem>>
    %dma_start3A_8 = tpu.memref_squeeze %dma_start3A_7 : memref<1x16xi32, #tpu.memory_space<vmem>> -> memref<16xi32, #tpu.memory_space<vmem>>
    %dma_start3A_9 = arith.constant 0 : i32
    %dma_start3A_10 = tpu.memref_slice %dma_start3A_8[%dma_start3A_9] : memref<16xi32, #tpu.memory_space<vmem>> -> memref<8xi32, #tpu.memory_space<vmem>>
    %dma_start3A_11 = arith.constant 0 : i32
    %dma_start3A_12 = arith.constant 0 : i32
    %dma_start3A_13 = tpu.memref_slice %arg3[%dma_start3A_11, %dma_start3A_12] : memref<100000x1024xf32, #tpu.memory_space<hbm>> -> memref<100000x1024xf32, #tpu.memory_space<hbm>>
    tpu.enqueue_indirect_dma source(%dma_start3A_13 : memref<100000x1024xf32, #tpu.memory_space<hbm>>) target(%dma_start3A_5 : memref<8x1024xf32, #tpu.memory_space<vmem>>) offsets(%dma_start3A_10 : memref<8xi32, #tpu.memory_space<vmem>>) semaphore(%arg17 : memref<!tpu.dma_semaphore, #tpu.memory_space<semaphore_mem>>)
    %dma_start3A_14 = arith.constant 0 : i32
    %dma_start3A_15 = arith.constant 8 : i32
    %dma_start3A_16 = arith.constant 0 : i32
    %dma_start3A_17 = tpu.memref_slice %arg7[%dma_start3A_15, %dma_start3A_16] : memref<16x1024xf32, #tpu.memory_space<vmem>> -> memref<8x1024xf32, #tpu.memory_space<vmem>>
    %dma_start3A_18 = arith.constant 0 : i32
    %dma_start3A_19 = tpu.memref_slice %arg6[%dma_start3A_14, %dma_start3A_18] : memref<32x16xi32, #tpu.memory_space<vmem>> -> memref<1x16xi32, #tpu.memory_space<vmem>>
    %dma_start3A_20 = tpu.memref_squeeze %dma_start3A_19 : memref<1x16xi32, #tpu.memory_space<vmem>> -> memref<16xi32, #tpu.memory_space<vmem>>
    %dma_start3A_21 = arith.constant 8 : i32
    %dma_start3A_22 = tpu.memref_slice %dma_start3A_20[%dma_start3A_21] : memref<16xi32, #tpu.memory_space<vmem>> -> memref<8xi32, #tpu.memory_space<vmem>>
    %dma_start3A_23 = arith.constant 0 : i32
    %dma_start3A_24 = arith.constant 0 : i32
    %dma_start3A_25 = tpu.memref_slice %arg3[%dma_start3A_23, %dma_start3A_24] : memref<100000x1024xf32, #tpu.memory_space<hbm>> -> memref<100000x1024xf32, #tpu.memory_space<hbm>>
    tpu.enqueue_indirect_dma source(%dma_start3A_25 : memref<100000x1024xf32, #tpu.memory_space<hbm>>) target(%dma_start3A_17 : memref<8x1024xf32, #tpu.memory_space<vmem>>) offsets(%dma_start3A_22 : memref<8xi32, #tpu.memory_space<vmem>>) semaphore(%arg27 : memref<!tpu.dma_semaphore, #tpu.memory_space<semaphore_mem>>)
    %add3A_26 = arith.constant 0 : i32
    %add3A_27 = arith.addi %mul3A_2, %add3A_26 : i32
    %dma_start3A_28 = arith.constant 0 : i32
    %dma_start3A_29 = tpu.memref_slice %arg4[%add3A_27, %dma_start3A_28] : memref<4096x1024xf32, #tpu.memory_space<hbm>> -> memref<4x1024xf32, #tpu.memory_space<hbm>>
    %dma_start3A_30 = arith.constant 0 : i32
    %dma_start3A_31 = tpu.memref_slice %arg4[%add3A_27, %dma_start3A_30] : memref<4096x1024xf32, #tpu.memory_space<hbm>> -> memref<4x1024xf32, #tpu.memory_space<hbm>>
    tpu.enqueue_dma source(%dma_start3A_31 : memref<4x1024xf32, #tpu.memory_space<hbm>>) target(%arg11 : memref<4x1024xf32, #tpu.memory_space<vmem>>) target_semaphore(%arg21 : memref<!tpu.dma_semaphore, #tpu.memory_space<semaphore_mem>>)
    %dma_start3A_32 = arith.constant 1 : i32
    %dma_start3A_33 = arith.constant 0 : i32
    %dma_start3A_34 = arith.constant 0 : i32
    %dma_start3A_35 = tpu.memref_slice %arg8[%dma_start3A_33, %dma_start3A_34] : memref<16x1024xf32, #tpu.memory_space<vmem>> -> memref<8x1024xf32, #tpu.memory_space<vmem>>
    %dma_start3A_36 = arith.constant 0 : i32
    %dma_start3A_37 = tpu.memref_slice %arg6[%dma_start3A_32, %dma_start3A_36] : memref<32x16xi32, #tpu.memory_space<vmem>> -> memref<1x16xi32, #tpu.memory_space<vmem>>
    %dma_start3A_38 = tpu.memref_squeeze %dma_start3A_37 : memref<1x16xi32, #tpu.memory_space<vmem>> -> memref<16xi32, #tpu.memory_space<vmem>>
    %dma_start3A_39 = arith.constant 0 : i32
    %dma_start3A_40 = tpu.memref_slice %dma_start3A_38[%dma_start3A_39] : memref<16xi32, #tpu.memory_space<vmem>> -> memref<8xi32, #tpu.memory_space<vmem>>
    %dma_start3A_41 = arith.constant 0 : i32
    %dma_start3A_42 = arith.constant 0 : i32
    %dma_start3A_43 = tpu.memref_slice %arg3[%dma_start3A_41, %dma_start3A_42] : memref<100000x1024xf32, #tpu.memory_space<hbm>> -> memref<100000x1024xf32, #tpu.memory_space<hbm>>
    tpu.enqueue_indirect_dma source(%dma_start3A_43 : memref<100000x1024xf32, #tpu.memory_space<hbm>>) target(%dma_start3A_35 : memref<8x1024xf32, #tpu.memory_space<vmem>>) offsets(%dma_start3A_40 : memref<8xi32, #tpu.memory_space<vmem>>) semaphore(%arg18 : memref<!tpu.dma_semaphore, #tpu.memory_space<semaphore_mem>>)
    %dma_start3A_44 = arith.constant 1 : i32
    %dma_start3A_45 = arith.constant 8 : i32
    %dma_start3A_46 = arith.constant 0 : i32
    %dma_start3A_47 = tpu.memref_slice %arg8[%dma_start3A_45, %dma_start3A_46] : memref<16x1024xf32, #tpu.memory_space<vmem>> -> memref<8x1024xf32, #tpu.memory_space<vmem>>
    %dma_start3A_48 = arith.constant 0 : i32
    %dma_start3A_49 = tpu.memref_slice %arg6[%dma_start3A_44, %dma_start3A_48] : memref<32x16xi32, #tpu.memory_space<vmem>> -> memref<1x16xi32, #tpu.memory_space<vmem>>
    %dma_start3A_50 = tpu.memref_squeeze %dma_start3A_49 : memref<1x16xi32, #tpu.memory_space<vmem>> -> memref<16xi32, #tpu.memory_space<vmem>>
    %dma_start3A_51 = arith.constant 8 : i32
    %dma_start3A_52 = tpu.memref_slice %dma_start3A_50[%dma_start3A_51] : memref<16xi32, #tpu.memory_space<vmem>> -> memref<8xi32, #tpu.memory_space<vmem>>
    %dma_start3A_53 = arith.constant 0 : i32
    %dma_start3A_54 = arith.constant 0 : i32
    %dma_start3A_55 = tpu.memref_slice %arg3[%dma_start3A_53, %dma_start3A_54] : memref<100000x1024xf32, #tpu.memory_space<hbm>> -> memref<100000x1024xf32, #tpu.memory_space<hbm>>
    tpu.enqueue_indirect_dma source(%dma_start3A_55 : memref<100000x1024xf32, #tpu.memory_space<hbm>>) target(%dma_start3A_47 : memref<8x1024xf32, #tpu.memory_space<vmem>>) offsets(%dma_start3A_52 : memref<8xi32, #tpu.memory_space<vmem>>) semaphore(%arg28 : memref<!tpu.dma_semaphore, #tpu.memory_space<semaphore_mem>>)
    %add3A_56 = arith.constant 4 : i32
    %add3A_57 = arith.addi %mul3A_2, %add3A_56 : i32
    %dma_start3A_58 = arith.constant 0 : i32
    %dma_start3A_59 = tpu.memref_slice %arg4[%add3A_57, %dma_start3A_58] : memref<4096x1024xf32, #tpu.memory_space<hbm>> -> memref<4x1024xf32, #tpu.memory_space<hbm>>
    %dma_start3A_60 = arith.constant 0 : i32
    %dma_start3A_61 = tpu.memref_slice %arg4[%add3A_57, %dma_start3A_60] : memref<4096x1024xf32, #tpu.memory_space<hbm>> -> memref<4x1024xf32, #tpu.memory_space<hbm>>
    tpu.enqueue_dma source(%dma_start3A_61 : memref<4x1024xf32, #tpu.memory_space<hbm>>) target(%arg12 : memref<4x1024xf32, #tpu.memory_space<vmem>>) target_semaphore(%arg22 : memref<!tpu.dma_semaphore, #tpu.memory_space<semaphore_mem>>)
    %dma_start3A_62 = arith.constant 2 : i32
    %dma_start3A_63 = arith.constant 0 : i32
    %dma_start3A_64 = arith.constant 0 : i32
    %dma_start3A_65 = tpu.memref_slice %arg9[%dma_start3A_63, %dma_start3A_64] : memref<16x1024xf32, #tpu.memory_space<vmem>> -> memref<8x1024xf32, #tpu.memory_space<vmem>>
    %dma_start3A_66 = arith.constant 0 : i32
    %dma_start3A_67 = tpu.memref_slice %arg6[%dma_start3A_62, %dma_start3A_66] : memref<32x16xi32, #tpu.memory_space<vmem>> -> memref<1x16xi32, #tpu.memory_space<vmem>>
    %dma_start3A_68 = tpu.memref_squeeze %dma_start3A_67 : memref<1x16xi32, #tpu.memory_space<vmem>> -> memref<16xi32, #tpu.memory_space<vmem>>
    %dma_start3A_69 = arith.constant 0 : i32
    %dma_start3A_70 = tpu.memref_slice %dma_start3A_68[%dma_start3A_69] : memref<16xi32, #tpu.memory_space<vmem>> -> memref<8xi32, #tpu.memory_space<vmem>>
    %dma_start3A_71 = arith.constant 0 : i32
    %dma_start3A_72 = arith.constant 0 : i32
    %dma_start3A_73 = tpu.memref_slice %arg3[%dma_start3A_71, %dma_start3A_72] : memref<100000x1024xf32, #tpu.memory_space<hbm>> -> memref<100000x1024xf32, #tpu.memory_space<hbm>>
    tpu.enqueue_indirect_dma source(%dma_start3A_73 : memref<100000x1024xf32, #tpu.memory_space<hbm>>) target(%dma_start3A_65 : memref<8x1024xf32, #tpu.memory_space<vmem>>) offsets(%dma_start3A_70 : memref<8xi32, #tpu.memory_space<vmem>>) semaphore(%arg19 : memref<!tpu.dma_semaphore, #tpu.memory_space<semaphore_mem>>)
    %dma_start3A_74 = arith.constant 2 : i32
    %dma_start3A_75 = arith.constant 8 : i32
    %dma_start3A_76 = arith.constant 0 : i32
    %dma_start3A_77 = tpu.memref_slice %arg9[%dma_start3A_75, %dma_start3A_76] : memref<16x1024xf32, #tpu.memory_space<vmem>> -> memref<8x1024xf32, #tpu.memory_space<vmem>>
    %dma_start3A_78 = arith.constant 0 : i32
    %dma_start3A_79 = tpu.memref_slice %arg6[%dma_start3A_74, %dma_start3A_78] : memref<32x16xi32, #tpu.memory_space<vmem>> -> memref<1x16xi32, #tpu.memory_space<vmem>>
    %dma_start3A_80 = tpu.memref_squeeze %dma_start3A_79 : memref<1x16xi32, #tpu.memory_space<vmem>> -> memref<16xi32, #tpu.memory_space<vmem>>
    %dma_start3A_81 = arith.constant 8 : i32
    %dma_start3A_82 = tpu.memref_slice %dma_start3A_80[%dma_start3A_81] : memref<16xi32, #tpu.memory_space<vmem>> -> memref<8xi32, #tpu.memory_space<vmem>>
    %dma_start3A_83 = arith.constant 0 : i32
    %dma_start3A_84 = arith.constant 0 : i32
    %dma_start3A_85 = tpu.memref_slice %arg3[%dma_start3A_83, %dma_start3A_84] : memref<100000x1024xf32, #tpu.memory_space<hbm>> -> memref<100000x1024xf32, #tpu.memory_space<hbm>>
    tpu.enqueue_indirect_dma source(%dma_start3A_85 : memref<100000x1024xf32, #tpu.memory_space<hbm>>) target(%dma_start3A_77 : memref<8x1024xf32, #tpu.memory_space<vmem>>) offsets(%dma_start3A_82 : memref<8xi32, #tpu.memory_space<vmem>>) semaphore(%arg29 : memref<!tpu.dma_semaphore, #tpu.memory_space<semaphore_mem>>)
    %add3A_86 = arith.constant 8 : i32
    %add3A_87 = arith.addi %mul3A_2, %add3A_86 : i32
    %dma_start3A_88 = arith.constant 0 : i32
    %dma_start3A_89 = tpu.memref_slice %arg4[%add3A_87, %dma_start3A_88] : memref<4096x1024xf32, #tpu.memory_space<hbm>> -> memref<4x1024xf32, #tpu.memory_space<hbm>>
    %dma_start3A_90 = arith.constant 0 : i32
    %dma_start3A_91 = tpu.memref_slice %arg4[%add3A_87, %dma_start3A_90] : memref<4096x1024xf32, #tpu.memory_space<hbm>> -> memref<4x1024xf32, #tpu.memory_space<hbm>>
    tpu.enqueue_dma source(%dma_start3A_91 : memref<4x1024xf32, #tpu.memory_space<hbm>>) target(%arg13 : memref<4x1024xf32, #tpu.memory_space<vmem>>) target_semaphore(%arg23 : memref<!tpu.dma_semaphore, #tpu.memory_space<semaphore_mem>>)
    %scan3A = arith.constant 0 : i32
    %scan3A_92 = arith.constant 0 : i32
    %scan3A_93 = arith.constant 8 : i32
    %scan3A_94 = arith.addi %scan3A_92, %scan3A_93 : i32
    %scan3A_95 = arith.constant 1 : i32
    %scan3A_96 = scf.for %scan3A_209 = %scan3A_92 to %scan3A_94 step %scan3A_95 iter_args(%scan3A_210 = %scan3A) -> (i32)  : i32 {
      %mul3A_211 = arith.constant 4 : i32
      %mul3A_212 = arith.muli %mul3A_211, %scan3A_209 : i32
      %add3A_213 = arith.constant 0 : i32
      %add3A_214 = arith.addi %mul3A_212, %add3A_213 : i32
      %add3A_215 = arith.constant 4 : i32
      %add3A_216 = arith.addi %add3A_214, %add3A_215 : i32
      %sub3A = arith.constant 1 : i32
      %sub3A_217 = arith.subi %add3A_216, %sub3A : i32
      %lt3A = arith.constant 32 : i32
      %lt3A_218 = arith.cmpi slt, %sub3A_217, %lt3A : i32
      %convert_element_type3A = arith.extui %lt3A_218 : i1 to i32
      %cond3A = arith.constant 0 : i32
      %cond3A_219 = arith.cmpi ne, %convert_element_type3A, %cond3A : i32
      scf.if %cond3A_219 {
        %add3A_634 = arith.constant 4 : i32
        %add3A_635 = arith.addi %add3A_214, %add3A_634 : i32
        %sub3A_636 = arith.constant 1 : i32
        %sub3A_637 = arith.subi %add3A_635, %sub3A_636 : i32
        %dma_start3A_638 = arith.constant 0 : i32
        %dma_start3A_639 = arith.constant 0 : i32
        %dma_start3A_640 = tpu.memref_slice %arg10[%dma_start3A_638, %dma_start3A_639] : memref<16x1024xf32, #tpu.memory_space<vmem>> -> memref<8x1024xf32, #tpu.memory_space<vmem>>
        %dma_start3A_641 = arith.constant 0 : i32
        %dma_start3A_642 = tpu.memref_slice %arg6[%sub3A_637, %dma_start3A_641] : memref<32x16xi32, #tpu.memory_space<vmem>> -> memref<1x16xi32, #tpu.memory_space<vmem>>
        %dma_start3A_643 = tpu.memref_squeeze %dma_start3A_642 : memref<1x16xi32, #tpu.memory_space<vmem>> -> memref<16xi32, #tpu.memory_space<vmem>>
        %dma_start3A_644 = arith.constant 0 : i32
        %dma_start3A_645 = tpu.memref_slice %dma_start3A_643[%dma_start3A_644] : memref<16xi32, #tpu.memory_space<vmem>> -> memref<8xi32, #tpu.memory_space<vmem>>
        %dma_start3A_646 = arith.constant 0 : i32
        %dma_start3A_647 = arith.constant 0 : i32
        %dma_start3A_648 = tpu.memref_slice %arg3[%dma_start3A_646, %dma_start3A_647] : memref<100000x1024xf32, #tpu.memory_space<hbm>> -> memref<100000x1024xf32, #tpu.memory_space<hbm>>
        tpu.enqueue_indirect_dma source(%dma_start3A_648 : memref<100000x1024xf32, #tpu.memory_space<hbm>>) target(%dma_start3A_640 : memref<8x1024xf32, #tpu.memory_space<vmem>>) offsets(%dma_start3A_645 : memref<8xi32, #tpu.memory_space<vmem>>) semaphore(%arg20 : memref<!tpu.dma_semaphore, #tpu.memory_space<semaphore_mem>>)
        %dma_start3A_649 = arith.constant 8 : i32
        %dma_start3A_650 = arith.constant 0 : i32
        %dma_start3A_651 = tpu.memref_slice %arg10[%dma_start3A_649, %dma_start3A_650] : memref<16x1024xf32, #tpu.memory_space<vmem>> -> memref<8x1024xf32, #tpu.memory_space<vmem>>
        %dma_start3A_652 = arith.constant 0 : i32
        %dma_start3A_653 = tpu.memref_slice %arg6[%sub3A_637, %dma_start3A_652] : memref<32x16xi32, #tpu.memory_space<vmem>> -> memref<1x16xi32, #tpu.memory_space<vmem>>
        %dma_start3A_654 = tpu.memref_squeeze %dma_start3A_653 : memref<1x16xi32, #tpu.memory_space<vmem>> -> memref<16xi32, #tpu.memory_space<vmem>>
        %dma_start3A_655 = arith.constant 8 : i32
        %dma_start3A_656 = tpu.memref_slice %dma_start3A_654[%dma_start3A_655] : memref<16xi32, #tpu.memory_space<vmem>> -> memref<8xi32, #tpu.memory_space<vmem>>
        %dma_start3A_657 = arith.constant 0 : i32
        %dma_start3A_658 = arith.constant 0 : i32
        %dma_start3A_659 = tpu.memref_slice %arg3[%dma_start3A_657, %dma_start3A_658] : memref<100000x1024xf32, #tpu.memory_space<hbm>> -> memref<100000x1024xf32, #tpu.memory_space<hbm>>
        tpu.enqueue_indirect_dma source(%dma_start3A_659 : memref<100000x1024xf32, #tpu.memory_space<hbm>>) target(%dma_start3A_651 : memref<8x1024xf32, #tpu.memory_space<vmem>>) offsets(%dma_start3A_656 : memref<8xi32, #tpu.memory_space<vmem>>) semaphore(%arg30 : memref<!tpu.dma_semaphore, #tpu.memory_space<semaphore_mem>>)
        %mul3A_660 = arith.constant 4 : i32
        %mul3A_661 = arith.muli %sub3A_637, %mul3A_660 : i32
        %add3A_662 = arith.addi %mul3A_2, %mul3A_661 : i32
        %dma_start3A_663 = arith.constant 0 : i32
        %dma_start3A_664 = tpu.memref_slice %arg4[%add3A_662, %dma_start3A_663] : memref<4096x1024xf32, #tpu.memory_space<hbm>> -> memref<4x1024xf32, #tpu.memory_space<hbm>>
        %dma_start3A_665 = arith.constant 0 : i32
        %dma_start3A_666 = tpu.memref_slice %arg4[%add3A_662, %dma_start3A_665] : memref<4096x1024xf32, #tpu.memory_space<hbm>> -> memref<4x1024xf32, #tpu.memory_space<hbm>>
        tpu.enqueue_dma source(%dma_start3A_666 : memref<4x1024xf32, #tpu.memory_space<hbm>>) target(%arg14 : memref<4x1024xf32, #tpu.memory_space<vmem>>) target_semaphore(%arg24 : memref<!tpu.dma_semaphore, #tpu.memory_space<semaphore_mem>>)
      } else {
      }
      %dma_wait3A_220 = arith.constant 0 : i32
      %dma_wait3A_221 = arith.constant 0 : i32
      %dma_wait3A_222 = tpu.memref_slice %arg7[%dma_wait3A_220, %dma_wait3A_221] : memref<16x1024xf32, #tpu.memory_space<vmem>> -> memref<8x1024xf32, #tpu.memory_space<vmem>>
      %dma_wait3A_223 = arith.constant 0 : i32
      %dma_wait3A_224 = tpu.memref_slice %arg6[%add3A_214, %dma_wait3A_223] : memref<32x16xi32, #tpu.memory_space<vmem>> -> memref<1x16xi32, #tpu.memory_space<vmem>>
      %dma_wait3A_225 = tpu.memref_squeeze %dma_wait3A_224 : memref<1x16xi32, #tpu.memory_space<vmem>> -> memref<16xi32, #tpu.memory_space<vmem>>
      %dma_wait3A_226 = arith.constant 0 : i32
      %dma_wait3A_227 = tpu.memref_slice %dma_wait3A_225[%dma_wait3A_226] : memref<16xi32, #tpu.memory_space<vmem>> -> memref<8xi32, #tpu.memory_space<vmem>>
      %dma_wait3A_228 = arith.constant 0 : i32
      %dma_wait3A_229 = arith.constant 0 : i32
      %dma_wait3A_230 = tpu.memref_slice %arg3[%dma_wait3A_228, %dma_wait3A_229] : memref<100000x1024xf32, #tpu.memory_space<hbm>> -> memref<100000x1024xf32, #tpu.memory_space<hbm>>
      tpu.wait_indirect_dma semaphore(%arg17 : memref<!tpu.dma_semaphore, #tpu.memory_space<semaphore_mem>>) src(%dma_wait3A_230 : memref<100000x1024xf32, #tpu.memory_space<hbm>>) dst(%dma_wait3A_222 : memref<8x1024xf32, #tpu.memory_space<vmem>>)
      %dma_wait3A_231 = arith.constant 8 : i32
      %dma_wait3A_232 = arith.constant 0 : i32
      %dma_wait3A_233 = tpu.memref_slice %arg7[%dma_wait3A_231, %dma_wait3A_232] : memref<16x1024xf32, #tpu.memory_space<vmem>> -> memref<8x1024xf32, #tpu.memory_space<vmem>>
      %dma_wait3A_234 = arith.constant 0 : i32
      %dma_wait3A_235 = tpu.memref_slice %arg6[%add3A_214, %dma_wait3A_234] : memref<32x16xi32, #tpu.memory_space<vmem>> -> memref<1x16xi32, #tpu.memory_space<vmem>>
      %dma_wait3A_236 = tpu.memref_squeeze %dma_wait3A_235 : memref<1x16xi32, #tpu.memory_space<vmem>> -> memref<16xi32, #tpu.memory_space<vmem>>
      %dma_wait3A_237 = arith.constant 8 : i32
      %dma_wait3A_238 = tpu.memref_slice %dma_wait3A_236[%dma_wait3A_237] : memref<16xi32, #tpu.memory_space<vmem>> -> memref<8xi32, #tpu.memory_space<vmem>>
      %dma_wait3A_239 = arith.constant 0 : i32
      %dma_wait3A_240 = arith.constant 0 : i32
      %dma_wait3A_241 = tpu.memref_slice %arg3[%dma_wait3A_239, %dma_wait3A_240] : memref<100000x1024xf32, #tpu.memory_space<hbm>> -> memref<100000x1024xf32, #tpu.memory_space<hbm>>
      tpu.wait_indirect_dma semaphore(%arg27 : memref<!tpu.dma_semaphore, #tpu.memory_space<semaphore_mem>>) src(%dma_wait3A_241 : memref<100000x1024xf32, #tpu.memory_space<hbm>>) dst(%dma_wait3A_233 : memref<8x1024xf32, #tpu.memory_space<vmem>>)
      %dma_wait3A_242 = arith.constant 0 : i32
      %dma_wait3A_243 = tpu.memref_slice %arg4[%mul3A_2, %dma_wait3A_242] : memref<4096x1024xf32, #tpu.memory_space<hbm>> -> memref<4x1024xf32, #tpu.memory_space<hbm>>
      %dma_wait3A_244 = arith.constant 0 : i32
      %dma_wait3A_245 = tpu.memref_slice %arg4[%mul3A_2, %dma_wait3A_244] : memref<4096x1024xf32, #tpu.memory_space<hbm>> -> memref<4x1024xf32, #tpu.memory_space<hbm>>
      tpu.wait_dma2 semaphore(%arg21 : memref<!tpu.dma_semaphore, #tpu.memory_space<semaphore_mem>>) src(%dma_wait3A_245 : memref<4x1024xf32, #tpu.memory_space<hbm>>) dst(%arg11 : memref<4x1024xf32, #tpu.memory_space<vmem>>)
      %ge3A = arith.constant 2 : i32
      %ge3A_246 = arith.cmpi sge, %add3A_214, %ge3A : i32
      %convert_element_type3A_247 = arith.extui %ge3A_246 : i1 to i32
      %cond3A_248 = arith.constant 0 : i32
      %cond3A_249 = arith.cmpi ne, %convert_element_type3A_247, %cond3A_248 : i32
      scf.if %cond3A_249 {
        %sub3A_634 = arith.constant 2 : i32
        %sub3A_635 = arith.subi %add3A_214, %sub3A_634 : i32
        %add3A_636 = arith.constant 0 : i32
        %add3A_637 = arith.addi %add3A_636, %mul3A_2 : i32
        %mul3A_638 = arith.constant 4 : i32
        %mul3A_639 = arith.muli %sub3A_635, %mul3A_638 : i32
        %add3A_640 = arith.addi %add3A_637, %mul3A_639 : i32
        %dma_wait3A_641 = arith.constant 0 : i32
        %dma_wait3A_642 = arith.constant 0 : i32
        %dma_wait3A_643 = tpu.memref_slice %arg15[%dma_wait3A_641, %dma_wait3A_642] : memref<16x1024xf32, #tpu.memory_space<vmem>> -> memref<4x1024xf32, #tpu.memory_space<vmem>>
        %dma_wait3A_644 = arith.constant 0 : i32
        %dma_wait3A_645 = tpu.memref_slice %arg5[%add3A_640, %dma_wait3A_644] : memref<16384x1024xf32, #tpu.memory_space<hbm>> -> memref<4x1024xf32, #tpu.memory_space<hbm>>
        %dma_wait3A_646 = arith.constant 0 : i32
        %dma_wait3A_647 = tpu.memref_slice %arg5[%add3A_640, %dma_wait3A_646] : memref<16384x1024xf32, #tpu.memory_space<hbm>> -> memref<4x1024xf32, #tpu.memory_space<hbm>>
        %dma_wait3A_648 = arith.constant 0 : i32
        %dma_wait3A_649 = arith.constant 0 : i32
        %dma_wait3A_650 = tpu.memref_slice %arg15[%dma_wait3A_648, %dma_wait3A_649] : memref<16x1024xf32, #tpu.memory_space<vmem>> -> memref<4x1024xf32, #tpu.memory_space<vmem>>
        tpu.wait_dma2 semaphore(%arg25 : memref<!tpu.dma_semaphore, #tpu.memory_space<semaphore_mem>>) src(%dma_wait3A_650 : memref<4x1024xf32, #tpu.memory_space<vmem>>) dst(%dma_wait3A_647 : memref<4x1024xf32, #tpu.memory_space<hbm>>)
        %add3A_651 = arith.constant 4096 : i32
        %add3A_652 = arith.addi %add3A_651, %mul3A_2 : i32
        %mul3A_653 = arith.constant 4 : i32
        %mul3A_654 = arith.muli %sub3A_635, %mul3A_653 : i32
        %add3A_655 = arith.addi %add3A_652, %mul3A_654 : i32
        %dma_wait3A_656 = arith.constant 4 : i32
        %dma_wait3A_657 = arith.constant 0 : i32
        %dma_wait3A_658 = tpu.memref_slice %arg15[%dma_wait3A_656, %dma_wait3A_657] : memref<16x1024xf32, #tpu.memory_space<vmem>> -> memref<4x1024xf32, #tpu.memory_space<vmem>>
        %dma_wait3A_659 = arith.constant 0 : i32
        %dma_wait3A_660 = tpu.memref_slice %arg5[%add3A_655, %dma_wait3A_659] : memref<16384x1024xf32, #tpu.memory_space<hbm>> -> memref<4x1024xf32, #tpu.memory_space<hbm>>
        %dma_wait3A_661 = arith.constant 0 : i32
        %dma_wait3A_662 = tpu.memref_slice %arg5[%add3A_655, %dma_wait3A_661] : memref<16384x1024xf32, #tpu.memory_space<hbm>> -> memref<4x1024xf32, #tpu.memory_space<hbm>>
        %dma_wait3A_663 = arith.constant 4 : i32
        %dma_wait3A_664 = arith.constant 0 : i32
        %dma_wait3A_665 = tpu.memref_slice %arg15[%dma_wait3A_663, %dma_wait3A_664] : memref<16x1024xf32, #tpu.memory_space<vmem>> -> memref<4x1024xf32, #tpu.memory_space<vmem>>
        tpu.wait_dma2 semaphore(%arg25 : memref<!tpu.dma_semaphore, #tpu.memory_space<semaphore_mem>>) src(%dma_wait3A_665 : memref<4x1024xf32, #tpu.memory_space<vmem>>) dst(%dma_wait3A_662 : memref<4x1024xf32, #tpu.memory_space<hbm>>)
        %add3A_666 = arith.constant 8192 : i32
        %add3A_667 = arith.addi %add3A_666, %mul3A_2 : i32
        %mul3A_668 = arith.constant 4 : i32
        %mul3A_669 = arith.muli %sub3A_635, %mul3A_668 : i32
        %add3A_670 = arith.addi %add3A_667, %mul3A_669 : i32
        %dma_wait3A_671 = arith.constant 8 : i32
        %dma_wait3A_672 = arith.constant 0 : i32
        %dma_wait3A_673 = tpu.memref_slice %arg15[%dma_wait3A_671, %dma_wait3A_672] : memref<16x1024xf32, #tpu.memory_space<vmem>> -> memref<4x1024xf32, #tpu.memory_space<vmem>>
        %dma_wait3A_674 = arith.constant 0 : i32
        %dma_wait3A_675 = tpu.memref_slice %arg5[%add3A_670, %dma_wait3A_674] : memref<16384x1024xf32, #tpu.memory_space<hbm>> -> memref<4x1024xf32, #tpu.memory_space<hbm>>
        %dma_wait3A_676 = arith.constant 0 : i32
        %dma_wait3A_677 = tpu.memref_slice %arg5[%add3A_670, %dma_wait3A_676] : memref<16384x1024xf32, #tpu.memory_space<hbm>> -> memref<4x1024xf32, #tpu.memory_space<hbm>>
        %dma_wait3A_678 = arith.constant 8 : i32
        %dma_wait3A_679 = arith.constant 0 : i32
        %dma_wait3A_680 = tpu.memref_slice %arg15[%dma_wait3A_678, %dma_wait3A_679] : memref<16x1024xf32, #tpu.memory_space<vmem>> -> memref<4x1024xf32, #tpu.memory_space<vmem>>
        tpu.wait_dma2 semaphore(%arg25 : memref<!tpu.dma_semaphore, #tpu.memory_space<semaphore_mem>>) src(%dma_wait3A_680 : memref<4x1024xf32, #tpu.memory_space<vmem>>) dst(%dma_wait3A_677 : memref<4x1024xf32, #tpu.memory_space<hbm>>)
        %add3A_681 = arith.constant 12288 : i32
        %add3A_682 = arith.addi %add3A_681, %mul3A_2 : i32
        %mul3A_683 = arith.constant 4 : i32
        %mul3A_684 = arith.muli %sub3A_635, %mul3A_683 : i32
        %add3A_685 = arith.addi %add3A_682, %mul3A_684 : i32
        %dma_wait3A_686 = arith.constant 12 : i32
        %dma_wait3A_687 = arith.constant 0 : i32
        %dma_wait3A_688 = tpu.memref_slice %arg15[%dma_wait3A_686, %dma_wait3A_687] : memref<16x1024xf32, #tpu.memory_space<vmem>> -> memref<4x1024xf32, #tpu.memory_space<vmem>>
        %dma_wait3A_689 = arith.constant 0 : i32
        %dma_wait3A_690 = tpu.memref_slice %arg5[%add3A_685, %dma_wait3A_689] : memref<16384x1024xf32, #tpu.memory_space<hbm>> -> memref<4x1024xf32, #tpu.memory_space<hbm>>
        %dma_wait3A_691 = arith.constant 0 : i32
        %dma_wait3A_692 = tpu.memref_slice %arg5[%add3A_685, %dma_wait3A_691] : memref<16384x1024xf32, #tpu.memory_space<hbm>> -> memref<4x1024xf32, #tpu.memory_space<hbm>>
        %dma_wait3A_693 = arith.constant 12 : i32
        %dma_wait3A_694 = arith.constant 0 : i32
        %dma_wait3A_695 = tpu.memref_slice %arg15[%dma_wait3A_693, %dma_wait3A_694] : memref<16x1024xf32, #tpu.memory_space<vmem>> -> memref<4x1024xf32, #tpu.memory_space<vmem>>
        tpu.wait_dma2 semaphore(%arg25 : memref<!tpu.dma_semaphore, #tpu.memory_space<semaphore_mem>>) src(%dma_wait3A_695 : memref<4x1024xf32, #tpu.memory_space<vmem>>) dst(%dma_wait3A_692 : memref<4x1024xf32, #tpu.memory_space<hbm>>)
      } else {
      }
      %parallel_loop3A = arith.constant 0 : i32
      %parallel_loop3A_250 = arith.constant 64 : i32
      %parallel_loop3A_251 = arith.constant 1 : i32
      scf.for %parallel_loop3A_634 = %parallel_loop3A to %parallel_loop3A_250 step %parallel_loop3A_251  : i32 {
        %parallel_loop3A_635 = arith.constant 16 : i32
        %parallel_loop3A_636 = arith.muli %parallel_loop3A_634, %parallel_loop3A_635 : i32
        %parallel_loop3A_637 = tpu.assume_multiple %parallel_loop3A_636, 16 : i32
        %parallel_loop3A_638 = arith.constant 0 : i32
        %parallel_loop3A_639 = arith.index_cast %parallel_loop3A_638 : i32 to index
        %parallel_loop3A_640 = arith.index_cast %parallel_loop3A_637 : i32 to index
        %parallel_loop3A_641 = tpu.vector_load %arg11[%parallel_loop3A_639, %parallel_loop3A_640] {strides = array<i32>} : memref<4x1024xf32, #tpu.memory_space<vmem>>, vector<1x16xf32>,
        %parallel_loop3A_642 = vector.shape_cast %parallel_loop3A_641 : vector<1x16xf32> to vector<16xf32>
        %parallel_loop3A_643 = arith.constant 0 : i32
        %parallel_loop3A_644 = arith.index_cast %parallel_loop3A_643 : i32 to index
        %parallel_loop3A_645 = arith.index_cast %parallel_loop3A_637 : i32 to index
        %parallel_loop3A_646 = tpu.vector_load %arg7[%parallel_loop3A_644, %parallel_loop3A_645] {strides = array<i32>} : memref<16x1024xf32, #tpu.memory_space<vmem>>, vector<1x16xf32>,
        %parallel_loop3A_647 = vector.shape_cast %parallel_loop3A_646 : vector<1x16xf32> to vector<16xf32>
        %parallel_loop3A_648 = arith.constant 3.200000e+01 : f32
        %parallel_loop3A_649 = vector.broadcast %parallel_loop3A_648 : f32 to vector<16xf32>
        %parallel_loop3A_650 = arith.mulf %parallel_loop3A_647, %parallel_loop3A_649 : vector<16xf32>
        %parallel_loop3A_651 = arith.addf %parallel_loop3A_650, %parallel_loop3A_642 : vector<16xf32>
        %parallel_loop3A_652 = arith.constant 0 : i32
        %parallel_loop3A_653 = arith.index_cast %parallel_loop3A_652 : i32 to index
        %parallel_loop3A_654 = arith.index_cast %parallel_loop3A_637 : i32 to index
        %parallel_loop3A_655 = tpu.vector_load %arg15[%parallel_loop3A_653, %parallel_loop3A_654] {strides = array<i32>} : memref<16x1024xf32, #tpu.memory_space<vmem>>, vector<1x16xf32>,
        %parallel_loop3A_656 = vector.shape_cast %parallel_loop3A_655 : vector<1x16xf32> to vector<16xf32>
        %parallel_loop3A_657 = vector.shape_cast %parallel_loop3A_651 : vector<16xf32> to vector<1x16xf32>
        tpu.vector_store %arg15[%parallel_loop3A_653, %parallel_loop3A_654], %parallel_loop3A_657 {strides = array<i32>} : memref<16x1024xf32, #tpu.memory_space<vmem>>, vector<1x16xf32>,
        %parallel_loop3A_658 = arith.constant 4 : i32
        %parallel_loop3A_659 = arith.index_cast %parallel_loop3A_658 : i32 to index
        %parallel_loop3A_660 = arith.index_cast %parallel_loop3A_637 : i32 to index
        %parallel_loop3A_661 = tpu.vector_load %arg7[%parallel_loop3A_659, %parallel_loop3A_660] {strides = array<i32>} : memref<16x1024xf32, #tpu.memory_space<vmem>>, vector<1x16xf32>,
        %parallel_loop3A_662 = vector.shape_cast %parallel_loop3A_661 : vector<1x16xf32> to vector<16xf32>
        %parallel_loop3A_663 = arith.constant 3.200000e+01 : f32
        %parallel_loop3A_664 = vector.broadcast %parallel_loop3A_663 : f32 to vector<16xf32>
        %parallel_loop3A_665 = arith.mulf %parallel_loop3A_662, %parallel_loop3A_664 : vector<16xf32>
        %parallel_loop3A_666 = arith.addf %parallel_loop3A_665, %parallel_loop3A_642 : vector<16xf32>
        %parallel_loop3A_667 = arith.constant 4 : i32
        %parallel_loop3A_668 = arith.index_cast %parallel_loop3A_667 : i32 to index
        %parallel_loop3A_669 = arith.index_cast %parallel_loop3A_637 : i32 to index
        %parallel_loop3A_670 = tpu.vector_load %arg15[%parallel_loop3A_668, %parallel_loop3A_669] {strides = array<i32>} : memref<16x1024xf32, #tpu.memory_space<vmem>>, vector<1x16xf32>,
        %parallel_loop3A_671 = vector.shape_cast %parallel_loop3A_670 : vector<1x16xf32> to vector<16xf32>
        %parallel_loop3A_672 = vector.shape_cast %parallel_loop3A_666 : vector<16xf32> to vector<1x16xf32>
        tpu.vector_store %arg15[%parallel_loop3A_668, %parallel_loop3A_669], %parallel_loop3A_672 {strides = array<i32>} : memref<16x1024xf32, #tpu.memory_space<vmem>>, vector<1x16xf32>,
        %parallel_loop3A_673 = arith.constant 8 : i32
        %parallel_loop3A_674 = arith.index_cast %parallel_loop3A_673 : i32 to index
        %parallel_loop3A_675 = arith.index_cast %parallel_loop3A_637 : i32 to index
        %parallel_loop3A_676 = tpu.vector_load %arg7[%parallel_loop3A_674, %parallel_loop3A_675] {strides = array<i32>} : memref<16x1024xf32, #tpu.memory_space<vmem>>, vector<1x16xf32>,
        %parallel_loop3A_677 = vector.shape_cast %parallel_loop3A_676 : vector<1x16xf32> to vector<16xf32>
        %parallel_loop3A_678 = arith.constant 3.200000e+01 : f32
        %parallel_loop3A_679 = vector.broadcast %parallel_loop3A_678 : f32 to vector<16xf32>
        %parallel_loop3A_680 = arith.mulf %parallel_loop3A_677, %parallel_loop3A_679 : vector<16xf32>
        %parallel_loop3A_681 = arith.addf %parallel_loop3A_680, %parallel_loop3A_642 : vector<16xf32>
        %parallel_loop3A_682 = arith.constant 8 : i32
        %parallel_loop3A_683 = arith.index_cast %parallel_loop3A_682 : i32 to index
        %parallel_loop3A_684 = arith.index_cast %parallel_loop3A_637 : i32 to index
        %parallel_loop3A_685 = tpu.vector_load %arg15[%parallel_loop3A_683, %parallel_loop3A_684] {strides = array<i32>} : memref<16x1024xf32, #tpu.memory_space<vmem>>, vector<1x16xf32>,
        %parallel_loop3A_686 = vector.shape_cast %parallel_loop3A_685 : vector<1x16xf32> to vector<16xf32>
        %parallel_loop3A_687 = vector.shape_cast %parallel_loop3A_681 : vector<16xf32> to vector<1x16xf32>
        tpu.vector_store %arg15[%parallel_loop3A_683, %parallel_loop3A_684], %parallel_loop3A_687 {strides = array<i32>} : memref<16x1024xf32, #tpu.memory_space<vmem>>, vector<1x16xf32>,
        %parallel_loop3A_688 = arith.constant 12 : i32
        %parallel_loop3A_689 = arith.index_cast %parallel_loop3A_688 : i32 to index
        %parallel_loop3A_690 = arith.index_cast %parallel_loop3A_637 : i32 to index
        %parallel_loop3A_691 = tpu.vector_load %arg7[%parallel_loop3A_689, %parallel_loop3A_690] {strides = array<i32>} : memref<16x1024xf32, #tpu.memory_space<vmem>>, vector<1x16xf32>,
        %parallel_loop3A_692 = vector.shape_cast %parallel_loop3A_691 : vector<1x16xf32> to vector<16xf32>
        %parallel_loop3A_693 = arith.constant 3.200000e+01 : f32
        %parallel_loop3A_694 = vector.broadcast %parallel_loop3A_693 : f32 to vector<16xf32>
        %parallel_loop3A_695 = arith.mulf %parallel_loop3A_692, %parallel_loop3A_694 : vector<16xf32>
        %parallel_loop3A_696 = arith.addf %parallel_loop3A_695, %parallel_loop3A_642 : vector<16xf32>
        %parallel_loop3A_697 = arith.constant 12 : i32
        %parallel_loop3A_698 = arith.index_cast %parallel_loop3A_697 : i32 to index
        %parallel_loop3A_699 = arith.index_cast %parallel_loop3A_637 : i32 to index
        %parallel_loop3A_700 = tpu.vector_load %arg15[%parallel_loop3A_698, %parallel_loop3A_699] {strides = array<i32>} : memref<16x1024xf32, #tpu.memory_space<vmem>>, vector<1x16xf32>,
        %parallel_loop3A_701 = vector.shape_cast %parallel_loop3A_700 : vector<1x16xf32> to vector<16xf32>
        %parallel_loop3A_702 = vector.shape_cast %parallel_loop3A_696 : vector<16xf32> to vector<1x16xf32>
        tpu.vector_store %arg15[%parallel_loop3A_698, %parallel_loop3A_699], %parallel_loop3A_702 {strides = array<i32>} : memref<16x1024xf32, #tpu.memory_space<vmem>>, vector<1x16xf32>,
        %parallel_loop3A_703 = arith.constant 1 : i32
        %parallel_loop3A_704 = arith.index_cast %parallel_loop3A_703 : i32 to index
        %parallel_loop3A_705 = arith.index_cast %parallel_loop3A_637 : i32 to index
        %parallel_loop3A_706 = tpu.vector_load %arg11[%parallel_loop3A_704, %parallel_loop3A_705] {strides = array<i32>} : memref<4x1024xf32, #tpu.memory_space<vmem>>, vector<1x16xf32>,
        %parallel_loop3A_707 = vector.shape_cast %parallel_loop3A_706 : vector<1x16xf32> to vector<16xf32>
        %parallel_loop3A_708 = arith.constant 1 : i32
        %parallel_loop3A_709 = arith.index_cast %parallel_loop3A_708 : i32 to index
        %parallel_loop3A_710 = arith.index_cast %parallel_loop3A_637 : i32 to index
        %parallel_loop3A_711 = tpu.vector_load %arg7[%parallel_loop3A_709, %parallel_loop3A_710] {strides = array<i32>} : memref<16x1024xf32, #tpu.memory_space<vmem>>, vector<1x16xf32>,
        %parallel_loop3A_712 = vector.shape_cast %parallel_loop3A_711 : vector<1x16xf32> to vector<16xf32>
        %parallel_loop3A_713 = arith.constant 3.200000e+01 : f32
        %parallel_loop3A_714 = vector.broadcast %parallel_loop3A_713 : f32 to vector<16xf32>
        %parallel_loop3A_715 = arith.mulf %parallel_loop3A_712, %parallel_loop3A_714 : vector<16xf32>
        %parallel_loop3A_716 = arith.addf %parallel_loop3A_715, %parallel_loop3A_707 : vector<16xf32>
        %parallel_loop3A_717 = arith.constant 1 : i32
        %parallel_loop3A_718 = arith.index_cast %parallel_loop3A_717 : i32 to index
        %parallel_loop3A_719 = arith.index_cast %parallel_loop3A_637 : i32 to index
        %parallel_loop3A_720 = tpu.vector_load %arg15[%parallel_loop3A_718, %parallel_loop3A_719] {strides = array<i32>} : memref<16x1024xf32, #tpu.memory_space<vmem>>, vector<1x16xf32>,
        %parallel_loop3A_721 = vector.shape_cast %parallel_loop3A_720 : vector<1x16xf32> to vector<16xf32>
        %parallel_loop3A_722 = vector.shape_cast %parallel_loop3A_716 : vector<16xf32> to vector<1x16xf32>
        tpu.vector_store %arg15[%parallel_loop3A_718, %parallel_loop3A_719], %parallel_loop3A_722 {strides = array<i32>} : memref<16x1024xf32, #tpu.memory_space<vmem>>, vector<1x16xf32>,
        %parallel_loop3A_723 = arith.constant 5 : i32
        %parallel_loop3A_724 = arith.index_cast %parallel_loop3A_723 : i32 to index
        %parallel_loop3A_725 = arith.index_cast %parallel_loop3A_637 : i32 to index
        %parallel_loop3A_726 = tpu.vector_load %arg7[%parallel_loop3A_724, %parallel_loop3A_725] {strides = array<i32>} : memref<16x1024xf32, #tpu.memory_space<vmem>>, vector<1x16xf32>,
        %parallel_loop3A_727 = vector.shape_cast %parallel_loop3A_726 : vector<1x16xf32> to vector<16xf32>
        %parallel_loop3A_728 = arith.constant 3.200000e+01 : f32
        %parallel_loop3A_729 = vector.broadcast %parallel_loop3A_728 : f32 to vector<16xf32>
        %parallel_loop3A_730 = arith.mulf %parallel_loop3A_727, %parallel_loop3A_729 : vector<16xf32>
        %parallel_loop3A_731 = arith.addf %parallel_loop3A_730, %parallel_loop3A_707 : vector<16xf32>
        %parallel_loop3A_732 = arith.constant 5 : i32
        %parallel_loop3A_733 = arith.index_cast %parallel_loop3A_732 : i32 to index
        %parallel_loop3A_734 = arith.index_cast %parallel_loop3A_637 : i32 to index
        %parallel_loop3A_735 = tpu.vector_load %arg15[%parallel_loop3A_733, %parallel_loop3A_734] {strides = array<i32>} : memref<16x1024xf32, #tpu.memory_space<vmem>>, vector<1x16xf32>,
        %parallel_loop3A_736 = vector.shape_cast %parallel_loop3A_735 : vector<1x16xf32> to vector<16xf32>
        %parallel_loop3A_737 = vector.shape_cast %parallel_loop3A_731 : vector<16xf32> to vector<1x16xf32>
        tpu.vector_store %arg15[%parallel_loop3A_733, %parallel_loop3A_734], %parallel_loop3A_737 {strides = array<i32>} : memref<16x1024xf32, #tpu.memory_space<vmem>>, vector<1x16xf32>,
        %parallel_loop3A_738 = arith.constant 9 : i32
        %parallel_loop3A_739 = arith.index_cast %parallel_loop3A_738 : i32 to index
        %parallel_loop3A_740 = arith.index_cast %parallel_loop3A_637 : i32 to index
        %parallel_loop3A_741 = tpu.vector_load %arg7[%parallel_loop3A_739, %parallel_loop3A_740] {strides = array<i32>} : memref<16x1024xf32, #tpu.memory_space<vmem>>, vector<1x16xf32>,
        %parallel_loop3A_742 = vector.shape_cast %parallel_loop3A_741 : vector<1x16xf32> to vector<16xf32>
        %parallel_loop3A_743 = arith.constant 3.200000e+01 : f32
        %parallel_loop3A_744 = vector.broadcast %parallel_loop3A_743 : f32 to vector<16xf32>
        %parallel_loop3A_745 = arith.mulf %parallel_loop3A_742, %parallel_loop3A_744 : vector<16xf32>
        %parallel_loop3A_746 = arith.addf %parallel_loop3A_745, %parallel_loop3A_707 : vector<16xf32>
        %parallel_loop3A_747 = arith.constant 9 : i32
        %parallel_loop3A_748 = arith.index_cast %parallel_loop3A_747 : i32 to index
        %parallel_loop3A_749 = arith.index_cast %parallel_loop3A_637 : i32 to index
        %parallel_loop3A_750 = tpu.vector_load %arg15[%parallel_loop3A_748, %parallel_loop3A_749] {strides = array<i32>} : memref<16x1024xf32, #tpu.memory_space<vmem>>, vector<1x16xf32>,
        %parallel_loop3A_751 = vector.shape_cast %parallel_loop3A_750 : vector<1x16xf32> to vector<16xf32>
        %parallel_loop3A_752 = vector.shape_cast %parallel_loop3A_746 : vector<16xf32> to vector<1x16xf32>
        tpu.vector_store %arg15[%parallel_loop3A_748, %parallel_loop3A_749], %parallel_loop3A_752 {strides = array<i32>} : memref<16x1024xf32, #tpu.memory_space<vmem>>, vector<1x16xf32>,
        %parallel_loop3A_753 = arith.constant 13 : i32
        %parallel_loop3A_754 = arith.index_cast %parallel_loop3A_753 : i32 to index
        %parallel_loop3A_755 = arith.index_cast %parallel_loop3A_637 : i32 to index
        %parallel_loop3A_756 = tpu.vector_load %arg7[%parallel_loop3A_754, %parallel_loop3A_755] {strides = array<i32>} : memref<16x1024xf32, #tpu.memory_space<vmem>>, vector<1x16xf32>,
        %parallel_loop3A_757 = vector.shape_cast %parallel_loop3A_756 : vector<1x16xf32> to vector<16xf32>
        %parallel_loop3A_758 = arith.constant 3.200000e+01 : f32
        %parallel_loop3A_759 = vector.broadcast %parallel_loop3A_758 : f32 to vector<16xf32>
        %parallel_loop3A_760 = arith.mulf %parallel_loop3A_757, %parallel_loop3A_759 : vector<16xf32>
        %parallel_loop3A_761 = arith.addf %parallel_loop3A_760, %parallel_loop3A_707 : vector<16xf32>
        %parallel_loop3A_762 = arith.constant 13 : i32
        %parallel_loop3A_763 = arith.index_cast %parallel_loop3A_762 : i32 to index
        %parallel_loop3A_764 = arith.index_cast %parallel_loop3A_637 : i32 to index
        %parallel_loop3A_765 = tpu.vector_load %arg15[%parallel_loop3A_763, %parallel_loop3A_764] {strides = array<i32>} : memref<16x1024xf32, #tpu.memory_space<vmem>>, vector<1x16xf32>,
        %parallel_loop3A_766 = vector.shape_cast %parallel_loop3A_765 : vector<1x16xf32> to vector<16xf32>
        %parallel_loop3A_767 = vector.shape_cast %parallel_loop3A_761 : vector<16xf32> to vector<1x16xf32>
        tpu.vector_store %arg15[%parallel_loop3A_763, %parallel_loop3A_764], %parallel_loop3A_767 {strides = array<i32>} : memref<16x1024xf32, #tpu.memory_space<vmem>>, vector<1x16xf32>,
        %parallel_loop3A_768 = arith.constant 2 : i32
        %parallel_loop3A_769 = arith.index_cast %parallel_loop3A_768 : i32 to index
        %parallel_loop3A_770 = arith.index_cast %parallel_loop3A_637 : i32 to index
        %parallel_loop3A_771 = tpu.vector_load %arg11[%parallel_loop3A_769, %parallel_loop3A_770] {strides = array<i32>} : memref<4x1024xf32, #tpu.memory_space<vmem>>, vector<1x16xf32>,
        %parallel_loop3A_772 = vector.shape_cast %parallel_loop3A_771 : vector<1x16xf32> to vector<16xf32>
        %parallel_loop3A_773 = arith.constant 2 : i32
        %parallel_loop3A_774 = arith.index_cast %parallel_loop3A_773 : i32 to index
        %parallel_loop3A_775 = arith.index_cast %parallel_loop3A_637 : i32 to index
        %parallel_loop3A_776 = tpu.vector_load %arg7[%parallel_loop3A_774, %parallel_loop3A_775] {strides = array<i32>} : memref<16x1024xf32, #tpu.memory_space<vmem>>, vector<1x16xf32>,
        %parallel_loop3A_777 = vector.shape_cast %parallel_loop3A_776 : vector<1x16xf32> to vector<16xf32>
        %parallel_loop3A_778 = arith.constant 3.200000e+01 : f32
        %parallel_loop3A_779 = vector.broadcast %parallel_loop3A_778 : f32 to vector<16xf32>
        %parallel_loop3A_780 = arith.mulf %parallel_loop3A_777, %parallel_loop3A_779 : vector<16xf32>
        %parallel_loop3A_781 = arith.addf %parallel_loop3A_780, %parallel_loop3A_772 : vector<16xf32>
        %parallel_loop3A_782 = arith.constant 2 : i32
        %parallel_loop3A_783 = arith.index_cast %parallel_loop3A_782 : i32 to index
        %parallel_loop3A_784 = arith.index_cast %parallel_loop3A_637 : i32 to index
        %parallel_loop3A_785 = tpu.vector_load %arg15[%parallel_loop3A_783, %parallel_loop3A_784] {strides = array<i32>} : memref<16x1024xf32, #tpu.memory_space<vmem>>, vector<1x16xf32>,
        %parallel_loop3A_786 = vector.shape_cast %parallel_loop3A_785 : vector<1x16xf32> to vector<16xf32>
        %parallel_loop3A_787 = vector.shape_cast %parallel_loop3A_781 : vector<16xf32> to vector<1x16xf32>
        tpu.vector_store %arg15[%parallel_loop3A_783, %parallel_loop3A_784], %parallel_loop3A_787 {strides = array<i32>} : memref<16x1024xf32, #tpu.memory_space<vmem>>, vector<1x16xf32>,
        %parallel_loop3A_788 = arith.constant 6 : i32
        %parallel_loop3A_789 = arith.index_cast %parallel_loop3A_788 : i32 to index
        %parallel_loop3A_790 = arith.index_cast %parallel_loop3A_637 : i32 to index
        %parallel_loop3A_791 = tpu.vector_load %arg7[%parallel_loop3A_789, %parallel_loop3A_790] {strides = array<i32>} : memref<16x1024xf32, #tpu.memory_space<vmem>>, vector<1x16xf32>,
        %parallel_loop3A_792 = vector.shape_cast %parallel_loop3A_791 : vector<1x16xf32> to vector<16xf32>
        %parallel_loop3A_793 = arith.constant 3.200000e+01 : f32
        %parallel_loop3A_794 = vector.broadcast %parallel_loop3A_793 : f32 to vector<16xf32>
        %parallel_loop3A_795 = arith.mulf %parallel_loop3A_792, %parallel_loop3A_794 : vector<16xf32>
        %parallel_loop3A_796 = arith.addf %parallel_loop3A_795, %parallel_loop3A_772 : vector<16xf32>
        %parallel_loop3A_797 = arith.constant 6 : i32
        %parallel_loop3A_798 = arith.index_cast %parallel_loop3A_797 : i32 to index
        %parallel_loop3A_799 = arith.index_cast %parallel_loop3A_637 : i32 to index
        %parallel_loop3A_800 = tpu.vector_load %arg15[%parallel_loop3A_798, %parallel_loop3A_799] {strides = array<i32>} : memref<16x1024xf32, #tpu.memory_space<vmem>>, vector<1x16xf32>,
        %parallel_loop3A_801 = vector.shape_cast %parallel_loop3A_800 : vector<1x16xf32> to vector<16xf32>
        %parallel_loop3A_802 = vector.shape_cast %parallel_loop3A_796 : vector<16xf32> to vector<1x16xf32>
        tpu.vector_store %arg15[%parallel_loop3A_798, %parallel_loop3A_799], %parallel_loop3A_802 {strides = array<i32>} : memref<16x1024xf32, #tpu.memory_space<vmem>>, vector<1x16xf32>,
        %parallel_loop3A_803 = arith.constant 10 : i32
        %parallel_loop3A_804 = arith.index_cast %parallel_loop3A_803 : i32 to index
        %parallel_loop3A_805 = arith.index_cast %parallel_loop3A_637 : i32 to index
        %parallel_loop3A_806 = tpu.vector_load %arg7[%parallel_loop3A_804, %parallel_loop3A_805] {strides = array<i32>} : memref<16x1024xf32, #tpu.memory_space<vmem>>, vector<1x16xf32>,
        %parallel_loop3A_807 = vector.shape_cast %parallel_loop3A_806 : vector<1x16xf32> to vector<16xf32>
        %parallel_loop3A_808 = arith.constant 3.200000e+01 : f32
        %parallel_loop3A_809 = vector.broadcast %parallel_loop3A_808 : f32 to vector<16xf32>
        %parallel_loop3A_810 = arith.mulf %parallel_loop3A_807, %parallel_loop3A_809 : vector<16xf32>
        %parallel_loop3A_811 = arith.addf %parallel_loop3A_810, %parallel_loop3A_772 : vector<16xf32>
        %parallel_loop3A_812 = arith.constant 10 : i32
        %parallel_loop3A_813 = arith.index_cast %parallel_loop3A_812 : i32 to index
        %parallel_loop3A_814 = arith.index_cast %parallel_loop3A_637 : i32 to index
        %parallel_loop3A_815 = tpu.vector_load %arg15[%parallel_loop3A_813, %parallel_loop3A_814] {strides = array<i32>} : memref<16x1024xf32, #tpu.memory_space<vmem>>, vector<1x16xf32>,
        %parallel_loop3A_816 = vector.shape_cast %parallel_loop3A_815 : vector<1x16xf32> to vector<16xf32>
        %parallel_loop3A_817 = vector.shape_cast %parallel_loop3A_811 : vector<16xf32> to vector<1x16xf32>
        tpu.vector_store %arg15[%parallel_loop3A_813, %parallel_loop3A_814], %parallel_loop3A_817 {strides = array<i32>} : memref<16x1024xf32, #tpu.memory_space<vmem>>, vector<1x16xf32>,
        %parallel_loop3A_818 = arith.constant 14 : i32
        %parallel_loop3A_819 = arith.index_cast %parallel_loop3A_818 : i32 to index
        %parallel_loop3A_820 = arith.index_cast %parallel_loop3A_637 : i32 to index
        %parallel_loop3A_821 = tpu.vector_load %arg7[%parallel_loop3A_819, %parallel_loop3A_820] {strides = array<i32>} : memref<16x1024xf32, #tpu.memory_space<vmem>>, vector<1x16xf32>,
        %parallel_loop3A_822 = vector.shape_cast %parallel_loop3A_821 : vector<1x16xf32> to vector<16xf32>
        %parallel_loop3A_823 = arith.constant 3.200000e+01 : f32
        %parallel_loop3A_824 = vector.broadcast %parallel_loop3A_823 : f32 to vector<16xf32>
        %parallel_loop3A_825 = arith.mulf %parallel_loop3A_822, %parallel_loop3A_824 : vector<16xf32>
        %parallel_loop3A_826 = arith.addf %parallel_loop3A_825, %parallel_loop3A_772 : vector<16xf32>
        %parallel_loop3A_827 = arith.constant 14 : i32
        %parallel_loop3A_828 = arith.index_cast %parallel_loop3A_827 : i32 to index
        %parallel_loop3A_829 = arith.index_cast %parallel_loop3A_637 : i32 to index
        %parallel_loop3A_830 = tpu.vector_load %arg15[%parallel_loop3A_828, %parallel_loop3A_829] {strides = array<i32>} : memref<16x1024xf32, #tpu.memory_space<vmem>>, vector<1x16xf32>,
        %parallel_loop3A_831 = vector.shape_cast %parallel_loop3A_830 : vector<1x16xf32> to vector<16xf32>
        %parallel_loop3A_832 = vector.shape_cast %parallel_loop3A_826 : vector<16xf32> to vector<1x16xf32>
        tpu.vector_store %arg15[%parallel_loop3A_828, %parallel_loop3A_829], %parallel_loop3A_832 {strides = array<i32>} : memref<16x1024xf32, #tpu.memory_space<vmem>>, vector<1x16xf32>,
        %parallel_loop3A_833 = arith.constant 3 : i32
        %parallel_loop3A_834 = arith.index_cast %parallel_loop3A_833 : i32 to index
        %parallel_loop3A_835 = arith.index_cast %parallel_loop3A_637 : i32 to index
        %parallel_loop3A_836 = tpu.vector_load %arg11[%parallel_loop3A_834, %parallel_loop3A_835] {strides = array<i32>} : memref<4x1024xf32, #tpu.memory_space<vmem>>, vector<1x16xf32>,
        %parallel_loop3A_837 = vector.shape_cast %parallel_loop3A_836 : vector<1x16xf32> to vector<16xf32>
        %parallel_loop3A_838 = arith.constant 3 : i32
        %parallel_loop3A_839 = arith.index_cast %parallel_loop3A_838 : i32 to index
        %parallel_loop3A_840 = arith.index_cast %parallel_loop3A_637 : i32 to index
        %parallel_loop3A_841 = tpu.vector_load %arg7[%parallel_loop3A_839, %parallel_loop3A_840] {strides = array<i32>} : memref<16x1024xf32, #tpu.memory_space<vmem>>, vector<1x16xf32>,
        %parallel_loop3A_842 = vector.shape_cast %parallel_loop3A_841 : vector<1x16xf32> to vector<16xf32>
        %parallel_loop3A_843 = arith.constant 3.200000e+01 : f32
        %parallel_loop3A_844 = vector.broadcast %parallel_loop3A_843 : f32 to vector<16xf32>
        %parallel_loop3A_845 = arith.mulf %parallel_loop3A_842, %parallel_loop3A_844 : vector<16xf32>
        %parallel_loop3A_846 = arith.addf %parallel_loop3A_845, %parallel_loop3A_837 : vector<16xf32>
        %parallel_loop3A_847 = arith.constant 3 : i32
        %parallel_loop3A_848 = arith.index_cast %parallel_loop3A_847 : i32 to index
        %parallel_loop3A_849 = arith.index_cast %parallel_loop3A_637 : i32 to index
        %parallel_loop3A_850 = tpu.vector_load %arg15[%parallel_loop3A_848, %parallel_loop3A_849] {strides = array<i32>} : memref<16x1024xf32, #tpu.memory_space<vmem>>, vector<1x16xf32>,
        %parallel_loop3A_851 = vector.shape_cast %parallel_loop3A_850 : vector<1x16xf32> to vector<16xf32>
        %parallel_loop3A_852 = vector.shape_cast %parallel_loop3A_846 : vector<16xf32> to vector<1x16xf32>
        tpu.vector_store %arg15[%parallel_loop3A_848, %parallel_loop3A_849], %parallel_loop3A_852 {strides = array<i32>} : memref<16x1024xf32, #tpu.memory_space<vmem>>, vector<1x16xf32>,
        %parallel_loop3A_853 = arith.constant 7 : i32
        %parallel_loop3A_854 = arith.index_cast %parallel_loop3A_853 : i32 to index
        %parallel_loop3A_855 = arith.index_cast %parallel_loop3A_637 : i32 to index
        %parallel_loop3A_856 = tpu.vector_load %arg7[%parallel_loop3A_854, %parallel_loop3A_855] {strides = array<i32>} : memref<16x1024xf32, #tpu.memory_space<vmem>>, vector<1x16xf32>,
        %parallel_loop3A_857 = vector.shape_cast %parallel_loop3A_856 : vector<1x16xf32> to vector<16xf32>
        %parallel_loop3A_858 = arith.constant 3.200000e+01 : f32
        %parallel_loop3A_859 = vector.broadcast %parallel_loop3A_858 : f32 to vector<16xf32>
        %parallel_loop3A_860 = arith.mulf %parallel_loop3A_857, %parallel_loop3A_859 : vector<16xf32>
        %parallel_loop3A_861 = arith.addf %parallel_loop3A_860, %parallel_loop3A_837 : vector<16xf32>
        %parallel_loop3A_862 = arith.constant 7 : i32
        %parallel_loop3A_863 = arith.index_cast %parallel_loop3A_862 : i32 to index
        %parallel_loop3A_864 = arith.index_cast %parallel_loop3A_637 : i32 to index
        %parallel_loop3A_865 = tpu.vector_load %arg15[%parallel_loop3A_863, %parallel_loop3A_864] {strides = array<i32>} : memref<16x1024xf32, #tpu.memory_space<vmem>>, vector<1x16xf32>,
        %parallel_loop3A_866 = vector.shape_cast %parallel_loop3A_865 : vector<1x16xf32> to vector<16xf32>
        %parallel_loop3A_867 = vector.shape_cast %parallel_loop3A_861 : vector<16xf32> to vector<1x16xf32>
        tpu.vector_store %arg15[%parallel_loop3A_863, %parallel_loop3A_864], %parallel_loop3A_867 {strides = array<i32>} : memref<16x1024xf32, #tpu.memory_space<vmem>>, vector<1x16xf32>,
        %parallel_loop3A_868 = arith.constant 11 : i32
        %parallel_loop3A_869 = arith.index_cast %parallel_loop3A_868 : i32 to index
        %parallel_loop3A_870 = arith.index_cast %parallel_loop3A_637 : i32 to index
        %parallel_loop3A_871 = tpu.vector_load %arg7[%parallel_loop3A_869, %parallel_loop3A_870] {strides = array<i32>} : memref<16x1024xf32, #tpu.memory_space<vmem>>, vector<1x16xf32>,
        %parallel_loop3A_872 = vector.shape_cast %parallel_loop3A_871 : vector<1x16xf32> to vector<16xf32>
        %parallel_loop3A_873 = arith.constant 3.200000e+01 : f32
        %parallel_loop3A_874 = vector.broadcast %parallel_loop3A_873 : f32 to vector<16xf32>
        %parallel_loop3A_875 = arith.mulf %parallel_loop3A_872, %parallel_loop3A_874 : vector<16xf32>
        %parallel_loop3A_876 = arith.addf %parallel_loop3A_875, %parallel_loop3A_837 : vector<16xf32>
        %parallel_loop3A_877 = arith.constant 11 : i32
        %parallel_loop3A_878 = arith.index_cast %parallel_loop3A_877 : i32 to index
        %parallel_loop3A_879 = arith.index_cast %parallel_loop3A_637 : i32 to index
        %parallel_loop3A_880 = tpu.vector_load %arg15[%parallel_loop3A_878, %parallel_loop3A_879] {strides = array<i32>} : memref<16x1024xf32, #tpu.memory_space<vmem>>, vector<1x16xf32>,
        %parallel_loop3A_881 = vector.shape_cast %parallel_loop3A_880 : vector<1x16xf32> to vector<16xf32>
        %parallel_loop3A_882 = vector.shape_cast %parallel_loop3A_876 : vector<16xf32> to vector<1x16xf32>
        tpu.vector_store %arg15[%parallel_loop3A_878, %parallel_loop3A_879], %parallel_loop3A_882 {strides = array<i32>} : memref<16x1024xf32, #tpu.memory_space<vmem>>, vector<1x16xf32>,
        %parallel_loop3A_883 = arith.constant 15 : i32
        %parallel_loop3A_884 = arith.index_cast %parallel_loop3A_883 : i32 to index
        %parallel_loop3A_885 = arith.index_cast %parallel_loop3A_637 : i32 to index
        %parallel_loop3A_886 = tpu.vector_load %arg7[%parallel_loop3A_884, %parallel_loop3A_885] {strides = array<i32>} : memref<16x1024xf32, #tpu.memory_space<vmem>>, vector<1x16xf32>,
        %parallel_loop3A_887 = vector.shape_cast %parallel_loop3A_886 : vector<1x16xf32> to vector<16xf32>
        %parallel_loop3A_888 = arith.constant 3.200000e+01 : f32
        %parallel_loop3A_889 = vector.broadcast %parallel_loop3A_888 : f32 to vector<16xf32>
        %parallel_loop3A_890 = arith.mulf %parallel_loop3A_887, %parallel_loop3A_889 : vector<16xf32>
        %parallel_loop3A_891 = arith.addf %parallel_loop3A_890, %parallel_loop3A_837 : vector<16xf32>
        %parallel_loop3A_892 = arith.constant 15 : i32
        %parallel_loop3A_893 = arith.index_cast %parallel_loop3A_892 : i32 to index
        %parallel_loop3A_894 = arith.index_cast %parallel_loop3A_637 : i32 to index
        %parallel_loop3A_895 = tpu.vector_load %arg15[%parallel_loop3A_893, %parallel_loop3A_894] {strides = array<i32>} : memref<16x1024xf32, #tpu.memory_space<vmem>>, vector<1x16xf32>,
        %parallel_loop3A_896 = vector.shape_cast %parallel_loop3A_895 : vector<1x16xf32> to vector<16xf32>
        %parallel_loop3A_897 = vector.shape_cast %parallel_loop3A_891 : vector<16xf32> to vector<1x16xf32>
        tpu.vector_store %arg15[%parallel_loop3A_893, %parallel_loop3A_894], %parallel_loop3A_897 {strides = array<i32>} : memref<16x1024xf32, #tpu.memory_space<vmem>>, vector<1x16xf32>,
      } {sc.loop_unroll_factor = 8 : i64, sc.parallel_access}
      %add3A_252 = arith.constant 0 : i32
      %add3A_253 = arith.addi %add3A_252, %mul3A_2 : i32
      %mul3A_254 = arith.constant 4 : i32
      %mul3A_255 = arith.muli %add3A_214, %mul3A_254 : i32
      %add3A_256 = arith.addi %add3A_253, %mul3A_255 : i32
      %dma_start3A_257 = arith.constant 0 : i32
      %dma_start3A_258 = arith.constant 0 : i32
      %dma_start3A_259 = tpu.memref_slice %arg15[%dma_start3A_257, %dma_start3A_258] : memref<16x1024xf32, #tpu.memory_space<vmem>> -> memref<4x1024xf32, #tpu.memory_space<vmem>>
      %dma_start3A_260 = arith.constant 0 : i32
      %dma_start3A_261 = tpu.memref_slice %arg5[%add3A_256, %dma_start3A_260] : memref<16384x1024xf32, #tpu.memory_space<hbm>> -> memref<4x1024xf32, #tpu.memory_space<hbm>>
      %dma_start3A_262 = arith.constant 0 : i32
      %dma_start3A_263 = tpu.memref_slice %arg5[%add3A_256, %dma_start3A_262] : memref<16384x1024xf32, #tpu.memory_space<hbm>> -> memref<4x1024xf32, #tpu.memory_space<hbm>>
      %dma_start3A_264 = arith.constant 0 : i32
      %dma_start3A_265 = arith.constant 0 : i32
      %dma_start3A_266 = tpu.memref_slice %arg15[%dma_start3A_264, %dma_start3A_265] : memref<16x1024xf32, #tpu.memory_space<vmem>> -> memref<4x1024xf32, #tpu.memory_space<vmem>>
      tpu.enqueue_dma source(%dma_start3A_266 : memref<4x1024xf32, #tpu.memory_space<vmem>>) target(%dma_start3A_263 : memref<4x1024xf32, #tpu.memory_space<hbm>>) target_semaphore(%arg25 : memref<!tpu.dma_semaphore, #tpu.memory_space<semaphore_mem>>)
      %add3A_267 = arith.constant 4096 : i32
      %add3A_268 = arith.addi %add3A_267, %mul3A_2 : i32
      %mul3A_269 = arith.constant 4 : i32
      %mul3A_270 = arith.muli %add3A_214, %mul3A_269 : i32
      %add3A_271 = arith.addi %add3A_268, %mul3A_270 : i32
      %dma_start3A_272 = arith.constant 4 : i32
      %dma_start3A_273 = arith.constant 0 : i32
      %dma_start3A_274 = tpu.memref_slice %arg15[%dma_start3A_272, %dma_start3A_273] : memref<16x1024xf32, #tpu.memory_space<vmem>> -> memref<4x1024xf32, #tpu.memory_space<vmem>>
      %dma_start3A_275 = arith.constant 0 : i32
      %dma_start3A_276 = tpu.memref_slice %arg5[%add3A_271, %dma_start3A_275] : memref<16384x1024xf32, #tpu.memory_space<hbm>> -> memref<4x1024xf32, #tpu.memory_space<hbm>>
      %dma_start3A_277 = arith.constant 0 : i32
      %dma_start3A_278 = tpu.memref_slice %arg5[%add3A_271, %dma_start3A_277] : memref<16384x1024xf32, #tpu.memory_space<hbm>> -> memref<4x1024xf32, #tpu.memory_space<hbm>>
      %dma_start3A_279 = arith.constant 4 : i32
      %dma_start3A_280 = arith.constant 0 : i32
      %dma_start3A_281 = tpu.memref_slice %arg15[%dma_start3A_279, %dma_start3A_280] : memref<16x1024xf32, #tpu.memory_space<vmem>> -> memref<4x1024xf32, #tpu.memory_space<vmem>>
      tpu.enqueue_dma source(%dma_start3A_281 : memref<4x1024xf32, #tpu.memory_space<vmem>>) target(%dma_start3A_278 : memref<4x1024xf32, #tpu.memory_space<hbm>>) target_semaphore(%arg25 : memref<!tpu.dma_semaphore, #tpu.memory_space<semaphore_mem>>)
      %add3A_282 = arith.constant 8192 : i32
      %add3A_283 = arith.addi %add3A_282, %mul3A_2 : i32
      %mul3A_284 = arith.constant 4 : i32
      %mul3A_285 = arith.muli %add3A_214, %mul3A_284 : i32
      %add3A_286 = arith.addi %add3A_283, %mul3A_285 : i32
      %dma_start3A_287 = arith.constant 8 : i32
      %dma_start3A_288 = arith.constant 0 : i32
      %dma_start3A_289 = tpu.memref_slice %arg15[%dma_start3A_287, %dma_start3A_288] : memref<16x1024xf32, #tpu.memory_space<vmem>> -> memref<4x1024xf32, #tpu.memory_space<vmem>>
      %dma_start3A_290 = arith.constant 0 : i32
      %dma_start3A_291 = tpu.memref_slice %arg5[%add3A_286, %dma_start3A_290] : memref<16384x1024xf32, #tpu.memory_space<hbm>> -> memref<4x1024xf32, #tpu.memory_space<hbm>>
      %dma_start3A_292 = arith.constant 0 : i32
      %dma_start3A_293 = tpu.memref_slice %arg5[%add3A_286, %dma_start3A_292] : memref<16384x1024xf32, #tpu.memory_space<hbm>> -> memref<4x1024xf32, #tpu.memory_space<hbm>>
      %dma_start3A_294 = arith.constant 8 : i32
      %dma_start3A_295 = arith.constant 0 : i32
      %dma_start3A_296 = tpu.memref_slice %arg15[%dma_start3A_294, %dma_start3A_295] : memref<16x1024xf32, #tpu.memory_space<vmem>> -> memref<4x1024xf32, #tpu.memory_space<vmem>>
      tpu.enqueue_dma source(%dma_start3A_296 : memref<4x1024xf32, #tpu.memory_space<vmem>>) target(%dma_start3A_293 : memref<4x1024xf32, #tpu.memory_space<hbm>>) target_semaphore(%arg25 : memref<!tpu.dma_semaphore, #tpu.memory_space<semaphore_mem>>)
      %add3A_297 = arith.constant 12288 : i32
      %add3A_298 = arith.addi %add3A_297, %mul3A_2 : i32
      %mul3A_299 = arith.constant 4 : i32
      %mul3A_300 = arith.muli %add3A_214, %mul3A_299 : i32
      %add3A_301 = arith.addi %add3A_298, %mul3A_300 : i32
      %dma_start3A_302 = arith.constant 12 : i32
      %dma_start3A_303 = arith.constant 0 : i32
      %dma_start3A_304 = tpu.memref_slice %arg15[%dma_start3A_302, %dma_start3A_303] : memref<16x1024xf32, #tpu.memory_space<vmem>> -> memref<4x1024xf32, #tpu.memory_space<vmem>>
      %dma_start3A_305 = arith.constant 0 : i32
      %dma_start3A_306 = tpu.memref_slice %arg5[%add3A_301, %dma_start3A_305] : memref<16384x1024xf32, #tpu.memory_space<hbm>> -> memref<4x1024xf32, #tpu.memory_space<hbm>>
      %dma_start3A_307 = arith.constant 0 : i32
      %dma_start3A_308 = tpu.memref_slice %arg5[%add3A_301, %dma_start3A_307] : memref<16384x1024xf32, #tpu.memory_space<hbm>> -> memref<4x1024xf32, #tpu.memory_space<hbm>>
      %dma_start3A_309 = arith.constant 12 : i32
      %dma_start3A_310 = arith.constant 0 : i32
      %dma_start3A_311 = tpu.memref_slice %arg15[%dma_start3A_309, %dma_start3A_310] : memref<16x1024xf32, #tpu.memory_space<vmem>> -> memref<4x1024xf32, #tpu.memory_space<vmem>>
      tpu.enqueue_dma source(%dma_start3A_311 : memref<4x1024xf32, #tpu.memory_space<vmem>>) target(%dma_start3A_308 : memref<4x1024xf32, #tpu.memory_space<hbm>>) target_semaphore(%arg25 : memref<!tpu.dma_semaphore, #tpu.memory_space<semaphore_mem>>)
      %mul3A_312 = arith.constant 4 : i32
      %mul3A_313 = arith.muli %mul3A_312, %scan3A_209 : i32
      %add3A_314 = arith.constant 1 : i32
      %add3A_315 = arith.addi %mul3A_313, %add3A_314 : i32
      %add3A_316 = arith.constant 4 : i32
      %add3A_317 = arith.addi %add3A_315, %add3A_316 : i32
      %sub3A_318 = arith.constant 1 : i32
      %sub3A_319 = arith.subi %add3A_317, %sub3A_318 : i32
      %lt3A_320 = arith.constant 32 : i32
      %lt3A_321 = arith.cmpi slt, %sub3A_319, %lt3A_320 : i32
      %convert_element_type3A_322 = arith.extui %lt3A_321 : i1 to i32
      %cond3A_323 = arith.constant 0 : i32
      %cond3A_324 = arith.cmpi ne, %convert_element_type3A_322, %cond3A_323 : i32
      scf.if %cond3A_324 {
        %add3A_634 = arith.constant 4 : i32
        %add3A_635 = arith.addi %add3A_315, %add3A_634 : i32
        %sub3A_636 = arith.constant 1 : i32
        %sub3A_637 = arith.subi %add3A_635, %sub3A_636 : i32
        %dma_start3A_638 = arith.constant 0 : i32
        %dma_start3A_639 = arith.constant 0 : i32
        %dma_start3A_640 = tpu.memref_slice %arg7[%dma_start3A_638, %dma_start3A_639] : memref<16x1024xf32, #tpu.memory_space<vmem>> -> memref<8x1024xf32, #tpu.memory_space<vmem>>
        %dma_start3A_641 = arith.constant 0 : i32
        %dma_start3A_642 = tpu.memref_slice %arg6[%sub3A_637, %dma_start3A_641] : memref<32x16xi32, #tpu.memory_space<vmem>> -> memref<1x16xi32, #tpu.memory_space<vmem>>
        %dma_start3A_643 = tpu.memref_squeeze %dma_start3A_642 : memref<1x16xi32, #tpu.memory_space<vmem>> -> memref<16xi32, #tpu.memory_space<vmem>>
        %dma_start3A_644 = arith.constant 0 : i32
        %dma_start3A_645 = tpu.memref_slice %dma_start3A_643[%dma_start3A_644] : memref<16xi32, #tpu.memory_space<vmem>> -> memref<8xi32, #tpu.memory_space<vmem>>
        %dma_start3A_646 = arith.constant 0 : i32
        %dma_start3A_647 = arith.constant 0 : i32
        %dma_start3A_648 = tpu.memref_slice %arg3[%dma_start3A_646, %dma_start3A_647] : memref<100000x1024xf32, #tpu.memory_space<hbm>> -> memref<100000x1024xf32, #tpu.memory_space<hbm>>
        tpu.enqueue_indirect_dma source(%dma_start3A_648 : memref<100000x1024xf32, #tpu.memory_space<hbm>>) target(%dma_start3A_640 : memref<8x1024xf32, #tpu.memory_space<vmem>>) offsets(%dma_start3A_645 : memref<8xi32, #tpu.memory_space<vmem>>) semaphore(%arg17 : memref<!tpu.dma_semaphore, #tpu.memory_space<semaphore_mem>>)
        %dma_start3A_649 = arith.constant 8 : i32
        %dma_start3A_650 = arith.constant 0 : i32
        %dma_start3A_651 = tpu.memref_slice %arg7[%dma_start3A_649, %dma_start3A_650] : memref<16x1024xf32, #tpu.memory_space<vmem>> -> memref<8x1024xf32, #tpu.memory_space<vmem>>
        %dma_start3A_652 = arith.constant 0 : i32
        %dma_start3A_653 = tpu.memref_slice %arg6[%sub3A_637, %dma_start3A_652] : memref<32x16xi32, #tpu.memory_space<vmem>> -> memref<1x16xi32, #tpu.memory_space<vmem>>
        %dma_start3A_654 = tpu.memref_squeeze %dma_start3A_653 : memref<1x16xi32, #tpu.memory_space<vmem>> -> memref<16xi32, #tpu.memory_space<vmem>>
        %dma_start3A_655 = arith.constant 8 : i32
        %dma_start3A_656 = tpu.memref_slice %dma_start3A_654[%dma_start3A_655] : memref<16xi32, #tpu.memory_space<vmem>> -> memref<8xi32, #tpu.memory_space<vmem>>
        %dma_start3A_657 = arith.constant 0 : i32
        %dma_start3A_658 = arith.constant 0 : i32
        %dma_start3A_659 = tpu.memref_slice %arg3[%dma_start3A_657, %dma_start3A_658] : memref<100000x1024xf32, #tpu.memory_space<hbm>> -> memref<100000x1024xf32, #tpu.memory_space<hbm>>
        tpu.enqueue_indirect_dma source(%dma_start3A_659 : memref<100000x1024xf32, #tpu.memory_space<hbm>>) target(%dma_start3A_651 : memref<8x1024xf32, #tpu.memory_space<vmem>>) offsets(%dma_start3A_656 : memref<8xi32, #tpu.memory_space<vmem>>) semaphore(%arg27 : memref<!tpu.dma_semaphore, #tpu.memory_space<semaphore_mem>>)
        %mul3A_660 = arith.constant 4 : i32
        %mul3A_661 = arith.muli %sub3A_637, %mul3A_660 : i32
        %add3A_662 = arith.addi %mul3A_2, %mul3A_661 : i32
        %dma_start3A_663 = arith.constant 0 : i32
        %dma_start3A_664 = tpu.memref_slice %arg4[%add3A_662, %dma_start3A_663] : memref<4096x1024xf32, #tpu.memory_space<hbm>> -> memref<4x1024xf32, #tpu.memory_space<hbm>>
        %dma_start3A_665 = arith.constant 0 : i32
        %dma_start3A_666 = tpu.memref_slice %arg4[%add3A_662, %dma_start3A_665] : memref<4096x1024xf32, #tpu.memory_space<hbm>> -> memref<4x1024xf32, #tpu.memory_space<hbm>>
        tpu.enqueue_dma source(%dma_start3A_666 : memref<4x1024xf32, #tpu.memory_space<hbm>>) target(%arg11 : memref<4x1024xf32, #tpu.memory_space<vmem>>) target_semaphore(%arg21 : memref<!tpu.dma_semaphore, #tpu.memory_space<semaphore_mem>>)
      } else {
      }
      %dma_wait3A_325 = arith.constant 0 : i32
      %dma_wait3A_326 = arith.constant 0 : i32
      %dma_wait3A_327 = tpu.memref_slice %arg8[%dma_wait3A_325, %dma_wait3A_326] : memref<16x1024xf32, #tpu.memory_space<vmem>> -> memref<8x1024xf32, #tpu.memory_space<vmem>>
      %dma_wait3A_328 = arith.constant 0 : i32
      %dma_wait3A_329 = tpu.memref_slice %arg6[%add3A_315, %dma_wait3A_328] : memref<32x16xi32, #tpu.memory_space<vmem>> -> memref<1x16xi32, #tpu.memory_space<vmem>>
      %dma_wait3A_330 = tpu.memref_squeeze %dma_wait3A_329 : memref<1x16xi32, #tpu.memory_space<vmem>> -> memref<16xi32, #tpu.memory_space<vmem>>
      %dma_wait3A_331 = arith.constant 0 : i32
      %dma_wait3A_332 = tpu.memref_slice %dma_wait3A_330[%dma_wait3A_331] : memref<16xi32, #tpu.memory_space<vmem>> -> memref<8xi32, #tpu.memory_space<vmem>>
      %dma_wait3A_333 = arith.constant 0 : i32
      %dma_wait3A_334 = arith.constant 0 : i32
      %dma_wait3A_335 = tpu.memref_slice %arg3[%dma_wait3A_333, %dma_wait3A_334] : memref<100000x1024xf32, #tpu.memory_space<hbm>> -> memref<100000x1024xf32, #tpu.memory_space<hbm>>
      tpu.wait_indirect_dma semaphore(%arg18 : memref<!tpu.dma_semaphore, #tpu.memory_space<semaphore_mem>>) src(%dma_wait3A_335 : memref<100000x1024xf32, #tpu.memory_space<hbm>>) dst(%dma_wait3A_327 : memref<8x1024xf32, #tpu.memory_space<vmem>>)
      %dma_wait3A_336 = arith.constant 8 : i32
      %dma_wait3A_337 = arith.constant 0 : i32
      %dma_wait3A_338 = tpu.memref_slice %arg8[%dma_wait3A_336, %dma_wait3A_337] : memref<16x1024xf32, #tpu.memory_space<vmem>> -> memref<8x1024xf32, #tpu.memory_space<vmem>>
      %dma_wait3A_339 = arith.constant 0 : i32
      %dma_wait3A_340 = tpu.memref_slice %arg6[%add3A_315, %dma_wait3A_339] : memref<32x16xi32, #tpu.memory_space<vmem>> -> memref<1x16xi32, #tpu.memory_space<vmem>>
      %dma_wait3A_341 = tpu.memref_squeeze %dma_wait3A_340 : memref<1x16xi32, #tpu.memory_space<vmem>> -> memref<16xi32, #tpu.memory_space<vmem>>
      %dma_wait3A_342 = arith.constant 8 : i32
      %dma_wait3A_343 = tpu.memref_slice %dma_wait3A_341[%dma_wait3A_342] : memref<16xi32, #tpu.memory_space<vmem>> -> memref<8xi32, #tpu.memory_space<vmem>>
      %dma_wait3A_344 = arith.constant 0 : i32
      %dma_wait3A_345 = arith.constant 0 : i32
      %dma_wait3A_346 = tpu.memref_slice %arg3[%dma_wait3A_344, %dma_wait3A_345] : memref<100000x1024xf32, #tpu.memory_space<hbm>> -> memref<100000x1024xf32, #tpu.memory_space<hbm>>
      tpu.wait_indirect_dma semaphore(%arg28 : memref<!tpu.dma_semaphore, #tpu.memory_space<semaphore_mem>>) src(%dma_wait3A_346 : memref<100000x1024xf32, #tpu.memory_space<hbm>>) dst(%dma_wait3A_338 : memref<8x1024xf32, #tpu.memory_space<vmem>>)
      %dma_wait3A_347 = arith.constant 0 : i32
      %dma_wait3A_348 = tpu.memref_slice %arg4[%mul3A_2, %dma_wait3A_347] : memref<4096x1024xf32, #tpu.memory_space<hbm>> -> memref<4x1024xf32, #tpu.memory_space<hbm>>
      %dma_wait3A_349 = arith.constant 0 : i32
      %dma_wait3A_350 = tpu.memref_slice %arg4[%mul3A_2, %dma_wait3A_349] : memref<4096x1024xf32, #tpu.memory_space<hbm>> -> memref<4x1024xf32, #tpu.memory_space<hbm>>
      tpu.wait_dma2 semaphore(%arg22 : memref<!tpu.dma_semaphore, #tpu.memory_space<semaphore_mem>>) src(%dma_wait3A_350 : memref<4x1024xf32, #tpu.memory_space<hbm>>) dst(%arg12 : memref<4x1024xf32, #tpu.memory_space<vmem>>)
      %ge3A_351 = arith.constant 2 : i32
      %ge3A_352 = arith.cmpi sge, %add3A_315, %ge3A_351 : i32
      %convert_element_type3A_353 = arith.extui %ge3A_352 : i1 to i32
      %cond3A_354 = arith.constant 0 : i32
      %cond3A_355 = arith.cmpi ne, %convert_element_type3A_353, %cond3A_354 : i32
      scf.if %cond3A_355 {
        %sub3A_634 = arith.constant 2 : i32
        %sub3A_635 = arith.subi %add3A_315, %sub3A_634 : i32
        %add3A_636 = arith.constant 0 : i32
        %add3A_637 = arith.addi %add3A_636, %mul3A_2 : i32
        %mul3A_638 = arith.constant 4 : i32
        %mul3A_639 = arith.muli %sub3A_635, %mul3A_638 : i32
        %add3A_640 = arith.addi %add3A_637, %mul3A_639 : i32
        %dma_wait3A_641 = arith.constant 0 : i32
        %dma_wait3A_642 = arith.constant 0 : i32
        %dma_wait3A_643 = tpu.memref_slice %arg16[%dma_wait3A_641, %dma_wait3A_642] : memref<16x1024xf32, #tpu.memory_space<vmem>> -> memref<4x1024xf32, #tpu.memory_space<vmem>>
        %dma_wait3A_644 = arith.constant 0 : i32
        %dma_wait3A_645 = tpu.memref_slice %arg5[%add3A_640, %dma_wait3A_644] : memref<16384x1024xf32, #tpu.memory_space<hbm>> -> memref<4x1024xf32, #tpu.memory_space<hbm>>
        %dma_wait3A_646 = arith.constant 0 : i32
        %dma_wait3A_647 = tpu.memref_slice %arg5[%add3A_640, %dma_wait3A_646] : memref<16384x1024xf32, #tpu.memory_space<hbm>> -> memref<4x1024xf32, #tpu.memory_space<hbm>>
        %dma_wait3A_648 = arith.constant 0 : i32
        %dma_wait3A_649 = arith.constant 0 : i32
        %dma_wait3A_650 = tpu.memref_slice %arg16[%dma_wait3A_648, %dma_wait3A_649] : memref<16x1024xf32, #tpu.memory_space<vmem>> -> memref<4x1024xf32, #tpu.memory_space<vmem>>
        tpu.wait_dma2 semaphore(%arg26 : memref<!tpu.dma_semaphore, #tpu.memory_space<semaphore_mem>>) src(%dma_wait3A_650 : memref<4x1024xf32, #tpu.memory_space<vmem>>) dst(%dma_wait3A_647 : memref<4x1024xf32, #tpu.memory_space<hbm>>)
        %add3A_651 = arith.constant 4096 : i32
        %add3A_652 = arith.addi %add3A_651, %mul3A_2 : i32
        %mul3A_653 = arith.constant 4 : i32
        %mul3A_654 = arith.muli %sub3A_635, %mul3A_653 : i32
        %add3A_655 = arith.addi %add3A_652, %mul3A_654 : i32
        %dma_wait3A_656 = arith.constant 4 : i32
        %dma_wait3A_657 = arith.constant 0 : i32
        %dma_wait3A_658 = tpu.memref_slice %arg16[%dma_wait3A_656, %dma_wait3A_657] : memref<16x1024xf32, #tpu.memory_space<vmem>> -> memref<4x1024xf32, #tpu.memory_space<vmem>>
        %dma_wait3A_659 = arith.constant 0 : i32
        %dma_wait3A_660 = tpu.memref_slice %arg5[%add3A_655, %dma_wait3A_659] : memref<16384x1024xf32, #tpu.memory_space<hbm>> -> memref<4x1024xf32, #tpu.memory_space<hbm>>
        %dma_wait3A_661 = arith.constant 0 : i32
        %dma_wait3A_662 = tpu.memref_slice %arg5[%add3A_655, %dma_wait3A_661] : memref<16384x1024xf32, #tpu.memory_space<hbm>> -> memref<4x1024xf32, #tpu.memory_space<hbm>>
        %dma_wait3A_663 = arith.constant 4 : i32
        %dma_wait3A_664 = arith.constant 0 : i32
        %dma_wait3A_665 = tpu.memref_slice %arg16[%dma_wait3A_663, %dma_wait3A_664] : memref<16x1024xf32, #tpu.memory_space<vmem>> -> memref<4x1024xf32, #tpu.memory_space<vmem>>
        tpu.wait_dma2 semaphore(%arg26 : memref<!tpu.dma_semaphore, #tpu.memory_space<semaphore_mem>>) src(%dma_wait3A_665 : memref<4x1024xf32, #tpu.memory_space<vmem>>) dst(%dma_wait3A_662 : memref<4x1024xf32, #tpu.memory_space<hbm>>)
        %add3A_666 = arith.constant 8192 : i32
        %add3A_667 = arith.addi %add3A_666, %mul3A_2 : i32
        %mul3A_668 = arith.constant 4 : i32
        %mul3A_669 = arith.muli %sub3A_635, %mul3A_668 : i32
        %add3A_670 = arith.addi %add3A_667, %mul3A_669 : i32
        %dma_wait3A_671 = arith.constant 8 : i32
        %dma_wait3A_672 = arith.constant 0 : i32
        %dma_wait3A_673 = tpu.memref_slice %arg16[%dma_wait3A_671, %dma_wait3A_672] : memref<16x1024xf32, #tpu.memory_space<vmem>> -> memref<4x1024xf32, #tpu.memory_space<vmem>>
        %dma_wait3A_674 = arith.constant 0 : i32
        %dma_wait3A_675 = tpu.memref_slice %arg5[%add3A_670, %dma_wait3A_674] : memref<16384x1024xf32, #tpu.memory_space<hbm>> -> memref<4x1024xf32, #tpu.memory_space<hbm>>
        %dma_wait3A_676 = arith.constant 0 : i32
        %dma_wait3A_677 = tpu.memref_slice %arg5[%add3A_670, %dma_wait3A_676] : memref<16384x1024xf32, #tpu.memory_space<hbm>> -> memref<4x1024xf32, #tpu.memory_space<hbm>>
        %dma_wait3A_678 = arith.constant 8 : i32
        %dma_wait3A_679 = arith.constant 0 : i32
        %dma_wait3A_680 = tpu.memref_slice %arg16[%dma_wait3A_678, %dma_wait3A_679] : memref<16x1024xf32, #tpu.memory_space<vmem>> -> memref<4x1024xf32, #tpu.memory_space<vmem>>
        tpu.wait_dma2 semaphore(%arg26 : memref<!tpu.dma_semaphore, #tpu.memory_space<semaphore_mem>>) src(%dma_wait3A_680 : memref<4x1024xf32, #tpu.memory_space<vmem>>) dst(%dma_wait3A_677 : memref<4x1024xf32, #tpu.memory_space<hbm>>)
        %add3A_681 = arith.constant 12288 : i32
        %add3A_682 = arith.addi %add3A_681, %mul3A_2 : i32
        %mul3A_683 = arith.constant 4 : i32
        %mul3A_684 = arith.muli %sub3A_635, %mul3A_683 : i32
        %add3A_685 = arith.addi %add3A_682, %mul3A_684 : i32
        %dma_wait3A_686 = arith.constant 12 : i32
        %dma_wait3A_687 = arith.constant 0 : i32
        %dma_wait3A_688 = tpu.memref_slice %arg16[%dma_wait3A_686, %dma_wait3A_687] : memref<16x1024xf32, #tpu.memory_space<vmem>> -> memref<4x1024xf32, #tpu.memory_space<vmem>>
        %dma_wait3A_689 = arith.constant 0 : i32
        %dma_wait3A_690 = tpu.memref_slice %arg5[%add3A_685, %dma_wait3A_689] : memref<16384x1024xf32, #tpu.memory_space<hbm>> -> memref<4x1024xf32, #tpu.memory_space<hbm>>
        %dma_wait3A_691 = arith.constant 0 : i32
        %dma_wait3A_692 = tpu.memref_slice %arg5[%add3A_685, %dma_wait3A_691] : memref<16384x1024xf32, #tpu.memory_space<hbm>> -> memref<4x1024xf32, #tpu.memory_space<hbm>>
        %dma_wait3A_693 = arith.constant 12 : i32
        %dma_wait3A_694 = arith.constant 0 : i32
        %dma_wait3A_695 = tpu.memref_slice %arg16[%dma_wait3A_693, %dma_wait3A_694] : memref<16x1024xf32, #tpu.memory_space<vmem>> -> memref<4x1024xf32, #tpu.memory_space<vmem>>
        tpu.wait_dma2 semaphore(%arg26 : memref<!tpu.dma_semaphore, #tpu.memory_space<semaphore_mem>>) src(%dma_wait3A_695 : memref<4x1024xf32, #tpu.memory_space<vmem>>) dst(%dma_wait3A_692 : memref<4x1024xf32, #tpu.memory_space<hbm>>)
      } else {
      }
      %parallel_loop3A_356 = arith.constant 0 : i32
      %parallel_loop3A_357 = arith.constant 64 : i32
      %parallel_loop3A_358 = arith.constant 1 : i32
      scf.for %parallel_loop3A_634 = %parallel_loop3A_356 to %parallel_loop3A_357 step %parallel_loop3A_358  : i32 {
        %parallel_loop3A_635 = arith.constant 16 : i32
        %parallel_loop3A_636 = arith.muli %parallel_loop3A_634, %parallel_loop3A_635 : i32
        %parallel_loop3A_637 = tpu.assume_multiple %parallel_loop3A_636, 16 : i32
        %parallel_loop3A_638 = arith.constant 0 : i32
        %parallel_loop3A_639 = arith.index_cast %parallel_loop3A_638 : i32 to index
        %parallel_loop3A_640 = arith.index_cast %parallel_loop3A_637 : i32 to index
        %parallel_loop3A_641 = tpu.vector_load %arg12[%parallel_loop3A_639, %parallel_loop3A_640] {strides = array<i32>} : memref<4x1024xf32, #tpu.memory_space<vmem>>, vector<1x16xf32>,
        %parallel_loop3A_642 = vector.shape_cast %parallel_loop3A_641 : vector<1x16xf32> to vector<16xf32>
        %parallel_loop3A_643 = arith.constant 0 : i32
        %parallel_loop3A_644 = arith.index_cast %parallel_loop3A_643 : i32 to index
        %parallel_loop3A_645 = arith.index_cast %parallel_loop3A_637 : i32 to index
        %parallel_loop3A_646 = tpu.vector_load %arg8[%parallel_loop3A_644, %parallel_loop3A_645] {strides = array<i32>} : memref<16x1024xf32, #tpu.memory_space<vmem>>, vector<1x16xf32>,
        %parallel_loop3A_647 = vector.shape_cast %parallel_loop3A_646 : vector<1x16xf32> to vector<16xf32>
        %parallel_loop3A_648 = arith.constant 3.200000e+01 : f32
        %parallel_loop3A_649 = vector.broadcast %parallel_loop3A_648 : f32 to vector<16xf32>
        %parallel_loop3A_650 = arith.mulf %parallel_loop3A_647, %parallel_loop3A_649 : vector<16xf32>
        %parallel_loop3A_651 = arith.addf %parallel_loop3A_650, %parallel_loop3A_642 : vector<16xf32>
        %parallel_loop3A_652 = arith.constant 0 : i32
        %parallel_loop3A_653 = arith.index_cast %parallel_loop3A_652 : i32 to index
        %parallel_loop3A_654 = arith.index_cast %parallel_loop3A_637 : i32 to index
        %parallel_loop3A_655 = tpu.vector_load %arg16[%parallel_loop3A_653, %parallel_loop3A_654] {strides = array<i32>} : memref<16x1024xf32, #tpu.memory_space<vmem>>, vector<1x16xf32>,
        %parallel_loop3A_656 = vector.shape_cast %parallel_loop3A_655 : vector<1x16xf32> to vector<16xf32>
        %parallel_loop3A_657 = vector.shape_cast %parallel_loop3A_651 : vector<16xf32> to vector<1x16xf32>
        tpu.vector_store %arg16[%parallel_loop3A_653, %parallel_loop3A_654], %parallel_loop3A_657 {strides = array<i32>} : memref<16x1024xf32, #tpu.memory_space<vmem>>, vector<1x16xf32>,
        %parallel_loop3A_658 = arith.constant 4 : i32
        %parallel_loop3A_659 = arith.index_cast %parallel_loop3A_658 : i32 to index
        %parallel_loop3A_660 = arith.index_cast %parallel_loop3A_637 : i32 to index
        %parallel_loop3A_661 = tpu.vector_load %arg8[%parallel_loop3A_659, %parallel_loop3A_660] {strides = array<i32>} : memref<16x1024xf32, #tpu.memory_space<vmem>>, vector<1x16xf32>,
        %parallel_loop3A_662 = vector.shape_cast %parallel_loop3A_661 : vector<1x16xf32> to vector<16xf32>
        %parallel_loop3A_663 = arith.constant 3.200000e+01 : f32
        %parallel_loop3A_664 = vector.broadcast %parallel_loop3A_663 : f32 to vector<16xf32>
        %parallel_loop3A_665 = arith.mulf %parallel_loop3A_662, %parallel_loop3A_664 : vector<16xf32>
        %parallel_loop3A_666 = arith.addf %parallel_loop3A_665, %parallel_loop3A_642 : vector<16xf32>
        %parallel_loop3A_667 = arith.constant 4 : i32
        %parallel_loop3A_668 = arith.index_cast %parallel_loop3A_667 : i32 to index
        %parallel_loop3A_669 = arith.index_cast %parallel_loop3A_637 : i32 to index
        %parallel_loop3A_670 = tpu.vector_load %arg16[%parallel_loop3A_668, %parallel_loop3A_669] {strides = array<i32>} : memref<16x1024xf32, #tpu.memory_space<vmem>>, vector<1x16xf32>,
        %parallel_loop3A_671 = vector.shape_cast %parallel_loop3A_670 : vector<1x16xf32> to vector<16xf32>
        %parallel_loop3A_672 = vector.shape_cast %parallel_loop3A_666 : vector<16xf32> to vector<1x16xf32>
        tpu.vector_store %arg16[%parallel_loop3A_668, %parallel_loop3A_669], %parallel_loop3A_672 {strides = array<i32>} : memref<16x1024xf32, #tpu.memory_space<vmem>>, vector<1x16xf32>,
        %parallel_loop3A_673 = arith.constant 8 : i32
        %parallel_loop3A_674 = arith.index_cast %parallel_loop3A_673 : i32 to index
        %parallel_loop3A_675 = arith.index_cast %parallel_loop3A_637 : i32 to index
        %parallel_loop3A_676 = tpu.vector_load %arg8[%parallel_loop3A_674, %parallel_loop3A_675] {strides = array<i32>} : memref<16x1024xf32, #tpu.memory_space<vmem>>, vector<1x16xf32>,
        %parallel_loop3A_677 = vector.shape_cast %parallel_loop3A_676 : vector<1x16xf32> to vector<16xf32>
        %parallel_loop3A_678 = arith.constant 3.200000e+01 : f32
        %parallel_loop3A_679 = vector.broadcast %parallel_loop3A_678 : f32 to vector<16xf32>
        %parallel_loop3A_680 = arith.mulf %parallel_loop3A_677, %parallel_loop3A_679 : vector<16xf32>
        %parallel_loop3A_681 = arith.addf %parallel_loop3A_680, %parallel_loop3A_642 : vector<16xf32>
        %parallel_loop3A_682 = arith.constant 8 : i32
        %parallel_loop3A_683 = arith.index_cast %parallel_loop3A_682 : i32 to index
        %parallel_loop3A_684 = arith.index_cast %parallel_loop3A_637 : i32 to index
        %parallel_loop3A_685 = tpu.vector_load %arg16[%parallel_loop3A_683, %parallel_loop3A_684] {strides = array<i32>} : memref<16x1024xf32, #tpu.memory_space<vmem>>, vector<1x16xf32>,
        %parallel_loop3A_686 = vector.shape_cast %parallel_loop3A_685 : vector<1x16xf32> to vector<16xf32>
        %parallel_loop3A_687 = vector.shape_cast %parallel_loop3A_681 : vector<16xf32> to vector<1x16xf32>
        tpu.vector_store %arg16[%parallel_loop3A_683, %parallel_loop3A_684], %parallel_loop3A_687 {strides = array<i32>} : memref<16x1024xf32, #tpu.memory_space<vmem>>, vector<1x16xf32>,
        %parallel_loop3A_688 = arith.constant 12 : i32
        %parallel_loop3A_689 = arith.index_cast %parallel_loop3A_688 : i32 to index
        %parallel_loop3A_690 = arith.index_cast %parallel_loop3A_637 : i32 to index
        %parallel_loop3A_691 = tpu.vector_load %arg8[%parallel_loop3A_689, %parallel_loop3A_690] {strides = array<i32>} : memref<16x1024xf32, #tpu.memory_space<vmem>>, vector<1x16xf32>,
        %parallel_loop3A_692 = vector.shape_cast %parallel_loop3A_691 : vector<1x16xf32> to vector<16xf32>
        %parallel_loop3A_693 = arith.constant 3.200000e+01 : f32
        %parallel_loop3A_694 = vector.broadcast %parallel_loop3A_693 : f32 to vector<16xf32>
        %parallel_loop3A_695 = arith.mulf %parallel_loop3A_692, %parallel_loop3A_694 : vector<16xf32>
        %parallel_loop3A_696 = arith.addf %parallel_loop3A_695, %parallel_loop3A_642 : vector<16xf32>
        %parallel_loop3A_697 = arith.constant 12 : i32
        %parallel_loop3A_698 = arith.index_cast %parallel_loop3A_697 : i32 to index
        %parallel_loop3A_699 = arith.index_cast %parallel_loop3A_637 : i32 to index
        %parallel_loop3A_700 = tpu.vector_load %arg16[%parallel_loop3A_698, %parallel_loop3A_699] {strides = array<i32>} : memref<16x1024xf32, #tpu.memory_space<vmem>>, vector<1x16xf32>,
        %parallel_loop3A_701 = vector.shape_cast %parallel_loop3A_700 : vector<1x16xf32> to vector<16xf32>
        %parallel_loop3A_702 = vector.shape_cast %parallel_loop3A_696 : vector<16xf32> to vector<1x16xf32>
        tpu.vector_store %arg16[%parallel_loop3A_698, %parallel_loop3A_699], %parallel_loop3A_702 {strides = array<i32>} : memref<16x1024xf32, #tpu.memory_space<vmem>>, vector<1x16xf32>,
        %parallel_loop3A_703 = arith.constant 1 : i32
        %parallel_loop3A_704 = arith.index_cast %parallel_loop3A_703 : i32 to index
        %parallel_loop3A_705 = arith.index_cast %parallel_loop3A_637 : i32 to index
        %parallel_loop3A_706 = tpu.vector_load %arg12[%parallel_loop3A_704, %parallel_loop3A_705] {strides = array<i32>} : memref<4x1024xf32, #tpu.memory_space<vmem>>, vector<1x16xf32>,
        %parallel_loop3A_707 = vector.shape_cast %parallel_loop3A_706 : vector<1x16xf32> to vector<16xf32>
        %parallel_loop3A_708 = arith.constant 1 : i32
        %parallel_loop3A_709 = arith.index_cast %parallel_loop3A_708 : i32 to index
        %parallel_loop3A_710 = arith.index_cast %parallel_loop3A_637 : i32 to index
        %parallel_loop3A_711 = tpu.vector_load %arg8[%parallel_loop3A_709, %parallel_loop3A_710] {strides = array<i32>} : memref<16x1024xf32, #tpu.memory_space<vmem>>, vector<1x16xf32>,
        %parallel_loop3A_712 = vector.shape_cast %parallel_loop3A_711 : vector<1x16xf32> to vector<16xf32>
        %parallel_loop3A_713 = arith.constant 3.200000e+01 : f32
        %parallel_loop3A_714 = vector.broadcast %parallel_loop3A_713 : f32 to vector<16xf32>
        %parallel_loop3A_715 = arith.mulf %parallel_loop3A_712, %parallel_loop3A_714 : vector<16xf32>
        %parallel_loop3A_716 = arith.addf %parallel_loop3A_715, %parallel_loop3A_707 : vector<16xf32>
        %parallel_loop3A_717 = arith.constant 1 : i32
        %parallel_loop3A_718 = arith.index_cast %parallel_loop3A_717 : i32 to index
        %parallel_loop3A_719 = arith.index_cast %parallel_loop3A_637 : i32 to index
        %parallel_loop3A_720 = tpu.vector_load %arg16[%parallel_loop3A_718, %parallel_loop3A_719] {strides = array<i32>} : memref<16x1024xf32, #tpu.memory_space<vmem>>, vector<1x16xf32>,
        %parallel_loop3A_721 = vector.shape_cast %parallel_loop3A_720 : vector<1x16xf32> to vector<16xf32>
        %parallel_loop3A_722 = vector.shape_cast %parallel_loop3A_716 : vector<16xf32> to vector<1x16xf32>
        tpu.vector_store %arg16[%parallel_loop3A_718, %parallel_loop3A_719], %parallel_loop3A_722 {strides = array<i32>} : memref<16x1024xf32, #tpu.memory_space<vmem>>, vector<1x16xf32>,
        %parallel_loop3A_723 = arith.constant 5 : i32
        %parallel_loop3A_724 = arith.index_cast %parallel_loop3A_723 : i32 to index
        %parallel_loop3A_725 = arith.index_cast %parallel_loop3A_637 : i32 to index
        %parallel_loop3A_726 = tpu.vector_load %arg8[%parallel_loop3A_724, %parallel_loop3A_725] {strides = array<i32>} : memref<16x1024xf32, #tpu.memory_space<vmem>>, vector<1x16xf32>,
        %parallel_loop3A_727 = vector.shape_cast %parallel_loop3A_726 : vector<1x16xf32> to vector<16xf32>
        %parallel_loop3A_728 = arith.constant 3.200000e+01 : f32
        %parallel_loop3A_729 = vector.broadcast %parallel_loop3A_728 : f32 to vector<16xf32>
        %parallel_loop3A_730 = arith.mulf %parallel_loop3A_727, %parallel_loop3A_729 : vector<16xf32>
        %parallel_loop3A_731 = arith.addf %parallel_loop3A_730, %parallel_loop3A_707 : vector<16xf32>
        %parallel_loop3A_732 = arith.constant 5 : i32
        %parallel_loop3A_733 = arith.index_cast %parallel_loop3A_732 : i32 to index
        %parallel_loop3A_734 = arith.index_cast %parallel_loop3A_637 : i32 to index
        %parallel_loop3A_735 = tpu.vector_load %arg16[%parallel_loop3A_733, %parallel_loop3A_734] {strides = array<i32>} : memref<16x1024xf32, #tpu.memory_space<vmem>>, vector<1x16xf32>,
        %parallel_loop3A_736 = vector.shape_cast %parallel_loop3A_735 : vector<1x16xf32> to vector<16xf32>
        %parallel_loop3A_737 = vector.shape_cast %parallel_loop3A_731 : vector<16xf32> to vector<1x16xf32>
        tpu.vector_store %arg16[%parallel_loop3A_733, %parallel_loop3A_734], %parallel_loop3A_737 {strides = array<i32>} : memref<16x1024xf32, #tpu.memory_space<vmem>>, vector<1x16xf32>,
        %parallel_loop3A_738 = arith.constant 9 : i32
        %parallel_loop3A_739 = arith.index_cast %parallel_loop3A_738 : i32 to index
        %parallel_loop3A_740 = arith.index_cast %parallel_loop3A_637 : i32 to index
        %parallel_loop3A_741 = tpu.vector_load %arg8[%parallel_loop3A_739, %parallel_loop3A_740] {strides = array<i32>} : memref<16x1024xf32, #tpu.memory_space<vmem>>, vector<1x16xf32>,
        %parallel_loop3A_742 = vector.shape_cast %parallel_loop3A_741 : vector<1x16xf32> to vector<16xf32>
        %parallel_loop3A_743 = arith.constant 3.200000e+01 : f32
        %parallel_loop3A_744 = vector.broadcast %parallel_loop3A_743 : f32 to vector<16xf32>
        %parallel_loop3A_745 = arith.mulf %parallel_loop3A_742, %parallel_loop3A_744 : vector<16xf32>
        %parallel_loop3A_746 = arith.addf %parallel_loop3A_745, %parallel_loop3A_707 : vector<16xf32>
        %parallel_loop3A_747 = arith.constant 9 : i32
        %parallel_loop3A_748 = arith.index_cast %parallel_loop3A_747 : i32 to index
        %parallel_loop3A_749 = arith.index_cast %parallel_loop3A_637 : i32 to index
        %parallel_loop3A_750 = tpu.vector_load %arg16[%parallel_loop3A_748, %parallel_loop3A_749] {strides = array<i32>} : memref<16x1024xf32, #tpu.memory_space<vmem>>, vector<1x16xf32>,
        %parallel_loop3A_751 = vector.shape_cast %parallel_loop3A_750 : vector<1x16xf32> to vector<16xf32>
        %parallel_loop3A_752 = vector.shape_cast %parallel_loop3A_746 : vector<16xf32> to vector<1x16xf32>
        tpu.vector_store %arg16[%parallel_loop3A_748, %parallel_loop3A_749], %parallel_loop3A_752 {strides = array<i32>} : memref<16x1024xf32, #tpu.memory_space<vmem>>, vector<1x16xf32>,
        %parallel_loop3A_753 = arith.constant 13 : i32
        %parallel_loop3A_754 = arith.index_cast %parallel_loop3A_753 : i32 to index
        %parallel_loop3A_755 = arith.index_cast %parallel_loop3A_637 : i32 to index
        %parallel_loop3A_756 = tpu.vector_load %arg8[%parallel_loop3A_754, %parallel_loop3A_755] {strides = array<i32>} : memref<16x1024xf32, #tpu.memory_space<vmem>>, vector<1x16xf32>,
        %parallel_loop3A_757 = vector.shape_cast %parallel_loop3A_756 : vector<1x16xf32> to vector<16xf32>
        %parallel_loop3A_758 = arith.constant 3.200000e+01 : f32
        %parallel_loop3A_759 = vector.broadcast %parallel_loop3A_758 : f32 to vector<16xf32>
        %parallel_loop3A_760 = arith.mulf %parallel_loop3A_757, %parallel_loop3A_759 : vector<16xf32>
        %parallel_loop3A_761 = arith.addf %parallel_loop3A_760, %parallel_loop3A_707 : vector<16xf32>
        %parallel_loop3A_762 = arith.constant 13 : i32
        %parallel_loop3A_763 = arith.index_cast %parallel_loop3A_762 : i32 to index
        %parallel_loop3A_764 = arith.index_cast %parallel_loop3A_637 : i32 to index
        %parallel_loop3A_765 = tpu.vector_load %arg16[%parallel_loop3A_763, %parallel_loop3A_764] {strides = array<i32>} : memref<16x1024xf32, #tpu.memory_space<vmem>>, vector<1x16xf32>,
        %parallel_loop3A_766 = vector.shape_cast %parallel_loop3A_765 : vector<1x16xf32> to vector<16xf32>
        %parallel_loop3A_767 = vector.shape_cast %parallel_loop3A_761 : vector<16xf32> to vector<1x16xf32>
        tpu.vector_store %arg16[%parallel_loop3A_763, %parallel_loop3A_764], %parallel_loop3A_767 {strides = array<i32>} : memref<16x1024xf32, #tpu.memory_space<vmem>>, vector<1x16xf32>,
        %parallel_loop3A_768 = arith.constant 2 : i32
        %parallel_loop3A_769 = arith.index_cast %parallel_loop3A_768 : i32 to index
        %parallel_loop3A_770 = arith.index_cast %parallel_loop3A_637 : i32 to index
        %parallel_loop3A_771 = tpu.vector_load %arg12[%parallel_loop3A_769, %parallel_loop3A_770] {strides = array<i32>} : memref<4x1024xf32, #tpu.memory_space<vmem>>, vector<1x16xf32>,
        %parallel_loop3A_772 = vector.shape_cast %parallel_loop3A_771 : vector<1x16xf32> to vector<16xf32>
        %parallel_loop3A_773 = arith.constant 2 : i32
        %parallel_loop3A_774 = arith.index_cast %parallel_loop3A_773 : i32 to index
        %parallel_loop3A_775 = arith.index_cast %parallel_loop3A_637 : i32 to index
        %parallel_loop3A_776 = tpu.vector_load %arg8[%parallel_loop3A_774, %parallel_loop3A_775] {strides = array<i32>} : memref<16x1024xf32, #tpu.memory_space<vmem>>, vector<1x16xf32>,
        %parallel_loop3A_777 = vector.shape_cast %parallel_loop3A_776 : vector<1x16xf32> to vector<16xf32>
        %parallel_loop3A_778 = arith.constant 3.200000e+01 : f32
        %parallel_loop3A_779 = vector.broadcast %parallel_loop3A_778 : f32 to vector<16xf32>
        %parallel_loop3A_780 = arith.mulf %parallel_loop3A_777, %parallel_loop3A_779 : vector<16xf32>
        %parallel_loop3A_781 = arith.addf %parallel_loop3A_780, %parallel_loop3A_772 : vector<16xf32>
        %parallel_loop3A_782 = arith.constant 2 : i32
        %parallel_loop3A_783 = arith.index_cast %parallel_loop3A_782 : i32 to index
        %parallel_loop3A_784 = arith.index_cast %parallel_loop3A_637 : i32 to index
        %parallel_loop3A_785 = tpu.vector_load %arg16[%parallel_loop3A_783, %parallel_loop3A_784] {strides = array<i32>} : memref<16x1024xf32, #tpu.memory_space<vmem>>, vector<1x16xf32>,
        %parallel_loop3A_786 = vector.shape_cast %parallel_loop3A_785 : vector<1x16xf32> to vector<16xf32>
        %parallel_loop3A_787 = vector.shape_cast %parallel_loop3A_781 : vector<16xf32> to vector<1x16xf32>
        tpu.vector_store %arg16[%parallel_loop3A_783, %parallel_loop3A_784], %parallel_loop3A_787 {strides = array<i32>} : memref<16x1024xf32, #tpu.memory_space<vmem>>, vector<1x16xf32>,
        %parallel_loop3A_788 = arith.constant 6 : i32
        %parallel_loop3A_789 = arith.index_cast %parallel_loop3A_788 : i32 to index
        %parallel_loop3A_790 = arith.index_cast %parallel_loop3A_637 : i32 to index
        %parallel_loop3A_791 = tpu.vector_load %arg8[%parallel_loop3A_789, %parallel_loop3A_790] {strides = array<i32>} : memref<16x1024xf32, #tpu.memory_space<vmem>>, vector<1x16xf32>,
        %parallel_loop3A_792 = vector.shape_cast %parallel_loop3A_791 : vector<1x16xf32> to vector<16xf32>
        %parallel_loop3A_793 = arith.constant 3.200000e+01 : f32
        %parallel_loop3A_794 = vector.broadcast %parallel_loop3A_793 : f32 to vector<16xf32>
        %parallel_loop3A_795 = arith.mulf %parallel_loop3A_792, %parallel_loop3A_794 : vector<16xf32>
        %parallel_loop3A_796 = arith.addf %parallel_loop3A_795, %parallel_loop3A_772 : vector<16xf32>
        %parallel_loop3A_797 = arith.constant 6 : i32
        %parallel_loop3A_798 = arith.index_cast %parallel_loop3A_797 : i32 to index
        %parallel_loop3A_799 = arith.index_cast %parallel_loop3A_637 : i32 to index
        %parallel_loop3A_800 = tpu.vector_load %arg16[%parallel_loop3A_798, %parallel_loop3A_799] {strides = array<i32>} : memref<16x1024xf32, #tpu.memory_space<vmem>>, vector<1x16xf32>,
        %parallel_loop3A_801 = vector.shape_cast %parallel_loop3A_800 : vector<1x16xf32> to vector<16xf32>
        %parallel_loop3A_802 = vector.shape_cast %parallel_loop3A_796 : vector<16xf32> to vector<1x16xf32>
        tpu.vector_store %arg16[%parallel_loop3A_798, %parallel_loop3A_799], %parallel_loop3A_802 {strides = array<i32>} : memref<16x1024xf32, #tpu.memory_space<vmem>>, vector<1x16xf32>,
        %parallel_loop3A_803 = arith.constant 10 : i32
        %parallel_loop3A_804 = arith.index_cast %parallel_loop3A_803 : i32 to index
        %parallel_loop3A_805 = arith.index_cast %parallel_loop3A_637 : i32 to index
        %parallel_loop3A_806 = tpu.vector_load %arg8[%parallel_loop3A_804, %parallel_loop3A_805] {strides = array<i32>} : memref<16x1024xf32, #tpu.memory_space<vmem>>, vector<1x16xf32>,
        %parallel_loop3A_807 = vector.shape_cast %parallel_loop3A_806 : vector<1x16xf32> to vector<16xf32>
        %parallel_loop3A_808 = arith.constant 3.200000e+01 : f32
        %parallel_loop3A_809 = vector.broadcast %parallel_loop3A_808 : f32 to vector<16xf32>
        %parallel_loop3A_810 = arith.mulf %parallel_loop3A_807, %parallel_loop3A_809 : vector<16xf32>
        %parallel_loop3A_811 = arith.addf %parallel_loop3A_810, %parallel_loop3A_772 : vector<16xf32>
        %parallel_loop3A_812 = arith.constant 10 : i32
        %parallel_loop3A_813 = arith.index_cast %parallel_loop3A_812 : i32 to index
        %parallel_loop3A_814 = arith.index_cast %parallel_loop3A_637 : i32 to index
        %parallel_loop3A_815 = tpu.vector_load %arg16[%parallel_loop3A_813, %parallel_loop3A_814] {strides = array<i32>} : memref<16x1024xf32, #tpu.memory_space<vmem>>, vector<1x16xf32>,
        %parallel_loop3A_816 = vector.shape_cast %parallel_loop3A_815 : vector<1x16xf32> to vector<16xf32>
        %parallel_loop3A_817 = vector.shape_cast %parallel_loop3A_811 : vector<16xf32> to vector<1x16xf32>
        tpu.vector_store %arg16[%parallel_loop3A_813, %parallel_loop3A_814], %parallel_loop3A_817 {strides = array<i32>} : memref<16x1024xf32, #tpu.memory_space<vmem>>, vector<1x16xf32>,
        %parallel_loop3A_818 = arith.constant 14 : i32
        %parallel_loop3A_819 = arith.index_cast %parallel_loop3A_818 : i32 to index
        %parallel_loop3A_820 = arith.index_cast %parallel_loop3A_637 : i32 to index
        %parallel_loop3A_821 = tpu.vector_load %arg8[%parallel_loop3A_819, %parallel_loop3A_820] {strides = array<i32>} : memref<16x1024xf32, #tpu.memory_space<vmem>>, vector<1x16xf32>,
        %parallel_loop3A_822 = vector.shape_cast %parallel_loop3A_821 : vector<1x16xf32> to vector<16xf32>
        %parallel_loop3A_823 = arith.constant 3.200000e+01 : f32
        %parallel_loop3A_824 = vector.broadcast %parallel_loop3A_823 : f32 to vector<16xf32>
        %parallel_loop3A_825 = arith.mulf %parallel_loop3A_822, %parallel_loop3A_824 : vector<16xf32>
        %parallel_loop3A_826 = arith.addf %parallel_loop3A_825, %parallel_loop3A_772 : vector<16xf32>
        %parallel_loop3A_827 = arith.constant 14 : i32
        %parallel_loop3A_828 = arith.index_cast %parallel_loop3A_827 : i32 to index
        %parallel_loop3A_829 = arith.index_cast %parallel_loop3A_637 : i32 to index
        %parallel_loop3A_830 = tpu.vector_load %arg16[%parallel_loop3A_828, %parallel_loop3A_829] {strides = array<i32>} : memref<16x1024xf32, #tpu.memory_space<vmem>>, vector<1x16xf32>,
        %parallel_loop3A_831 = vector.shape_cast %parallel_loop3A_830 : vector<1x16xf32> to vector<16xf32>
        %parallel_loop3A_832 = vector.shape_cast %parallel_loop3A_826 : vector<16xf32> to vector<1x16xf32>
        tpu.vector_store %arg16[%parallel_loop3A_828, %parallel_loop3A_829], %parallel_loop3A_832 {strides = array<i32>} : memref<16x1024xf32, #tpu.memory_space<vmem>>, vector<1x16xf32>,
        %parallel_loop3A_833 = arith.constant 3 : i32
        %parallel_loop3A_834 = arith.index_cast %parallel_loop3A_833 : i32 to index
        %parallel_loop3A_835 = arith.index_cast %parallel_loop3A_637 : i32 to index
        %parallel_loop3A_836 = tpu.vector_load %arg12[%parallel_loop3A_834, %parallel_loop3A_835] {strides = array<i32>} : memref<4x1024xf32, #tpu.memory_space<vmem>>, vector<1x16xf32>,
        %parallel_loop3A_837 = vector.shape_cast %parallel_loop3A_836 : vector<1x16xf32> to vector<16xf32>
        %parallel_loop3A_838 = arith.constant 3 : i32
        %parallel_loop3A_839 = arith.index_cast %parallel_loop3A_838 : i32 to index
        %parallel_loop3A_840 = arith.index_cast %parallel_loop3A_637 : i32 to index
        %parallel_loop3A_841 = tpu.vector_load %arg8[%parallel_loop3A_839, %parallel_loop3A_840] {strides = array<i32>} : memref<16x1024xf32, #tpu.memory_space<vmem>>, vector<1x16xf32>,
        %parallel_loop3A_842 = vector.shape_cast %parallel_loop3A_841 : vector<1x16xf32> to vector<16xf32>
        %parallel_loop3A_843 = arith.constant 3.200000e+01 : f32
        %parallel_loop3A_844 = vector.broadcast %parallel_loop3A_843 : f32 to vector<16xf32>
        %parallel_loop3A_845 = arith.mulf %parallel_loop3A_842, %parallel_loop3A_844 : vector<16xf32>
        %parallel_loop3A_846 = arith.addf %parallel_loop3A_845, %parallel_loop3A_837 : vector<16xf32>
        %parallel_loop3A_847 = arith.constant 3 : i32
        %parallel_loop3A_848 = arith.index_cast %parallel_loop3A_847 : i32 to index
        %parallel_loop3A_849 = arith.index_cast %parallel_loop3A_637 : i32 to index
        %parallel_loop3A_850 = tpu.vector_load %arg16[%parallel_loop3A_848, %parallel_loop3A_849] {strides = array<i32>} : memref<16x1024xf32, #tpu.memory_space<vmem>>, vector<1x16xf32>,
        %parallel_loop3A_851 = vector.shape_cast %parallel_loop3A_850 : vector<1x16xf32> to vector<16xf32>
        %parallel_loop3A_852 = vector.shape_cast %parallel_loop3A_846 : vector<16xf32> to vector<1x16xf32>
        tpu.vector_store %arg16[%parallel_loop3A_848, %parallel_loop3A_849], %parallel_loop3A_852 {strides = array<i32>} : memref<16x1024xf32, #tpu.memory_space<vmem>>, vector<1x16xf32>,
        %parallel_loop3A_853 = arith.constant 7 : i32
        %parallel_loop3A_854 = arith.index_cast %parallel_loop3A_853 : i32 to index
        %parallel_loop3A_855 = arith.index_cast %parallel_loop3A_637 : i32 to index
        %parallel_loop3A_856 = tpu.vector_load %arg8[%parallel_loop3A_854, %parallel_loop3A_855] {strides = array<i32>} : memref<16x1024xf32, #tpu.memory_space<vmem>>, vector<1x16xf32>,
        %parallel_loop3A_857 = vector.shape_cast %parallel_loop3A_856 : vector<1x16xf32> to vector<16xf32>
        %parallel_loop3A_858 = arith.constant 3.200000e+01 : f32
        %parallel_loop3A_859 = vector.broadcast %parallel_loop3A_858 : f32 to vector<16xf32>
        %parallel_loop3A_860 = arith.mulf %parallel_loop3A_857, %parallel_loop3A_859 : vector<16xf32>
        %parallel_loop3A_861 = arith.addf %parallel_loop3A_860, %parallel_loop3A_837 : vector<16xf32>
        %parallel_loop3A_862 = arith.constant 7 : i32
        %parallel_loop3A_863 = arith.index_cast %parallel_loop3A_862 : i32 to index
        %parallel_loop3A_864 = arith.index_cast %parallel_loop3A_637 : i32 to index
        %parallel_loop3A_865 = tpu.vector_load %arg16[%parallel_loop3A_863, %parallel_loop3A_864] {strides = array<i32>} : memref<16x1024xf32, #tpu.memory_space<vmem>>, vector<1x16xf32>,
        %parallel_loop3A_866 = vector.shape_cast %parallel_loop3A_865 : vector<1x16xf32> to vector<16xf32>
        %parallel_loop3A_867 = vector.shape_cast %parallel_loop3A_861 : vector<16xf32> to vector<1x16xf32>
        tpu.vector_store %arg16[%parallel_loop3A_863, %parallel_loop3A_864], %parallel_loop3A_867 {strides = array<i32>} : memref<16x1024xf32, #tpu.memory_space<vmem>>, vector<1x16xf32>,
        %parallel_loop3A_868 = arith.constant 11 : i32
        %parallel_loop3A_869 = arith.index_cast %parallel_loop3A_868 : i32 to index
        %parallel_loop3A_870 = arith.index_cast %parallel_loop3A_637 : i32 to index
        %parallel_loop3A_871 = tpu.vector_load %arg8[%parallel_loop3A_869, %parallel_loop3A_870] {strides = array<i32>} : memref<16x1024xf32, #tpu.memory_space<vmem>>, vector<1x16xf32>,
        %parallel_loop3A_872 = vector.shape_cast %parallel_loop3A_871 : vector<1x16xf32> to vector<16xf32>
        %parallel_loop3A_873 = arith.constant 3.200000e+01 : f32
        %parallel_loop3A_874 = vector.broadcast %parallel_loop3A_873 : f32 to vector<16xf32>
        %parallel_loop3A_875 = arith.mulf %parallel_loop3A_872, %parallel_loop3A_874 : vector<16xf32>
        %parallel_loop3A_876 = arith.addf %parallel_loop3A_875, %parallel_loop3A_837 : vector<16xf32>
        %parallel_loop3A_877 = arith.constant 11 : i32
        %parallel_loop3A_878 = arith.index_cast %parallel_loop3A_877 : i32 to index
        %parallel_loop3A_879 = arith.index_cast %parallel_loop3A_637 : i32 to index
        %parallel_loop3A_880 = tpu.vector_load %arg16[%parallel_loop3A_878, %parallel_loop3A_879] {strides = array<i32>} : memref<16x1024xf32, #tpu.memory_space<vmem>>, vector<1x16xf32>,
        %parallel_loop3A_881 = vector.shape_cast %parallel_loop3A_880 : vector<1x16xf32> to vector<16xf32>
        %parallel_loop3A_882 = vector.shape_cast %parallel_loop3A_876 : vector<16xf32> to vector<1x16xf32>
        tpu.vector_store %arg16[%parallel_loop3A_878, %parallel_loop3A_879], %parallel_loop3A_882 {strides = array<i32>} : memref<16x1024xf32, #tpu.memory_space<vmem>>, vector<1x16xf32>,
        %parallel_loop3A_883 = arith.constant 15 : i32
        %parallel_loop3A_884 = arith.index_cast %parallel_loop3A_883 : i32 to index
        %parallel_loop3A_885 = arith.index_cast %parallel_loop3A_637 : i32 to index
        %parallel_loop3A_886 = tpu.vector_load %arg8[%parallel_loop3A_884, %parallel_loop3A_885] {strides = array<i32>} : memref<16x1024xf32, #tpu.memory_space<vmem>>, vector<1x16xf32>,
        %parallel_loop3A_887 = vector.shape_cast %parallel_loop3A_886 : vector<1x16xf32> to vector<16xf32>
        %parallel_loop3A_888 = arith.constant 3.200000e+01 : f32
        %parallel_loop3A_889 = vector.broadcast %parallel_loop3A_888 : f32 to vector<16xf32>
        %parallel_loop3A_890 = arith.mulf %parallel_loop3A_887, %parallel_loop3A_889 : vector<16xf32>
        %parallel_loop3A_891 = arith.addf %parallel_loop3A_890, %parallel_loop3A_837 : vector<16xf32>
        %parallel_loop3A_892 = arith.constant 15 : i32
        %parallel_loop3A_893 = arith.index_cast %parallel_loop3A_892 : i32 to index
        %parallel_loop3A_894 = arith.index_cast %parallel_loop3A_637 : i32 to index
        %parallel_loop3A_895 = tpu.vector_load %arg16[%parallel_loop3A_893, %parallel_loop3A_894] {strides = array<i32>} : memref<16x1024xf32, #tpu.memory_space<vmem>>, vector<1x16xf32>,
        %parallel_loop3A_896 = vector.shape_cast %parallel_loop3A_895 : vector<1x16xf32> to vector<16xf32>
        %parallel_loop3A_897 = vector.shape_cast %parallel_loop3A_891 : vector<16xf32> to vector<1x16xf32>
        tpu.vector_store %arg16[%parallel_loop3A_893, %parallel_loop3A_894], %parallel_loop3A_897 {strides = array<i32>} : memref<16x1024xf32, #tpu.memory_space<vmem>>, vector<1x16xf32>,
      } {sc.loop_unroll_factor = 8 : i64, sc.parallel_access}
      %add3A_359 = arith.constant 0 : i32
      %add3A_360 = arith.addi %add3A_359, %mul3A_2 : i32
      %mul3A_361 = arith.constant 4 : i32
      %mul3A_362 = arith.muli %add3A_315, %mul3A_361 : i32
      %add3A_363 = arith.addi %add3A_360, %mul3A_362 : i32
      %dma_start3A_364 = arith.constant 0 : i32
      %dma_start3A_365 = arith.constant 0 : i32
      %dma_start3A_366 = tpu.memref_slice %arg16[%dma_start3A_364, %dma_start3A_365] : memref<16x1024xf32, #tpu.memory_space<vmem>> -> memref<4x1024xf32, #tpu.memory_space<vmem>>
      %dma_start3A_367 = arith.constant 0 : i32
      %dma_start3A_368 = tpu.memref_slice %arg5[%add3A_363, %dma_start3A_367] : memref<16384x1024xf32, #tpu.memory_space<hbm>> -> memref<4x1024xf32, #tpu.memory_space<hbm>>
      %dma_start3A_369 = arith.constant 0 : i32
      %dma_start3A_370 = tpu.memref_slice %arg5[%add3A_363, %dma_start3A_369] : memref<16384x1024xf32, #tpu.memory_space<hbm>> -> memref<4x1024xf32, #tpu.memory_space<hbm>>
      %dma_start3A_371 = arith.constant 0 : i32
      %dma_start3A_372 = arith.constant 0 : i32
      %dma_start3A_373 = tpu.memref_slice %arg16[%dma_start3A_371, %dma_start3A_372] : memref<16x1024xf32, #tpu.memory_space<vmem>> -> memref<4x1024xf32, #tpu.memory_space<vmem>>
      tpu.enqueue_dma source(%dma_start3A_373 : memref<4x1024xf32, #tpu.memory_space<vmem>>) target(%dma_start3A_370 : memref<4x1024xf32, #tpu.memory_space<hbm>>) target_semaphore(%arg26 : memref<!tpu.dma_semaphore, #tpu.memory_space<semaphore_mem>>)
      %add3A_374 = arith.constant 4096 : i32
      %add3A_375 = arith.addi %add3A_374, %mul3A_2 : i32
      %mul3A_376 = arith.constant 4 : i32
      %mul3A_377 = arith.muli %add3A_315, %mul3A_376 : i32
      %add3A_378 = arith.addi %add3A_375, %mul3A_377 : i32
      %dma_start3A_379 = arith.constant 4 : i32
      %dma_start3A_380 = arith.constant 0 : i32
      %dma_start3A_381 = tpu.memref_slice %arg16[%dma_start3A_379, %dma_start3A_380] : memref<16x1024xf32, #tpu.memory_space<vmem>> -> memref<4x1024xf32, #tpu.memory_space<vmem>>
      %dma_start3A_382 = arith.constant 0 : i32
      %dma_start3A_383 = tpu.memref_slice %arg5[%add3A_378, %dma_start3A_382] : memref<16384x1024xf32, #tpu.memory_space<hbm>> -> memref<4x1024xf32, #tpu.memory_space<hbm>>
      %dma_start3A_384 = arith.constant 0 : i32
      %dma_start3A_385 = tpu.memref_slice %arg5[%add3A_378, %dma_start3A_384] : memref<16384x1024xf32, #tpu.memory_space<hbm>> -> memref<4x1024xf32, #tpu.memory_space<hbm>>
      %dma_start3A_386 = arith.constant 4 : i32
      %dma_start3A_387 = arith.constant 0 : i32
      %dma_start3A_388 = tpu.memref_slice %arg16[%dma_start3A_386, %dma_start3A_387] : memref<16x1024xf32, #tpu.memory_space<vmem>> -> memref<4x1024xf32, #tpu.memory_space<vmem>>
      tpu.enqueue_dma source(%dma_start3A_388 : memref<4x1024xf32, #tpu.memory_space<vmem>>) target(%dma_start3A_385 : memref<4x1024xf32, #tpu.memory_space<hbm>>) target_semaphore(%arg26 : memref<!tpu.dma_semaphore, #tpu.memory_space<semaphore_mem>>)
      %add3A_389 = arith.constant 8192 : i32
      %add3A_390 = arith.addi %add3A_389, %mul3A_2 : i32
      %mul3A_391 = arith.constant 4 : i32
      %mul3A_392 = arith.muli %add3A_315, %mul3A_391 : i32
      %add3A_393 = arith.addi %add3A_390, %mul3A_392 : i32
      %dma_start3A_394 = arith.constant 8 : i32
      %dma_start3A_395 = arith.constant 0 : i32
      %dma_start3A_396 = tpu.memref_slice %arg16[%dma_start3A_394, %dma_start3A_395] : memref<16x1024xf32, #tpu.memory_space<vmem>> -> memref<4x1024xf32, #tpu.memory_space<vmem>>
      %dma_start3A_397 = arith.constant 0 : i32
      %dma_start3A_398 = tpu.memref_slice %arg5[%add3A_393, %dma_start3A_397] : memref<16384x1024xf32, #tpu.memory_space<hbm>> -> memref<4x1024xf32, #tpu.memory_space<hbm>>
      %dma_start3A_399 = arith.constant 0 : i32
      %dma_start3A_400 = tpu.memref_slice %arg5[%add3A_393, %dma_start3A_399] : memref<16384x1024xf32, #tpu.memory_space<hbm>> -> memref<4x1024xf32, #tpu.memory_space<hbm>>
      %dma_start3A_401 = arith.constant 8 : i32
      %dma_start3A_402 = arith.constant 0 : i32
      %dma_start3A_403 = tpu.memref_slice %arg16[%dma_start3A_401, %dma_start3A_402] : memref<16x1024xf32, #tpu.memory_space<vmem>> -> memref<4x1024xf32, #tpu.memory_space<vmem>>
      tpu.enqueue_dma source(%dma_start3A_403 : memref<4x1024xf32, #tpu.memory_space<vmem>>) target(%dma_start3A_400 : memref<4x1024xf32, #tpu.memory_space<hbm>>) target_semaphore(%arg26 : memref<!tpu.dma_semaphore, #tpu.memory_space<semaphore_mem>>)
      %add3A_404 = arith.constant 12288 : i32
      %add3A_405 = arith.addi %add3A_404, %mul3A_2 : i32
      %mul3A_406 = arith.constant 4 : i32
      %mul3A_407 = arith.muli %add3A_315, %mul3A_406 : i32
      %add3A_408 = arith.addi %add3A_405, %mul3A_407 : i32
      %dma_start3A_409 = arith.constant 12 : i32
      %dma_start3A_410 = arith.constant 0 : i32
      %dma_start3A_411 = tpu.memref_slice %arg16[%dma_start3A_409, %dma_start3A_410] : memref<16x1024xf32, #tpu.memory_space<vmem>> -> memref<4x1024xf32, #tpu.memory_space<vmem>>
      %dma_start3A_412 = arith.constant 0 : i32
      %dma_start3A_413 = tpu.memref_slice %arg5[%add3A_408, %dma_start3A_412] : memref<16384x1024xf32, #tpu.memory_space<hbm>> -> memref<4x1024xf32, #tpu.memory_space<hbm>>
      %dma_start3A_414 = arith.constant 0 : i32
      %dma_start3A_415 = tpu.memref_slice %arg5[%add3A_408, %dma_start3A_414] : memref<16384x1024xf32, #tpu.memory_space<hbm>> -> memref<4x1024xf32, #tpu.memory_space<hbm>>
      %dma_start3A_416 = arith.constant 12 : i32
      %dma_start3A_417 = arith.constant 0 : i32
      %dma_start3A_418 = tpu.memref_slice %arg16[%dma_start3A_416, %dma_start3A_417] : memref<16x1024xf32, #tpu.memory_space<vmem>> -> memref<4x1024xf32, #tpu.memory_space<vmem>>
      tpu.enqueue_dma source(%dma_start3A_418 : memref<4x1024xf32, #tpu.memory_space<vmem>>) target(%dma_start3A_415 : memref<4x1024xf32, #tpu.memory_space<hbm>>) target_semaphore(%arg26 : memref<!tpu.dma_semaphore, #tpu.memory_space<semaphore_mem>>)
      %mul3A_419 = arith.constant 4 : i32
      %mul3A_420 = arith.muli %mul3A_419, %scan3A_209 : i32
      %add3A_421 = arith.constant 2 : i32
      %add3A_422 = arith.addi %mul3A_420, %add3A_421 : i32
      %add3A_423 = arith.constant 4 : i32
      %add3A_424 = arith.addi %add3A_422, %add3A_423 : i32
      %sub3A_425 = arith.constant 1 : i32
      %sub3A_426 = arith.subi %add3A_424, %sub3A_425 : i32
      %lt3A_427 = arith.constant 32 : i32
      %lt3A_428 = arith.cmpi slt, %sub3A_426, %lt3A_427 : i32
      %convert_element_type3A_429 = arith.extui %lt3A_428 : i1 to i32
      %cond3A_430 = arith.constant 0 : i32
      %cond3A_431 = arith.cmpi ne, %convert_element_type3A_429, %cond3A_430 : i32
      scf.if %cond3A_431 {
        %add3A_634 = arith.constant 4 : i32
        %add3A_635 = arith.addi %add3A_422, %add3A_634 : i32
        %sub3A_636 = arith.constant 1 : i32
        %sub3A_637 = arith.subi %add3A_635, %sub3A_636 : i32
        %dma_start3A_638 = arith.constant 0 : i32
        %dma_start3A_639 = arith.constant 0 : i32
        %dma_start3A_640 = tpu.memref_slice %arg8[%dma_start3A_638, %dma_start3A_639] : memref<16x1024xf32, #tpu.memory_space<vmem>> -> memref<8x1024xf32, #tpu.memory_space<vmem>>
        %dma_start3A_641 = arith.constant 0 : i32
        %dma_start3A_642 = tpu.memref_slice %arg6[%sub3A_637, %dma_start3A_641] : memref<32x16xi32, #tpu.memory_space<vmem>> -> memref<1x16xi32, #tpu.memory_space<vmem>>
        %dma_start3A_643 = tpu.memref_squeeze %dma_start3A_642 : memref<1x16xi32, #tpu.memory_space<vmem>> -> memref<16xi32, #tpu.memory_space<vmem>>
        %dma_start3A_644 = arith.constant 0 : i32
        %dma_start3A_645 = tpu.memref_slice %dma_start3A_643[%dma_start3A_644] : memref<16xi32, #tpu.memory_space<vmem>> -> memref<8xi32, #tpu.memory_space<vmem>>
        %dma_start3A_646 = arith.constant 0 : i32
        %dma_start3A_647 = arith.constant 0 : i32
        %dma_start3A_648 = tpu.memref_slice %arg3[%dma_start3A_646, %dma_start3A_647] : memref<100000x1024xf32, #tpu.memory_space<hbm>> -> memref<100000x1024xf32, #tpu.memory_space<hbm>>
        tpu.enqueue_indirect_dma source(%dma_start3A_648 : memref<100000x1024xf32, #tpu.memory_space<hbm>>) target(%dma_start3A_640 : memref<8x1024xf32, #tpu.memory_space<vmem>>) offsets(%dma_start3A_645 : memref<8xi32, #tpu.memory_space<vmem>>) semaphore(%arg18 : memref<!tpu.dma_semaphore, #tpu.memory_space<semaphore_mem>>)
        %dma_start3A_649 = arith.constant 8 : i32
        %dma_start3A_650 = arith.constant 0 : i32
        %dma_start3A_651 = tpu.memref_slice %arg8[%dma_start3A_649, %dma_start3A_650] : memref<16x1024xf32, #tpu.memory_space<vmem>> -> memref<8x1024xf32, #tpu.memory_space<vmem>>
        %dma_start3A_652 = arith.constant 0 : i32
        %dma_start3A_653 = tpu.memref_slice %arg6[%sub3A_637, %dma_start3A_652] : memref<32x16xi32, #tpu.memory_space<vmem>> -> memref<1x16xi32, #tpu.memory_space<vmem>>
        %dma_start3A_654 = tpu.memref_squeeze %dma_start3A_653 : memref<1x16xi32, #tpu.memory_space<vmem>> -> memref<16xi32, #tpu.memory_space<vmem>>
        %dma_start3A_655 = arith.constant 8 : i32
        %dma_start3A_656 = tpu.memref_slice %dma_start3A_654[%dma_start3A_655] : memref<16xi32, #tpu.memory_space<vmem>> -> memref<8xi32, #tpu.memory_space<vmem>>
        %dma_start3A_657 = arith.constant 0 : i32
        %dma_start3A_658 = arith.constant 0 : i32
        %dma_start3A_659 = tpu.memref_slice %arg3[%dma_start3A_657, %dma_start3A_658] : memref<100000x1024xf32, #tpu.memory_space<hbm>> -> memref<100000x1024xf32, #tpu.memory_space<hbm>>
        tpu.enqueue_indirect_dma source(%dma_start3A_659 : memref<100000x1024xf32, #tpu.memory_space<hbm>>) target(%dma_start3A_651 : memref<8x1024xf32, #tpu.memory_space<vmem>>) offsets(%dma_start3A_656 : memref<8xi32, #tpu.memory_space<vmem>>) semaphore(%arg28 : memref<!tpu.dma_semaphore, #tpu.memory_space<semaphore_mem>>)
        %mul3A_660 = arith.constant 4 : i32
        %mul3A_661 = arith.muli %sub3A_637, %mul3A_660 : i32
        %add3A_662 = arith.addi %mul3A_2, %mul3A_661 : i32
        %dma_start3A_663 = arith.constant 0 : i32
        %dma_start3A_664 = tpu.memref_slice %arg4[%add3A_662, %dma_start3A_663] : memref<4096x1024xf32, #tpu.memory_space<hbm>> -> memref<4x1024xf32, #tpu.memory_space<hbm>>
        %dma_start3A_665 = arith.constant 0 : i32
        %dma_start3A_666 = tpu.memref_slice %arg4[%add3A_662, %dma_start3A_665] : memref<4096x1024xf32, #tpu.memory_space<hbm>> -> memref<4x1024xf32, #tpu.memory_space<hbm>>
        tpu.enqueue_dma source(%dma_start3A_666 : memref<4x1024xf32, #tpu.memory_space<hbm>>) target(%arg12 : memref<4x1024xf32, #tpu.memory_space<vmem>>) target_semaphore(%arg22 : memref<!tpu.dma_semaphore, #tpu.memory_space<semaphore_mem>>)
      } else {
      }
      %dma_wait3A_432 = arith.constant 0 : i32
      %dma_wait3A_433 = arith.constant 0 : i32
      %dma_wait3A_434 = tpu.memref_slice %arg9[%dma_wait3A_432, %dma_wait3A_433] : memref<16x1024xf32, #tpu.memory_space<vmem>> -> memref<8x1024xf32, #tpu.memory_space<vmem>>
      %dma_wait3A_435 = arith.constant 0 : i32
      %dma_wait3A_436 = tpu.memref_slice %arg6[%add3A_422, %dma_wait3A_435] : memref<32x16xi32, #tpu.memory_space<vmem>> -> memref<1x16xi32, #tpu.memory_space<vmem>>
      %dma_wait3A_437 = tpu.memref_squeeze %dma_wait3A_436 : memref<1x16xi32, #tpu.memory_space<vmem>> -> memref<16xi32, #tpu.memory_space<vmem>>
      %dma_wait3A_438 = arith.constant 0 : i32
      %dma_wait3A_439 = tpu.memref_slice %dma_wait3A_437[%dma_wait3A_438] : memref<16xi32, #tpu.memory_space<vmem>> -> memref<8xi32, #tpu.memory_space<vmem>>
      %dma_wait3A_440 = arith.constant 0 : i32
      %dma_wait3A_441 = arith.constant 0 : i32
      %dma_wait3A_442 = tpu.memref_slice %arg3[%dma_wait3A_440, %dma_wait3A_441] : memref<100000x1024xf32, #tpu.memory_space<hbm>> -> memref<100000x1024xf32, #tpu.memory_space<hbm>>
      tpu.wait_indirect_dma semaphore(%arg19 : memref<!tpu.dma_semaphore, #tpu.memory_space<semaphore_mem>>) src(%dma_wait3A_442 : memref<100000x1024xf32, #tpu.memory_space<hbm>>) dst(%dma_wait3A_434 : memref<8x1024xf32, #tpu.memory_space<vmem>>)
      %dma_wait3A_443 = arith.constant 8 : i32
      %dma_wait3A_444 = arith.constant 0 : i32
      %dma_wait3A_445 = tpu.memref_slice %arg9[%dma_wait3A_443, %dma_wait3A_444] : memref<16x1024xf32, #tpu.memory_space<vmem>> -> memref<8x1024xf32, #tpu.memory_space<vmem>>
      %dma_wait3A_446 = arith.constant 0 : i32
      %dma_wait3A_447 = tpu.memref_slice %arg6[%add3A_422, %dma_wait3A_446] : memref<32x16xi32, #tpu.memory_space<vmem>> -> memref<1x16xi32, #tpu.memory_space<vmem>>
      %dma_wait3A_448 = tpu.memref_squeeze %dma_wait3A_447 : memref<1x16xi32, #tpu.memory_space<vmem>> -> memref<16xi32, #tpu.memory_space<vmem>>
      %dma_wait3A_449 = arith.constant 8 : i32
      %dma_wait3A_450 = tpu.memref_slice %dma_wait3A_448[%dma_wait3A_449] : memref<16xi32, #tpu.memory_space<vmem>> -> memref<8xi32, #tpu.memory_space<vmem>>
      %dma_wait3A_451 = arith.constant 0 : i32
      %dma_wait3A_452 = arith.constant 0 : i32
      %dma_wait3A_453 = tpu.memref_slice %arg3[%dma_wait3A_451, %dma_wait3A_452] : memref<100000x1024xf32, #tpu.memory_space<hbm>> -> memref<100000x1024xf32, #tpu.memory_space<hbm>>
      tpu.wait_indirect_dma semaphore(%arg29 : memref<!tpu.dma_semaphore, #tpu.memory_space<semaphore_mem>>) src(%dma_wait3A_453 : memref<100000x1024xf32, #tpu.memory_space<hbm>>) dst(%dma_wait3A_445 : memref<8x1024xf32, #tpu.memory_space<vmem>>)
      %dma_wait3A_454 = arith.constant 0 : i32
      %dma_wait3A_455 = tpu.memref_slice %arg4[%mul3A_2, %dma_wait3A_454] : memref<4096x1024xf32, #tpu.memory_space<hbm>> -> memref<4x1024xf32, #tpu.memory_space<hbm>>
      %dma_wait3A_456 = arith.constant 0 : i32
      %dma_wait3A_457 = tpu.memref_slice %arg4[%mul3A_2, %dma_wait3A_456] : memref<4096x1024xf32, #tpu.memory_space<hbm>> -> memref<4x1024xf32, #tpu.memory_space<hbm>>
      tpu.wait_dma2 semaphore(%arg23 : memref<!tpu.dma_semaphore, #tpu.memory_space<semaphore_mem>>) src(%dma_wait3A_457 : memref<4x1024xf32, #tpu.memory_space<hbm>>) dst(%arg13 : memref<4x1024xf32, #tpu.memory_space<vmem>>)
      %ge3A_458 = arith.constant 2 : i32
      %ge3A_459 = arith.cmpi sge, %add3A_422, %ge3A_458 : i32
      %convert_element_type3A_460 = arith.extui %ge3A_459 : i1 to i32
      %cond3A_461 = arith.constant 0 : i32
      %cond3A_462 = arith.cmpi ne, %convert_element_type3A_460, %cond3A_461 : i32
      scf.if %cond3A_462 {
        %sub3A_634 = arith.constant 2 : i32
        %sub3A_635 = arith.subi %add3A_422, %sub3A_634 : i32
        %add3A_636 = arith.constant 0 : i32
        %add3A_637 = arith.addi %add3A_636, %mul3A_2 : i32
        %mul3A_638 = arith.constant 4 : i32
        %mul3A_639 = arith.muli %sub3A_635, %mul3A_638 : i32
        %add3A_640 = arith.addi %add3A_637, %mul3A_639 : i32
        %dma_wait3A_641 = arith.constant 0 : i32
        %dma_wait3A_642 = arith.constant 0 : i32
        %dma_wait3A_643 = tpu.memref_slice %arg15[%dma_wait3A_641, %dma_wait3A_642] : memref<16x1024xf32, #tpu.memory_space<vmem>> -> memref<4x1024xf32, #tpu.memory_space<vmem>>
        %dma_wait3A_644 = arith.constant 0 : i32
        %dma_wait3A_645 = tpu.memref_slice %arg5[%add3A_640, %dma_wait3A_644] : memref<16384x1024xf32, #tpu.memory_space<hbm>> -> memref<4x1024xf32, #tpu.memory_space<hbm>>
        %dma_wait3A_646 = arith.constant 0 : i32
        %dma_wait3A_647 = tpu.memref_slice %arg5[%add3A_640, %dma_wait3A_646] : memref<16384x1024xf32, #tpu.memory_space<hbm>> -> memref<4x1024xf32, #tpu.memory_space<hbm>>
        %dma_wait3A_648 = arith.constant 0 : i32
        %dma_wait3A_649 = arith.constant 0 : i32
        %dma_wait3A_650 = tpu.memref_slice %arg15[%dma_wait3A_648, %dma_wait3A_649] : memref<16x1024xf32, #tpu.memory_space<vmem>> -> memref<4x1024xf32, #tpu.memory_space<vmem>>
        tpu.wait_dma2 semaphore(%arg25 : memref<!tpu.dma_semaphore, #tpu.memory_space<semaphore_mem>>) src(%dma_wait3A_650 : memref<4x1024xf32, #tpu.memory_space<vmem>>) dst(%dma_wait3A_647 : memref<4x1024xf32, #tpu.memory_space<hbm>>)
        %add3A_651 = arith.constant 4096 : i32
        %add3A_652 = arith.addi %add3A_651, %mul3A_2 : i32
        %mul3A_653 = arith.constant 4 : i32
        %mul3A_654 = arith.muli %sub3A_635, %mul3A_653 : i32
        %add3A_655 = arith.addi %add3A_652, %mul3A_654 : i32
        %dma_wait3A_656 = arith.constant 4 : i32
        %dma_wait3A_657 = arith.constant 0 : i32
        %dma_wait3A_658 = tpu.memref_slice %arg15[%dma_wait3A_656, %dma_wait3A_657] : memref<16x1024xf32, #tpu.memory_space<vmem>> -> memref<4x1024xf32, #tpu.memory_space<vmem>>
        %dma_wait3A_659 = arith.constant 0 : i32
        %dma_wait3A_660 = tpu.memref_slice %arg5[%add3A_655, %dma_wait3A_659] : memref<16384x1024xf32, #tpu.memory_space<hbm>> -> memref<4x1024xf32, #tpu.memory_space<hbm>>
        %dma_wait3A_661 = arith.constant 0 : i32
        %dma_wait3A_662 = tpu.memref_slice %arg5[%add3A_655, %dma_wait3A_661] : memref<16384x1024xf32, #tpu.memory_space<hbm>> -> memref<4x1024xf32, #tpu.memory_space<hbm>>
        %dma_wait3A_663 = arith.constant 4 : i32
        %dma_wait3A_664 = arith.constant 0 : i32
        %dma_wait3A_665 = tpu.memref_slice %arg15[%dma_wait3A_663, %dma_wait3A_664] : memref<16x1024xf32, #tpu.memory_space<vmem>> -> memref<4x1024xf32, #tpu.memory_space<vmem>>
        tpu.wait_dma2 semaphore(%arg25 : memref<!tpu.dma_semaphore, #tpu.memory_space<semaphore_mem>>) src(%dma_wait3A_665 : memref<4x1024xf32, #tpu.memory_space<vmem>>) dst(%dma_wait3A_662 : memref<4x1024xf32, #tpu.memory_space<hbm>>)
        %add3A_666 = arith.constant 8192 : i32
        %add3A_667 = arith.addi %add3A_666, %mul3A_2 : i32
        %mul3A_668 = arith.constant 4 : i32
        %mul3A_669 = arith.muli %sub3A_635, %mul3A_668 : i32
        %add3A_670 = arith.addi %add3A_667, %mul3A_669 : i32
        %dma_wait3A_671 = arith.constant 8 : i32
        %dma_wait3A_672 = arith.constant 0 : i32
        %dma_wait3A_673 = tpu.memref_slice %arg15[%dma_wait3A_671, %dma_wait3A_672] : memref<16x1024xf32, #tpu.memory_space<vmem>> -> memref<4x1024xf32, #tpu.memory_space<vmem>>
        %dma_wait3A_674 = arith.constant 0 : i32
        %dma_wait3A_675 = tpu.memref_slice %arg5[%add3A_670, %dma_wait3A_674] : memref<16384x1024xf32, #tpu.memory_space<hbm>> -> memref<4x1024xf32, #tpu.memory_space<hbm>>
        %dma_wait3A_676 = arith.constant 0 : i32
        %dma_wait3A_677 = tpu.memref_slice %arg5[%add3A_670, %dma_wait3A_676] : memref<16384x1024xf32, #tpu.memory_space<hbm>> -> memref<4x1024xf32, #tpu.memory_space<hbm>>
        %dma_wait3A_678 = arith.constant 8 : i32
        %dma_wait3A_679 = arith.constant 0 : i32
        %dma_wait3A_680 = tpu.memref_slice %arg15[%dma_wait3A_678, %dma_wait3A_679] : memref<16x1024xf32, #tpu.memory_space<vmem>> -> memref<4x1024xf32, #tpu.memory_space<vmem>>
        tpu.wait_dma2 semaphore(%arg25 : memref<!tpu.dma_semaphore, #tpu.memory_space<semaphore_mem>>) src(%dma_wait3A_680 : memref<4x1024xf32, #tpu.memory_space<vmem>>) dst(%dma_wait3A_677 : memref<4x1024xf32, #tpu.memory_space<hbm>>)
        %add3A_681 = arith.constant 12288 : i32
        %add3A_682 = arith.addi %add3A_681, %mul3A_2 : i32
        %mul3A_683 = arith.constant 4 : i32
        %mul3A_684 = arith.muli %sub3A_635, %mul3A_683 : i32
        %add3A_685 = arith.addi %add3A_682, %mul3A_684 : i32
        %dma_wait3A_686 = arith.constant 12 : i32
        %dma_wait3A_687 = arith.constant 0 : i32
        %dma_wait3A_688 = tpu.memref_slice %arg15[%dma_wait3A_686, %dma_wait3A_687] : memref<16x1024xf32, #tpu.memory_space<vmem>> -> memref<4x1024xf32, #tpu.memory_space<vmem>>
        %dma_wait3A_689 = arith.constant 0 : i32
        %dma_wait3A_690 = tpu.memref_slice %arg5[%add3A_685, %dma_wait3A_689] : memref<16384x1024xf32, #tpu.memory_space<hbm>> -> memref<4x1024xf32, #tpu.memory_space<hbm>>
        %dma_wait3A_691 = arith.constant 0 : i32
        %dma_wait3A_692 = tpu.memref_slice %arg5[%add3A_685, %dma_wait3A_691] : memref<16384x1024xf32, #tpu.memory_space<hbm>> -> memref<4x1024xf32, #tpu.memory_space<hbm>>
        %dma_wait3A_693 = arith.constant 12 : i32
        %dma_wait3A_694 = arith.constant 0 : i32
        %dma_wait3A_695 = tpu.memref_slice %arg15[%dma_wait3A_693, %dma_wait3A_694] : memref<16x1024xf32, #tpu.memory_space<vmem>> -> memref<4x1024xf32, #tpu.memory_space<vmem>>
        tpu.wait_dma2 semaphore(%arg25 : memref<!tpu.dma_semaphore, #tpu.memory_space<semaphore_mem>>) src(%dma_wait3A_695 : memref<4x1024xf32, #tpu.memory_space<vmem>>) dst(%dma_wait3A_692 : memref<4x1024xf32, #tpu.memory_space<hbm>>)
      } else {
      }
      %parallel_loop3A_463 = arith.constant 0 : i32
      %parallel_loop3A_464 = arith.constant 64 : i32
      %parallel_loop3A_465 = arith.constant 1 : i32
      scf.for %parallel_loop3A_634 = %parallel_loop3A_463 to %parallel_loop3A_464 step %parallel_loop3A_465  : i32 {
        %parallel_loop3A_635 = arith.constant 16 : i32
        %parallel_loop3A_636 = arith.muli %parallel_loop3A_634, %parallel_loop3A_635 : i32
        %parallel_loop3A_637 = tpu.assume_multiple %parallel_loop3A_636, 16 : i32
        %parallel_loop3A_638 = arith.constant 0 : i32
        %parallel_loop3A_639 = arith.index_cast %parallel_loop3A_638 : i32 to index
        %parallel_loop3A_640 = arith.index_cast %parallel_loop3A_637 : i32 to index
        %parallel_loop3A_641 = tpu.vector_load %arg13[%parallel_loop3A_639, %parallel_loop3A_640] {strides = array<i32>} : memref<4x1024xf32, #tpu.memory_space<vmem>>, vector<1x16xf32>,
        %parallel_loop3A_642 = vector.shape_cast %parallel_loop3A_641 : vector<1x16xf32> to vector<16xf32>
        %parallel_loop3A_643 = arith.constant 0 : i32
        %parallel_loop3A_644 = arith.index_cast %parallel_loop3A_643 : i32 to index
        %parallel_loop3A_645 = arith.index_cast %parallel_loop3A_637 : i32 to index
        %parallel_loop3A_646 = tpu.vector_load %arg9[%parallel_loop3A_644, %parallel_loop3A_645] {strides = array<i32>} : memref<16x1024xf32, #tpu.memory_space<vmem>>, vector<1x16xf32>,
        %parallel_loop3A_647 = vector.shape_cast %parallel_loop3A_646 : vector<1x16xf32> to vector<16xf32>
        %parallel_loop3A_648 = arith.constant 3.200000e+01 : f32
        %parallel_loop3A_649 = vector.broadcast %parallel_loop3A_648 : f32 to vector<16xf32>
        %parallel_loop3A_650 = arith.mulf %parallel_loop3A_647, %parallel_loop3A_649 : vector<16xf32>
        %parallel_loop3A_651 = arith.addf %parallel_loop3A_650, %parallel_loop3A_642 : vector<16xf32>
        %parallel_loop3A_652 = arith.constant 0 : i32
        %parallel_loop3A_653 = arith.index_cast %parallel_loop3A_652 : i32 to index
        %parallel_loop3A_654 = arith.index_cast %parallel_loop3A_637 : i32 to index
        %parallel_loop3A_655 = tpu.vector_load %arg15[%parallel_loop3A_653, %parallel_loop3A_654] {strides = array<i32>} : memref<16x1024xf32, #tpu.memory_space<vmem>>, vector<1x16xf32>,
        %parallel_loop3A_656 = vector.shape_cast %parallel_loop3A_655 : vector<1x16xf32> to vector<16xf32>
        %parallel_loop3A_657 = vector.shape_cast %parallel_loop3A_651 : vector<16xf32> to vector<1x16xf32>
        tpu.vector_store %arg15[%parallel_loop3A_653, %parallel_loop3A_654], %parallel_loop3A_657 {strides = array<i32>} : memref<16x1024xf32, #tpu.memory_space<vmem>>, vector<1x16xf32>,
        %parallel_loop3A_658 = arith.constant 4 : i32
        %parallel_loop3A_659 = arith.index_cast %parallel_loop3A_658 : i32 to index
        %parallel_loop3A_660 = arith.index_cast %parallel_loop3A_637 : i32 to index
        %parallel_loop3A_661 = tpu.vector_load %arg9[%parallel_loop3A_659, %parallel_loop3A_660] {strides = array<i32>} : memref<16x1024xf32, #tpu.memory_space<vmem>>, vector<1x16xf32>,
        %parallel_loop3A_662 = vector.shape_cast %parallel_loop3A_661 : vector<1x16xf32> to vector<16xf32>
        %parallel_loop3A_663 = arith.constant 3.200000e+01 : f32
        %parallel_loop3A_664 = vector.broadcast %parallel_loop3A_663 : f32 to vector<16xf32>
        %parallel_loop3A_665 = arith.mulf %parallel_loop3A_662, %parallel_loop3A_664 : vector<16xf32>
        %parallel_loop3A_666 = arith.addf %parallel_loop3A_665, %parallel_loop3A_642 : vector<16xf32>
        %parallel_loop3A_667 = arith.constant 4 : i32
        %parallel_loop3A_668 = arith.index_cast %parallel_loop3A_667 : i32 to index
        %parallel_loop3A_669 = arith.index_cast %parallel_loop3A_637 : i32 to index
        %parallel_loop3A_670 = tpu.vector_load %arg15[%parallel_loop3A_668, %parallel_loop3A_669] {strides = array<i32>} : memref<16x1024xf32, #tpu.memory_space<vmem>>, vector<1x16xf32>,
        %parallel_loop3A_671 = vector.shape_cast %parallel_loop3A_670 : vector<1x16xf32> to vector<16xf32>
        %parallel_loop3A_672 = vector.shape_cast %parallel_loop3A_666 : vector<16xf32> to vector<1x16xf32>
        tpu.vector_store %arg15[%parallel_loop3A_668, %parallel_loop3A_669], %parallel_loop3A_672 {strides = array<i32>} : memref<16x1024xf32, #tpu.memory_space<vmem>>, vector<1x16xf32>,
        %parallel_loop3A_673 = arith.constant 8 : i32
        %parallel_loop3A_674 = arith.index_cast %parallel_loop3A_673 : i32 to index
        %parallel_loop3A_675 = arith.index_cast %parallel_loop3A_637 : i32 to index
        %parallel_loop3A_676 = tpu.vector_load %arg9[%parallel_loop3A_674, %parallel_loop3A_675] {strides = array<i32>} : memref<16x1024xf32, #tpu.memory_space<vmem>>, vector<1x16xf32>,
        %parallel_loop3A_677 = vector.shape_cast %parallel_loop3A_676 : vector<1x16xf32> to vector<16xf32>
        %parallel_loop3A_678 = arith.constant 3.200000e+01 : f32
        %parallel_loop3A_679 = vector.broadcast %parallel_loop3A_678 : f32 to vector<16xf32>
        %parallel_loop3A_680 = arith.mulf %parallel_loop3A_677, %parallel_loop3A_679 : vector<16xf32>
        %parallel_loop3A_681 = arith.addf %parallel_loop3A_680, %parallel_loop3A_642 : vector<16xf32>
        %parallel_loop3A_682 = arith.constant 8 : i32
        %parallel_loop3A_683 = arith.index_cast %parallel_loop3A_682 : i32 to index
        %parallel_loop3A_684 = arith.index_cast %parallel_loop3A_637 : i32 to index
        %parallel_loop3A_685 = tpu.vector_load %arg15[%parallel_loop3A_683, %parallel_loop3A_684] {strides = array<i32>} : memref<16x1024xf32, #tpu.memory_space<vmem>>, vector<1x16xf32>,
        %parallel_loop3A_686 = vector.shape_cast %parallel_loop3A_685 : vector<1x16xf32> to vector<16xf32>
        %parallel_loop3A_687 = vector.shape_cast %parallel_loop3A_681 : vector<16xf32> to vector<1x16xf32>
        tpu.vector_store %arg15[%parallel_loop3A_683, %parallel_loop3A_684], %parallel_loop3A_687 {strides = array<i32>} : memref<16x1024xf32, #tpu.memory_space<vmem>>, vector<1x16xf32>,
        %parallel_loop3A_688 = arith.constant 12 : i32
        %parallel_loop3A_689 = arith.index_cast %parallel_loop3A_688 : i32 to index
        %parallel_loop3A_690 = arith.index_cast %parallel_loop3A_637 : i32 to index
        %parallel_loop3A_691 = tpu.vector_load %arg9[%parallel_loop3A_689, %parallel_loop3A_690] {strides = array<i32>} : memref<16x1024xf32, #tpu.memory_space<vmem>>, vector<1x16xf32>,
        %parallel_loop3A_692 = vector.shape_cast %parallel_loop3A_691 : vector<1x16xf32> to vector<16xf32>
        %parallel_loop3A_693 = arith.constant 3.200000e+01 : f32
        %parallel_loop3A_694 = vector.broadcast %parallel_loop3A_693 : f32 to vector<16xf32>
        %parallel_loop3A_695 = arith.mulf %parallel_loop3A_692, %parallel_loop3A_694 : vector<16xf32>
        %parallel_loop3A_696 = arith.addf %parallel_loop3A_695, %parallel_loop3A_642 : vector<16xf32>
        %parallel_loop3A_697 = arith.constant 12 : i32
        %parallel_loop3A_698 = arith.index_cast %parallel_loop3A_697 : i32 to index
        %parallel_loop3A_699 = arith.index_cast %parallel_loop3A_637 : i32 to index
        %parallel_loop3A_700 = tpu.vector_load %arg15[%parallel_loop3A_698, %parallel_loop3A_699] {strides = array<i32>} : memref<16x1024xf32, #tpu.memory_space<vmem>>, vector<1x16xf32>,
        %parallel_loop3A_701 = vector.shape_cast %parallel_loop3A_700 : vector<1x16xf32> to vector<16xf32>
        %parallel_loop3A_702 = vector.shape_cast %parallel_loop3A_696 : vector<16xf32> to vector<1x16xf32>
        tpu.vector_store %arg15[%parallel_loop3A_698, %parallel_loop3A_699], %parallel_loop3A_702 {strides = array<i32>} : memref<16x1024xf32, #tpu.memory_space<vmem>>, vector<1x16xf32>,
        %parallel_loop3A_703 = arith.constant 1 : i32
        %parallel_loop3A_704 = arith.index_cast %parallel_loop3A_703 : i32 to index
        %parallel_loop3A_705 = arith.index_cast %parallel_loop3A_637 : i32 to index
        %parallel_loop3A_706 = tpu.vector_load %arg13[%parallel_loop3A_704, %parallel_loop3A_705] {strides = array<i32>} : memref<4x1024xf32, #tpu.memory_space<vmem>>, vector<1x16xf32>,
        %parallel_loop3A_707 = vector.shape_cast %parallel_loop3A_706 : vector<1x16xf32> to vector<16xf32>
        %parallel_loop3A_708 = arith.constant 1 : i32
        %parallel_loop3A_709 = arith.index_cast %parallel_loop3A_708 : i32 to index
        %parallel_loop3A_710 = arith.index_cast %parallel_loop3A_637 : i32 to index
        %parallel_loop3A_711 = tpu.vector_load %arg9[%parallel_loop3A_709, %parallel_loop3A_710] {strides = array<i32>} : memref<16x1024xf32, #tpu.memory_space<vmem>>, vector<1x16xf32>,
        %parallel_loop3A_712 = vector.shape_cast %parallel_loop3A_711 : vector<1x16xf32> to vector<16xf32>
        %parallel_loop3A_713 = arith.constant 3.200000e+01 : f32
        %parallel_loop3A_714 = vector.broadcast %parallel_loop3A_713 : f32 to vector<16xf32>
        %parallel_loop3A_715 = arith.mulf %parallel_loop3A_712, %parallel_loop3A_714 : vector<16xf32>
        %parallel_loop3A_716 = arith.addf %parallel_loop3A_715, %parallel_loop3A_707 : vector<16xf32>
        %parallel_loop3A_717 = arith.constant 1 : i32
        %parallel_loop3A_718 = arith.index_cast %parallel_loop3A_717 : i32 to index
        %parallel_loop3A_719 = arith.index_cast %parallel_loop3A_637 : i32 to index
        %parallel_loop3A_720 = tpu.vector_load %arg15[%parallel_loop3A_718, %parallel_loop3A_719] {strides = array<i32>} : memref<16x1024xf32, #tpu.memory_space<vmem>>, vector<1x16xf32>,
        %parallel_loop3A_721 = vector.shape_cast %parallel_loop3A_720 : vector<1x16xf32> to vector<16xf32>
        %parallel_loop3A_722 = vector.shape_cast %parallel_loop3A_716 : vector<16xf32> to vector<1x16xf32>
        tpu.vector_store %arg15[%parallel_loop3A_718, %parallel_loop3A_719], %parallel_loop3A_722 {strides = array<i32>} : memref<16x1024xf32, #tpu.memory_space<vmem>>, vector<1x16xf32>,
        %parallel_loop3A_723 = arith.constant 5 : i32
        %parallel_loop3A_724 = arith.index_cast %parallel_loop3A_723 : i32 to index
        %parallel_loop3A_725 = arith.index_cast %parallel_loop3A_637 : i32 to index
        %parallel_loop3A_726 = tpu.vector_load %arg9[%parallel_loop3A_724, %parallel_loop3A_725] {strides = array<i32>} : memref<16x1024xf32, #tpu.memory_space<vmem>>, vector<1x16xf32>,
        %parallel_loop3A_727 = vector.shape_cast %parallel_loop3A_726 : vector<1x16xf32> to vector<16xf32>
        %parallel_loop3A_728 = arith.constant 3.200000e+01 : f32
        %parallel_loop3A_729 = vector.broadcast %parallel_loop3A_728 : f32 to vector<16xf32>
        %parallel_loop3A_730 = arith.mulf %parallel_loop3A_727, %parallel_loop3A_729 : vector<16xf32>
        %parallel_loop3A_731 = arith.addf %parallel_loop3A_730, %parallel_loop3A_707 : vector<16xf32>
        %parallel_loop3A_732 = arith.constant 5 : i32
        %parallel_loop3A_733 = arith.index_cast %parallel_loop3A_732 : i32 to index
        %parallel_loop3A_734 = arith.index_cast %parallel_loop3A_637 : i32 to index
        %parallel_loop3A_735 = tpu.vector_load %arg15[%parallel_loop3A_733, %parallel_loop3A_734] {strides = array<i32>} : memref<16x1024xf32, #tpu.memory_space<vmem>>, vector<1x16xf32>,
        %parallel_loop3A_736 = vector.shape_cast %parallel_loop3A_735 : vector<1x16xf32> to vector<16xf32>
        %parallel_loop3A_737 = vector.shape_cast %parallel_loop3A_731 : vector<16xf32> to vector<1x16xf32>
        tpu.vector_store %arg15[%parallel_loop3A_733, %parallel_loop3A_734], %parallel_loop3A_737 {strides = array<i32>} : memref<16x1024xf32, #tpu.memory_space<vmem>>, vector<1x16xf32>,
        %parallel_loop3A_738 = arith.constant 9 : i32
        %parallel_loop3A_739 = arith.index_cast %parallel_loop3A_738 : i32 to index
        %parallel_loop3A_740 = arith.index_cast %parallel_loop3A_637 : i32 to index
        %parallel_loop3A_741 = tpu.vector_load %arg9[%parallel_loop3A_739, %parallel_loop3A_740] {strides = array<i32>} : memref<16x1024xf32, #tpu.memory_space<vmem>>, vector<1x16xf32>,
        %parallel_loop3A_742 = vector.shape_cast %parallel_loop3A_741 : vector<1x16xf32> to vector<16xf32>
        %parallel_loop3A_743 = arith.constant 3.200000e+01 : f32
        %parallel_loop3A_744 = vector.broadcast %parallel_loop3A_743 : f32 to vector<16xf32>
        %parallel_loop3A_745 = arith.mulf %parallel_loop3A_742, %parallel_loop3A_744 : vector<16xf32>
        %parallel_loop3A_746 = arith.addf %parallel_loop3A_745, %parallel_loop3A_707 : vector<16xf32>
        %parallel_loop3A_747 = arith.constant 9 : i32
        %parallel_loop3A_748 = arith.index_cast %parallel_loop3A_747 : i32 to index
        %parallel_loop3A_749 = arith.index_cast %parallel_loop3A_637 : i32 to index
        %parallel_loop3A_750 = tpu.vector_load %arg15[%parallel_loop3A_748, %parallel_loop3A_749] {strides = array<i32>} : memref<16x1024xf32, #tpu.memory_space<vmem>>, vector<1x16xf32>,
        %parallel_loop3A_751 = vector.shape_cast %parallel_loop3A_750 : vector<1x16xf32> to vector<16xf32>
        %parallel_loop3A_752 = vector.shape_cast %parallel_loop3A_746 : vector<16xf32> to vector<1x16xf32>
        tpu.vector_store %arg15[%parallel_loop3A_748, %parallel_loop3A_749], %parallel_loop3A_752 {strides = array<i32>} : memref<16x1024xf32, #tpu.memory_space<vmem>>, vector<1x16xf32>,
        %parallel_loop3A_753 = arith.constant 13 : i32
        %parallel_loop3A_754 = arith.index_cast %parallel_loop3A_753 : i32 to index
        %parallel_loop3A_755 = arith.index_cast %parallel_loop3A_637 : i32 to index
        %parallel_loop3A_756 = tpu.vector_load %arg9[%parallel_loop3A_754, %parallel_loop3A_755] {strides = array<i32>} : memref<16x1024xf32, #tpu.memory_space<vmem>>, vector<1x16xf32>,
        %parallel_loop3A_757 = vector.shape_cast %parallel_loop3A_756 : vector<1x16xf32> to vector<16xf32>
        %parallel_loop3A_758 = arith.constant 3.200000e+01 : f32
        %parallel_loop3A_759 = vector.broadcast %parallel_loop3A_758 : f32 to vector<16xf32>
        %parallel_loop3A_760 = arith.mulf %parallel_loop3A_757, %parallel_loop3A_759 : vector<16xf32>
        %parallel_loop3A_761 = arith.addf %parallel_loop3A_760, %parallel_loop3A_707 : vector<16xf32>
        %parallel_loop3A_762 = arith.constant 13 : i32
        %parallel_loop3A_763 = arith.index_cast %parallel_loop3A_762 : i32 to index
        %parallel_loop3A_764 = arith.index_cast %parallel_loop3A_637 : i32 to index
        %parallel_loop3A_765 = tpu.vector_load %arg15[%parallel_loop3A_763, %parallel_loop3A_764] {strides = array<i32>} : memref<16x1024xf32, #tpu.memory_space<vmem>>, vector<1x16xf32>,
        %parallel_loop3A_766 = vector.shape_cast %parallel_loop3A_765 : vector<1x16xf32> to vector<16xf32>
        %parallel_loop3A_767 = vector.shape_cast %parallel_loop3A_761 : vector<16xf32> to vector<1x16xf32>
        tpu.vector_store %arg15[%parallel_loop3A_763, %parallel_loop3A_764], %parallel_loop3A_767 {strides = array<i32>} : memref<16x1024xf32, #tpu.memory_space<vmem>>, vector<1x16xf32>,
        %parallel_loop3A_768 = arith.constant 2 : i32
        %parallel_loop3A_769 = arith.index_cast %parallel_loop3A_768 : i32 to index
        %parallel_loop3A_770 = arith.index_cast %parallel_loop3A_637 : i32 to index
        %parallel_loop3A_771 = tpu.vector_load %arg13[%parallel_loop3A_769, %parallel_loop3A_770] {strides = array<i32>} : memref<4x1024xf32, #tpu.memory_space<vmem>>, vector<1x16xf32>,
        %parallel_loop3A_772 = vector.shape_cast %parallel_loop3A_771 : vector<1x16xf32> to vector<16xf32>
        %parallel_loop3A_773 = arith.constant 2 : i32
        %parallel_loop3A_774 = arith.index_cast %parallel_loop3A_773 : i32 to index
        %parallel_loop3A_775 = arith.index_cast %parallel_loop3A_637 : i32 to index
        %parallel_loop3A_776 = tpu.vector_load %arg9[%parallel_loop3A_774, %parallel_loop3A_775] {strides = array<i32>} : memref<16x1024xf32, #tpu.memory_space<vmem>>, vector<1x16xf32>,
        %parallel_loop3A_777 = vector.shape_cast %parallel_loop3A_776 : vector<1x16xf32> to vector<16xf32>
        %parallel_loop3A_778 = arith.constant 3.200000e+01 : f32
        %parallel_loop3A_779 = vector.broadcast %parallel_loop3A_778 : f32 to vector<16xf32>
        %parallel_loop3A_780 = arith.mulf %parallel_loop3A_777, %parallel_loop3A_779 : vector<16xf32>
        %parallel_loop3A_781 = arith.addf %parallel_loop3A_780, %parallel_loop3A_772 : vector<16xf32>
        %parallel_loop3A_782 = arith.constant 2 : i32
        %parallel_loop3A_783 = arith.index_cast %parallel_loop3A_782 : i32 to index
        %parallel_loop3A_784 = arith.index_cast %parallel_loop3A_637 : i32 to index
        %parallel_loop3A_785 = tpu.vector_load %arg15[%parallel_loop3A_783, %parallel_loop3A_784] {strides = array<i32>} : memref<16x1024xf32, #tpu.memory_space<vmem>>, vector<1x16xf32>,
        %parallel_loop3A_786 = vector.shape_cast %parallel_loop3A_785 : vector<1x16xf32> to vector<16xf32>
        %parallel_loop3A_787 = vector.shape_cast %parallel_loop3A_781 : vector<16xf32> to vector<1x16xf32>
        tpu.vector_store %arg15[%parallel_loop3A_783, %parallel_loop3A_784], %parallel_loop3A_787 {strides = array<i32>} : memref<16x1024xf32, #tpu.memory_space<vmem>>, vector<1x16xf32>,
        %parallel_loop3A_788 = arith.constant 6 : i32
        %parallel_loop3A_789 = arith.index_cast %parallel_loop3A_788 : i32 to index
        %parallel_loop3A_790 = arith.index_cast %parallel_loop3A_637 : i32 to index
        %parallel_loop3A_791 = tpu.vector_load %arg9[%parallel_loop3A_789, %parallel_loop3A_790] {strides = array<i32>} : memref<16x1024xf32, #tpu.memory_space<vmem>>, vector<1x16xf32>,
        %parallel_loop3A_792 = vector.shape_cast %parallel_loop3A_791 : vector<1x16xf32> to vector<16xf32>
        %parallel_loop3A_793 = arith.constant 3.200000e+01 : f32
        %parallel_loop3A_794 = vector.broadcast %parallel_loop3A_793 : f32 to vector<16xf32>
        %parallel_loop3A_795 = arith.mulf %parallel_loop3A_792, %parallel_loop3A_794 : vector<16xf32>
        %parallel_loop3A_796 = arith.addf %parallel_loop3A_795, %parallel_loop3A_772 : vector<16xf32>
        %parallel_loop3A_797 = arith.constant 6 : i32
        %parallel_loop3A_798 = arith.index_cast %parallel_loop3A_797 : i32 to index
        %parallel_loop3A_799 = arith.index_cast %parallel_loop3A_637 : i32 to index
        %parallel_loop3A_800 = tpu.vector_load %arg15[%parallel_loop3A_798, %parallel_loop3A_799] {strides = array<i32>} : memref<16x1024xf32, #tpu.memory_space<vmem>>, vector<1x16xf32>,
        %parallel_loop3A_801 = vector.shape_cast %parallel_loop3A_800 : vector<1x16xf32> to vector<16xf32>
        %parallel_loop3A_802 = vector.shape_cast %parallel_loop3A_796 : vector<16xf32> to vector<1x16xf32>
        tpu.vector_store %arg15[%parallel_loop3A_798, %parallel_loop3A_799], %parallel_loop3A_802 {strides = array<i32>} : memref<16x1024xf32, #tpu.memory_space<vmem>>, vector<1x16xf32>,
        %parallel_loop3A_803 = arith.constant 10 : i32
        %parallel_loop3A_804 = arith.index_cast %parallel_loop3A_803 : i32 to index
        %parallel_loop3A_805 = arith.index_cast %parallel_loop3A_637 : i32 to index
        %parallel_loop3A_806 = tpu.vector_load %arg9[%parallel_loop3A_804, %parallel_loop3A_805] {strides = array<i32>} : memref<16x1024xf32, #tpu.memory_space<vmem>>, vector<1x16xf32>,
        %parallel_loop3A_807 = vector.shape_cast %parallel_loop3A_806 : vector<1x16xf32> to vector<16xf32>
        %parallel_loop3A_808 = arith.constant 3.200000e+01 : f32
        %parallel_loop3A_809 = vector.broadcast %parallel_loop3A_808 : f32 to vector<16xf32>
        %parallel_loop3A_810 = arith.mulf %parallel_loop3A_807, %parallel_loop3A_809 : vector<16xf32>
        %parallel_loop3A_811 = arith.addf %parallel_loop3A_810, %parallel_loop3A_772 : vector<16xf32>
        %parallel_loop3A_812 = arith.constant 10 : i32
        %parallel_loop3A_813 = arith.index_cast %parallel_loop3A_812 : i32 to index
        %parallel_loop3A_814 = arith.index_cast %parallel_loop3A_637 : i32 to index
        %parallel_loop3A_815 = tpu.vector_load %arg15[%parallel_loop3A_813, %parallel_loop3A_814] {strides = array<i32>} : memref<16x1024xf32, #tpu.memory_space<vmem>>, vector<1x16xf32>,
        %parallel_loop3A_816 = vector.shape_cast %parallel_loop3A_815 : vector<1x16xf32> to vector<16xf32>
        %parallel_loop3A_817 = vector.shape_cast %parallel_loop3A_811 : vector<16xf32> to vector<1x16xf32>
        tpu.vector_store %arg15[%parallel_loop3A_813, %parallel_loop3A_814], %parallel_loop3A_817 {strides = array<i32>} : memref<16x1024xf32, #tpu.memory_space<vmem>>, vector<1x16xf32>,
        %parallel_loop3A_818 = arith.constant 14 : i32
        %parallel_loop3A_819 = arith.index_cast %parallel_loop3A_818 : i32 to index
        %parallel_loop3A_820 = arith.index_cast %parallel_loop3A_637 : i32 to index
        %parallel_loop3A_821 = tpu.vector_load %arg9[%parallel_loop3A_819, %parallel_loop3A_820] {strides = array<i32>} : memref<16x1024xf32, #tpu.memory_space<vmem>>, vector<1x16xf32>,
        %parallel_loop3A_822 = vector.shape_cast %parallel_loop3A_821 : vector<1x16xf32> to vector<16xf32>
        %parallel_loop3A_823 = arith.constant 3.200000e+01 : f32
        %parallel_loop3A_824 = vector.broadcast %parallel_loop3A_823 : f32 to vector<16xf32>
        %parallel_loop3A_825 = arith.mulf %parallel_loop3A_822, %parallel_loop3A_824 : vector<16xf32>
        %parallel_loop3A_826 = arith.addf %parallel_loop3A_825, %parallel_loop3A_772 : vector<16xf32>
        %parallel_loop3A_827 = arith.constant 14 : i32
        %parallel_loop3A_828 = arith.index_cast %parallel_loop3A_827 : i32 to index
        %parallel_loop3A_829 = arith.index_cast %parallel_loop3A_637 : i32 to index
        %parallel_loop3A_830 = tpu.vector_load %arg15[%parallel_loop3A_828, %parallel_loop3A_829] {strides = array<i32>} : memref<16x1024xf32, #tpu.memory_space<vmem>>, vector<1x16xf32>,
        %parallel_loop3A_831 = vector.shape_cast %parallel_loop3A_830 : vector<1x16xf32> to vector<16xf32>
        %parallel_loop3A_832 = vector.shape_cast %parallel_loop3A_826 : vector<16xf32> to vector<1x16xf32>
        tpu.vector_store %arg15[%parallel_loop3A_828, %parallel_loop3A_829], %parallel_loop3A_832 {strides = array<i32>} : memref<16x1024xf32, #tpu.memory_space<vmem>>, vector<1x16xf32>,
        %parallel_loop3A_833 = arith.constant 3 : i32
        %parallel_loop3A_834 = arith.index_cast %parallel_loop3A_833 : i32 to index
        %parallel_loop3A_835 = arith.index_cast %parallel_loop3A_637 : i32 to index
        %parallel_loop3A_836 = tpu.vector_load %arg13[%parallel_loop3A_834, %parallel_loop3A_835] {strides = array<i32>} : memref<4x1024xf32, #tpu.memory_space<vmem>>, vector<1x16xf32>,
        %parallel_loop3A_837 = vector.shape_cast %parallel_loop3A_836 : vector<1x16xf32> to vector<16xf32>
        %parallel_loop3A_838 = arith.constant 3 : i32
        %parallel_loop3A_839 = arith.index_cast %parallel_loop3A_838 : i32 to index
        %parallel_loop3A_840 = arith.index_cast %parallel_loop3A_637 : i32 to index
        %parallel_loop3A_841 = tpu.vector_load %arg9[%parallel_loop3A_839, %parallel_loop3A_840] {strides = array<i32>} : memref<16x1024xf32, #tpu.memory_space<vmem>>, vector<1x16xf32>,
        %parallel_loop3A_842 = vector.shape_cast %parallel_loop3A_841 : vector<1x16xf32> to vector<16xf32>
        %parallel_loop3A_843 = arith.constant 3.200000e+01 : f32
        %parallel_loop3A_844 = vector.broadcast %parallel_loop3A_843 : f32 to vector<16xf32>
        %parallel_loop3A_845 = arith.mulf %parallel_loop3A_842, %parallel_loop3A_844 : vector<16xf32>
        %parallel_loop3A_846 = arith.addf %parallel_loop3A_845, %parallel_loop3A_837 : vector<16xf32>
        %parallel_loop3A_847 = arith.constant 3 : i32
        %parallel_loop3A_848 = arith.index_cast %parallel_loop3A_847 : i32 to index
        %parallel_loop3A_849 = arith.index_cast %parallel_loop3A_637 : i32 to index
        %parallel_loop3A_850 = tpu.vector_load %arg15[%parallel_loop3A_848, %parallel_loop3A_849] {strides = array<i32>} : memref<16x1024xf32, #tpu.memory_space<vmem>>, vector<1x16xf32>,
        %parallel_loop3A_851 = vector.shape_cast %parallel_loop3A_850 : vector<1x16xf32> to vector<16xf32>
        %parallel_loop3A_852 = vector.shape_cast %parallel_loop3A_846 : vector<16xf32> to vector<1x16xf32>
        tpu.vector_store %arg15[%parallel_loop3A_848, %parallel_loop3A_849], %parallel_loop3A_852 {strides = array<i32>} : memref<16x1024xf32, #tpu.memory_space<vmem>>, vector<1x16xf32>,
        %parallel_loop3A_853 = arith.constant 7 : i32
        %parallel_loop3A_854 = arith.index_cast %parallel_loop3A_853 : i32 to index
        %parallel_loop3A_855 = arith.index_cast %parallel_loop3A_637 : i32 to index
        %parallel_loop3A_856 = tpu.vector_load %arg9[%parallel_loop3A_854, %parallel_loop3A_855] {strides = array<i32>} : memref<16x1024xf32, #tpu.memory_space<vmem>>, vector<1x16xf32>,
        %parallel_loop3A_857 = vector.shape_cast %parallel_loop3A_856 : vector<1x16xf32> to vector<16xf32>
        %parallel_loop3A_858 = arith.constant 3.200000e+01 : f32
        %parallel_loop3A_859 = vector.broadcast %parallel_loop3A_858 : f32 to vector<16xf32>
        %parallel_loop3A_860 = arith.mulf %parallel_loop3A_857, %parallel_loop3A_859 : vector<16xf32>
        %parallel_loop3A_861 = arith.addf %parallel_loop3A_860, %parallel_loop3A_837 : vector<16xf32>
        %parallel_loop3A_862 = arith.constant 7 : i32
        %parallel_loop3A_863 = arith.index_cast %parallel_loop3A_862 : i32 to index
        %parallel_loop3A_864 = arith.index_cast %parallel_loop3A_637 : i32 to index
        %parallel_loop3A_865 = tpu.vector_load %arg15[%parallel_loop3A_863, %parallel_loop3A_864] {strides = array<i32>} : memref<16x1024xf32, #tpu.memory_space<vmem>>, vector<1x16xf32>,
        %parallel_loop3A_866 = vector.shape_cast %parallel_loop3A_865 : vector<1x16xf32> to vector<16xf32>
        %parallel_loop3A_867 = vector.shape_cast %parallel_loop3A_861 : vector<16xf32> to vector<1x16xf32>
        tpu.vector_store %arg15[%parallel_loop3A_863, %parallel_loop3A_864], %parallel_loop3A_867 {strides = array<i32>} : memref<16x1024xf32, #tpu.memory_space<vmem>>, vector<1x16xf32>,
        %parallel_loop3A_868 = arith.constant 11 : i32
        %parallel_loop3A_869 = arith.index_cast %parallel_loop3A_868 : i32 to index
        %parallel_loop3A_870 = arith.index_cast %parallel_loop3A_637 : i32 to index
        %parallel_loop3A_871 = tpu.vector_load %arg9[%parallel_loop3A_869, %parallel_loop3A_870] {strides = array<i32>} : memref<16x1024xf32, #tpu.memory_space<vmem>>, vector<1x16xf32>,
        %parallel_loop3A_872 = vector.shape_cast %parallel_loop3A_871 : vector<1x16xf32> to vector<16xf32>
        %parallel_loop3A_873 = arith.constant 3.200000e+01 : f32
        %parallel_loop3A_874 = vector.broadcast %parallel_loop3A_873 : f32 to vector<16xf32>
        %parallel_loop3A_875 = arith.mulf %parallel_loop3A_872, %parallel_loop3A_874 : vector<16xf32>
        %parallel_loop3A_876 = arith.addf %parallel_loop3A_875, %parallel_loop3A_837 : vector<16xf32>
        %parallel_loop3A_877 = arith.constant 11 : i32
        %parallel_loop3A_878 = arith.index_cast %parallel_loop3A_877 : i32 to index
        %parallel_loop3A_879 = arith.index_cast %parallel_loop3A_637 : i32 to index
        %parallel_loop3A_880 = tpu.vector_load %arg15[%parallel_loop3A_878, %parallel_loop3A_879] {strides = array<i32>} : memref<16x1024xf32, #tpu.memory_space<vmem>>, vector<1x16xf32>,
        %parallel_loop3A_881 = vector.shape_cast %parallel_loop3A_880 : vector<1x16xf32> to vector<16xf32>
        %parallel_loop3A_882 = vector.shape_cast %parallel_loop3A_876 : vector<16xf32> to vector<1x16xf32>
        tpu.vector_store %arg15[%parallel_loop3A_878, %parallel_loop3A_879], %parallel_loop3A_882 {strides = array<i32>} : memref<16x1024xf32, #tpu.memory_space<vmem>>, vector<1x16xf32>,
        %parallel_loop3A_883 = arith.constant 15 : i32
        %parallel_loop3A_884 = arith.index_cast %parallel_loop3A_883 : i32 to index
        %parallel_loop3A_885 = arith.index_cast %parallel_loop3A_637 : i32 to index
        %parallel_loop3A_886 = tpu.vector_load %arg9[%parallel_loop3A_884, %parallel_loop3A_885] {strides = array<i32>} : memref<16x1024xf32, #tpu.memory_space<vmem>>, vector<1x16xf32>,
        %parallel_loop3A_887 = vector.shape_cast %parallel_loop3A_886 : vector<1x16xf32> to vector<16xf32>
        %parallel_loop3A_888 = arith.constant 3.200000e+01 : f32
        %parallel_loop3A_889 = vector.broadcast %parallel_loop3A_888 : f32 to vector<16xf32>
        %parallel_loop3A_890 = arith.mulf %parallel_loop3A_887, %parallel_loop3A_889 : vector<16xf32>
        %parallel_loop3A_891 = arith.addf %parallel_loop3A_890, %parallel_loop3A_837 : vector<16xf32>
        %parallel_loop3A_892 = arith.constant 15 : i32
        %parallel_loop3A_893 = arith.index_cast %parallel_loop3A_892 : i32 to index
        %parallel_loop3A_894 = arith.index_cast %parallel_loop3A_637 : i32 to index
        %parallel_loop3A_895 = tpu.vector_load %arg15[%parallel_loop3A_893, %parallel_loop3A_894] {strides = array<i32>} : memref<16x1024xf32, #tpu.memory_space<vmem>>, vector<1x16xf32>,
        %parallel_loop3A_896 = vector.shape_cast %parallel_loop3A_895 : vector<1x16xf32> to vector<16xf32>
        %parallel_loop3A_897 = vector.shape_cast %parallel_loop3A_891 : vector<16xf32> to vector<1x16xf32>
        tpu.vector_store %arg15[%parallel_loop3A_893, %parallel_loop3A_894], %parallel_loop3A_897 {strides = array<i32>} : memref<16x1024xf32, #tpu.memory_space<vmem>>, vector<1x16xf32>,
      } {sc.loop_unroll_factor = 8 : i64, sc.parallel_access}
      %add3A_466 = arith.constant 0 : i32
      %add3A_467 = arith.addi %add3A_466, %mul3A_2 : i32
      %mul3A_468 = arith.constant 4 : i32
      %mul3A_469 = arith.muli %add3A_422, %mul3A_468 : i32
      %add3A_470 = arith.addi %add3A_467, %mul3A_469 : i32
      %dma_start3A_471 = arith.constant 0 : i32
      %dma_start3A_472 = arith.constant 0 : i32
      %dma_start3A_473 = tpu.memref_slice %arg15[%dma_start3A_471, %dma_start3A_472] : memref<16x1024xf32, #tpu.memory_space<vmem>> -> memref<4x1024xf32, #tpu.memory_space<vmem>>
      %dma_start3A_474 = arith.constant 0 : i32
      %dma_start3A_475 = tpu.memref_slice %arg5[%add3A_470, %dma_start3A_474] : memref<16384x1024xf32, #tpu.memory_space<hbm>> -> memref<4x1024xf32, #tpu.memory_space<hbm>>
      %dma_start3A_476 = arith.constant 0 : i32
      %dma_start3A_477 = tpu.memref_slice %arg5[%add3A_470, %dma_start3A_476] : memref<16384x1024xf32, #tpu.memory_space<hbm>> -> memref<4x1024xf32, #tpu.memory_space<hbm>>
      %dma_start3A_478 = arith.constant 0 : i32
      %dma_start3A_479 = arith.constant 0 : i32
      %dma_start3A_480 = tpu.memref_slice %arg15[%dma_start3A_478, %dma_start3A_479] : memref<16x1024xf32, #tpu.memory_space<vmem>> -> memref<4x1024xf32, #tpu.memory_space<vmem>>
      tpu.enqueue_dma source(%dma_start3A_480 : memref<4x1024xf32, #tpu.memory_space<vmem>>) target(%dma_start3A_477 : memref<4x1024xf32, #tpu.memory_space<hbm>>) target_semaphore(%arg25 : memref<!tpu.dma_semaphore, #tpu.memory_space<semaphore_mem>>)
      %add3A_481 = arith.constant 4096 : i32
      %add3A_482 = arith.addi %add3A_481, %mul3A_2 : i32
      %mul3A_483 = arith.constant 4 : i32
      %mul3A_484 = arith.muli %add3A_422, %mul3A_483 : i32
      %add3A_485 = arith.addi %add3A_482, %mul3A_484 : i32
      %dma_start3A_486 = arith.constant 4 : i32
      %dma_start3A_487 = arith.constant 0 : i32
      %dma_start3A_488 = tpu.memref_slice %arg15[%dma_start3A_486, %dma_start3A_487] : memref<16x1024xf32, #tpu.memory_space<vmem>> -> memref<4x1024xf32, #tpu.memory_space<vmem>>
      %dma_start3A_489 = arith.constant 0 : i32
      %dma_start3A_490 = tpu.memref_slice %arg5[%add3A_485, %dma_start3A_489] : memref<16384x1024xf32, #tpu.memory_space<hbm>> -> memref<4x1024xf32, #tpu.memory_space<hbm>>
      %dma_start3A_491 = arith.constant 0 : i32
      %dma_start3A_492 = tpu.memref_slice %arg5[%add3A_485, %dma_start3A_491] : memref<16384x1024xf32, #tpu.memory_space<hbm>> -> memref<4x1024xf32, #tpu.memory_space<hbm>>
      %dma_start3A_493 = arith.constant 4 : i32
      %dma_start3A_494 = arith.constant 0 : i32
      %dma_start3A_495 = tpu.memref_slice %arg15[%dma_start3A_493, %dma_start3A_494] : memref<16x1024xf32, #tpu.memory_space<vmem>> -> memref<4x1024xf32, #tpu.memory_space<vmem>>
      tpu.enqueue_dma source(%dma_start3A_495 : memref<4x1024xf32, #tpu.memory_space<vmem>>) target(%dma_start3A_492 : memref<4x1024xf32, #tpu.memory_space<hbm>>) target_semaphore(%arg25 : memref<!tpu.dma_semaphore, #tpu.memory_space<semaphore_mem>>)
      %add3A_496 = arith.constant 8192 : i32
      %add3A_497 = arith.addi %add3A_496, %mul3A_2 : i32
      %mul3A_498 = arith.constant 4 : i32
      %mul3A_499 = arith.muli %add3A_422, %mul3A_498 : i32
      %add3A_500 = arith.addi %add3A_497, %mul3A_499 : i32
      %dma_start3A_501 = arith.constant 8 : i32
      %dma_start3A_502 = arith.constant 0 : i32
      %dma_start3A_503 = tpu.memref_slice %arg15[%dma_start3A_501, %dma_start3A_502] : memref<16x1024xf32, #tpu.memory_space<vmem>> -> memref<4x1024xf32, #tpu.memory_space<vmem>>
      %dma_start3A_504 = arith.constant 0 : i32
      %dma_start3A_505 = tpu.memref_slice %arg5[%add3A_500, %dma_start3A_504] : memref<16384x1024xf32, #tpu.memory_space<hbm>> -> memref<4x1024xf32, #tpu.memory_space<hbm>>
      %dma_start3A_506 = arith.constant 0 : i32
      %dma_start3A_507 = tpu.memref_slice %arg5[%add3A_500, %dma_start3A_506] : memref<16384x1024xf32, #tpu.memory_space<hbm>> -> memref<4x1024xf32, #tpu.memory_space<hbm>>
      %dma_start3A_508 = arith.constant 8 : i32
      %dma_start3A_509 = arith.constant 0 : i32
      %dma_start3A_510 = tpu.memref_slice %arg15[%dma_start3A_508, %dma_start3A_509] : memref<16x1024xf32, #tpu.memory_space<vmem>> -> memref<4x1024xf32, #tpu.memory_space<vmem>>
      tpu.enqueue_dma source(%dma_start3A_510 : memref<4x1024xf32, #tpu.memory_space<vmem>>) target(%dma_start3A_507 : memref<4x1024xf32, #tpu.memory_space<hbm>>) target_semaphore(%arg25 : memref<!tpu.dma_semaphore, #tpu.memory_space<semaphore_mem>>)
      %add3A_511 = arith.constant 12288 : i32
      %add3A_512 = arith.addi %add3A_511, %mul3A_2 : i32
      %mul3A_513 = arith.constant 4 : i32
      %mul3A_514 = arith.muli %add3A_422, %mul3A_513 : i32
      %add3A_515 = arith.addi %add3A_512, %mul3A_514 : i32
      %dma_start3A_516 = arith.constant 12 : i32
      %dma_start3A_517 = arith.constant 0 : i32
      %dma_start3A_518 = tpu.memref_slice %arg15[%dma_start3A_516, %dma_start3A_517] : memref<16x1024xf32, #tpu.memory_space<vmem>> -> memref<4x1024xf32, #tpu.memory_space<vmem>>
      %dma_start3A_519 = arith.constant 0 : i32
      %dma_start3A_520 = tpu.memref_slice %arg5[%add3A_515, %dma_start3A_519] : memref<16384x1024xf32, #tpu.memory_space<hbm>> -> memref<4x1024xf32, #tpu.memory_space<hbm>>
      %dma_start3A_521 = arith.constant 0 : i32
      %dma_start3A_522 = tpu.memref_slice %arg5[%add3A_515, %dma_start3A_521] : memref<16384x1024xf32, #tpu.memory_space<hbm>> -> memref<4x1024xf32, #tpu.memory_space<hbm>>
      %dma_start3A_523 = arith.constant 12 : i32
      %dma_start3A_524 = arith.constant 0 : i32
      %dma_start3A_525 = tpu.memref_slice %arg15[%dma_start3A_523, %dma_start3A_524] : memref<16x1024xf32, #tpu.memory_space<vmem>> -> memref<4x1024xf32, #tpu.memory_space<vmem>>
      tpu.enqueue_dma source(%dma_start3A_525 : memref<4x1024xf32, #tpu.memory_space<vmem>>) target(%dma_start3A_522 : memref<4x1024xf32, #tpu.memory_space<hbm>>) target_semaphore(%arg25 : memref<!tpu.dma_semaphore, #tpu.memory_space<semaphore_mem>>)
      %mul3A_526 = arith.constant 4 : i32
      %mul3A_527 = arith.muli %mul3A_526, %scan3A_209 : i32
      %add3A_528 = arith.constant 3 : i32
      %add3A_529 = arith.addi %mul3A_527, %add3A_528 : i32
      %add3A_530 = arith.constant 4 : i32
      %add3A_531 = arith.addi %add3A_529, %add3A_530 : i32
      %sub3A_532 = arith.constant 1 : i32
      %sub3A_533 = arith.subi %add3A_531, %sub3A_532 : i32
      %lt3A_534 = arith.constant 32 : i32
      %lt3A_535 = arith.cmpi slt, %sub3A_533, %lt3A_534 : i32
      %convert_element_type3A_536 = arith.extui %lt3A_535 : i1 to i32
      %cond3A_537 = arith.constant 0 : i32
      %cond3A_538 = arith.cmpi ne, %convert_element_type3A_536, %cond3A_537 : i32
      scf.if %cond3A_538 {
        %add3A_634 = arith.constant 4 : i32
        %add3A_635 = arith.addi %add3A_529, %add3A_634 : i32
        %sub3A_636 = arith.constant 1 : i32
        %sub3A_637 = arith.subi %add3A_635, %sub3A_636 : i32
        %dma_start3A_638 = arith.constant 0 : i32
        %dma_start3A_639 = arith.constant 0 : i32
        %dma_start3A_640 = tpu.memref_slice %arg9[%dma_start3A_638, %dma_start3A_639] : memref<16x1024xf32, #tpu.memory_space<vmem>> -> memref<8x1024xf32, #tpu.memory_space<vmem>>
        %dma_start3A_641 = arith.constant 0 : i32
        %dma_start3A_642 = tpu.memref_slice %arg6[%sub3A_637, %dma_start3A_641] : memref<32x16xi32, #tpu.memory_space<vmem>> -> memref<1x16xi32, #tpu.memory_space<vmem>>
        %dma_start3A_643 = tpu.memref_squeeze %dma_start3A_642 : memref<1x16xi32, #tpu.memory_space<vmem>> -> memref<16xi32, #tpu.memory_space<vmem>>
        %dma_start3A_644 = arith.constant 0 : i32
        %dma_start3A_645 = tpu.memref_slice %dma_start3A_643[%dma_start3A_644] : memref<16xi32, #tpu.memory_space<vmem>> -> memref<8xi32, #tpu.memory_space<vmem>>
        %dma_start3A_646 = arith.constant 0 : i32
        %dma_start3A_647 = arith.constant 0 : i32
        %dma_start3A_648 = tpu.memref_slice %arg3[%dma_start3A_646, %dma_start3A_647] : memref<100000x1024xf32, #tpu.memory_space<hbm>> -> memref<100000x1024xf32, #tpu.memory_space<hbm>>
        tpu.enqueue_indirect_dma source(%dma_start3A_648 : memref<100000x1024xf32, #tpu.memory_space<hbm>>) target(%dma_start3A_640 : memref<8x1024xf32, #tpu.memory_space<vmem>>) offsets(%dma_start3A_645 : memref<8xi32, #tpu.memory_space<vmem>>) semaphore(%arg19 : memref<!tpu.dma_semaphore, #tpu.memory_space<semaphore_mem>>)
        %dma_start3A_649 = arith.constant 8 : i32
        %dma_start3A_650 = arith.constant 0 : i32
        %dma_start3A_651 = tpu.memref_slice %arg9[%dma_start3A_649, %dma_start3A_650] : memref<16x1024xf32, #tpu.memory_space<vmem>> -> memref<8x1024xf32, #tpu.memory_space<vmem>>
        %dma_start3A_652 = arith.constant 0 : i32
        %dma_start3A_653 = tpu.memref_slice %arg6[%sub3A_637, %dma_start3A_652] : memref<32x16xi32, #tpu.memory_space<vmem>> -> memref<1x16xi32, #tpu.memory_space<vmem>>
        %dma_start3A_654 = tpu.memref_squeeze %dma_start3A_653 : memref<1x16xi32, #tpu.memory_space<vmem>> -> memref<16xi32, #tpu.memory_space<vmem>>
        %dma_start3A_655 = arith.constant 8 : i32
        %dma_start3A_656 = tpu.memref_slice %dma_start3A_654[%dma_start3A_655] : memref<16xi32, #tpu.memory_space<vmem>> -> memref<8xi32, #tpu.memory_space<vmem>>
        %dma_start3A_657 = arith.constant 0 : i32
        %dma_start3A_658 = arith.constant 0 : i32
        %dma_start3A_659 = tpu.memref_slice %arg3[%dma_start3A_657, %dma_start3A_658] : memref<100000x1024xf32, #tpu.memory_space<hbm>> -> memref<100000x1024xf32, #tpu.memory_space<hbm>>
        tpu.enqueue_indirect_dma source(%dma_start3A_659 : memref<100000x1024xf32, #tpu.memory_space<hbm>>) target(%dma_start3A_651 : memref<8x1024xf32, #tpu.memory_space<vmem>>) offsets(%dma_start3A_656 : memref<8xi32, #tpu.memory_space<vmem>>) semaphore(%arg29 : memref<!tpu.dma_semaphore, #tpu.memory_space<semaphore_mem>>)
        %mul3A_660 = arith.constant 4 : i32
        %mul3A_661 = arith.muli %sub3A_637, %mul3A_660 : i32
        %add3A_662 = arith.addi %mul3A_2, %mul3A_661 : i32
        %dma_start3A_663 = arith.constant 0 : i32
        %dma_start3A_664 = tpu.memref_slice %arg4[%add3A_662, %dma_start3A_663] : memref<4096x1024xf32, #tpu.memory_space<hbm>> -> memref<4x1024xf32, #tpu.memory_space<hbm>>
        %dma_start3A_665 = arith.constant 0 : i32
        %dma_start3A_666 = tpu.memref_slice %arg4[%add3A_662, %dma_start3A_665] : memref<4096x1024xf32, #tpu.memory_space<hbm>> -> memref<4x1024xf32, #tpu.memory_space<hbm>>
        tpu.enqueue_dma source(%dma_start3A_666 : memref<4x1024xf32, #tpu.memory_space<hbm>>) target(%arg13 : memref<4x1024xf32, #tpu.memory_space<vmem>>) target_semaphore(%arg23 : memref<!tpu.dma_semaphore, #tpu.memory_space<semaphore_mem>>)
      } else {
      }
      %dma_wait3A_539 = arith.constant 0 : i32
      %dma_wait3A_540 = arith.constant 0 : i32
      %dma_wait3A_541 = tpu.memref_slice %arg10[%dma_wait3A_539, %dma_wait3A_540] : memref<16x1024xf32, #tpu.memory_space<vmem>> -> memref<8x1024xf32, #tpu.memory_space<vmem>>
      %dma_wait3A_542 = arith.constant 0 : i32
      %dma_wait3A_543 = tpu.memref_slice %arg6[%add3A_529, %dma_wait3A_542] : memref<32x16xi32, #tpu.memory_space<vmem>> -> memref<1x16xi32, #tpu.memory_space<vmem>>
      %dma_wait3A_544 = tpu.memref_squeeze %dma_wait3A_543 : memref<1x16xi32, #tpu.memory_space<vmem>> -> memref<16xi32, #tpu.memory_space<vmem>>
      %dma_wait3A_545 = arith.constant 0 : i32
      %dma_wait3A_546 = tpu.memref_slice %dma_wait3A_544[%dma_wait3A_545] : memref<16xi32, #tpu.memory_space<vmem>> -> memref<8xi32, #tpu.memory_space<vmem>>
      %dma_wait3A_547 = arith.constant 0 : i32
      %dma_wait3A_548 = arith.constant 0 : i32
      %dma_wait3A_549 = tpu.memref_slice %arg3[%dma_wait3A_547, %dma_wait3A_548] : memref<100000x1024xf32, #tpu.memory_space<hbm>> -> memref<100000x1024xf32, #tpu.memory_space<hbm>>
      tpu.wait_indirect_dma semaphore(%arg20 : memref<!tpu.dma_semaphore, #tpu.memory_space<semaphore_mem>>) src(%dma_wait3A_549 : memref<100000x1024xf32, #tpu.memory_space<hbm>>) dst(%dma_wait3A_541 : memref<8x1024xf32, #tpu.memory_space<vmem>>)
      %dma_wait3A_550 = arith.constant 8 : i32
      %dma_wait3A_551 = arith.constant 0 : i32
      %dma_wait3A_552 = tpu.memref_slice %arg10[%dma_wait3A_550, %dma_wait3A_551] : memref<16x1024xf32, #tpu.memory_space<vmem>> -> memref<8x1024xf32, #tpu.memory_space<vmem>>
      %dma_wait3A_553 = arith.constant 0 : i32
      %dma_wait3A_554 = tpu.memref_slice %arg6[%add3A_529, %dma_wait3A_553] : memref<32x16xi32, #tpu.memory_space<vmem>> -> memref<1x16xi32, #tpu.memory_space<vmem>>
      %dma_wait3A_555 = tpu.memref_squeeze %dma_wait3A_554 : memref<1x16xi32, #tpu.memory_space<vmem>> -> memref<16xi32, #tpu.memory_space<vmem>>
      %dma_wait3A_556 = arith.constant 8 : i32
      %dma_wait3A_557 = tpu.memref_slice %dma_wait3A_555[%dma_wait3A_556] : memref<16xi32, #tpu.memory_space<vmem>> -> memref<8xi32, #tpu.memory_space<vmem>>
      %dma_wait3A_558 = arith.constant 0 : i32
      %dma_wait3A_559 = arith.constant 0 : i32
      %dma_wait3A_560 = tpu.memref_slice %arg3[%dma_wait3A_558, %dma_wait3A_559] : memref<100000x1024xf32, #tpu.memory_space<hbm>> -> memref<100000x1024xf32, #tpu.memory_space<hbm>>
      tpu.wait_indirect_dma semaphore(%arg30 : memref<!tpu.dma_semaphore, #tpu.memory_space<semaphore_mem>>) src(%dma_wait3A_560 : memref<100000x1024xf32, #tpu.memory_space<hbm>>) dst(%dma_wait3A_552 : memref<8x1024xf32, #tpu.memory_space<vmem>>)
      %dma_wait3A_561 = arith.constant 0 : i32
      %dma_wait3A_562 = tpu.memref_slice %arg4[%mul3A_2, %dma_wait3A_561] : memref<4096x1024xf32, #tpu.memory_space<hbm>> -> memref<4x1024xf32, #tpu.memory_space<hbm>>
      %dma_wait3A_563 = arith.constant 0 : i32
      %dma_wait3A_564 = tpu.memref_slice %arg4[%mul3A_2, %dma_wait3A_563] : memref<4096x1024xf32, #tpu.memory_space<hbm>> -> memref<4x1024xf32, #tpu.memory_space<hbm>>
      tpu.wait_dma2 semaphore(%arg24 : memref<!tpu.dma_semaphore, #tpu.memory_space<semaphore_mem>>) src(%dma_wait3A_564 : memref<4x1024xf32, #tpu.memory_space<hbm>>) dst(%arg14 : memref<4x1024xf32, #tpu.memory_space<vmem>>)
      %ge3A_565 = arith.constant 2 : i32
      %ge3A_566 = arith.cmpi sge, %add3A_529, %ge3A_565 : i32
      %convert_element_type3A_567 = arith.extui %ge3A_566 : i1 to i32
      %cond3A_568 = arith.constant 0 : i32
      %cond3A_569 = arith.cmpi ne, %convert_element_type3A_567, %cond3A_568 : i32
      scf.if %cond3A_569 {
        %sub3A_634 = arith.constant 2 : i32
        %sub3A_635 = arith.subi %add3A_529, %sub3A_634 : i32
        %add3A_636 = arith.constant 0 : i32
        %add3A_637 = arith.addi %add3A_636, %mul3A_2 : i32
        %mul3A_638 = arith.constant 4 : i32
        %mul3A_639 = arith.muli %sub3A_635, %mul3A_638 : i32
        %add3A_640 = arith.addi %add3A_637, %mul3A_639 : i32
        %dma_wait3A_641 = arith.constant 0 : i32
        %dma_wait3A_642 = arith.constant 0 : i32
        %dma_wait3A_643 = tpu.memref_slice %arg16[%dma_wait3A_641, %dma_wait3A_642] : memref<16x1024xf32, #tpu.memory_space<vmem>> -> memref<4x1024xf32, #tpu.memory_space<vmem>>
        %dma_wait3A_644 = arith.constant 0 : i32
        %dma_wait3A_645 = tpu.memref_slice %arg5[%add3A_640, %dma_wait3A_644] : memref<16384x1024xf32, #tpu.memory_space<hbm>> -> memref<4x1024xf32, #tpu.memory_space<hbm>>
        %dma_wait3A_646 = arith.constant 0 : i32
        %dma_wait3A_647 = tpu.memref_slice %arg5[%add3A_640, %dma_wait3A_646] : memref<16384x1024xf32, #tpu.memory_space<hbm>> -> memref<4x1024xf32, #tpu.memory_space<hbm>>
        %dma_wait3A_648 = arith.constant 0 : i32
        %dma_wait3A_649 = arith.constant 0 : i32
        %dma_wait3A_650 = tpu.memref_slice %arg16[%dma_wait3A_648, %dma_wait3A_649] : memref<16x1024xf32, #tpu.memory_space<vmem>> -> memref<4x1024xf32, #tpu.memory_space<vmem>>
        tpu.wait_dma2 semaphore(%arg26 : memref<!tpu.dma_semaphore, #tpu.memory_space<semaphore_mem>>) src(%dma_wait3A_650 : memref<4x1024xf32, #tpu.memory_space<vmem>>) dst(%dma_wait3A_647 : memref<4x1024xf32, #tpu.memory_space<hbm>>)
        %add3A_651 = arith.constant 4096 : i32
        %add3A_652 = arith.addi %add3A_651, %mul3A_2 : i32
        %mul3A_653 = arith.constant 4 : i32
        %mul3A_654 = arith.muli %sub3A_635, %mul3A_653 : i32
        %add3A_655 = arith.addi %add3A_652, %mul3A_654 : i32
        %dma_wait3A_656 = arith.constant 4 : i32
        %dma_wait3A_657 = arith.constant 0 : i32
        %dma_wait3A_658 = tpu.memref_slice %arg16[%dma_wait3A_656, %dma_wait3A_657] : memref<16x1024xf32, #tpu.memory_space<vmem>> -> memref<4x1024xf32, #tpu.memory_space<vmem>>
        %dma_wait3A_659 = arith.constant 0 : i32
        %dma_wait3A_660 = tpu.memref_slice %arg5[%add3A_655, %dma_wait3A_659] : memref<16384x1024xf32, #tpu.memory_space<hbm>> -> memref<4x1024xf32, #tpu.memory_space<hbm>>
        %dma_wait3A_661 = arith.constant 0 : i32
        %dma_wait3A_662 = tpu.memref_slice %arg5[%add3A_655, %dma_wait3A_661] : memref<16384x1024xf32, #tpu.memory_space<hbm>> -> memref<4x1024xf32, #tpu.memory_space<hbm>>
        %dma_wait3A_663 = arith.constant 4 : i32
        %dma_wait3A_664 = arith.constant 0 : i32
        %dma_wait3A_665 = tpu.memref_slice %arg16[%dma_wait3A_663, %dma_wait3A_664] : memref<16x1024xf32, #tpu.memory_space<vmem>> -> memref<4x1024xf32, #tpu.memory_space<vmem>>
        tpu.wait_dma2 semaphore(%arg26 : memref<!tpu.dma_semaphore, #tpu.memory_space<semaphore_mem>>) src(%dma_wait3A_665 : memref<4x1024xf32, #tpu.memory_space<vmem>>) dst(%dma_wait3A_662 : memref<4x1024xf32, #tpu.memory_space<hbm>>)
        %add3A_666 = arith.constant 8192 : i32
        %add3A_667 = arith.addi %add3A_666, %mul3A_2 : i32
        %mul3A_668 = arith.constant 4 : i32
        %mul3A_669 = arith.muli %sub3A_635, %mul3A_668 : i32
        %add3A_670 = arith.addi %add3A_667, %mul3A_669 : i32
        %dma_wait3A_671 = arith.constant 8 : i32
        %dma_wait3A_672 = arith.constant 0 : i32
        %dma_wait3A_673 = tpu.memref_slice %arg16[%dma_wait3A_671, %dma_wait3A_672] : memref<16x1024xf32, #tpu.memory_space<vmem>> -> memref<4x1024xf32, #tpu.memory_space<vmem>>
        %dma_wait3A_674 = arith.constant 0 : i32
        %dma_wait3A_675 = tpu.memref_slice %arg5[%add3A_670, %dma_wait3A_674] : memref<16384x1024xf32, #tpu.memory_space<hbm>> -> memref<4x1024xf32, #tpu.memory_space<hbm>>
        %dma_wait3A_676 = arith.constant 0 : i32
        %dma_wait3A_677 = tpu.memref_slice %arg5[%add3A_670, %dma_wait3A_676] : memref<16384x1024xf32, #tpu.memory_space<hbm>> -> memref<4x1024xf32, #tpu.memory_space<hbm>>
        %dma_wait3A_678 = arith.constant 8 : i32
        %dma_wait3A_679 = arith.constant 0 : i32
        %dma_wait3A_680 = tpu.memref_slice %arg16[%dma_wait3A_678, %dma_wait3A_679] : memref<16x1024xf32, #tpu.memory_space<vmem>> -> memref<4x1024xf32, #tpu.memory_space<vmem>>
        tpu.wait_dma2 semaphore(%arg26 : memref<!tpu.dma_semaphore, #tpu.memory_space<semaphore_mem>>) src(%dma_wait3A_680 : memref<4x1024xf32, #tpu.memory_space<vmem>>) dst(%dma_wait3A_677 : memref<4x1024xf32, #tpu.memory_space<hbm>>)
        %add3A_681 = arith.constant 12288 : i32
        %add3A_682 = arith.addi %add3A_681, %mul3A_2 : i32
        %mul3A_683 = arith.constant 4 : i32
        %mul3A_684 = arith.muli %sub3A_635, %mul3A_683 : i32
        %add3A_685 = arith.addi %add3A_682, %mul3A_684 : i32
        %dma_wait3A_686 = arith.constant 12 : i32
        %dma_wait3A_687 = arith.constant 0 : i32
        %dma_wait3A_688 = tpu.memref_slice %arg16[%dma_wait3A_686, %dma_wait3A_687] : memref<16x1024xf32, #tpu.memory_space<vmem>> -> memref<4x1024xf32, #tpu.memory_space<vmem>>
        %dma_wait3A_689 = arith.constant 0 : i32
        %dma_wait3A_690 = tpu.memref_slice %arg5[%add3A_685, %dma_wait3A_689] : memref<16384x1024xf32, #tpu.memory_space<hbm>> -> memref<4x1024xf32, #tpu.memory_space<hbm>>
        %dma_wait3A_691 = arith.constant 0 : i32
        %dma_wait3A_692 = tpu.memref_slice %arg5[%add3A_685, %dma_wait3A_691] : memref<16384x1024xf32, #tpu.memory_space<hbm>> -> memref<4x1024xf32, #tpu.memory_space<hbm>>
        %dma_wait3A_693 = arith.constant 12 : i32
        %dma_wait3A_694 = arith.constant 0 : i32
        %dma_wait3A_695 = tpu.memref_slice %arg16[%dma_wait3A_693, %dma_wait3A_694] : memref<16x1024xf32, #tpu.memory_space<vmem>> -> memref<4x1024xf32, #tpu.memory_space<vmem>>
        tpu.wait_dma2 semaphore(%arg26 : memref<!tpu.dma_semaphore, #tpu.memory_space<semaphore_mem>>) src(%dma_wait3A_695 : memref<4x1024xf32, #tpu.memory_space<vmem>>) dst(%dma_wait3A_692 : memref<4x1024xf32, #tpu.memory_space<hbm>>)
      } else {
      }
      %parallel_loop3A_570 = arith.constant 0 : i32
      %parallel_loop3A_571 = arith.constant 64 : i32
      %parallel_loop3A_572 = arith.constant 1 : i32
      scf.for %parallel_loop3A_634 = %parallel_loop3A_570 to %parallel_loop3A_571 step %parallel_loop3A_572  : i32 {
        %parallel_loop3A_635 = arith.constant 16 : i32
        %parallel_loop3A_636 = arith.muli %parallel_loop3A_634, %parallel_loop3A_635 : i32
        %parallel_loop3A_637 = tpu.assume_multiple %parallel_loop3A_636, 16 : i32
        %parallel_loop3A_638 = arith.constant 0 : i32
        %parallel_loop3A_639 = arith.index_cast %parallel_loop3A_638 : i32 to index
        %parallel_loop3A_640 = arith.index_cast %parallel_loop3A_637 : i32 to index
        %parallel_loop3A_641 = tpu.vector_load %arg14[%parallel_loop3A_639, %parallel_loop3A_640] {strides = array<i32>} : memref<4x1024xf32, #tpu.memory_space<vmem>>, vector<1x16xf32>,
        %parallel_loop3A_642 = vector.shape_cast %parallel_loop3A_641 : vector<1x16xf32> to vector<16xf32>
        %parallel_loop3A_643 = arith.constant 0 : i32
        %parallel_loop3A_644 = arith.index_cast %parallel_loop3A_643 : i32 to index
        %parallel_loop3A_645 = arith.index_cast %parallel_loop3A_637 : i32 to index
        %parallel_loop3A_646 = tpu.vector_load %arg10[%parallel_loop3A_644, %parallel_loop3A_645] {strides = array<i32>} : memref<16x1024xf32, #tpu.memory_space<vmem>>, vector<1x16xf32>,
        %parallel_loop3A_647 = vector.shape_cast %parallel_loop3A_646 : vector<1x16xf32> to vector<16xf32>
        %parallel_loop3A_648 = arith.constant 3.200000e+01 : f32
        %parallel_loop3A_649 = vector.broadcast %parallel_loop3A_648 : f32 to vector<16xf32>
        %parallel_loop3A_650 = arith.mulf %parallel_loop3A_647, %parallel_loop3A_649 : vector<16xf32>
        %parallel_loop3A_651 = arith.addf %parallel_loop3A_650, %parallel_loop3A_642 : vector<16xf32>
        %parallel_loop3A_652 = arith.constant 0 : i32
        %parallel_loop3A_653 = arith.index_cast %parallel_loop3A_652 : i32 to index
        %parallel_loop3A_654 = arith.index_cast %parallel_loop3A_637 : i32 to index
        %parallel_loop3A_655 = tpu.vector_load %arg16[%parallel_loop3A_653, %parallel_loop3A_654] {strides = array<i32>} : memref<16x1024xf32, #tpu.memory_space<vmem>>, vector<1x16xf32>,
        %parallel_loop3A_656 = vector.shape_cast %parallel_loop3A_655 : vector<1x16xf32> to vector<16xf32>
        %parallel_loop3A_657 = vector.shape_cast %parallel_loop3A_651 : vector<16xf32> to vector<1x16xf32>
        tpu.vector_store %arg16[%parallel_loop3A_653, %parallel_loop3A_654], %parallel_loop3A_657 {strides = array<i32>} : memref<16x1024xf32, #tpu.memory_space<vmem>>, vector<1x16xf32>,
        %parallel_loop3A_658 = arith.constant 4 : i32
        %parallel_loop3A_659 = arith.index_cast %parallel_loop3A_658 : i32 to index
        %parallel_loop3A_660 = arith.index_cast %parallel_loop3A_637 : i32 to index
        %parallel_loop3A_661 = tpu.vector_load %arg10[%parallel_loop3A_659, %parallel_loop3A_660] {strides = array<i32>} : memref<16x1024xf32, #tpu.memory_space<vmem>>, vector<1x16xf32>,
        %parallel_loop3A_662 = vector.shape_cast %parallel_loop3A_661 : vector<1x16xf32> to vector<16xf32>
        %parallel_loop3A_663 = arith.constant 3.200000e+01 : f32
        %parallel_loop3A_664 = vector.broadcast %parallel_loop3A_663 : f32 to vector<16xf32>
        %parallel_loop3A_665 = arith.mulf %parallel_loop3A_662, %parallel_loop3A_664 : vector<16xf32>
        %parallel_loop3A_666 = arith.addf %parallel_loop3A_665, %parallel_loop3A_642 : vector<16xf32>
        %parallel_loop3A_667 = arith.constant 4 : i32
        %parallel_loop3A_668 = arith.index_cast %parallel_loop3A_667 : i32 to index
        %parallel_loop3A_669 = arith.index_cast %parallel_loop3A_637 : i32 to index
        %parallel_loop3A_670 = tpu.vector_load %arg16[%parallel_loop3A_668, %parallel_loop3A_669] {strides = array<i32>} : memref<16x1024xf32, #tpu.memory_space<vmem>>, vector<1x16xf32>,
        %parallel_loop3A_671 = vector.shape_cast %parallel_loop3A_670 : vector<1x16xf32> to vector<16xf32>
        %parallel_loop3A_672 = vector.shape_cast %parallel_loop3A_666 : vector<16xf32> to vector<1x16xf32>
        tpu.vector_store %arg16[%parallel_loop3A_668, %parallel_loop3A_669], %parallel_loop3A_672 {strides = array<i32>} : memref<16x1024xf32, #tpu.memory_space<vmem>>, vector<1x16xf32>,
        %parallel_loop3A_673 = arith.constant 8 : i32
        %parallel_loop3A_674 = arith.index_cast %parallel_loop3A_673 : i32 to index
        %parallel_loop3A_675 = arith.index_cast %parallel_loop3A_637 : i32 to index
        %parallel_loop3A_676 = tpu.vector_load %arg10[%parallel_loop3A_674, %parallel_loop3A_675] {strides = array<i32>} : memref<16x1024xf32, #tpu.memory_space<vmem>>, vector<1x16xf32>,
        %parallel_loop3A_677 = vector.shape_cast %parallel_loop3A_676 : vector<1x16xf32> to vector<16xf32>
        %parallel_loop3A_678 = arith.constant 3.200000e+01 : f32
        %parallel_loop3A_679 = vector.broadcast %parallel_loop3A_678 : f32 to vector<16xf32>
        %parallel_loop3A_680 = arith.mulf %parallel_loop3A_677, %parallel_loop3A_679 : vector<16xf32>
        %parallel_loop3A_681 = arith.addf %parallel_loop3A_680, %parallel_loop3A_642 : vector<16xf32>
        %parallel_loop3A_682 = arith.constant 8 : i32
        %parallel_loop3A_683 = arith.index_cast %parallel_loop3A_682 : i32 to index
        %parallel_loop3A_684 = arith.index_cast %parallel_loop3A_637 : i32 to index
        %parallel_loop3A_685 = tpu.vector_load %arg16[%parallel_loop3A_683, %parallel_loop3A_684] {strides = array<i32>} : memref<16x1024xf32, #tpu.memory_space<vmem>>, vector<1x16xf32>,
        %parallel_loop3A_686 = vector.shape_cast %parallel_loop3A_685 : vector<1x16xf32> to vector<16xf32>
        %parallel_loop3A_687 = vector.shape_cast %parallel_loop3A_681 : vector<16xf32> to vector<1x16xf32>
        tpu.vector_store %arg16[%parallel_loop3A_683, %parallel_loop3A_684], %parallel_loop3A_687 {strides = array<i32>} : memref<16x1024xf32, #tpu.memory_space<vmem>>, vector<1x16xf32>,
        %parallel_loop3A_688 = arith.constant 12 : i32
        %parallel_loop3A_689 = arith.index_cast %parallel_loop3A_688 : i32 to index
        %parallel_loop3A_690 = arith.index_cast %parallel_loop3A_637 : i32 to index
        %parallel_loop3A_691 = tpu.vector_load %arg10[%parallel_loop3A_689, %parallel_loop3A_690] {strides = array<i32>} : memref<16x1024xf32, #tpu.memory_space<vmem>>, vector<1x16xf32>,
        %parallel_loop3A_692 = vector.shape_cast %parallel_loop3A_691 : vector<1x16xf32> to vector<16xf32>
        %parallel_loop3A_693 = arith.constant 3.200000e+01 : f32
        %parallel_loop3A_694 = vector.broadcast %parallel_loop3A_693 : f32 to vector<16xf32>
        %parallel_loop3A_695 = arith.mulf %parallel_loop3A_692, %parallel_loop3A_694 : vector<16xf32>
        %parallel_loop3A_696 = arith.addf %parallel_loop3A_695, %parallel_loop3A_642 : vector<16xf32>
        %parallel_loop3A_697 = arith.constant 12 : i32
        %parallel_loop3A_698 = arith.index_cast %parallel_loop3A_697 : i32 to index
        %parallel_loop3A_699 = arith.index_cast %parallel_loop3A_637 : i32 to index
        %parallel_loop3A_700 = tpu.vector_load %arg16[%parallel_loop3A_698, %parallel_loop3A_699] {strides = array<i32>} : memref<16x1024xf32, #tpu.memory_space<vmem>>, vector<1x16xf32>,
        %parallel_loop3A_701 = vector.shape_cast %parallel_loop3A_700 : vector<1x16xf32> to vector<16xf32>
        %parallel_loop3A_702 = vector.shape_cast %parallel_loop3A_696 : vector<16xf32> to vector<1x16xf32>
        tpu.vector_store %arg16[%parallel_loop3A_698, %parallel_loop3A_699], %parallel_loop3A_702 {strides = array<i32>} : memref<16x1024xf32, #tpu.memory_space<vmem>>, vector<1x16xf32>,
        %parallel_loop3A_703 = arith.constant 1 : i32
        %parallel_loop3A_704 = arith.index_cast %parallel_loop3A_703 : i32 to index
        %parallel_loop3A_705 = arith.index_cast %parallel_loop3A_637 : i32 to index
        %parallel_loop3A_706 = tpu.vector_load %arg14[%parallel_loop3A_704, %parallel_loop3A_705] {strides = array<i32>} : memref<4x1024xf32, #tpu.memory_space<vmem>>, vector<1x16xf32>,
        %parallel_loop3A_707 = vector.shape_cast %parallel_loop3A_706 : vector<1x16xf32> to vector<16xf32>
        %parallel_loop3A_708 = arith.constant 1 : i32
        %parallel_loop3A_709 = arith.index_cast %parallel_loop3A_708 : i32 to index
        %parallel_loop3A_710 = arith.index_cast %parallel_loop3A_637 : i32 to index
        %parallel_loop3A_711 = tpu.vector_load %arg10[%parallel_loop3A_709, %parallel_loop3A_710] {strides = array<i32>} : memref<16x1024xf32, #tpu.memory_space<vmem>>, vector<1x16xf32>,
        %parallel_loop3A_712 = vector.shape_cast %parallel_loop3A_711 : vector<1x16xf32> to vector<16xf32>
        %parallel_loop3A_713 = arith.constant 3.200000e+01 : f32
        %parallel_loop3A_714 = vector.broadcast %parallel_loop3A_713 : f32 to vector<16xf32>
        %parallel_loop3A_715 = arith.mulf %parallel_loop3A_712, %parallel_loop3A_714 : vector<16xf32>
        %parallel_loop3A_716 = arith.addf %parallel_loop3A_715, %parallel_loop3A_707 : vector<16xf32>
        %parallel_loop3A_717 = arith.constant 1 : i32
        %parallel_loop3A_718 = arith.index_cast %parallel_loop3A_717 : i32 to index
        %parallel_loop3A_719 = arith.index_cast %parallel_loop3A_637 : i32 to index
        %parallel_loop3A_720 = tpu.vector_load %arg16[%parallel_loop3A_718, %parallel_loop3A_719] {strides = array<i32>} : memref<16x1024xf32, #tpu.memory_space<vmem>>, vector<1x16xf32>,
        %parallel_loop3A_721 = vector.shape_cast %parallel_loop3A_720 : vector<1x16xf32> to vector<16xf32>
        %parallel_loop3A_722 = vector.shape_cast %parallel_loop3A_716 : vector<16xf32> to vector<1x16xf32>
        tpu.vector_store %arg16[%parallel_loop3A_718, %parallel_loop3A_719], %parallel_loop3A_722 {strides = array<i32>} : memref<16x1024xf32, #tpu.memory_space<vmem>>, vector<1x16xf32>,
        %parallel_loop3A_723 = arith.constant 5 : i32
        %parallel_loop3A_724 = arith.index_cast %parallel_loop3A_723 : i32 to index
        %parallel_loop3A_725 = arith.index_cast %parallel_loop3A_637 : i32 to index
        %parallel_loop3A_726 = tpu.vector_load %arg10[%parallel_loop3A_724, %parallel_loop3A_725] {strides = array<i32>} : memref<16x1024xf32, #tpu.memory_space<vmem>>, vector<1x16xf32>,
        %parallel_loop3A_727 = vector.shape_cast %parallel_loop3A_726 : vector<1x16xf32> to vector<16xf32>
        %parallel_loop3A_728 = arith.constant 3.200000e+01 : f32
        %parallel_loop3A_729 = vector.broadcast %parallel_loop3A_728 : f32 to vector<16xf32>
        %parallel_loop3A_730 = arith.mulf %parallel_loop3A_727, %parallel_loop3A_729 : vector<16xf32>
        %parallel_loop3A_731 = arith.addf %parallel_loop3A_730, %parallel_loop3A_707 : vector<16xf32>
        %parallel_loop3A_732 = arith.constant 5 : i32
        %parallel_loop3A_733 = arith.index_cast %parallel_loop3A_732 : i32 to index
        %parallel_loop3A_734 = arith.index_cast %parallel_loop3A_637 : i32 to index
        %parallel_loop3A_735 = tpu.vector_load %arg16[%parallel_loop3A_733, %parallel_loop3A_734] {strides = array<i32>} : memref<16x1024xf32, #tpu.memory_space<vmem>>, vector<1x16xf32>,
        %parallel_loop3A_736 = vector.shape_cast %parallel_loop3A_735 : vector<1x16xf32> to vector<16xf32>
        %parallel_loop3A_737 = vector.shape_cast %parallel_loop3A_731 : vector<16xf32> to vector<1x16xf32>
        tpu.vector_store %arg16[%parallel_loop3A_733, %parallel_loop3A_734], %parallel_loop3A_737 {strides = array<i32>} : memref<16x1024xf32, #tpu.memory_space<vmem>>, vector<1x16xf32>,
        %parallel_loop3A_738 = arith.constant 9 : i32
        %parallel_loop3A_739 = arith.index_cast %parallel_loop3A_738 : i32 to index
        %parallel_loop3A_740 = arith.index_cast %parallel_loop3A_637 : i32 to index
        %parallel_loop3A_741 = tpu.vector_load %arg10[%parallel_loop3A_739, %parallel_loop3A_740] {strides = array<i32>} : memref<16x1024xf32, #tpu.memory_space<vmem>>, vector<1x16xf32>,
        %parallel_loop3A_742 = vector.shape_cast %parallel_loop3A_741 : vector<1x16xf32> to vector<16xf32>
        %parallel_loop3A_743 = arith.constant 3.200000e+01 : f32
        %parallel_loop3A_744 = vector.broadcast %parallel_loop3A_743 : f32 to vector<16xf32>
        %parallel_loop3A_745 = arith.mulf %parallel_loop3A_742, %parallel_loop3A_744 : vector<16xf32>
        %parallel_loop3A_746 = arith.addf %parallel_loop3A_745, %parallel_loop3A_707 : vector<16xf32>
        %parallel_loop3A_747 = arith.constant 9 : i32
        %parallel_loop3A_748 = arith.index_cast %parallel_loop3A_747 : i32 to index
        %parallel_loop3A_749 = arith.index_cast %parallel_loop3A_637 : i32 to index
        %parallel_loop3A_750 = tpu.vector_load %arg16[%parallel_loop3A_748, %parallel_loop3A_749] {strides = array<i32>} : memref<16x1024xf32, #tpu.memory_space<vmem>>, vector<1x16xf32>,
        %parallel_loop3A_751 = vector.shape_cast %parallel_loop3A_750 : vector<1x16xf32> to vector<16xf32>
        %parallel_loop3A_752 = vector.shape_cast %parallel_loop3A_746 : vector<16xf32> to vector<1x16xf32>
        tpu.vector_store %arg16[%parallel_loop3A_748, %parallel_loop3A_749], %parallel_loop3A_752 {strides = array<i32>} : memref<16x1024xf32, #tpu.memory_space<vmem>>, vector<1x16xf32>,
        %parallel_loop3A_753 = arith.constant 13 : i32
        %parallel_loop3A_754 = arith.index_cast %parallel_loop3A_753 : i32 to index
        %parallel_loop3A_755 = arith.index_cast %parallel_loop3A_637 : i32 to index
        %parallel_loop3A_756 = tpu.vector_load %arg10[%parallel_loop3A_754, %parallel_loop3A_755] {strides = array<i32>} : memref<16x1024xf32, #tpu.memory_space<vmem>>, vector<1x16xf32>,
        %parallel_loop3A_757 = vector.shape_cast %parallel_loop3A_756 : vector<1x16xf32> to vector<16xf32>
        %parallel_loop3A_758 = arith.constant 3.200000e+01 : f32
        %parallel_loop3A_759 = vector.broadcast %parallel_loop3A_758 : f32 to vector<16xf32>
        %parallel_loop3A_760 = arith.mulf %parallel_loop3A_757, %parallel_loop3A_759 : vector<16xf32>
        %parallel_loop3A_761 = arith.addf %parallel_loop3A_760, %parallel_loop3A_707 : vector<16xf32>
        %parallel_loop3A_762 = arith.constant 13 : i32
        %parallel_loop3A_763 = arith.index_cast %parallel_loop3A_762 : i32 to index
        %parallel_loop3A_764 = arith.index_cast %parallel_loop3A_637 : i32 to index
        %parallel_loop3A_765 = tpu.vector_load %arg16[%parallel_loop3A_763, %parallel_loop3A_764] {strides = array<i32>} : memref<16x1024xf32, #tpu.memory_space<vmem>>, vector<1x16xf32>,
        %parallel_loop3A_766 = vector.shape_cast %parallel_loop3A_765 : vector<1x16xf32> to vector<16xf32>
        %parallel_loop3A_767 = vector.shape_cast %parallel_loop3A_761 : vector<16xf32> to vector<1x16xf32>
        tpu.vector_store %arg16[%parallel_loop3A_763, %parallel_loop3A_764], %parallel_loop3A_767 {strides = array<i32>} : memref<16x1024xf32, #tpu.memory_space<vmem>>, vector<1x16xf32>,
        %parallel_loop3A_768 = arith.constant 2 : i32
        %parallel_loop3A_769 = arith.index_cast %parallel_loop3A_768 : i32 to index
        %parallel_loop3A_770 = arith.index_cast %parallel_loop3A_637 : i32 to index
        %parallel_loop3A_771 = tpu.vector_load %arg14[%parallel_loop3A_769, %parallel_loop3A_770] {strides = array<i32>} : memref<4x1024xf32, #tpu.memory_space<vmem>>, vector<1x16xf32>,
        %parallel_loop3A_772 = vector.shape_cast %parallel_loop3A_771 : vector<1x16xf32> to vector<16xf32>
        %parallel_loop3A_773 = arith.constant 2 : i32
        %parallel_loop3A_774 = arith.index_cast %parallel_loop3A_773 : i32 to index
        %parallel_loop3A_775 = arith.index_cast %parallel_loop3A_637 : i32 to index
        %parallel_loop3A_776 = tpu.vector_load %arg10[%parallel_loop3A_774, %parallel_loop3A_775] {strides = array<i32>} : memref<16x1024xf32, #tpu.memory_space<vmem>>, vector<1x16xf32>,
        %parallel_loop3A_777 = vector.shape_cast %parallel_loop3A_776 : vector<1x16xf32> to vector<16xf32>
        %parallel_loop3A_778 = arith.constant 3.200000e+01 : f32
        %parallel_loop3A_779 = vector.broadcast %parallel_loop3A_778 : f32 to vector<16xf32>
        %parallel_loop3A_780 = arith.mulf %parallel_loop3A_777, %parallel_loop3A_779 : vector<16xf32>
        %parallel_loop3A_781 = arith.addf %parallel_loop3A_780, %parallel_loop3A_772 : vector<16xf32>
        %parallel_loop3A_782 = arith.constant 2 : i32
        %parallel_loop3A_783 = arith.index_cast %parallel_loop3A_782 : i32 to index
        %parallel_loop3A_784 = arith.index_cast %parallel_loop3A_637 : i32 to index
        %parallel_loop3A_785 = tpu.vector_load %arg16[%parallel_loop3A_783, %parallel_loop3A_784] {strides = array<i32>} : memref<16x1024xf32, #tpu.memory_space<vmem>>, vector<1x16xf32>,
        %parallel_loop3A_786 = vector.shape_cast %parallel_loop3A_785 : vector<1x16xf32> to vector<16xf32>
        %parallel_loop3A_787 = vector.shape_cast %parallel_loop3A_781 : vector<16xf32> to vector<1x16xf32>
        tpu.vector_store %arg16[%parallel_loop3A_783, %parallel_loop3A_784], %parallel_loop3A_787 {strides = array<i32>} : memref<16x1024xf32, #tpu.memory_space<vmem>>, vector<1x16xf32>,
        %parallel_loop3A_788 = arith.constant 6 : i32
        %parallel_loop3A_789 = arith.index_cast %parallel_loop3A_788 : i32 to index
        %parallel_loop3A_790 = arith.index_cast %parallel_loop3A_637 : i32 to index
        %parallel_loop3A_791 = tpu.vector_load %arg10[%parallel_loop3A_789, %parallel_loop3A_790] {strides = array<i32>} : memref<16x1024xf32, #tpu.memory_space<vmem>>, vector<1x16xf32>,
        %parallel_loop3A_792 = vector.shape_cast %parallel_loop3A_791 : vector<1x16xf32> to vector<16xf32>
        %parallel_loop3A_793 = arith.constant 3.200000e+01 : f32
        %parallel_loop3A_794 = vector.broadcast %parallel_loop3A_793 : f32 to vector<16xf32>
        %parallel_loop3A_795 = arith.mulf %parallel_loop3A_792, %parallel_loop3A_794 : vector<16xf32>
        %parallel_loop3A_796 = arith.addf %parallel_loop3A_795, %parallel_loop3A_772 : vector<16xf32>
        %parallel_loop3A_797 = arith.constant 6 : i32
        %parallel_loop3A_798 = arith.index_cast %parallel_loop3A_797 : i32 to index
        %parallel_loop3A_799 = arith.index_cast %parallel_loop3A_637 : i32 to index
        %parallel_loop3A_800 = tpu.vector_load %arg16[%parallel_loop3A_798, %parallel_loop3A_799] {strides = array<i32>} : memref<16x1024xf32, #tpu.memory_space<vmem>>, vector<1x16xf32>,
        %parallel_loop3A_801 = vector.shape_cast %parallel_loop3A_800 : vector<1x16xf32> to vector<16xf32>
        %parallel_loop3A_802 = vector.shape_cast %parallel_loop3A_796 : vector<16xf32> to vector<1x16xf32>
        tpu.vector_store %arg16[%parallel_loop3A_798, %parallel_loop3A_799], %parallel_loop3A_802 {strides = array<i32>} : memref<16x1024xf32, #tpu.memory_space<vmem>>, vector<1x16xf32>,
        %parallel_loop3A_803 = arith.constant 10 : i32
        %parallel_loop3A_804 = arith.index_cast %parallel_loop3A_803 : i32 to index
        %parallel_loop3A_805 = arith.index_cast %parallel_loop3A_637 : i32 to index
        %parallel_loop3A_806 = tpu.vector_load %arg10[%parallel_loop3A_804, %parallel_loop3A_805] {strides = array<i32>} : memref<16x1024xf32, #tpu.memory_space<vmem>>, vector<1x16xf32>,
        %parallel_loop3A_807 = vector.shape_cast %parallel_loop3A_806 : vector<1x16xf32> to vector<16xf32>
        %parallel_loop3A_808 = arith.constant 3.200000e+01 : f32
        %parallel_loop3A_809 = vector.broadcast %parallel_loop3A_808 : f32 to vector<16xf32>
        %parallel_loop3A_810 = arith.mulf %parallel_loop3A_807, %parallel_loop3A_809 : vector<16xf32>
        %parallel_loop3A_811 = arith.addf %parallel_loop3A_810, %parallel_loop3A_772 : vector<16xf32>
        %parallel_loop3A_812 = arith.constant 10 : i32
        %parallel_loop3A_813 = arith.index_cast %parallel_loop3A_812 : i32 to index
        %parallel_loop3A_814 = arith.index_cast %parallel_loop3A_637 : i32 to index
        %parallel_loop3A_815 = tpu.vector_load %arg16[%parallel_loop3A_813, %parallel_loop3A_814] {strides = array<i32>} : memref<16x1024xf32, #tpu.memory_space<vmem>>, vector<1x16xf32>,
        %parallel_loop3A_816 = vector.shape_cast %parallel_loop3A_815 : vector<1x16xf32> to vector<16xf32>
        %parallel_loop3A_817 = vector.shape_cast %parallel_loop3A_811 : vector<16xf32> to vector<1x16xf32>
        tpu.vector_store %arg16[%parallel_loop3A_813, %parallel_loop3A_814], %parallel_loop3A_817 {strides = array<i32>} : memref<16x1024xf32, #tpu.memory_space<vmem>>, vector<1x16xf32>,
        %parallel_loop3A_818 = arith.constant 14 : i32
        %parallel_loop3A_819 = arith.index_cast %parallel_loop3A_818 : i32 to index
        %parallel_loop3A_820 = arith.index_cast %parallel_loop3A_637 : i32 to index
        %parallel_loop3A_821 = tpu.vector_load %arg10[%parallel_loop3A_819, %parallel_loop3A_820] {strides = array<i32>} : memref<16x1024xf32, #tpu.memory_space<vmem>>, vector<1x16xf32>,
        %parallel_loop3A_822 = vector.shape_cast %parallel_loop3A_821 : vector<1x16xf32> to vector<16xf32>
        %parallel_loop3A_823 = arith.constant 3.200000e+01 : f32
        %parallel_loop3A_824 = vector.broadcast %parallel_loop3A_823 : f32 to vector<16xf32>
        %parallel_loop3A_825 = arith.mulf %parallel_loop3A_822, %parallel_loop3A_824 : vector<16xf32>
        %parallel_loop3A_826 = arith.addf %parallel_loop3A_825, %parallel_loop3A_772 : vector<16xf32>
        %parallel_loop3A_827 = arith.constant 14 : i32
        %parallel_loop3A_828 = arith.index_cast %parallel_loop3A_827 : i32 to index
        %parallel_loop3A_829 = arith.index_cast %parallel_loop3A_637 : i32 to index
        %parallel_loop3A_830 = tpu.vector_load %arg16[%parallel_loop3A_828, %parallel_loop3A_829] {strides = array<i32>} : memref<16x1024xf32, #tpu.memory_space<vmem>>, vector<1x16xf32>,
        %parallel_loop3A_831 = vector.shape_cast %parallel_loop3A_830 : vector<1x16xf32> to vector<16xf32>
        %parallel_loop3A_832 = vector.shape_cast %parallel_loop3A_826 : vector<16xf32> to vector<1x16xf32>
        tpu.vector_store %arg16[%parallel_loop3A_828, %parallel_loop3A_829], %parallel_loop3A_832 {strides = array<i32>} : memref<16x1024xf32, #tpu.memory_space<vmem>>, vector<1x16xf32>,
        %parallel_loop3A_833 = arith.constant 3 : i32
        %parallel_loop3A_834 = arith.index_cast %parallel_loop3A_833 : i32 to index
        %parallel_loop3A_835 = arith.index_cast %parallel_loop3A_637 : i32 to index
        %parallel_loop3A_836 = tpu.vector_load %arg14[%parallel_loop3A_834, %parallel_loop3A_835] {strides = array<i32>} : memref<4x1024xf32, #tpu.memory_space<vmem>>, vector<1x16xf32>,
        %parallel_loop3A_837 = vector.shape_cast %parallel_loop3A_836 : vector<1x16xf32> to vector<16xf32>
        %parallel_loop3A_838 = arith.constant 3 : i32
        %parallel_loop3A_839 = arith.index_cast %parallel_loop3A_838 : i32 to index
        %parallel_loop3A_840 = arith.index_cast %parallel_loop3A_637 : i32 to index
        %parallel_loop3A_841 = tpu.vector_load %arg10[%parallel_loop3A_839, %parallel_loop3A_840] {strides = array<i32>} : memref<16x1024xf32, #tpu.memory_space<vmem>>, vector<1x16xf32>,
        %parallel_loop3A_842 = vector.shape_cast %parallel_loop3A_841 : vector<1x16xf32> to vector<16xf32>
        %parallel_loop3A_843 = arith.constant 3.200000e+01 : f32
        %parallel_loop3A_844 = vector.broadcast %parallel_loop3A_843 : f32 to vector<16xf32>
        %parallel_loop3A_845 = arith.mulf %parallel_loop3A_842, %parallel_loop3A_844 : vector<16xf32>
        %parallel_loop3A_846 = arith.addf %parallel_loop3A_845, %parallel_loop3A_837 : vector<16xf32>
        %parallel_loop3A_847 = arith.constant 3 : i32
        %parallel_loop3A_848 = arith.index_cast %parallel_loop3A_847 : i32 to index
        %parallel_loop3A_849 = arith.index_cast %parallel_loop3A_637 : i32 to index
        %parallel_loop3A_850 = tpu.vector_load %arg16[%parallel_loop3A_848, %parallel_loop3A_849] {strides = array<i32>} : memref<16x1024xf32, #tpu.memory_space<vmem>>, vector<1x16xf32>,
        %parallel_loop3A_851 = vector.shape_cast %parallel_loop3A_850 : vector<1x16xf32> to vector<16xf32>
        %parallel_loop3A_852 = vector.shape_cast %parallel_loop3A_846 : vector<16xf32> to vector<1x16xf32>
        tpu.vector_store %arg16[%parallel_loop3A_848, %parallel_loop3A_849], %parallel_loop3A_852 {strides = array<i32>} : memref<16x1024xf32, #tpu.memory_space<vmem>>, vector<1x16xf32>,
        %parallel_loop3A_853 = arith.constant 7 : i32
        %parallel_loop3A_854 = arith.index_cast %parallel_loop3A_853 : i32 to index
        %parallel_loop3A_855 = arith.index_cast %parallel_loop3A_637 : i32 to index
        %parallel_loop3A_856 = tpu.vector_load %arg10[%parallel_loop3A_854, %parallel_loop3A_855] {strides = array<i32>} : memref<16x1024xf32, #tpu.memory_space<vmem>>, vector<1x16xf32>,
        %parallel_loop3A_857 = vector.shape_cast %parallel_loop3A_856 : vector<1x16xf32> to vector<16xf32>
        %parallel_loop3A_858 = arith.constant 3.200000e+01 : f32
        %parallel_loop3A_859 = vector.broadcast %parallel_loop3A_858 : f32 to vector<16xf32>
        %parallel_loop3A_860 = arith.mulf %parallel_loop3A_857, %parallel_loop3A_859 : vector<16xf32>
        %parallel_loop3A_861 = arith.addf %parallel_loop3A_860, %parallel_loop3A_837 : vector<16xf32>
        %parallel_loop3A_862 = arith.constant 7 : i32
        %parallel_loop3A_863 = arith.index_cast %parallel_loop3A_862 : i32 to index
        %parallel_loop3A_864 = arith.index_cast %parallel_loop3A_637 : i32 to index
        %parallel_loop3A_865 = tpu.vector_load %arg16[%parallel_loop3A_863, %parallel_loop3A_864] {strides = array<i32>} : memref<16x1024xf32, #tpu.memory_space<vmem>>, vector<1x16xf32>,
        %parallel_loop3A_866 = vector.shape_cast %parallel_loop3A_865 : vector<1x16xf32> to vector<16xf32>
        %parallel_loop3A_867 = vector.shape_cast %parallel_loop3A_861 : vector<16xf32> to vector<1x16xf32>
        tpu.vector_store %arg16[%parallel_loop3A_863, %parallel_loop3A_864], %parallel_loop3A_867 {strides = array<i32>} : memref<16x1024xf32, #tpu.memory_space<vmem>>, vector<1x16xf32>,
        %parallel_loop3A_868 = arith.constant 11 : i32
        %parallel_loop3A_869 = arith.index_cast %parallel_loop3A_868 : i32 to index
        %parallel_loop3A_870 = arith.index_cast %parallel_loop3A_637 : i32 to index
        %parallel_loop3A_871 = tpu.vector_load %arg10[%parallel_loop3A_869, %parallel_loop3A_870] {strides = array<i32>} : memref<16x1024xf32, #tpu.memory_space<vmem>>, vector<1x16xf32>,
        %parallel_loop3A_872 = vector.shape_cast %parallel_loop3A_871 : vector<1x16xf32> to vector<16xf32>
        %parallel_loop3A_873 = arith.constant 3.200000e+01 : f32
        %parallel_loop3A_874 = vector.broadcast %parallel_loop3A_873 : f32 to vector<16xf32>
        %parallel_loop3A_875 = arith.mulf %parallel_loop3A_872, %parallel_loop3A_874 : vector<16xf32>
        %parallel_loop3A_876 = arith.addf %parallel_loop3A_875, %parallel_loop3A_837 : vector<16xf32>
        %parallel_loop3A_877 = arith.constant 11 : i32
        %parallel_loop3A_878 = arith.index_cast %parallel_loop3A_877 : i32 to index
        %parallel_loop3A_879 = arith.index_cast %parallel_loop3A_637 : i32 to index
        %parallel_loop3A_880 = tpu.vector_load %arg16[%parallel_loop3A_878, %parallel_loop3A_879] {strides = array<i32>} : memref<16x1024xf32, #tpu.memory_space<vmem>>, vector<1x16xf32>,
        %parallel_loop3A_881 = vector.shape_cast %parallel_loop3A_880 : vector<1x16xf32> to vector<16xf32>
        %parallel_loop3A_882 = vector.shape_cast %parallel_loop3A_876 : vector<16xf32> to vector<1x16xf32>
        tpu.vector_store %arg16[%parallel_loop3A_878, %parallel_loop3A_879], %parallel_loop3A_882 {strides = array<i32>} : memref<16x1024xf32, #tpu.memory_space<vmem>>, vector<1x16xf32>,
        %parallel_loop3A_883 = arith.constant 15 : i32
        %parallel_loop3A_884 = arith.index_cast %parallel_loop3A_883 : i32 to index
        %parallel_loop3A_885 = arith.index_cast %parallel_loop3A_637 : i32 to index
        %parallel_loop3A_886 = tpu.vector_load %arg10[%parallel_loop3A_884, %parallel_loop3A_885] {strides = array<i32>} : memref<16x1024xf32, #tpu.memory_space<vmem>>, vector<1x16xf32>,
        %parallel_loop3A_887 = vector.shape_cast %parallel_loop3A_886 : vector<1x16xf32> to vector<16xf32>
        %parallel_loop3A_888 = arith.constant 3.200000e+01 : f32
        %parallel_loop3A_889 = vector.broadcast %parallel_loop3A_888 : f32 to vector<16xf32>
        %parallel_loop3A_890 = arith.mulf %parallel_loop3A_887, %parallel_loop3A_889 : vector<16xf32>
        %parallel_loop3A_891 = arith.addf %parallel_loop3A_890, %parallel_loop3A_837 : vector<16xf32>
        %parallel_loop3A_892 = arith.constant 15 : i32
        %parallel_loop3A_893 = arith.index_cast %parallel_loop3A_892 : i32 to index
        %parallel_loop3A_894 = arith.index_cast %parallel_loop3A_637 : i32 to index
        %parallel_loop3A_895 = tpu.vector_load %arg16[%parallel_loop3A_893, %parallel_loop3A_894] {strides = array<i32>} : memref<16x1024xf32, #tpu.memory_space<vmem>>, vector<1x16xf32>,
        %parallel_loop3A_896 = vector.shape_cast %parallel_loop3A_895 : vector<1x16xf32> to vector<16xf32>
        %parallel_loop3A_897 = vector.shape_cast %parallel_loop3A_891 : vector<16xf32> to vector<1x16xf32>
        tpu.vector_store %arg16[%parallel_loop3A_893, %parallel_loop3A_894], %parallel_loop3A_897 {strides = array<i32>} : memref<16x1024xf32, #tpu.memory_space<vmem>>, vector<1x16xf32>,
      } {sc.loop_unroll_factor = 8 : i64, sc.parallel_access}
      %add3A_573 = arith.constant 0 : i32
      %add3A_574 = arith.addi %add3A_573, %mul3A_2 : i32
      %mul3A_575 = arith.constant 4 : i32
      %mul3A_576 = arith.muli %add3A_529, %mul3A_575 : i32
      %add3A_577 = arith.addi %add3A_574, %mul3A_576 : i32
      %dma_start3A_578 = arith.constant 0 : i32
      %dma_start3A_579 = arith.constant 0 : i32
      %dma_start3A_580 = tpu.memref_slice %arg16[%dma_start3A_578, %dma_start3A_579] : memref<16x1024xf32, #tpu.memory_space<vmem>> -> memref<4x1024xf32, #tpu.memory_space<vmem>>
      %dma_start3A_581 = arith.constant 0 : i32
      %dma_start3A_582 = tpu.memref_slice %arg5[%add3A_577, %dma_start3A_581] : memref<16384x1024xf32, #tpu.memory_space<hbm>> -> memref<4x1024xf32, #tpu.memory_space<hbm>>
      %dma_start3A_583 = arith.constant 0 : i32
      %dma_start3A_584 = tpu.memref_slice %arg5[%add3A_577, %dma_start3A_583] : memref<16384x1024xf32, #tpu.memory_space<hbm>> -> memref<4x1024xf32, #tpu.memory_space<hbm>>
      %dma_start3A_585 = arith.constant 0 : i32
      %dma_start3A_586 = arith.constant 0 : i32
      %dma_start3A_587 = tpu.memref_slice %arg16[%dma_start3A_585, %dma_start3A_586] : memref<16x1024xf32, #tpu.memory_space<vmem>> -> memref<4x1024xf32, #tpu.memory_space<vmem>>
      tpu.enqueue_dma source(%dma_start3A_587 : memref<4x1024xf32, #tpu.memory_space<vmem>>) target(%dma_start3A_584 : memref<4x1024xf32, #tpu.memory_space<hbm>>) target_semaphore(%arg26 : memref<!tpu.dma_semaphore, #tpu.memory_space<semaphore_mem>>)
      %add3A_588 = arith.constant 4096 : i32
      %add3A_589 = arith.addi %add3A_588, %mul3A_2 : i32
      %mul3A_590 = arith.constant 4 : i32
      %mul3A_591 = arith.muli %add3A_529, %mul3A_590 : i32
      %add3A_592 = arith.addi %add3A_589, %mul3A_591 : i32
      %dma_start3A_593 = arith.constant 4 : i32
      %dma_start3A_594 = arith.constant 0 : i32
      %dma_start3A_595 = tpu.memref_slice %arg16[%dma_start3A_593, %dma_start3A_594] : memref<16x1024xf32, #tpu.memory_space<vmem>> -> memref<4x1024xf32, #tpu.memory_space<vmem>>
      %dma_start3A_596 = arith.constant 0 : i32
      %dma_start3A_597 = tpu.memref_slice %arg5[%add3A_592, %dma_start3A_596] : memref<16384x1024xf32, #tpu.memory_space<hbm>> -> memref<4x1024xf32, #tpu.memory_space<hbm>>
      %dma_start3A_598 = arith.constant 0 : i32
      %dma_start3A_599 = tpu.memref_slice %arg5[%add3A_592, %dma_start3A_598] : memref<16384x1024xf32, #tpu.memory_space<hbm>> -> memref<4x1024xf32, #tpu.memory_space<hbm>>
      %dma_start3A_600 = arith.constant 4 : i32
      %dma_start3A_601 = arith.constant 0 : i32
      %dma_start3A_602 = tpu.memref_slice %arg16[%dma_start3A_600, %dma_start3A_601] : memref<16x1024xf32, #tpu.memory_space<vmem>> -> memref<4x1024xf32, #tpu.memory_space<vmem>>
      tpu.enqueue_dma source(%dma_start3A_602 : memref<4x1024xf32, #tpu.memory_space<vmem>>) target(%dma_start3A_599 : memref<4x1024xf32, #tpu.memory_space<hbm>>) target_semaphore(%arg26 : memref<!tpu.dma_semaphore, #tpu.memory_space<semaphore_mem>>)
      %add3A_603 = arith.constant 8192 : i32
      %add3A_604 = arith.addi %add3A_603, %mul3A_2 : i32
      %mul3A_605 = arith.constant 4 : i32
      %mul3A_606 = arith.muli %add3A_529, %mul3A_605 : i32
      %add3A_607 = arith.addi %add3A_604, %mul3A_606 : i32
      %dma_start3A_608 = arith.constant 8 : i32
      %dma_start3A_609 = arith.constant 0 : i32
      %dma_start3A_610 = tpu.memref_slice %arg16[%dma_start3A_608, %dma_start3A_609] : memref<16x1024xf32, #tpu.memory_space<vmem>> -> memref<4x1024xf32, #tpu.memory_space<vmem>>
      %dma_start3A_611 = arith.constant 0 : i32
      %dma_start3A_612 = tpu.memref_slice %arg5[%add3A_607, %dma_start3A_611] : memref<16384x1024xf32, #tpu.memory_space<hbm>> -> memref<4x1024xf32, #tpu.memory_space<hbm>>
      %dma_start3A_613 = arith.constant 0 : i32
      %dma_start3A_614 = tpu.memref_slice %arg5[%add3A_607, %dma_start3A_613] : memref<16384x1024xf32, #tpu.memory_space<hbm>> -> memref<4x1024xf32, #tpu.memory_space<hbm>>
      %dma_start3A_615 = arith.constant 8 : i32
      %dma_start3A_616 = arith.constant 0 : i32
      %dma_start3A_617 = tpu.memref_slice %arg16[%dma_start3A_615, %dma_start3A_616] : memref<16x1024xf32, #tpu.memory_space<vmem>> -> memref<4x1024xf32, #tpu.memory_space<vmem>>
      tpu.enqueue_dma source(%dma_start3A_617 : memref<4x1024xf32, #tpu.memory_space<vmem>>) target(%dma_start3A_614 : memref<4x1024xf32, #tpu.memory_space<hbm>>) target_semaphore(%arg26 : memref<!tpu.dma_semaphore, #tpu.memory_space<semaphore_mem>>)
      %add3A_618 = arith.constant 12288 : i32
      %add3A_619 = arith.addi %add3A_618, %mul3A_2 : i32
      %mul3A_620 = arith.constant 4 : i32
      %mul3A_621 = arith.muli %add3A_529, %mul3A_620 : i32
      %add3A_622 = arith.addi %add3A_619, %mul3A_621 : i32
      %dma_start3A_623 = arith.constant 12 : i32
      %dma_start3A_624 = arith.constant 0 : i32
      %dma_start3A_625 = tpu.memref_slice %arg16[%dma_start3A_623, %dma_start3A_624] : memref<16x1024xf32, #tpu.memory_space<vmem>> -> memref<4x1024xf32, #tpu.memory_space<vmem>>
      %dma_start3A_626 = arith.constant 0 : i32
      %dma_start3A_627 = tpu.memref_slice %arg5[%add3A_622, %dma_start3A_626] : memref<16384x1024xf32, #tpu.memory_space<hbm>> -> memref<4x1024xf32, #tpu.memory_space<hbm>>
      %dma_start3A_628 = arith.constant 0 : i32
      %dma_start3A_629 = tpu.memref_slice %arg5[%add3A_622, %dma_start3A_628] : memref<16384x1024xf32, #tpu.memory_space<hbm>> -> memref<4x1024xf32, #tpu.memory_space<hbm>>
      %dma_start3A_630 = arith.constant 12 : i32
      %dma_start3A_631 = arith.constant 0 : i32
      %dma_start3A_632 = tpu.memref_slice %arg16[%dma_start3A_630, %dma_start3A_631] : memref<16x1024xf32, #tpu.memory_space<vmem>> -> memref<4x1024xf32, #tpu.memory_space<vmem>>
      tpu.enqueue_dma source(%dma_start3A_632 : memref<4x1024xf32, #tpu.memory_space<vmem>>) target(%dma_start3A_629 : memref<4x1024xf32, #tpu.memory_space<hbm>>) target_semaphore(%arg26 : memref<!tpu.dma_semaphore, #tpu.memory_space<semaphore_mem>>)
      %scan3A_633 = arith.constant 0 : i32
      scf.yield %scan3A_633 : i32
    }
    %scan3A_97 = arith.constant 8 : i32
    %add3A_98 = arith.constant 0 : i32
    %add3A_99 = arith.addi %add3A_98, %mul3A_2 : i32
    %add3A_100 = arith.constant 120 : i32
    %add3A_101 = arith.addi %add3A_99, %add3A_100 : i32
    %dma_wait3A = arith.constant 0 : i32
    %dma_wait3A_102 = arith.constant 0 : i32
    %dma_wait3A_103 = tpu.memref_slice %arg15[%dma_wait3A, %dma_wait3A_102] : memref<16x1024xf32, #tpu.memory_space<vmem>> -> memref<4x1024xf32, #tpu.memory_space<vmem>>
    %dma_wait3A_104 = arith.constant 0 : i32
    %dma_wait3A_105 = tpu.memref_slice %arg5[%add3A_101, %dma_wait3A_104] : memref<16384x1024xf32, #tpu.memory_space<hbm>> -> memref<4x1024xf32, #tpu.memory_space<hbm>>
    %dma_wait3A_106 = arith.constant 0 : i32
    %dma_wait3A_107 = tpu.memref_slice %arg5[%add3A_101, %dma_wait3A_106] : memref<16384x1024xf32, #tpu.memory_space<hbm>> -> memref<4x1024xf32, #tpu.memory_space<hbm>>
    %dma_wait3A_108 = arith.constant 0 : i32
    %dma_wait3A_109 = arith.constant 0 : i32
    %dma_wait3A_110 = tpu.memref_slice %arg15[%dma_wait3A_108, %dma_wait3A_109] : memref<16x1024xf32, #tpu.memory_space<vmem>> -> memref<4x1024xf32, #tpu.memory_space<vmem>>
    tpu.wait_dma2 semaphore(%arg25 : memref<!tpu.dma_semaphore, #tpu.memory_space<semaphore_mem>>) src(%dma_wait3A_110 : memref<4x1024xf32, #tpu.memory_space<vmem>>) dst(%dma_wait3A_107 : memref<4x1024xf32, #tpu.memory_space<hbm>>)
    %add3A_111 = arith.constant 4096 : i32
    %add3A_112 = arith.addi %add3A_111, %mul3A_2 : i32
    %add3A_113 = arith.constant 120 : i32
    %add3A_114 = arith.addi %add3A_112, %add3A_113 : i32
    %dma_wait3A_115 = arith.constant 4 : i32
    %dma_wait3A_116 = arith.constant 0 : i32
    %dma_wait3A_117 = tpu.memref_slice %arg15[%dma_wait3A_115, %dma_wait3A_116] : memref<16x1024xf32, #tpu.memory_space<vmem>> -> memref<4x1024xf32, #tpu.memory_space<vmem>>
    %dma_wait3A_118 = arith.constant 0 : i32
    %dma_wait3A_119 = tpu.memref_slice %arg5[%add3A_114, %dma_wait3A_118] : memref<16384x1024xf32, #tpu.memory_space<hbm>> -> memref<4x1024xf32, #tpu.memory_space<hbm>>
    %dma_wait3A_120 = arith.constant 0 : i32
    %dma_wait3A_121 = tpu.memref_slice %arg5[%add3A_114, %dma_wait3A_120] : memref<16384x1024xf32, #tpu.memory_space<hbm>> -> memref<4x1024xf32, #tpu.memory_space<hbm>>
    %dma_wait3A_122 = arith.constant 4 : i32
    %dma_wait3A_123 = arith.constant 0 : i32
    %dma_wait3A_124 = tpu.memref_slice %arg15[%dma_wait3A_122, %dma_wait3A_123] : memref<16x1024xf32, #tpu.memory_space<vmem>> -> memref<4x1024xf32, #tpu.memory_space<vmem>>
    tpu.wait_dma2 semaphore(%arg25 : memref<!tpu.dma_semaphore, #tpu.memory_space<semaphore_mem>>) src(%dma_wait3A_124 : memref<4x1024xf32, #tpu.memory_space<vmem>>) dst(%dma_wait3A_121 : memref<4x1024xf32, #tpu.memory_space<hbm>>)
    %add3A_125 = arith.constant 8192 : i32
    %add3A_126 = arith.addi %add3A_125, %mul3A_2 : i32
    %add3A_127 = arith.constant 120 : i32
    %add3A_128 = arith.addi %add3A_126, %add3A_127 : i32
    %dma_wait3A_129 = arith.constant 8 : i32
    %dma_wait3A_130 = arith.constant 0 : i32
    %dma_wait3A_131 = tpu.memref_slice %arg15[%dma_wait3A_129, %dma_wait3A_130] : memref<16x1024xf32, #tpu.memory_space<vmem>> -> memref<4x1024xf32, #tpu.memory_space<vmem>>
    %dma_wait3A_132 = arith.constant 0 : i32
    %dma_wait3A_133 = tpu.memref_slice %arg5[%add3A_128, %dma_wait3A_132] : memref<16384x1024xf32, #tpu.memory_space<hbm>> -> memref<4x1024xf32, #tpu.memory_space<hbm>>
    %dma_wait3A_134 = arith.constant 0 : i32
    %dma_wait3A_135 = tpu.memref_slice %arg5[%add3A_128, %dma_wait3A_134] : memref<16384x1024xf32, #tpu.memory_space<hbm>> -> memref<4x1024xf32, #tpu.memory_space<hbm>>
    %dma_wait3A_136 = arith.constant 8 : i32
    %dma_wait3A_137 = arith.constant 0 : i32
    %dma_wait3A_138 = tpu.memref_slice %arg15[%dma_wait3A_136, %dma_wait3A_137] : memref<16x1024xf32, #tpu.memory_space<vmem>> -> memref<4x1024xf32, #tpu.memory_space<vmem>>
    tpu.wait_dma2 semaphore(%arg25 : memref<!tpu.dma_semaphore, #tpu.memory_space<semaphore_mem>>) src(%dma_wait3A_138 : memref<4x1024xf32, #tpu.memory_space<vmem>>) dst(%dma_wait3A_135 : memref<4x1024xf32, #tpu.memory_space<hbm>>)
    %add3A_139 = arith.constant 12288 : i32
    %add3A_140 = arith.addi %add3A_139, %mul3A_2 : i32
    %add3A_141 = arith.constant 120 : i32
    %add3A_142 = arith.addi %add3A_140, %add3A_141 : i32
    %dma_wait3A_143 = arith.constant 12 : i32
    %dma_wait3A_144 = arith.constant 0 : i32
    %dma_wait3A_145 = tpu.memref_slice %arg15[%dma_wait3A_143, %dma_wait3A_144] : memref<16x1024xf32, #tpu.memory_space<vmem>> -> memref<4x1024xf32, #tpu.memory_space<vmem>>
    %dma_wait3A_146 = arith.constant 0 : i32
    %dma_wait3A_147 = tpu.memref_slice %arg5[%add3A_142, %dma_wait3A_146] : memref<16384x1024xf32, #tpu.memory_space<hbm>> -> memref<4x1024xf32, #tpu.memory_space<hbm>>
    %dma_wait3A_148 = arith.constant 0 : i32
    %dma_wait3A_149 = tpu.memref_slice %arg5[%add3A_142, %dma_wait3A_148] : memref<16384x1024xf32, #tpu.memory_space<hbm>> -> memref<4x1024xf32, #tpu.memory_space<hbm>>
    %dma_wait3A_150 = arith.constant 12 : i32
    %dma_wait3A_151 = arith.constant 0 : i32
    %dma_wait3A_152 = tpu.memref_slice %arg15[%dma_wait3A_150, %dma_wait3A_151] : memref<16x1024xf32, #tpu.memory_space<vmem>> -> memref<4x1024xf32, #tpu.memory_space<vmem>>
    tpu.wait_dma2 semaphore(%arg25 : memref<!tpu.dma_semaphore, #tpu.memory_space<semaphore_mem>>) src(%dma_wait3A_152 : memref<4x1024xf32, #tpu.memory_space<vmem>>) dst(%dma_wait3A_149 : memref<4x1024xf32, #tpu.memory_space<hbm>>)
    %add3A_153 = arith.constant 0 : i32
    %add3A_154 = arith.addi %add3A_153, %mul3A_2 : i32
    %add3A_155 = arith.constant 124 : i32
    %add3A_156 = arith.addi %add3A_154, %add3A_155 : i32
    %dma_wait3A_157 = arith.constant 0 : i32
    %dma_wait3A_158 = arith.constant 0 : i32
    %dma_wait3A_159 = tpu.memref_slice %arg16[%dma_wait3A_157, %dma_wait3A_158] : memref<16x1024xf32, #tpu.memory_space<vmem>> -> memref<4x1024xf32, #tpu.memory_space<vmem>>
    %dma_wait3A_160 = arith.constant 0 : i32
    %dma_wait3A_161 = tpu.memref_slice %arg5[%add3A_156, %dma_wait3A_160] : memref<16384x1024xf32, #tpu.memory_space<hbm>> -> memref<4x1024xf32, #tpu.memory_space<hbm>>
    %dma_wait3A_162 = arith.constant 0 : i32
    %dma_wait3A_163 = tpu.memref_slice %arg5[%add3A_156, %dma_wait3A_162] : memref<16384x1024xf32, #tpu.memory_space<hbm>> -> memref<4x1024xf32, #tpu.memory_space<hbm>>
    %dma_wait3A_164 = arith.constant 0 : i32
    %dma_wait3A_165 = arith.constant 0 : i32
    %dma_wait3A_166 = tpu.memref_slice %arg16[%dma_wait3A_164, %dma_wait3A_165] : memref<16x1024xf32, #tpu.memory_space<vmem>> -> memref<4x1024xf32, #tpu.memory_space<vmem>>
    tpu.wait_dma2 semaphore(%arg26 : memref<!tpu.dma_semaphore, #tpu.memory_space<semaphore_mem>>) src(%dma_wait3A_166 : memref<4x1024xf32, #tpu.memory_space<vmem>>) dst(%dma_wait3A_163 : memref<4x1024xf32, #tpu.memory_space<hbm>>)
    %add3A_167 = arith.constant 4096 : i32
    %add3A_168 = arith.addi %add3A_167, %mul3A_2 : i32
    %add3A_169 = arith.constant 124 : i32
    %add3A_170 = arith.addi %add3A_168, %add3A_169 : i32
    %dma_wait3A_171 = arith.constant 4 : i32
    %dma_wait3A_172 = arith.constant 0 : i32
    %dma_wait3A_173 = tpu.memref_slice %arg16[%dma_wait3A_171, %dma_wait3A_172] : memref<16x1024xf32, #tpu.memory_space<vmem>> -> memref<4x1024xf32, #tpu.memory_space<vmem>>
    %dma_wait3A_174 = arith.constant 0 : i32
    %dma_wait3A_175 = tpu.memref_slice %arg5[%add3A_170, %dma_wait3A_174] : memref<16384x1024xf32, #tpu.memory_space<hbm>> -> memref<4x1024xf32, #tpu.memory_space<hbm>>
    %dma_wait3A_176 = arith.constant 0 : i32
    %dma_wait3A_177 = tpu.memref_slice %arg5[%add3A_170, %dma_wait3A_176] : memref<16384x1024xf32, #tpu.memory_space<hbm>> -> memref<4x1024xf32, #tpu.memory_space<hbm>>
    %dma_wait3A_178 = arith.constant 4 : i32
    %dma_wait3A_179 = arith.constant 0 : i32
    %dma_wait3A_180 = tpu.memref_slice %arg16[%dma_wait3A_178, %dma_wait3A_179] : memref<16x1024xf32, #tpu.memory_space<vmem>> -> memref<4x1024xf32, #tpu.memory_space<vmem>>
    tpu.wait_dma2 semaphore(%arg26 : memref<!tpu.dma_semaphore, #tpu.memory_space<semaphore_mem>>) src(%dma_wait3A_180 : memref<4x1024xf32, #tpu.memory_space<vmem>>) dst(%dma_wait3A_177 : memref<4x1024xf32, #tpu.memory_space<hbm>>)
    %add3A_181 = arith.constant 8192 : i32
    %add3A_182 = arith.addi %add3A_181, %mul3A_2 : i32
    %add3A_183 = arith.constant 124 : i32
    %add3A_184 = arith.addi %add3A_182, %add3A_183 : i32
    %dma_wait3A_185 = arith.constant 8 : i32
    %dma_wait3A_186 = arith.constant 0 : i32
    %dma_wait3A_187 = tpu.memref_slice %arg16[%dma_wait3A_185, %dma_wait3A_186] : memref<16x1024xf32, #tpu.memory_space<vmem>> -> memref<4x1024xf32, #tpu.memory_space<vmem>>
    %dma_wait3A_188 = arith.constant 0 : i32
    %dma_wait3A_189 = tpu.memref_slice %arg5[%add3A_184, %dma_wait3A_188] : memref<16384x1024xf32, #tpu.memory_space<hbm>> -> memref<4x1024xf32, #tpu.memory_space<hbm>>
    %dma_wait3A_190 = arith.constant 0 : i32
    %dma_wait3A_191 = tpu.memref_slice %arg5[%add3A_184, %dma_wait3A_190] : memref<16384x1024xf32, #tpu.memory_space<hbm>> -> memref<4x1024xf32, #tpu.memory_space<hbm>>
    %dma_wait3A_192 = arith.constant 8 : i32
    %dma_wait3A_193 = arith.constant 0 : i32
    %dma_wait3A_194 = tpu.memref_slice %arg16[%dma_wait3A_192, %dma_wait3A_193] : memref<16x1024xf32, #tpu.memory_space<vmem>> -> memref<4x1024xf32, #tpu.memory_space<vmem>>
    tpu.wait_dma2 semaphore(%arg26 : memref<!tpu.dma_semaphore, #tpu.memory_space<semaphore_mem>>) src(%dma_wait3A_194 : memref<4x1024xf32, #tpu.memory_space<vmem>>) dst(%dma_wait3A_191 : memref<4x1024xf32, #tpu.memory_space<hbm>>)
    %add3A_195 = arith.constant 12288 : i32
    %add3A_196 = arith.addi %add3A_195, %mul3A_2 : i32
    %add3A_197 = arith.constant 124 : i32
    %add3A_198 = arith.addi %add3A_196, %add3A_197 : i32
    %dma_wait3A_199 = arith.constant 12 : i32
    %dma_wait3A_200 = arith.constant 0 : i32
    %dma_wait3A_201 = tpu.memref_slice %arg16[%dma_wait3A_199, %dma_wait3A_200] : memref<16x1024xf32, #tpu.memory_space<vmem>> -> memref<4x1024xf32, #tpu.memory_space<vmem>>
    %dma_wait3A_202 = arith.constant 0 : i32
    %dma_wait3A_203 = tpu.memref_slice %arg5[%add3A_198, %dma_wait3A_202] : memref<16384x1024xf32, #tpu.memory_space<hbm>> -> memref<4x1024xf32, #tpu.memory_space<hbm>>
    %dma_wait3A_204 = arith.constant 0 : i32
    %dma_wait3A_205 = tpu.memref_slice %arg5[%add3A_198, %dma_wait3A_204] : memref<16384x1024xf32, #tpu.memory_space<hbm>> -> memref<4x1024xf32, #tpu.memory_space<hbm>>
    %dma_wait3A_206 = arith.constant 12 : i32
    %dma_wait3A_207 = arith.constant 0 : i32
    %dma_wait3A_208 = tpu.memref_slice %arg16[%dma_wait3A_206, %dma_wait3A_207] : memref<16x1024xf32, #tpu.memory_space<vmem>> -> memref<4x1024xf32, #tpu.memory_space<vmem>>
    tpu.wait_dma2 semaphore(%arg26 : memref<!tpu.dma_semaphore, #tpu.memory_space<semaphore_mem>>) src(%dma_wait3A_208 : memref<4x1024xf32, #tpu.memory_space<vmem>>) dst(%dma_wait3A_205 : memref<4x1024xf32, #tpu.memory_space<hbm>>)
    return
  }
}

</mosaic_0001>

<sc_bundles>
// kernel: kernel.3.cloned.1.call-start
scs
__scs_entry_jumppad:
0x0: {  	(pc) =	sbr.rel $0x88, $3  }
0x1: {  	(tag) =	ssettag $0x0;
	lr =	simm.s32 $0x1  }
0x2: {  	[smem:$0x3F9F] =	sst lr;
	_ =	strace $0xD0000000  }
0x3: {  	_ = 	snop  }
0x4: {  	_ = 	snop  }
0x5: {  	_ = 	snop  }
0x6: {  	_ = 	snop  }
0x7: {  	_ = 	snop  }
__scs_overlays_trampoline_lowered:
0x8: {  	[smem:$0x3FAE] =	sst s0  }
0x9: {  	[smem:$0x3FAF] =	sst s1  }
0xa: {  	[smem:$0x3FB0] =	sst s2  }
0xb: {  	[smem:$0x3FB1] =	sst s3  }
0xc: {  	[smem:$0x3FB2] =	sst s4  }
0xd: {  	[smem:$0x3FB3] =	sst s5  }
0xe: {  	[smem:$0x3FB4] =	sst s6  }
0xf: {  	[smem:$0x3FB5] =	sst s7  }
0x10: {  	[smem:$0x3FB6] =	sst s8  }
0x11: {  	[smem:$0x3FB7] =	sst s9;
	s0 =	simm.s32 @!p0 $0x0  }
0x12: {  	s1 =	sld [smem:$0x3F9D];
	s0 =	simm.s32 @p0 $0x1  }
0x13: {  	[smem:$0x3FB8] =	sst s0;
	s0 =	simm.s32 @!p1 $0x0  }
0x14: {  	s2 =	sld [smem:$0x3F9C];
	s0 =	simm.s32 @p1 $0x1  }
0x15: {  	[smem:$0x3FB9] =	sst s0;
	s0 =	simm.s32 @!p2 $0x0  }
0x16: {  	s3 =	sld [smem:$0x3FDB];
	s0 =	simm.s32 @p2 $0x1  }
0x17: {  	s4 =	simm.s32 $0x1BF5;
	[smem:$0x3FBB] =	sst s0  }
0x18: {  	s0 =	sld [smem:$0x3F9E];
	_ =	swait.ge [sflag:s4], $0x0  }
0x19: {  	s7 =	sld [smem:$0x3F9F]  }
0x1a: {  	s8 =	sadd.s32 $0xFFFFE003, lr  }
0x1b: {  	s9 =	sadd.s32 $0xFFFFFEF7, lr;
	s5 =	simm.s32 $0xFFFFFFFF;
	p2 =	slt.u32 s8, $0xFFFFF086  }
0x1c: {  	p1 =	slt.u32 s9, $0xF7A;
	s5 =	simm.s32 @!p2 $0x0  }
0x1d: {  	s5 =	simm.s32 @p1 $0x1;
	p0 =	seq.s32 s7, s2  }
0x1e: {  	s7 =	smul.u32 @!p0 $0xF7A, s2;
	p2 =	seq.s32 @!p0 s5, $0x0  }
0x1f: {  	s9 =	smul.u32 $0xF7A, s1;
	s8 =	simm.s32 @!p0 $0x1BF5;
	p2 =	por !p2, p0  }
0x20: {  	[sflag:s8] =	ssyncset.s32 @!p0 $0xFFFFF086;
	s6 =	sadd.s32 @!p0 s3, s7;
	s7 =	simm.s32 @!p0 $0x108  }
0x21: {  	s3 =	sadd.s32 s3, s9;
	s6 =	sadd.s32 @!p0 $0x88, s6;
	s7 =	simm.s32 @p2 $0x1082  }
0x22: {  	[simem:s7], [sflag:s8] =	dma.local @!p0 [hbm:s6], $0xF7A  }
0x23: {  	s9 =	sor.u32 $0xD0000000, s2;
	s6 =	simm.s32 $0x108;
	_ =	swait.ge @!p0 [sflag:s8], $0x0  }
0x24: {  	s3 =	sadd.s32 $0x88, s3;
	s6 =	simm.s32 @!p1 $0x1082;
	[sflag:s4] =	ssyncset.s32 $0xFFFFF086  }
0x25: {  	[simem:s6], [sflag:s4] =	dma.local [hbm:s3], $0xF7A  }
0x26: {  	[smem:$0x3F9F] =	sst s1;
	(tag) =	ssettag s2;
	_ =	strace s9  }
0x27: {  	s1 =	sld [smem:$0x3FAF]  }
0x28: {  	s2 =	sld [smem:$0x3FB0]  }
0x29: {  	s4 =	sld [smem:$0x3FB2]  }
0x2a: {  	p0 =	seq.s32 s5, $0x0;
	s5 =	sld [smem:$0x3FB3]  }
0x2b: {  	s6 =	sld [smem:$0x3FB4]  }
0x2c: {  	s7 =	sld [smem:$0x3FB5]  }
0x2d: {  	s3 =	simm.s32 $0x108;
	s8 =	sld [smem:$0x3FB6]  }
0x2e: {  	s3 =	simm.s32 @!p0 $0x1082;
	s9 =	sld [smem:$0x3FB7]  }
0x2f: {  	lr =	sadd.s32 s0, s3;
	s0 =	sld [smem:$0x3FAE]  }
0x30: {  	s3 =	sld [smem:$0x3FB1]  }
0x31: {  	[smem:$0x3FBA] =	sst s10  }
0x32: {  	s10 =	sld [smem:$0x3FB8];
	_ =	sdelay $0x3  }
0x33: {  	p0 =	seq.s32 s10, $0x1;
	s10 =	sld [smem:$0x3FBA];
	_ =	sdelay $0x3  }
0x34: {  	[smem:$0x3FBA] =	sst s10  }
0x35: {  	s10 =	sld [smem:$0x3FB9];
	_ =	sdelay $0x3  }
0x36: {  	p1 =	seq.s32 s10, $0x1;
	s10 =	sld [smem:$0x3FBA];
	_ =	sdelay $0x3  }
0x37: {  	[smem:$0x3FBA] =	sst s10  }
0x38: {  	s10 =	sld [smem:$0x3FBB]  }
0x39: {  	_ = 	snop;
	(pc) =	sbr.ind lr, $3  }
0x3a: {  	_ = 	snop  }
0x3b: {  	_ = 	snop  }
0x3c: {  	p2 =	seq.s32 s10, $0x1;
	s10 =	sld [smem:$0x3FBA]  }
0x3d: {  	_ =	shalt  }
0x3e: {  	_ =	shalt  }
0x3f: {  	_ =	shalt  }
0x40: {  	_ =	shalt  }
0x41: {  	_ =	shalt  }
0x42: {  	_ =	shalt  }
0x43: {  	_ =	shalt  }
0x44: {  	_ =	shalt  }
0x45: {  	_ =	shalt  }
0x46: {  	_ =	shalt  }
0x47: {  	_ =	shalt  }
0x48: {  	_ =	shalt  }
0x49: {  	_ =	shalt  }
0x4a: {  	_ =	shalt  }
0x4b: {  	_ =	shalt  }
0x4c: {  	_ =	shalt  }
0x4d: {  	_ =	shalt  }
0x4e: {  	_ =	shalt  }
0x4f: {  	_ =	shalt  }
0x50: {  	_ =	shalt  }
0x51: {  	_ =	shalt  }
0x52: {  	_ =	shalt  }
0x53: {  	_ =	shalt  }
0x54: {  	_ =	shalt  }
0x55: {  	_ =	shalt  }
0x56: {  	_ =	shalt  }
0x57: {  	_ =	shalt  }
0x58: {  	_ =	shalt  }
0x59: {  	_ =	shalt  }
0x5a: {  	_ =	shalt  }
0x5b: {  	_ =	shalt  }
0x5c: {  	_ =	shalt  }
0x5d: {  	_ =	shalt  }
0x5e: {  	_ =	shalt  }
0x5f: {  	_ =	shalt  }
0x60: {  	_ =	shalt  }
0x61: {  	_ =	shalt  }
0x62: {  	_ =	shalt  }
0x63: {  	_ =	shalt  }
0x64: {  	_ =	shalt  }
0x65: {  	_ =	shalt  }
0x66: {  	_ =	shalt  }
0x67: {  	_ =	shalt  }
0x68: {  	_ =	shalt  }
0x69: {  	_ =	shalt  }
0x6a: {  	_ =	shalt  }
0x6b: {  	_ =	shalt  }
0x6c: {  	_ =	shalt  }
0x6d: {  	_ =	shalt  }
0x6e: {  	_ =	shalt  }
0x6f: {  	_ =	shalt  }
0x70: {  	_ =	shalt  }
0x71: {  	_ =	shalt  }
0x72: {  	_ =	shalt  }
0x73: {  	_ =	shalt  }
0x74: {  	_ =	shalt  }
0x75: {  	_ =	shalt  }
0x76: {  	_ =	shalt  }
0x77: {  	_ =	shalt  }
0x78: {  	_ =	shalt  }
0x79: {  	_ =	shalt  }
0x7a: {  	_ =	shalt  }
0x7b: {  	_ =	shalt  }
0x7c: {  	_ =	shalt  }
0x7d: {  	_ =	shalt  }
0x7e: {  	_ =	shalt  }
0x7f: {  	_ =	shalt  }
0x80: {  	_ =	shalt  }
0x81: {  	_ =	shalt  }
0x82: {  	_ =	shalt  }
0x83: {  	_ =	shalt  }
0x84: {  	_ =	shalt  }
0x85: {  	_ =	shalt  }
0x86: {  	_ =	shalt  }
0x87: {  	_ =	shalt  }
.Lfunc_end0:
.L_simem_size_0:
called_computation_lowered:
.L_overlay_start_0:
0x88: {  	s2 =	sld [smem:$0x3FD9]  }
0x89: {  	s3 =	sld [smem:$0x3FFE];
	_ =	sdelay $0x1  }
0x8a: {  	s1 =	srdreg.scid  }
0x8b: {  	s0 =	sand.u32 $0x1, s1  }
0x8c: {  	s17 =	sshll.u32 s0, $0xA;
	s2 =	sadd.s32 s3, s2  }
0x8d: {  	s2 =	sadd.s32 s2, s17  }
0x8e: {  	[smem:$0x3FC6] =	sst s2  }
0x8f: {  	_ = 	snop  }
0x90: {  	s2 =	sld [smem:$0x3FC8]  }
0x91: {  	s18 =	sld [smem:$0x3FD0];
	(tm) =	ssettm $0x1  }
0x92: {  	s4 =	sld [smem:$0x3FFB];
	_ =	sdelay $0x3  }
0x93: {  	_ =	strace s4  }
0x94: {  	s4 =	sld [smem:$0x3FFC];
	_ =	sdelay $0x3  }
0x95: {  	_ =	strace s4  }
0x96: {  	s4 =	sld [smem:$0x3FFD];
	_ =	sdelay $0x3  }
0x97: {  	_ =	strace s4  }
0x98: {  	_ =	strace $0x8FFFFFFF  }
0x99: {  	s19 =	sld [smem:$0x3FDB];
	_ =	sdelay $0x1  }
0x9a: {  	s5 =	simm.s32 $_scs_section_size  }
0x9b: {  	s6 =	simm.s32 $_size__tile_overlayer_lowered;
	s7 =	simm.s32 $_tile_overlayer_lowered  }
0x9c: {  	s22 =	simm.s32 $0x1BFF;
	s21 =	sshll.u32 s7, $0x1;
	s4 =	sadd.s32 s5, s19  }
0x9d: {  	s8 =	simm.s32 $0x0;
	s20 =	sshll.u32 s6, $0x1;
	s6 =	sadd.s32 s21, s4  }
0x9e: {  	[timem:s8], [sflag:s22] =	dma.local [hbm:s6], s20  }
0x9f: {  	_ =	swait.ge [sflag:s22], s20  }
0xa0: {  	s5 =	ssub.s32 $0x0, s20;
	[sflag:s22] =	ssyncset.done $0x0  }
0xa1: {  	[sflag:s22] =	ssyncadd.s32 s5;
	_ =	sdelay $0x1  }
0xa2: {  	s23 =	simm.s32 $0x1B8B  }
0xa3: {  	_ =	swait.ge [sflag:s23], $0x1  }
0xa4: {  	[sflag:s23] =	ssyncset.done $0x0  }
0xa5: {  	s25 =	simm.s32 $0x1B8E;
	s24 =	sld [smem:$0x3FFE];
	[sflag:s23] =	ssyncadd.s32 $0xFFFFFFFF  }
0xa6: {  	s26 =	simm.s32 $execute0_lowered;
	[smem:$0x3FD2] =	sst s25  }
0xa7: {  	s6 =	sshll.u32 s26, $0x1;
	_ =	strace $0x80000046;
	[dreg:$0x1] =	wrdreg $0xFFFFFFFF  }
0xa8: {  	s28 =	simm.s32 $_size_execute0_lowered;
	s4 =	sadd.s32 s4, s6;
	[dreg:$0x0] =	wrdreg $0x0  }
0xa9: {  	s6 =	sshll.u32 s28, $0x1;
	[dreg:$0x2] =	wrdreg s4  }
0xaa: {  	[dreg:$0x3] =	wrdreg s6  }
0xab: {  	[dreg:$0x4] =	wrdreg $0xC0  }
0xac: {  	_ =	task [dreg:s8], $0x5FFFF  }
0xad: {  	[dreg:$0x1] =	wrdreg $0xFFFFFFFF  }
0xae: {  	[dreg:$0x0] =	wrdreg $0x60  }
0xaf: {  	[dreg:$0x2] =	wrdreg s24  }
0xb0: {  	[dreg:$0x3] =	wrdreg s2  }
0xb1: {  	[dreg:$0x4] =	wrdreg s18  }
0xb2: {  	[dreg:$0x5] =	wrdreg $0x9  }
0xb3: {  	_ =	task.clear_ibuf [dreg:s8], $0x6FFFF;
	_ =	strace $0x90000046  }
0xb4: {  	s29 =	simm.s32 $0x9;
	_ =	strace $0x80000048  }
0xb5: {  	_ =	swait.ge [sflag:s29], $0x1  }
0xb6: {  	[sflag:s29] =	ssyncadd.s32 $0xFFFFFFFF  }
0xb7: {  	_ =	strace $0x90000048  }
0xb8: {  	_ =	sfence  }
0xb9: {  	s30 =	sld [smem:$0x0];
	_ =	sdelay $0x2  }
0xba: {  	s31 =	sshll.u32 s1, $0xD;
	s1 =	sshrl.u32 s1, $0x2  }
0xbb: {  	s3 =	sand.u32 $0x4000, s31;
	s1 =	sadd.s32 s1, s30  }
0xbc: {  	s0 =	sor.u32 s3, s0;
	s1 =	sshll.u32 s1, $0x11  }
0xbd: {  	s0 =	sor.u32 s1, s0  }
0xbe: {  	s0 =	sadd.s32 $0x8F2B, s0  }
0xbf: {  	[sflag:s0] =	ssyncadd.remote.s32 $0x1  }
0xc0: {  	_ =	sfence.sel $0xFFFF  }
0xc1: {  	[dreg:$0x0] =	wrdreg $0xFFFFFFFF;
	(pc) =	sbr.abs _section_cstart, $3  }
0xc2: {  	[dreg:$0x1] =	wrdreg $0xFFFFFFFF  }
0xc3: {  	_ =	task.clear_ibuf [dreg:s8], $0x2FFFF;
	_ =	strace $0x9FFFFFFF  }
0xc4: {  	(tm) =	ssettm $0x7FFFFFFF  }
0xc5: {  	_ =	shalt  }
tec
execute0_lowered:
.L_overlay_start_1:
0x0: {  	(tag) =	ssettag $0x1  }
0x1: {  	s0 =	rddreg [dreg:$0x0]  }
0x2: {  	s1 =	rddreg [dreg:$0x1]  }
0x3: {  	s3 =	rddreg [dreg:$0x2];
	s4 =	simm.s32 $0x0  }
0x4: {  	s2 =	srdreg.scid;
	s5 =	stileid.u32;
	s21 =	simm.s32 $0x15000  }
0x5: {  	s22 =	simm.s32 $0x15400;
	s23 =	simm.s32 $0x15800;
	s29 =	simm.s32 $0x15C00  }
0x6: {  	s24 =	simm.s32 $0x9;
	s25 =	simm.s32 $0x4;
	s30 =	simm.s32 $0x8  }
0x7: {  	s31 =	simm.s32 $0xA;
	[smem:$0x7FF] =	sst s4;
	s2 =	sand.u32 $0x1, s2  }
0x8: {  	s5 =	sshll.u32 s5, $0x1;
	s9 =	sadd.s32 $0x200, s1;
	s10 =	sadd.s32 $0x300, s1  }
0x9: {  	s11 =	sadd.s32 $0x4440, s0;
	s18 =	sadd.s32 $0x40, s3;
	s6 =	sor.u32 s2, s5  }
0xa: {  	_ =	strace $0x80000047;
	s2 =	ssub.s32 $0x2, s2;
	s7 =	sshll.u32 s6, $0x9  }
0xb: {  	s5 =	sshll.u32 s6, $0xE;
	s8 =	sshrl.u32 s2, $0x1;
	s6 =	sshll.u32 s6, $0x7  }
0xc: {  	s7 =	sadd.s32 s7, s0;
	s13 =	sadd.s32 s5, s0;
	s2 =	ssub.s32 s2, s8  }
0xd: {  	s8 =	sadd.s32 $0x100, s1;
	s0 =	sadd.s32 s5, s11;
	s15 =	sor.u32 $0x1000, s6  }
0xe: {  	s16 =	sor.u32 $0x2000, s6;
	s7 =	sadd.s32 $0x400, s7;
	[dreg:$0x5] =	wrdreg s0  }
0xf: {  	v0 =	vlaneseq.u32;
	s17 =	sor.u32 $0x3000, s6;
	s26 =	sadd.s32 $0x4800, s13;
	[dreg:$0x4] =	wrdreg s7  }
0x10: {  	v1 =	vshrl.u32 v0, $0x3;
	s12 =	sadd.s32 $0x4400, s13;
	s28 =	smax.u32 s2, $0x1;
	[dreg:$0x6] =	wrdreg s26  }
0x11: {  	vm0 =	vmmov $0xffff;
	v0 =	vand.u32 $0x7, v0;
	v1 =	vmul.u32 $0x8, v1;
	s2 =	simm.s32 $0x0;
	[dreg:$0x7] =	wrdreg s28;
	s26 =	simm.s32 $0xE  }
.LBB2_1:
0x12: {  	[dreg:$0x8] =	wrdreg s2  }
0x13: {  	s0 =	rddreg [dreg:$0x4];
	s2 =	simm.s32 $0xF  }
0x14: {  	[tilespmem:s4], [sflag:$0xF] =	stream.linear.gather [hbm4b:s0+s4], $0x1000, $0x38;
	[tilespmem:$0x1D000] =	vst v63  }
0x15: {  	_ =	swait.ge [sflag:s2], $0x1000  }
0x16: {  	[sflag:s2] =	ssyncset.done $0x0  }
0x17: {  	[sflag:s2] =	ssyncadd.s32 $0xFFFFF000  }
0x18: {  	v2 =	vld.msk [tilespmem:$0x0], $0xff;
	_ =	sdelay $0x4  }
0x19: {  	v3 =	vshll.u32 v2, $0x3  }
0x1a: {  	v2 =	vand.u32 $0x7, v2;
	v3 =	vand.u32 $0xFFFFFFC0, v3  }
0x1b: {  	v2 =	vor.u32 v2, v3  }
0x1c: {  	v2 =	vperm.xlane v2, v0;
	_ =	sdelay $0x1  }
0x1d: {  	v2 =	vadd.s32 v1, v2;
	_ =	sdelay $0x3  }
0x1e: {  	s7 =	simm.s32 $0x1000  }
0x1f: {  	[tilespmem:s7], [sflag:$0x1] =	stream.indirect_vreg.gather [hbm4b:s1+s4], $0x80, v2, vm0, $0xb8;
	[tilespmem:$0x1D000] =	vst v63  }
0x20: {  	s13 =	simm.s32 $0x1800  }
0x21: {  	[tilespmem:s13], [sflag:$0x1] =	stream.indirect_vreg.gather [hbm4b:s8+s4], $0x80, v2, vm0, $0xb8;
	[tilespmem:$0x1D000] =	vst v63  }
0x22: {  	s14 =	simm.s32 $0x2000  }
0x23: {  	[tilespmem:s14], [sflag:$0x1] =	stream.indirect_vreg.gather [hbm4b:s9+s4], $0x80, v2, vm0, $0xb8;
	[tilespmem:$0x1D000] =	vst v63  }
0x24: {  	s19 =	simm.s32 $0x2800  }
0x25: {  	[tilespmem:s19], [sflag:$0x1] =	stream.indirect_vreg.gather [hbm4b:s10+s4], $0x80, v2, vm0, $0xb8;
	[tilespmem:$0x1D000] =	vst v63  }
0x26: {  	v2 =	vld.msk [tilespmem:$0x8], $0xff;
	_ =	sdelay $0x4  }
0x27: {  	v3 =	vshll.u32 v2, $0x3  }
0x28: {  	v2 =	vand.u32 $0x7, v2;
	v3 =	vand.u32 $0xFFFFFFC0, v3  }
0x29: {  	v2 =	vor.u32 v2, v3  }
0x2a: {  	v2 =	vperm.xlane v2, v0;
	_ =	sdelay $0x1  }
0x2b: {  	v2 =	vadd.s32 v1, v2;
	_ =	sdelay $0x3  }
0x2c: {  	s20 =	simm.s32 $0x3000  }
0x2d: {  	[tilespmem:s20], [sflag:$0xB] =	stream.indirect_vreg.gather [hbm4b:s1+s4], $0x80, v2, vm0, $0xb8;
	[tilespmem:$0x1D000] =	vst v63  }
0x2e: {  	s28 =	simm.s32 $0x3800  }
0x2f: {  	[tilespmem:s28], [sflag:$0xB] =	stream.indirect_vreg.gather [hbm4b:s8+s4], $0x80, v2, vm0, $0xb8;
	[tilespmem:$0x1D000] =	vst v63  }
0x30: {  	s2 =	simm.s32 $0x4000  }
0x31: {  	[tilespmem:s2], [sflag:$0xB] =	stream.indirect_vreg.gather [hbm4b:s9+s4], $0x80, v2, vm0, $0xb8;
	[tilespmem:$0x1D000] =	vst v63  }
0x32: {  	s7 =	simm.s32 $0x4800  }
0x33: {  	[tilespmem:s7], [sflag:$0xB] =	stream.indirect_vreg.gather [hbm4b:s10+s4], $0x80, v2, vm0, $0xb8;
	[tilespmem:$0x1D000] =	vst v63  }
0x34: {  	s13 =	simm.s32 $0x11000;
	s2 =	simm.s32 $0x200;
	s7 =	simm.s32 $0x400  }
0x35: {  	[tilespmem:s13], [sflag:$0x5] =	stream.strided.gather [hbm4b:s12+s2], $0x1000, s7, s2, $0x38;
	[tilespmem:$0x1D000] =	vst v63  }
0x36: {  	v2 =	vld.msk [tilespmem:$0x80], $0xff;
	_ =	sdelay $0x4  }
0x37: {  	v3 =	vshll.u32 v2, $0x3  }
0x38: {  	v2 =	vand.u32 $0x7, v2;
	v3 =	vand.u32 $0xFFFFFFC0, v3  }
0x39: {  	v2 =	vor.u32 v2, v3  }
0x3a: {  	v2 =	vperm.xlane v2, v0;
	_ =	sdelay $0x1  }
0x3b: {  	v2 =	vadd.s32 v1, v2;
	_ =	sdelay $0x3  }
0x3c: {  	s14 =	simm.s32 $0x5000  }
0x3d: {  	[tilespmem:s14], [sflag:$0x2] =	stream.indirect_vreg.gather [hbm4b:s1+s4], $0x80, v2, vm0, $0xb8;
	[tilespmem:$0x1D000] =	vst v63  }
0x3e: {  	s19 =	simm.s32 $0x5800  }
0x3f: {  	[tilespmem:s19], [sflag:$0x2] =	stream.indirect_vreg.gather [hbm4b:s8+s4], $0x80, v2, vm0, $0xb8;
	[tilespmem:$0x1D000] =	vst v63  }
0x40: {  	s20 =	simm.s32 $0x6000  }
0x41: {  	[tilespmem:s20], [sflag:$0x2] =	stream.indirect_vreg.gather [hbm4b:s9+s4], $0x80, v2, vm0, $0xb8;
	[tilespmem:$0x1D000] =	vst v63  }
0x42: {  	s28 =	simm.s32 $0x6800  }
0x43: {  	[tilespmem:s28], [sflag:$0x2] =	stream.indirect_vreg.gather [hbm4b:s10+s4], $0x80, v2, vm0, $0xb8;
	[tilespmem:$0x1D000] =	vst v63  }
0x44: {  	v2 =	vld.msk [tilespmem:$0x88], $0xff;
	_ =	sdelay $0x4  }
0x45: {  	v3 =	vshll.u32 v2, $0x3  }
0x46: {  	v2 =	vand.u32 $0x7, v2;
	v3 =	vand.u32 $0xFFFFFFC0, v3  }
0x47: {  	v2 =	vor.u32 v2, v3  }
0x48: {  	v2 =	vperm.xlane v2, v0;
	_ =	sdelay $0x1  }
0x49: {  	v2 =	vadd.s32 v1, v2;
	_ =	sdelay $0x3  }
0x4a: {  	s13 =	simm.s32 $0x7000  }
0x4b: {  	[tilespmem:s13], [sflag:$0xC] =	stream.indirect_vreg.gather [hbm4b:s1+s4], $0x80, v2, vm0, $0xb8;
	[tilespmem:$0x1D000] =	vst v63  }
0x4c: {  	s14 =	simm.s32 $0x7800  }
0x4d: {  	[tilespmem:s14], [sflag:$0xC] =	stream.indirect_vreg.gather [hbm4b:s8+s4], $0x80, v2, vm0, $0xb8;
	[tilespmem:$0x1D000] =	vst v63  }
0x4e: {  	s19 =	simm.s32 $0x8000  }
0x4f: {  	[tilespmem:s19], [sflag:$0xC] =	stream.indirect_vreg.gather [hbm4b:s9+s4], $0x80, v2, vm0, $0xb8;
	[tilespmem:$0x1D000] =	vst v63  }
0x50: {  	s20 =	simm.s32 $0x8800  }
0x51: {  	[tilespmem:s20], [sflag:$0xC] =	stream.indirect_vreg.gather [hbm4b:s10+s4], $0x80, v2, vm0, $0xb8;
	[tilespmem:$0x1D000] =	vst v63  }
0x52: {  	s28 =	rddreg [dreg:$0x5];
	s13 =	simm.s32 $0x12000  }
0x53: {  	[tilespmem:s13], [sflag:$0x6] =	stream.strided.gather [hbm4b:s28+s2], $0x1000, s7, s2, $0x38;
	[tilespmem:$0x1D000] =	vst v63  }
0x54: {  	v2 =	vld.msk [tilespmem:$0x100], $0xff;
	_ =	sdelay $0x4  }
0x55: {  	v3 =	vshll.u32 v2, $0x3  }
0x56: {  	v2 =	vand.u32 $0x7, v2;
	v3 =	vand.u32 $0xFFFFFFC0, v3  }
0x57: {  	v2 =	vor.u32 v2, v3  }
0x58: {  	v2 =	vperm.xlane v2, v0;
	_ =	sdelay $0x1  }
0x59: {  	v2 =	vadd.s32 v1, v2;
	_ =	sdelay $0x3  }
0x5a: {  	s13 =	simm.s32 $0x9000  }
0x5b: {  	[tilespmem:s13], [sflag:$0x3] =	stream.indirect_vreg.gather [hbm4b:s1+s4], $0x80, v2, vm0, $0xb8;
	[tilespmem:$0x1D000] =	vst v63  }
0x5c: {  	s14 =	simm.s32 $0x9800  }
0x5d: {  	[tilespmem:s14], [sflag:$0x3] =	stream.indirect_vreg.gather [hbm4b:s8+s4], $0x80, v2, vm0, $0xb8;
	[tilespmem:$0x1D000] =	vst v63  }
0x5e: {  	s19 =	simm.s32 $0xA000  }
0x5f: {  	[tilespmem:s19], [sflag:$0x3] =	stream.indirect_vreg.gather [hbm4b:s9+s4], $0x80, v2, vm0, $0xb8;
	[tilespmem:$0x1D000] =	vst v63  }
0x60: {  	s20 =	simm.s32 $0xA800  }
0x61: {  	[tilespmem:s20], [sflag:$0x3] =	stream.indirect_vreg.gather [hbm4b:s10+s4], $0x80, v2, vm0, $0xb8;
	[tilespmem:$0x1D000] =	vst v63  }
0x62: {  	v2 =	vld.msk [tilespmem:$0x108], $0xff;
	_ =	sdelay $0x4  }
0x63: {  	v3 =	vshll.u32 v2, $0x3  }
0x64: {  	v2 =	vand.u32 $0x7, v2;
	v3 =	vand.u32 $0xFFFFFFC0, v3  }
0x65: {  	v2 =	vor.u32 v2, v3  }
0x66: {  	v2 =	vperm.xlane v2, v0;
	_ =	sdelay $0x1  }
0x67: {  	v2 =	vadd.s32 v1, v2;
	_ =	sdelay $0x3  }
0x68: {  	s28 =	simm.s32 $0xB000  }
0x69: {  	[tilespmem:s28], [sflag:$0xD] =	stream.indirect_vreg.gather [hbm4b:s1+s4], $0x80, v2, vm0, $0xb8;
	[tilespmem:$0x1D000] =	vst v63  }
0x6a: {  	s13 =	simm.s32 $0xB800  }
0x6b: {  	[tilespmem:s13], [sflag:$0xD] =	stream.indirect_vreg.gather [hbm4b:s8+s4], $0x80, v2, vm0, $0xb8;
	[tilespmem:$0x1D000] =	vst v63  }
0x6c: {  	s14 =	simm.s32 $0xC000  }
0x6d: {  	[tilespmem:s14], [sflag:$0xD] =	stream.indirect_vreg.gather [hbm4b:s9+s4], $0x80, v2, vm0, $0xb8;
	[tilespmem:$0x1D000] =	vst v63  }
0x6e: {  	s19 =	simm.s32 $0xC800  }
0x6f: {  	[tilespmem:s19], [sflag:$0xD] =	stream.indirect_vreg.gather [hbm4b:s10+s4], $0x80, v2, vm0, $0xb8;
	[tilespmem:$0x1D000] =	vst v63  }
0x70: {  	s20 =	rddreg [dreg:$0x6];
	s28 =	simm.s32 $0x13000;
	s14 =	simm.s32 $0x0  }
0x71: {  	[tilespmem:s28], [sflag:$0x7] =	stream.strided.gather [hbm4b:s20+s2], $0x1000, s7, s2, $0x38;
	[tilespmem:$0x1D000] =	vst v63  }
.LBB2_2:
0x72: {  	s19 =	sshllo.u32 s14, $0x2  }
0x73: {  	s0 =	sshll.u32 s19, $0x9  }
0x74: {  	s2 =	sshrl.u32 s0, $0x2  }
0x75: {  	v2 =	vld.msk [tilespmem:s2+$0x0], $0xff;
	_ =	sdelay $0x4  }
0x76: {  	v3 =	vshll.u32 v2, $0x3  }
0x77: {  	v2 =	vand.u32 $0x7, v2;
	v3 =	vand.u32 $0xFFFFFFC0, v3  }
0x78: {  	v2 =	vor.u32 v2, v3  }
0x79: {  	v2 =	vperm.xlane v2, v0;
	_ =	sdelay $0x1  }
0x7a: {  	v2 =	vadd.s32 v1, v2;
	_ =	sdelay $0x3  }
0x7b: {  	s7 =	simm.s32 $0xD000  }
0x7c: {  	[tilespmem:s7], [sflag:$0x4] =	stream.indirect_vreg.gather [hbm4b:s1+s4], $0x80, v2, vm0, $0xb8;
	[tilespmem:$0x1D000] =	vst v63  }
0x7d: {  	s20 =	simm.s32 $0xD800  }
0x7e: {  	[tilespmem:s20], [sflag:$0x4] =	stream.indirect_vreg.gather [hbm4b:s8+s4], $0x80, v2, vm0, $0xb8;
	[tilespmem:$0x1D000] =	vst v63  }
0x7f: {  	s28 =	simm.s32 $0xE000  }
0x80: {  	[tilespmem:s28], [sflag:$0x4] =	stream.indirect_vreg.gather [hbm4b:s9+s4], $0x80, v2, vm0, $0xb8;
	[tilespmem:$0x1D000] =	vst v63  }
0x81: {  	s13 =	simm.s32 $0xE800;
	s2 =	sor.u32 $0x8, s2  }
0x82: {  	[tilespmem:s13], [sflag:$0x4] =	stream.indirect_vreg.gather [hbm4b:s10+s4], $0x80, v2, vm0, $0xb8;
	[tilespmem:$0x1D000] =	vst v63  }
0x83: {  	v2 =	vld.msk [tilespmem:s2+$0x0], $0xff;
	_ =	sdelay $0x4  }
0x84: {  	v3 =	vshll.u32 v2, $0x3  }
0x85: {  	v2 =	vand.u32 $0x7, v2;
	v3 =	vand.u32 $0xFFFFFFC0, v3  }
0x86: {  	v2 =	vor.u32 v2, v3  }
0x87: {  	v2 =	vperm.xlane v2, v0;
	_ =	sdelay $0x1  }
0x88: {  	v2 =	vadd.s32 v1, v2;
	_ =	sdelay $0x3  }
0x89: {  	s20 =	simm.s32 $0xF000  }
0x8a: {  	[tilespmem:s20], [sflag:$0xE] =	stream.indirect_vreg.gather [hbm4b:s1+s4], $0x80, v2, vm0, $0xb8;
	[tilespmem:$0x1D000] =	vst v63  }
0x8b: {  	s0 =	sand.u32 $0x3C00, s0;
	s28 =	simm.s32 $0xF800  }
0x8c: {  	[tilespmem:s28], [sflag:$0xE] =	stream.indirect_vreg.gather [hbm4b:s8+s4], $0x80, v2, vm0, $0xb8;
	[tilespmem:$0x1D000] =	vst v63  }
0x8d: {  	s0 =	sor.u32 s0, s5;
	s7 =	simm.s32 $0x10000  }
0x8e: {  	[tilespmem:s7], [sflag:$0xE] =	stream.indirect_vreg.gather [hbm4b:s9+s4], $0x80, v2, vm0, $0xb8;
	[tilespmem:$0x1D000] =	vst v63  }
0x8f: {  	s0 =	sadd.s32 s0, s11;
	s13 =	simm.s32 $0x10800  }
0x90: {  	[tilespmem:s13], [sflag:$0xE] =	stream.indirect_vreg.gather [hbm4b:s10+s4], $0x80, v2, vm0, $0xb8;
	[tilespmem:$0x1D000] =	vst v63  }
0x91: {  	s20 =	simm.s32 $0x200;
	s28 =	simm.s32 $0x400;
	s13 =	simm.s32 $0x14000  }
0x92: {  	[tilespmem:s13], [sflag:$0x8] =	stream.strided.gather [hbm4b:s0+s20], $0x1000, s28, s20, $0x38;
	[tilespmem:$0x1D000] =	vst v63  }
0x93: {  	s13 =	simm.s32 $0x1  }
0x94: {  	_ =	swait.ge [sflag:s13], $0x2000  }
0x95: {  	[sflag:s13] =	ssyncset.done $0x0  }
0x96: {  	s20 =	simm.s32 $0xB;
	[sflag:s13] =	ssyncadd.s32 $0xFFFFE000  }
0x97: {  	_ =	swait.ge [sflag:s20], $0x2000  }
0x98: {  	[sflag:s20] =	ssyncset.done $0x0  }
0x99: {  	s28 =	simm.s32 $0x5;
	[sflag:s20] =	ssyncadd.s32 $0xFFFFE000  }
0x9a: {  	_ =	swait.ge [sflag:s28], $0x1000  }
0x9b: {  	p1 =	seq.s32 s14, $0x0;
	[sflag:s28] =	ssyncset.done $0x0  }
0x9c: {  	s0 =	simm.s32 @!p1 $0x9;
	[sflag:s28] =	ssyncadd.s32 $0xFFFFF000  }
0x9d: {  	_ =	swait.ge @!p1 [sflag:s0], $0x1000  }
0x9e: {  	[sflag:s0] =	ssyncset.done @!p1 $0x0  }
0x9f: {  	[sflag:s0] =	ssyncadd.s32 @!p1 $0xFFFFF000  }
0xa0: {  	_ =	swait.ge @!p1 [sflag:s0], $0x1000  }
0xa1: {  	[sflag:s0] =	ssyncset.done @!p1 $0x0  }
0xa2: {  	[sflag:s0] =	ssyncadd.s32 @!p1 $0xFFFFF000  }
0xa3: {  	_ =	swait.ge @!p1 [sflag:s0], $0x1000  }
0xa4: {  	[sflag:s0] =	ssyncset.done @!p1 $0x0  }
0xa5: {  	[sflag:s0] =	ssyncadd.s32 @!p1 $0xFFFFF000  }
0xa6: {  	_ =	swait.ge @!p1 [sflag:s0], $0x1000  }
0xa7: {  	[sflag:s0] =	ssyncset.done @!p1 $0x0  }
0xa8: {  	[sflag:s0] =	ssyncadd.s32 @!p1 $0xFFFFF000;
	s0 =	simm.s32 $0x0  }
.LBB2_3:
0xa9: {  	s20 =	sshll.u32 s0, $0x7  }
0xaa: {  	v3 =	vld [tilespmem:s20+$0x1000]  }
0xab: {  	v4 =	vld [tilespmem:s20+$0x1200]  }
0xac: {  	v5 =	vld [tilespmem:s20+$0x3000]  }
0xad: {  	v6 =	vld [tilespmem:s20+$0x3200]  }
0xae: {  	v53 =	vld [tilespmem:s20+$0x1280]  }
0xaf: {  	v54 =	vld [tilespmem:s20+$0x3080]  }
0xb0: {  	v55 =	vld [tilespmem:s20+$0x3280]  }
0xb1: {  	v8 =	vld [tilespmem:s20+$0x1010]  }
0xb2: {  	v9 =	vld [tilespmem:s20+$0x1210]  }
0xb3: {  	v10 =	vld [tilespmem:s20+$0x3010]  }
0xb4: {  	v11 =	vld [tilespmem:s20+$0x3210]  }
0xb5: {  	v60 =	vld [tilespmem:s20+$0x1100]  }
0xb6: {  	v61 =	vld [tilespmem:s20+$0x1300]  }
0xb7: {  	v62 =	vld [tilespmem:s20+$0x3100]  }
0xb8: {  	v63 =	vld [tilespmem:s20+$0x1090]  }
0xb9: {  	v16 =	vld [tilespmem:s20+$0x1290]  }
0xba: {  	v17 =	vld [tilespmem:s20+$0x3090]  }
0xbb: {  	v18 =	vld [tilespmem:s20+$0x3290]  }
0xbc: {  	v13 =	vld [tilespmem:s20+$0x1020]  }
0xbd: {  	v19 =	vld [tilespmem:s20+$0x1220]  }
0xbe: {  	v21 =	vld [tilespmem:s20+$0x3020]  }
0xbf: {  	v24 =	vld [tilespmem:s20+$0x3220]  }
0xc0: {  	v31 =	vld [tilespmem:s20+$0x10A0]  }
0xc1: {  	v32 =	vld [tilespmem:s20+$0x12A0]  }
0xc2: {  	v33 =	vld [tilespmem:s20+$0x30A0]  }
0xc3: {  	s2 =	sshll.u32 s0, $0x6;
	v34 =	vld [tilespmem:s20+$0x32A0]  }
0xc4: {  	s7 =	sand.u32 $0x3FFFFFC0, s2;
	v14 =	vld [tilespmem:s20+$0x1030]  }
0xc5: {  	v2 =	vld [tilespmem:s7+$0x11000]  }
0xc6: {  	v15 =	vld [tilespmem:s20+$0x1230]  }
0xc7: {  	v37 =	vld [tilespmem:s20+$0x1310]  }
0xc8: {  	v39 =	vld [tilespmem:s20+$0x3110];
	v3 =	vmul.f32 $3.200000000e+01, v3  }
0xc9: {  	v41 =	vld [tilespmem:s20+$0x3310];
	v4 =	vmul.f32 $3.200000000e+01, v4  }
0xca: {  	v46 =	vld [tilespmem:s20+$0x1120];
	v5 =	vmul.f32 $3.200000000e+01, v5;
	v3 =	vadd.f32 v3, v2  }
0xcb: {  	v48 =	vld [tilespmem:s20+$0x1320];
	v6 =	vmul.f32 $3.200000000e+01, v6;
	v4 =	vadd.f32 v4, v2  }
0xcc: {  	v50 =	vld [tilespmem:s20+$0x3120];
	[tilespmem:s20+$0x15000] =	vst v3;
	v3 =	vadd.f32 v5, v2  }
0xcd: {  	v52 =	vld [tilespmem:s20+$0x3320];
	[tilespmem:s20+$0x15200] =	vst v4;
	v2 =	vadd.f32 v6, v2  }
0xce: {  	[tilespmem:s20+$0x17000] =	vst v3;
	v3 =	vld [tilespmem:s20+$0x1080]  }
0xcf: {  	v7 =	vld [tilespmem:s7+$0x11010];
	[tilespmem:s20+$0x17200] =	vst v2  }
0xd0: {  	v2 =	vld [tilespmem:s7+$0x11080]  }
0xd1: {  	v12 =	vld [tilespmem:s7+$0x11020]  }
0xd2: {  	v20 =	vmul.f32 $3.200000000e+01, v16;
	v16 =	vld [tilespmem:s20+$0x3030]  }
0xd3: {  	v35 =	vld [tilespmem:s7+$0x11030];
	v56 =	vmul.f32 $3.200000000e+01, v8;
	v3 =	vmul.f32 $3.200000000e+01, v3  }
0xd4: {  	v23 =	vmul.f32 $3.200000000e+01, v17;
	v17 =	vld [tilespmem:s20+$0x3230];
	v4 =	vmul.f32 $3.200000000e+01, v53  }
0xd5: {  	v25 =	vmul.f32 $3.200000000e+01, v18;
	v18 =	vld [tilespmem:s20+$0x1110];
	v5 =	vmul.f32 $3.200000000e+01, v54;
	v3 =	vadd.f32 v3, v2  }
0xd6: {  	v8 =	vmul.f32 $3.200000000e+01, v60;
	v60 =	vld [tilespmem:s20+$0x32B0];
	v6 =	vmul.f32 $3.200000000e+01, v55;
	v4 =	vadd.f32 v4, v2  }
0xd7: {  	v40 =	vmul.f32 $3.200000000e+01, v15;
	v15 =	vld [tilespmem:s20+$0x1190];
	v43 =	vmul.f32 $3.200000000e+01, v16;
	[tilespmem:s20+$0x15080] =	vst v3;
	v3 =	vadd.f32 v5, v2  }
0xd8: {  	v55 =	vld [tilespmem:s20+$0x10B0];
	[tilespmem:s20+$0x15280] =	vst v4;
	v2 =	vadd.f32 v6, v2  }
0xd9: {  	v16 =	vld [tilespmem:s20+$0x1390];
	v47 =	vadd.f32 v43, v35;
	[tilespmem:s20+$0x17080] =	vst v3;
	v3 =	vmul.f32 $3.200000000e+01, v9  }
0xda: {  	v57 =	vmul.f32 $3.200000000e+01, v10;
	v45 =	vmul.f32 $3.200000000e+01, v17;
	v17 =	vld [tilespmem:s20+$0x3190];
	[tilespmem:s20+$0x17280] =	vst v2;
	v2 =	vadd.f32 v56, v7  }
0xdb: {  	[tilespmem:s20+$0x17030] =	vst v47;
	v58 =	vld [tilespmem:s7+$0x11100];
	v3 =	vadd.f32 v3, v7  }
0xdc: {  	v59 =	vmul.f32 $3.200000000e+01, v11;
	v51 =	vmul.f32 $3.200000000e+01, v18;
	v18 =	vld [tilespmem:s20+$0x3390];
	[tilespmem:s20+$0x15010] =	vst v2;
	v2 =	vadd.f32 v57, v7  }
0xdd: {  	v49 =	vadd.f32 v45, v35;
	v45 =	vld [tilespmem:s20+$0x12C0];
	v5 =	vmul.f32 $3.200000000e+01, v21;
	[tilespmem:s20+$0x15210] =	vst v3  }
0xde: {  	v3 =	vadd.f32 v59, v7;
	[tilespmem:s20+$0x17010] =	vst v2;
	v2 =	vld [tilespmem:s20+$0x3300]  }
0xdf: {  	[tilespmem:s20+$0x17230] =	vst v49;
	v47 =	vld [tilespmem:s20+$0x32C0];
	v9 =	vmul.f32 $3.200000000e+01, v24;
	v28 =	vadd.f32 v5, v12  }
0xe0: {  	v49 =	vld [tilespmem:s20+$0x1330];
	v4 =	vmul.f32 $3.200000000e+01, v61;
	[tilespmem:s20+$0x17210] =	vst v3;
	v8 =	vadd.f32 v8, v58  }
0xe1: {  	v6 =	vmul.f32 $3.200000000e+01, v62;
	v29 =	vadd.f32 v9, v12;
	[tilespmem:s20+$0x17020] =	vst v28;
	v3 =	vld [tilespmem:s7+$0x11090]  }
0xe2: {  	v21 =	vld [tilespmem:s7+$0x11050];
	v4 =	vadd.f32 v4, v58;
	[tilespmem:s20+$0x15100] =	vst v8;
	v8 =	vmul.f32 $3.200000000e+01, v19  }
0xe3: {  	v5 =	vld [tilespmem:s20+$0x3380];
	[tilespmem:s20+$0x17220] =	vst v29;
	v6 =	vadd.f32 v6, v58;
	v2 =	vmul.f32 $3.200000000e+01, v2  }
0xe4: {  	v27 =	vmul.f32 $3.200000000e+01, v13;
	v24 =	vld [tilespmem:s20+$0x1040];
	v7 =	vmul.f32 $3.200000000e+01, v63;
	[tilespmem:s20+$0x15300] =	vst v4;
	v8 =	vadd.f32 v8, v12  }
0xe5: {  	v57 =	vmul.f32 $3.200000000e+01, v46;
	v46 =	vld [tilespmem:s20+$0x30C0];
	[tilespmem:s20+$0x17100] =	vst v6;
	v2 =	vadd.f32 v2, v58  }
0xe6: {  	v63 =	vld [tilespmem:s7+$0x11040];
	v22 =	vadd.f32 v7, v3;
	v7 =	vadd.f32 v27, v12;
	[tilespmem:s20+$0x15220] =	vst v8  }
0xe7: {  	v6 =	vld [tilespmem:s20+$0x1380];
	[tilespmem:s20+$0x17300] =	vst v2  }
0xe8: {  	v19 =	vld [tilespmem:s20+$0x12B0];
	v26 =	vadd.f32 v23, v3;
	[tilespmem:s20+$0x15020] =	vst v7  }
0xe9: {  	v4 =	vadd.f32 v25, v3;
	[tilespmem:s20+$0x15090] =	vst v22;
	v8 =	vld [tilespmem:s7+$0x110A0]  }
0xea: {  	v58 =	vld [tilespmem:s20+$0x30B0];
	v2 =	vadd.f32 v20, v3;
	[tilespmem:s20+$0x17090] =	vst v26  }
0xeb: {  	v38 =	vmul.f32 $3.200000000e+01, v14;
	v27 =	vld [tilespmem:s20+$0x1240];
	[tilespmem:s20+$0x17290] =	vst v4  }
0xec: {  	v9 =	vmul.f32 $3.200000000e+01, v31;
	v4 =	vld [tilespmem:s20+$0x3180];
	[tilespmem:s20+$0x15290] =	vst v2  }
0xed: {  	v10 =	vmul.f32 $3.200000000e+01, v32;
	v42 =	vadd.f32 v38, v35;
	v30 =	vld [tilespmem:s7+$0x11110]  }
0xee: {  	v11 =	vmul.f32 $3.200000000e+01, v33;
	v2 =	vld [tilespmem:s7+$0x11180];
	v9 =	vadd.f32 v9, v8  }
0xef: {  	[tilespmem:s20+$0x15030] =	vst v42;
	v12 =	vmul.f32 $3.200000000e+01, v34;
	v3 =	vld [tilespmem:s20+$0x1180];
	v10 =	vadd.f32 v10, v8  }
0xf0: {  	v14 =	vmul.f32 $3.200000000e+01, v41;
	v20 =	vld [tilespmem:s20+$0x3240];
	v36 =	vadd.f32 v11, v8;
	[tilespmem:s20+$0x150A0] =	vst v9  }
0xf1: {  	v29 =	vmul.f32 $3.200000000e+01, v19;
	v19 =	vld [tilespmem:s20+$0x11A0];
	v4 =	vmul.f32 $3.200000000e+01, v4;
	v8 =	vadd.f32 v12, v8;
	[tilespmem:s20+$0x152A0] =	vst v10  }
0xf2: {  	v32 =	vmul.f32 $3.200000000e+01, v58;
	v58 =	vld [tilespmem:s20+$0x1140];
	v7 =	vadd.f32 v14, v30;
	[tilespmem:s20+$0x170A0] =	vst v36  }
0xf3: {  	v53 =	vmul.f32 $3.200000000e+01, v37;
	v37 =	vmul.f32 $3.200000000e+01, v27;
	v27 =	vld [tilespmem:s20+$0x33A0];
	v4 =	vadd.f32 v4, v2;
	[tilespmem:s20+$0x172A0] =	vst v8  }
0xf4: {  	v12 =	vmul.f32 $3.200000000e+01, v39;
	v9 =	vadd.f32 v40, v35;
	v35 =	vmul.f32 $3.200000000e+01, v24;
	v24 =	vld [tilespmem:s20+$0x3050];
	[tilespmem:s20+$0x17310] =	vst v7  }
0xf5: {  	v8 =	vadd.f32 v51, v30;
	v44 =	vld [tilespmem:s7+$0x11120];
	[tilespmem:s20+$0x17180] =	vst v4  }
0xf6: {  	v56 =	vadd.f32 v12, v30;
	v51 =	vld [tilespmem:s20+$0x3130];
	[tilespmem:s20+$0x15230] =	vst v9  }
0xf7: {  	v40 =	vmul.f32 $3.200000000e+01, v20;
	v9 =	vadd.f32 v53, v30;
	[tilespmem:s20+$0x15110] =	vst v8;
	v54 =	vld [tilespmem:s7+$0x110B0]  }
0xf8: {  	v59 =	vmul.f32 $3.200000000e+01, v48;
	v10 =	vmul.f32 $3.200000000e+01, v60;
	v60 =	vld [tilespmem:s20+$0x1340];
	[tilespmem:s20+$0x17110] =	vst v56;
	v38 =	vadd.f32 v35, v63  }
0xf9: {  	v62 =	vmul.f32 $3.200000000e+01, v50;
	v30 =	vld [tilespmem:s20+$0x3040];
	v42 =	vadd.f32 v40, v63;
	[tilespmem:s20+$0x15310] =	vst v9  }
0xfa: {  	v26 =	vmul.f32 $3.200000000e+01, v55;
	v53 =	vld [tilespmem:s20+$0x3330];
	[tilespmem:s20+$0x15040] =	vst v38;
	v22 =	vadd.f32 v59, v44  }
0xfb: {  	v35 =	vld [tilespmem:s20+$0x12D0];
	[tilespmem:s20+$0x17240] =	vst v42;
	v25 =	vadd.f32 v62, v44  }
0xfc: {  	v40 =	vld [tilespmem:s20+$0x32D0];
	[tilespmem:s20+$0x15320] =	vst v22;
	v31 =	vadd.f32 v26, v54  }
0xfd: {  	v9 =	vld [tilespmem:s7+$0x11190];
	[tilespmem:s20+$0x17120] =	vst v25;
	v33 =	vadd.f32 v29, v54  }
0xfe: {  	v34 =	vadd.f32 v32, v54;
	v22 =	vld [tilespmem:s20+$0x1050];
	[tilespmem:s20+$0x150B0] =	vst v31  }
0xff: {  	v23 =	vmul.f32 $3.200000000e+01, v52;
	v39 =	vmul.f32 $3.200000000e+01, v30;
	v36 =	vadd.f32 v10, v54;
	v25 =	vld [tilespmem:s20+$0x3250];
	[tilespmem:s20+$0x152B0] =	vst v33  }
0x100: {  	v61 =	vadd.f32 v57, v44;
	v10 =	vadd.f32 v37, v63;
	v26 =	vld [tilespmem:s20+$0x1130];
	[tilespmem:s20+$0x170B0] =	vst v34  }
0x101: {  	v28 =	vadd.f32 v23, v44;
	v44 =	vld [tilespmem:s20+$0x10C0];
	v41 =	vadd.f32 v39, v63;
	[tilespmem:s20+$0x172B0] =	vst v36  }
0x102: {  	v55 =	vmul.f32 $3.200000000e+01, v24;
	[tilespmem:s20+$0x15240] =	vst v10;
	v43 =	vld [tilespmem:s7+$0x11130]  }
0x103: {  	v24 =	vld [tilespmem:s20+$0x31A0];
	[tilespmem:s20+$0x17040] =	vst v41;
	v50 =	vmul.f32 $3.200000000e+01, v22  }
0x104: {  	v59 =	vadd.f32 v55, v21;
	[tilespmem:s20+$0x15120] =	vst v61;
	v11 =	vld [tilespmem:s7+$0x110C0];
	v57 =	vmul.f32 $3.200000000e+01, v25  }
0x105: {  	v23 =	vld [tilespmem:s20+$0x1250];
	[tilespmem:s20+$0x17320] =	vst v28;
	v62 =	vmul.f32 $3.200000000e+01, v26;
	v54 =	vadd.f32 v50, v21  }
0x106: {  	v32 =	vld [tilespmem:s20+$0x10D0];
	[tilespmem:s20+$0x17050] =	vst v59;
	v22 =	vmul.f32 $3.200000000e+01, v53;
	v61 =	vadd.f32 v57, v21  }
0x107: {  	v10 =	vld [tilespmem:s20+$0x13A0];
	v12 =	vmul.f32 $3.200000000e+01, v44;
	v30 =	vadd.f32 v62, v43;
	[tilespmem:s20+$0x15050] =	vst v54  }
0x108: {  	v13 =	vmul.f32 $3.200000000e+01, v45;
	v7 =	vld [tilespmem:s7+$0x111A0];
	v8 =	vadd.f32 v22, v43;
	[tilespmem:s20+$0x17250] =	vst v61  }
0x109: {  	v14 =	vmul.f32 $3.200000000e+01, v46;
	v63 =	vld [tilespmem:s20+$0x3140];
	v12 =	vadd.f32 v12, v11;
	[tilespmem:s20+$0x15130] =	vst v30  }
0x10a: {  	v20 =	vmul.f32 $3.200000000e+01, v47;
	v55 =	vld [tilespmem:s20+$0x1260];
	v13 =	vadd.f32 v13, v11;
	[tilespmem:s20+$0x17330] =	vst v8  }
0x10b: {  	v45 =	vmul.f32 $3.200000000e+01, v35;
	v35 =	vld [tilespmem:s20+$0x3270];
	v57 =	vmul.f32 $3.200000000e+01, v17;
	v48 =	vadd.f32 v14, v11;
	[tilespmem:s20+$0x150C0] =	vst v12  }
0x10c: {  	v44 =	vmul.f32 $3.200000000e+01, v32;
	v32 =	vld [tilespmem:s20+$0x3070];
	v10 =	vmul.f32 $3.200000000e+01, v10;
	v11 =	vadd.f32 v20, v11;
	[tilespmem:s20+$0x152C0] =	vst v13  }
0x10d: {  	v29 =	vld [tilespmem:s20+$0x3340];
	v52 =	vmul.f32 $3.200000000e+01, v23;
	v61 =	vadd.f32 v57, v9;
	[tilespmem:s20+$0x170C0] =	vst v48  }
0x10e: {  	v28 =	vmul.f32 $3.200000000e+01, v49;
	v39 =	vmul.f32 $3.200000000e+01, v63;
	v63 =	vld [tilespmem:s7+$0x11070];
	v10 =	vadd.f32 v10, v7;
	[tilespmem:s20+$0x172C0] =	vst v11  }
0x10f: {  	v37 =	vld [tilespmem:s20+$0x30D0];
	v20 =	vmul.f32 $3.200000000e+01, v51;
	v12 =	vadd.f32 v52, v21;
	[tilespmem:s20+$0x17190] =	vst v61  }
0x110: {  	v62 =	vmul.f32 $3.200000000e+01, v19;
	v11 =	vadd.f32 v28, v43;
	v52 =	vld [tilespmem:s7+$0x11060];
	[tilespmem:s20+$0x153A0] =	vst v10  }
0x111: {  	v49 =	vmul.f32 $3.200000000e+01, v6;
	v17 =	vmul.f32 $3.200000000e+01, v32;
	v33 =	vadd.f32 v20, v43;
	v56 =	vld [tilespmem:s7+$0x11140];
	[tilespmem:s20+$0x15250] =	vst v12  }
0x112: {  	v6 =	vld [tilespmem:s20+$0x11C0];
	v34 =	vmul.f32 $3.200000000e+01, v58;
	v48 =	vmul.f32 $3.200000000e+01, v3;
	v28 =	vadd.f32 v62, v7;
	[tilespmem:s20+$0x15330] =	vst v11  }
0x113: {  	v58 =	vld [tilespmem:s20+$0x3060];
	v42 =	vmul.f32 $3.200000000e+01, v29;
	v29 =	vmul.f32 $3.200000000e+01, v55;
	v17 =	vadd.f32 v17, v63;
	[tilespmem:s20+$0x17130] =	vst v33  }
0x114: {  	v30 =	vld [tilespmem:s20+$0x1270];
	v50 =	vadd.f32 v48, v2;
	[tilespmem:s20+$0x151A0] =	vst v28  }
0x115: {  	v36 =	vmul.f32 $3.200000000e+01, v60;
	v60 =	vld [tilespmem:s20+$0x3260];
	[tilespmem:s20+$0x17070] =	vst v17;
	v33 =	vadd.f32 v29, v52  }
0x116: {  	v59 =	vmul.f32 $3.200000000e+01, v18;
	v18 =	vmul.f32 $3.200000000e+01, v35;
	v35 =	vld [tilespmem:s20+$0x3370];
	[tilespmem:s20+$0x15180] =	vst v50;
	v38 =	vadd.f32 v34, v56  }
0x117: {  	v31 =	vld [tilespmem:s7+$0x110D0];
	v41 =	vadd.f32 v36, v56;
	[tilespmem:s20+$0x15260] =	vst v33  }
0x118: {  	v15 =	vmul.f32 $3.200000000e+01, v15;
	v53 =	vld [tilespmem:s20+$0x1060];
	v43 =	vadd.f32 v39, v56;
	[tilespmem:s20+$0x15140] =	vst v38  }
0x119: {  	v26 =	vld [tilespmem:s20+$0x1070];
	v54 =	vmul.f32 $3.200000000e+01, v16;
	v16 =	vmul.f32 $3.200000000e+01, v30;
	v11 =	vadd.f32 v42, v56;
	[tilespmem:s20+$0x15340] =	vst v41  }
0x11a: {  	v46 =	vmul.f32 $3.200000000e+01, v37;
	v37 =	vld [tilespmem:s20+$0x1350];
	v56 =	vadd.f32 v15, v9;
	[tilespmem:s20+$0x17140] =	vst v43  }
0x11b: {  	v14 =	vld [tilespmem:s20+$0x11B0];
	v16 =	vadd.f32 v16, v63;
	[tilespmem:s20+$0x17340] =	vst v11  }
0x11c: {  	v57 =	vld [tilespmem:s20+$0x32F0];
	v20 =	vadd.f32 v44, v31;
	[tilespmem:s20+$0x15190] =	vst v56  }
0x11d: {  	v22 =	vmul.f32 $3.200000000e+01, v40;
	v13 =	vld [tilespmem:s20+$0x31B0];
	v23 =	vadd.f32 v45, v31;
	[tilespmem:s20+$0x15270] =	vst v16  }
0x11e: {  	v8 =	vld [tilespmem:s7+$0x111B0];
	v34 =	vmul.f32 $3.200000000e+01, v60;
	v47 =	vadd.f32 v46, v31;
	[tilespmem:s20+$0x150D0] =	vst v20  }
0x11f: {  	v32 =	vld [tilespmem:s20+$0x3170];
	v21 =	vadd.f32 v22, v31;
	[tilespmem:s20+$0x152D0] =	vst v23  }
0x120: {  	v5 =	vmul.f32 $3.200000000e+01, v5;
	v61 =	vld [tilespmem:s20+$0x33C0];
	v36 =	vadd.f32 v34, v52;
	[tilespmem:s20+$0x170D0] =	vst v47  }
0x121: {  	v12 =	vld [tilespmem:s20+$0x13B0];
	v14 =	vmul.f32 $3.200000000e+01, v14;
	v43 =	vadd.f32 v18, v63;
	[tilespmem:s20+$0x172D0] =	vst v21  }
0x122: {  	v50 =	vld [tilespmem:s20+$0x10F0];
	v20 =	vadd.f32 v49, v2;
	v2 =	vadd.f32 v5, v2;
	[tilespmem:s20+$0x17260] =	vst v36  }
0x123: {  	v13 =	vmul.f32 $3.200000000e+01, v13;
	v29 =	vld [tilespmem:s20+$0x1370];
	v14 =	vadd.f32 v14, v8;
	[tilespmem:s20+$0x17270] =	vst v43  }
0x124: {  	v39 =	vld [tilespmem:s20+$0x3350];
	[tilespmem:s20+$0x17380] =	vst v2;
	v2 =	vadd.f32 v54, v9  }
0x125: {  	v42 =	vld [tilespmem:s20+$0x10E0];
	v31 =	vmul.f32 $3.200000000e+01, v58;
	v13 =	vadd.f32 v13, v8;
	[tilespmem:s20+$0x151B0] =	vst v14  }
0x126: {  	v25 =	vmul.f32 $3.200000000e+01, v53;
	v3 =	vld [tilespmem:s7+$0x111C0];
	[tilespmem:s20+$0x15390] =	vst v2;
	v2 =	vadd.f32 v59, v9  }
0x127: {  	v5 =	vadd.f32 v31, v52;
	v47 =	vld [tilespmem:s20+$0x32E0];
	[tilespmem:s20+$0x171B0] =	vst v13;
	v9 =	vmul.f32 $3.200000000e+01, v26  }
0x128: {  	v12 =	vmul.f32 $3.200000000e+01, v12;
	v51 =	vld [tilespmem:s7+$0x11150];
	[tilespmem:s20+$0x17390] =	vst v2;
	v2 =	vadd.f32 v25, v52  }
0x129: {  	[tilespmem:s20+$0x17060] =	vst v5;
	v54 =	vld [tilespmem:s20+$0x30F0];
	v9 =	vadd.f32 v9, v63  }
0x12a: {  	v41 =	vmul.f32 $3.200000000e+01, v24;
	v12 =	vadd.f32 v12, v8;
	v52 =	vld [tilespmem:s20+$0x12F0];
	[tilespmem:s20+$0x15060] =	vst v2  }
0x12b: {  	v58 =	vmul.f32 $3.200000000e+01, v27;
	[tilespmem:s20+$0x15070] =	vst v9;
	v40 =	vld [tilespmem:s7+$0x110E0]  }
0x12c: {  	v6 =	vmul.f32 $3.200000000e+01, v6;
	v45 =	vadd.f32 v41, v7;
	[tilespmem:s20+$0x153B0] =	vst v12;
	v48 =	vld [tilespmem:s7+$0x110F0]  }
0x12d: {  	v15 =	vmul.f32 $3.200000000e+01, v37;
	v7 =	vadd.f32 v58, v7;
	[tilespmem:s20+$0x15380] =	vst v20;
	v2 =	vld [tilespmem:s20+$0x1150]  }
0x12e: {  	v60 =	vld [tilespmem:s20+$0x31C0];
	[tilespmem:s20+$0x171A0] =	vst v45;
	v6 =	vadd.f32 v6, v3;
	v56 =	vmul.f32 $3.200000000e+01, v47  }
0x12f: {  	v38 =	vld [tilespmem:s20+$0x3150];
	[tilespmem:s20+$0x173A0] =	vst v7;
	v15 =	vadd.f32 v15, v51;
	v9 =	vmul.f32 $3.200000000e+01, v50  }
0x130: {  	v46 =	vld [tilespmem:s20+$0x30E0];
	[tilespmem:s20+$0x151C0] =	vst v6;
	v62 =	vmul.f32 $3.200000000e+01, v52;
	v59 =	vadd.f32 v56, v40  }
0x131: {  	v11 =	vld [tilespmem:s20+$0x33B0];
	v17 =	vmul.f32 $3.200000000e+01, v54;
	[tilespmem:s20+$0x15350] =	vst v15;
	v9 =	vadd.f32 v9, v48  }
0x132: {  	v44 =	vld [tilespmem:s20+$0x12E0];
	v2 =	vmul.f32 $3.200000000e+01, v2;
	v15 =	vadd.f32 v62, v48;
	[tilespmem:s20+$0x172E0] =	vst v59  }
0x133: {  	v16 =	vmul.f32 $3.200000000e+01, v57;
	v24 =	vld [tilespmem:s20+$0x3160];
	v17 =	vadd.f32 v17, v48;
	[tilespmem:s20+$0x150F0] =	vst v9  }
0x134: {  	v27 =	vld [tilespmem:s20+$0x1170];
	v5 =	vmul.f32 $3.200000000e+01, v38;
	v2 =	vadd.f32 v2, v51;
	[tilespmem:s20+$0x152F0] =	vst v15  }
0x135: {  	v21 =	vld [tilespmem:s20+$0x1160];
	v4 =	vmul.f32 $3.200000000e+01, v39;
	v53 =	vmul.f32 $3.200000000e+01, v46;
	v22 =	vadd.f32 v16, v48;
	[tilespmem:s20+$0x170F0] =	vst v17  }
0x136: {  	v23 =	vld [tilespmem:s20+$0x1360];
	v49 =	vmul.f32 $3.200000000e+01, v42;
	[tilespmem:s20+$0x15150] =	vst v2;
	v2 =	vadd.f32 v5, v51  }
0x137: {  	v36 =	vld [tilespmem:s20+$0x11D0];
	v4 =	vadd.f32 v4, v51;
	[tilespmem:s20+$0x172F0] =	vst v22;
	v51 =	vmul.f32 $3.200000000e+01, v44;
	v5 =	vadd.f32 v53, v40  }
0x138: {  	v10 =	vmul.f32 $3.200000000e+01, v60;
	v26 =	vld [tilespmem:s7+$0x11170];
	[tilespmem:s20+$0x17150] =	vst v2;
	v2 =	vadd.f32 v49, v40  }
0x139: {  	v41 =	vld [tilespmem:s20+$0x33D0];
	v11 =	vmul.f32 $3.200000000e+01, v11;
	v55 =	vadd.f32 v51, v40;
	[tilespmem:s20+$0x170E0] =	vst v5  }
0x13a: {  	v43 =	vld [tilespmem:s20+$0x11E0];
	v10 =	vadd.f32 v10, v3;
	[tilespmem:s20+$0x150E0] =	vst v2  }
0x13b: {  	v39 =	vld [tilespmem:s20+$0x31D0];
	v8 =	vadd.f32 v11, v8;
	v11 =	vmul.f32 $3.200000000e+01, v27;
	[tilespmem:s20+$0x152E0] =	vst v55  }
0x13c: {  	[tilespmem:s20+$0x171C0] =	vst v10;
	v40 =	vmul.f32 $3.200000000e+01, v29;
	v20 =	vld [tilespmem:s7+$0x11160]  }
0x13d: {  	v42 =	vmul.f32 $3.200000000e+01, v32;
	v25 =	vld [tilespmem:s20+$0x3360];
	[tilespmem:s20+$0x173B0] =	vst v8;
	v11 =	vadd.f32 v11, v26  }
0x13e: {  	[tilespmem:s20+$0x17350] =	vst v4;
	v15 =	vmul.f32 $3.200000000e+01, v35;
	v2 =	vld [tilespmem:s20+$0x13C0];
	v12 =	vadd.f32 v40, v26  }
0x13f: {  	v45 =	vld [tilespmem:s20+$0x13E0];
	v9 =	vmul.f32 $3.200000000e+01, v21;
	v13 =	vadd.f32 v42, v26;
	[tilespmem:s20+$0x15170] =	vst v11  }
0x140: {  	v38 =	vld [tilespmem:s20+$0x13D0];
	v28 =	vmul.f32 $3.200000000e+01, v23;
	v44 =	vadd.f32 v15, v26;
	[tilespmem:s20+$0x15370] =	vst v12  }
0x141: {  	v31 =	vmul.f32 $3.200000000e+01, v24;
	v51 =	vld [tilespmem:s20+$0x11F0];
	[tilespmem:s20+$0x17170] =	vst v13;
	v30 =	vadd.f32 v9, v20  }
0x142: {  	v34 =	vmul.f32 $3.200000000e+01, v25;
	v63 =	vld [tilespmem:s7+$0x111D0];
	[tilespmem:s20+$0x17370] =	vst v44;
	v33 =	vadd.f32 v28, v20  }
0x143: {  	v46 =	vld [tilespmem:s20+$0x31E0];
	v2 =	vmul.f32 $3.200000000e+01, v2;
	v9 =	vadd.f32 v31, v20;
	[tilespmem:s20+$0x15160] =	vst v30  }
0x144: {  	v5 =	vmul.f32 $3.200000000e+01, v61;
	v49 =	vld [tilespmem:s7+$0x111F0];
	v37 =	vadd.f32 v34, v20;
	[tilespmem:s20+$0x15360] =	vst v33  }
0x145: {  	v8 =	vmul.f32 $3.200000000e+01, v36;
	v48 =	vld [tilespmem:s20+$0x33E0];
	v2 =	vadd.f32 v2, v3;
	[tilespmem:s20+$0x17160] =	vst v9  }
0x146: {  	v47 =	vmul.f32 $3.200000000e+01, v38;
	v56 =	vld [tilespmem:s20+$0x31F0];
	v3 =	vadd.f32 v5, v3;
	[tilespmem:s20+$0x17360] =	vst v37  }
0x147: {  	v6 =	vmul.f32 $3.200000000e+01, v51;
	v8 =	vadd.f32 v8, v63;
	[tilespmem:s20+$0x153C0] =	vst v2;
	v2 =	vld [tilespmem:s7+$0x111E0]  }
0x148: {  	v50 =	vmul.f32 $3.200000000e+01, v41;
	[tilespmem:s20+$0x173C0] =	vst v3;
	v3 =	vadd.f32 v47, v63  }
0x149: {  	v54 =	vld [tilespmem:s20+$0x13F0];
	[tilespmem:s20+$0x151D0] =	vst v8;
	v9 =	vmul.f32 $3.200000000e+01, v39;
	v62 =	vadd.f32 v6, v49  }
0x14a: {  	v55 =	vmul.f32 $3.200000000e+01, v45;
	[tilespmem:s20+$0x153D0] =	vst v3;
	v3 =	vadd.f32 v50, v63  }
0x14b: {  	v59 =	vld [tilespmem:s20+$0x33F0];
	v53 =	vmul.f32 $3.200000000e+01, v43;
	v5 =	vmul.f32 $3.200000000e+01, v56;
	v52 =	vadd.f32 v9, v63;
	[tilespmem:s20+$0x151F0] =	vst v62  }
0x14c: {  	v58 =	vmul.f32 $3.200000000e+01, v46;
	v60 =	vmul.f32 $3.200000000e+01, v48;
	[tilespmem:s20+$0x173D0] =	vst v3;
	v3 =	vadd.f32 v55, v2  }
0x14d: {  	v63 =	vadd.f32 v5, v49;
	[tilespmem:s20+$0x171D0] =	vst v52;
	v57 =	vadd.f32 v53, v2  }
0x14e: {  	v61 =	vadd.f32 v58, v2;
	v2 =	vadd.f32 v60, v2;
	[tilespmem:s20+$0x153E0] =	vst v3;
	v3 =	vmul.f32 $3.200000000e+01, v54  }
0x14f: {  	p0 =	slt.u32 s0, $0x38;
	[tilespmem:s20+$0x171F0] =	vst v63  }
.Ltmp0:
0x150: {  	[tilespmem:s20+$0x173E0] =	vst v2;
	v2 =	vadd.f32 v3, v49;
	v3 =	vmul.f32 $3.200000000e+01, v59;
	(pc) =	sbr.rel @p0 .LBB2_3-.Ltmp0, $4  }
0x151: {  	[tilespmem:s20+$0x151E0] =	vst v57  }
0x152: {  	[tilespmem:s20+$0x153F0] =	vst v2;
	v2 =	vadd.f32 v3, v49  }
0x153: {  	s28 =	sadd.s32 $0x8, s0;
	[tilespmem:s20+$0x171E0] =	vst v61  }
0x154: {  	s0 =	smov.u32 s28;
	[tilespmem:s20+$0x173F0] =	vst v2  }
0x155: {  	s20 =	sshll.u32 s14, $0x4  }
0x156: {  	s0 =	sadd.s32 s6, s20  }
0x157: {  	s7 =	sshll.u32 s0, $0x7  }
0x158: {  	s0 =	sadd.s32 s3, s7  }
0x159: {  	[hbm4b:s0+s4] =	stream.linear.scatter [tilespmem:s21], [sflag:$0x9], $0x200, $0x38;
	[tilespmem:$0x1D000] =	vst v63  }
0x15a: {  	s2 =	sadd.s32 $0x80, s0  }
0x15b: {  	[hbm4b:s2+s4] =	stream.linear.scatter [tilespmem:s22], [sflag:$0x9], $0x200, $0x38;
	[tilespmem:$0x1D000] =	vst v63  }
0x15c: {  	s22 =	sadd.s32 $0x100, s0  }
0x15d: {  	[hbm4b:s22+s4] =	stream.linear.scatter [tilespmem:s23], [sflag:$0x9], $0x200, $0x38;
	[tilespmem:$0x1D000] =	vst v63  }
0x15e: {  	s23 =	sadd.s32 $0x180, s0  }
0x15f: {  	[hbm4b:s23+s4] =	stream.linear.scatter [tilespmem:s29], [sflag:$0x9], $0x200, $0x38;
	[tilespmem:$0x1D000] =	vst v63  }
0x160: {  	s13 =	simm.s32 $0x16000;
	s29 =	sadd.s32 $0x200, s0  }
0x161: {  	[hbm4b:s29+s4] =	stream.linear.scatter [tilespmem:s13], [sflag:$0x9], $0x200, $0x38;
	[tilespmem:$0x1D000] =	vst v63  }
0x162: {  	s21 =	sadd.s32 $0x280, s0;
	s22 =	simm.s32 $0x16400  }
0x163: {  	[hbm4b:s21+s4] =	stream.linear.scatter [tilespmem:s22], [sflag:$0x9], $0x200, $0x38;
	[tilespmem:$0x1D000] =	vst v63  }
0x164: {  	s23 =	sadd.s32 $0x300, s0;
	s29 =	simm.s32 $0x16800  }
0x165: {  	[hbm4b:s23+s4] =	stream.linear.scatter [tilespmem:s29], [sflag:$0x9], $0x200, $0x38;
	[tilespmem:$0x1D000] =	vst v63  }
0x166: {  	s0 =	sadd.s32 $0x380, s0;
	s13 =	simm.s32 $0x16C00;
	s21 =	sadd.s32 s15, s20  }
0x167: {  	[hbm4b:s0+s4] =	stream.linear.scatter [tilespmem:s13], [sflag:$0x9], $0x200, $0x38;
	[tilespmem:$0x1D000] =	vst v63  }
0x168: {  	s0 =	sshll.u32 s21, $0x7  }
0x169: {  	s13 =	sand.u32 $0x1FFFF800, s0  }
0x16a: {  	s22 =	simm.s32 $0x15200;
	s0 =	sadd.s32 s3, s13  }
0x16b: {  	[hbm4b:s0+s4] =	stream.linear.scatter [tilespmem:s22], [sflag:$0x9], $0x200, $0x38;
	[tilespmem:$0x1D000] =	vst v63  }
0x16c: {  	s29 =	simm.s32 $0x15600;
	s23 =	sadd.s32 $0x80, s0  }
0x16d: {  	[hbm4b:s23+s4] =	stream.linear.scatter [tilespmem:s29], [sflag:$0x9], $0x200, $0x38;
	[tilespmem:$0x1D000] =	vst v63  }
0x16e: {  	s21 =	sadd.s32 $0x100, s0;
	s22 =	simm.s32 $0x15A00  }
0x16f: {  	[hbm4b:s21+s4] =	stream.linear.scatter [tilespmem:s22], [sflag:$0x9], $0x200, $0x38;
	[tilespmem:$0x1D000] =	vst v63  }
0x170: {  	s23 =	sadd.s32 $0x180, s0;
	s29 =	simm.s32 $0x15E00  }
0x171: {  	[hbm4b:s23+s4] =	stream.linear.scatter [tilespmem:s29], [sflag:$0x9], $0x200, $0x38;
	[tilespmem:$0x1D000] =	vst v63  }
0x172: {  	s21 =	sadd.s32 $0x200, s0;
	s22 =	simm.s32 $0x16200  }
0x173: {  	[hbm4b:s21+s4] =	stream.linear.scatter [tilespmem:s22], [sflag:$0x9], $0x200, $0x38;
	[tilespmem:$0x1D000] =	vst v63  }
0x174: {  	s23 =	sadd.s32 $0x280, s0;
	s29 =	simm.s32 $0x16600  }
0x175: {  	[hbm4b:s23+s4] =	stream.linear.scatter [tilespmem:s29], [sflag:$0x9], $0x200, $0x38;
	[tilespmem:$0x1D000] =	vst v63  }
0x176: {  	s22 =	sadd.s32 $0x300, s0;
	s23 =	simm.s32 $0x16A00  }
0x177: {  	[hbm4b:s22+s4] =	stream.linear.scatter [tilespmem:s23], [sflag:$0x9], $0x200, $0x38;
	[tilespmem:$0x1D000] =	vst v63  }
0x178: {  	s0 =	sadd.s32 $0x380, s0;
	s21 =	sadd.s32 s16, s20;
	s29 =	simm.s32 $0x16E00  }
0x179: {  	[hbm4b:s0+s4] =	stream.linear.scatter [tilespmem:s29], [sflag:$0x9], $0x200, $0x38;
	[tilespmem:$0x1D000] =	vst v63  }
0x17a: {  	s0 =	sshll.u32 s21, $0x7  }
0x17b: {  	s0 =	sand.u32 $0x1FFFF800, s0  }
0x17c: {  	s22 =	simm.s32 $0x17000;
	s2 =	sadd.s32 s3, s0  }
0x17d: {  	[hbm4b:s2+s4] =	stream.linear.scatter [tilespmem:s22], [sflag:$0x9], $0x200, $0x38;
	[tilespmem:$0x1D000] =	vst v63  }
0x17e: {  	s29 =	simm.s32 $0x17400;
	s23 =	sadd.s32 $0x80, s2  }
0x17f: {  	[hbm4b:s23+s4] =	stream.linear.scatter [tilespmem:s29], [sflag:$0x9], $0x200, $0x38;
	[tilespmem:$0x1D000] =	vst v63  }
0x180: {  	s23 =	sadd.s32 $0x100, s2;
	s29 =	simm.s32 $0x17800  }
0x181: {  	[hbm4b:s23+s4] =	stream.linear.scatter [tilespmem:s29], [sflag:$0x9], $0x200, $0x38;
	[tilespmem:$0x1D000] =	vst v63  }
0x182: {  	s23 =	sadd.s32 $0x180, s2;
	s29 =	simm.s32 $0x17C00  }
0x183: {  	[hbm4b:s23+s4] =	stream.linear.scatter [tilespmem:s29], [sflag:$0x9], $0x200, $0x38;
	[tilespmem:$0x1D000] =	vst v63  }
0x184: {  	s23 =	sadd.s32 $0x200, s2;
	s29 =	simm.s32 $0x18000  }
0x185: {  	[hbm4b:s23+s4] =	stream.linear.scatter [tilespmem:s29], [sflag:$0x9], $0x200, $0x38;
	[tilespmem:$0x1D000] =	vst v63  }
0x186: {  	s23 =	sadd.s32 $0x280, s2;
	s29 =	simm.s32 $0x18400  }
0x187: {  	[hbm4b:s23+s4] =	stream.linear.scatter [tilespmem:s29], [sflag:$0x9], $0x200, $0x38;
	[tilespmem:$0x1D000] =	vst v63  }
0x188: {  	s23 =	sadd.s32 $0x300, s2;
	s29 =	simm.s32 $0x18800  }
0x189: {  	[hbm4b:s23+s4] =	stream.linear.scatter [tilespmem:s29], [sflag:$0x9], $0x200, $0x38;
	[tilespmem:$0x1D000] =	vst v63  }
0x18a: {  	s22 =	simm.s32 $0x18C00;
	s2 =	sadd.s32 $0x380, s2;
	s23 =	sadd.s32 s17, s20  }
0x18b: {  	[hbm4b:s2+s4] =	stream.linear.scatter [tilespmem:s22], [sflag:$0x9], $0x200, $0x38;
	[tilespmem:$0x1D000] =	vst v63  }
0x18c: {  	s2 =	sshll.u32 s23, $0x7  }
0x18d: {  	s2 =	sand.u32 $0x1FFFF800, s2  }
0x18e: {  	s29 =	simm.s32 $0x17200;
	s21 =	sadd.s32 s3, s2  }
0x18f: {  	[hbm4b:s21+s4] =	stream.linear.scatter [tilespmem:s29], [sflag:$0x9], $0x200, $0x38;
	[tilespmem:$0x1D000] =	vst v63  }
0x190: {  	s23 =	sadd.s32 $0x80, s21;
	s29 =	simm.s32 $0x17600  }
0x191: {  	[hbm4b:s23+s4] =	stream.linear.scatter [tilespmem:s29], [sflag:$0x9], $0x200, $0x38;
	[tilespmem:$0x1D000] =	vst v63  }
0x192: {  	s23 =	sadd.s32 $0x100, s21;
	s29 =	simm.s32 $0x17A00  }
0x193: {  	[hbm4b:s23+s4] =	stream.linear.scatter [tilespmem:s29], [sflag:$0x9], $0x200, $0x38;
	[tilespmem:$0x1D000] =	vst v63  }
0x194: {  	s23 =	sadd.s32 $0x180, s21;
	s29 =	simm.s32 $0x17E00  }
0x195: {  	[hbm4b:s23+s4] =	stream.linear.scatter [tilespmem:s29], [sflag:$0x9], $0x200, $0x38;
	[tilespmem:$0x1D000] =	vst v63  }
0x196: {  	s23 =	sadd.s32 $0x200, s21;
	s29 =	simm.s32 $0x18200  }
0x197: {  	[hbm4b:s23+s4] =	stream.linear.scatter [tilespmem:s29], [sflag:$0x9], $0x200, $0x38;
	[tilespmem:$0x1D000] =	vst v63  }
0x198: {  	s23 =	sadd.s32 $0x280, s21;
	s29 =	simm.s32 $0x18600  }
0x199: {  	[hbm4b:s23+s4] =	stream.linear.scatter [tilespmem:s29], [sflag:$0x9], $0x200, $0x38;
	[tilespmem:$0x1D000] =	vst v63  }
0x19a: {  	p0 =	seq.s32 s14, $0x7;
	s23 =	sadd.s32 $0x300, s21;
	s29 =	simm.s32 $0x18A00  }
0x19b: {  	[hbm4b:s23+s4] =	stream.linear.scatter [tilespmem:s29], [sflag:$0x9], $0x200, $0x38;
	[tilespmem:$0x1D000] =	vst v63  }
0x19c: {  	s28 =	sshll.u32 @!p0 s14, $0xB;
	s21 =	sadd.s32 $0x380, s21;
	s29 =	simm.s32 $0x18E00  }
0x19d: {  	[hbm4b:s21+s4] =	stream.linear.scatter [tilespmem:s29], [sflag:$0x9], $0x200, $0x38;
	[tilespmem:$0x1D000] =	vst v63  }
0x19e: {  	s21 =	sadd.s32 @!p0 $0x800, s28  }
0x19f: {  	s22 =	sshrl.u32 @!p0 s21, $0x2  }
0x1a0: {  	v2 =	vld.msk @!p0 [tilespmem:s22+$0x0], $0xff;
	_ =	sdelay $0x4  }
0x1a1: {  	v3 =	vshll.u32 @!p0 v2, $0x3  }
0x1a2: {  	v4 =	vlaneseq.u32 @!p0;
	v2 =	vand.u32 @!p0 $0x7, v2;
	v3 =	vand.u32 @!p0 $0xFFFFFFC0, v3  }
0x1a3: {  	v2 =	vor.u32 @!p0 v2, v3;
	v3 =	vand.u32 @!p0 $0x7, v4;
	v4 =	vshrl.u32 @!p0 v4, $0x3  }
0x1a4: {  	v2 =	vperm.xlane @!p0 v2, v3;
	v4 =	vmul.u32 @!p0 $0x8, v4;
	_ =	sdelay $0x1  }
0x1a5: {  	v2 =	vadd.s32 @!p0 v4, v2;
	_ =	sdelay $0x3  }
0x1a6: {  	vm1 =	vmmov @!p0 $0xffff;
	s23 =	simm.s32 @!p0 $0x1000;
	s29 =	simm.s32 @!p0 $0x0  }
0x1a7: {  	[tilespmem:s23], [sflag:$0x1] =	stream.indirect_vreg.gather @!p0 [hbm4b:s1+s29], $0x80, v2, vm1, $0xb8;
	[tilespmem:$0x1D000] =	vst v63  }
0x1a8: {  	s23 =	simm.s32 @!p0 $0x1800  }
0x1a9: {  	[tilespmem:s23], [sflag:$0x1] =	stream.indirect_vreg.gather @!p0 [hbm4b:s8+s29], $0x80, v2, vm1, $0xb8;
	[tilespmem:$0x1D000] =	vst v63  }
0x1aa: {  	s23 =	simm.s32 @!p0 $0x2000  }
0x1ab: {  	[tilespmem:s23], [sflag:$0x1] =	stream.indirect_vreg.gather @!p0 [hbm4b:s9+s29], $0x80, v2, vm1, $0xb8;
	[tilespmem:$0x1D000] =	vst v63  }
0x1ac: {  	s22 =	sor.u32 @!p0 $0x8, s22;
	s23 =	simm.s32 @!p0 $0x2800  }
0x1ad: {  	[tilespmem:s23], [sflag:$0x1] =	stream.indirect_vreg.gather @!p0 [hbm4b:s10+s29], $0x80, v2, vm1, $0xb8;
	[tilespmem:$0x1D000] =	vst v63  }
0x1ae: {  	v2 =	vld.msk @!p0 [tilespmem:s22+$0x0], $0xff;
	_ =	sdelay $0x4  }
0x1af: {  	v5 =	vshll.u32 @!p0 v2, $0x3  }
0x1b0: {  	v2 =	vand.u32 @!p0 $0x7, v2;
	v5 =	vand.u32 @!p0 $0xFFFFFFC0, v5  }
0x1b1: {  	v2 =	vor.u32 @!p0 v2, v5  }
0x1b2: {  	v2 =	vperm.xlane @!p0 v2, v3;
	_ =	sdelay $0x1  }
0x1b3: {  	v2 =	vadd.s32 @!p0 v4, v2;
	_ =	sdelay $0x3  }
0x1b4: {  	s22 =	simm.s32 @!p0 $0x3000  }
0x1b5: {  	[tilespmem:s22], [sflag:$0xB] =	stream.indirect_vreg.gather @!p0 [hbm4b:s1+s29], $0x80, v2, vm1, $0xb8;
	[tilespmem:$0x1D000] =	vst v63  }
0x1b6: {  	s22 =	simm.s32 @!p0 $0x3800  }
0x1b7: {  	[tilespmem:s22], [sflag:$0xB] =	stream.indirect_vreg.gather @!p0 [hbm4b:s8+s29], $0x80, v2, vm1, $0xb8;
	[tilespmem:$0x1D000] =	vst v63  }
0x1b8: {  	s22 =	simm.s32 @!p0 $0x4000  }
0x1b9: {  	[tilespmem:s22], [sflag:$0xB] =	stream.indirect_vreg.gather @!p0 [hbm4b:s9+s29], $0x80, v2, vm1, $0xb8;
	[tilespmem:$0x1D000] =	vst v63  }
0x1ba: {  	s21 =	sadd.s32 @!p0 s21, s12;
	s22 =	simm.s32 @!p0 $0x4800  }
0x1bb: {  	[tilespmem:s22], [sflag:$0xB] =	stream.indirect_vreg.gather @!p0 [hbm4b:s10+s29], $0x80, v2, vm1, $0xb8;
	[tilespmem:$0x1D000] =	vst v63  }
0x1bc: {  	s23 =	simm.s32 @!p0 $0x400;
	s22 =	simm.s32 @!p0 $0x200;
	s29 =	simm.s32 @!p0 $0x11000  }
0x1bd: {  	[tilespmem:s29], [sflag:$0x5] =	stream.strided.gather @!p0 [hbm4b:s21+s22], $0x1000, s23, s22, $0x38;
	[tilespmem:$0x1D000] =	vst v63  }
0x1be: {  	s22 =	simm.s32 $0x2  }
0x1bf: {  	_ =	swait.ge [sflag:s22], $0x2000  }
0x1c0: {  	[sflag:s22] =	ssyncset.done $0x0  }
0x1c1: {  	s23 =	simm.s32 $0xC;
	[sflag:s22] =	ssyncadd.s32 $0xFFFFE000  }
0x1c2: {  	_ =	swait.ge [sflag:s23], $0x2000  }
0x1c3: {  	[sflag:s23] =	ssyncset.done $0x0  }
0x1c4: {  	s29 =	simm.s32 $0x6;
	[sflag:s23] =	ssyncadd.s32 $0xFFFFE000  }
0x1c5: {  	_ =	swait.ge [sflag:s29], $0x1000  }
0x1c6: {  	[sflag:s29] =	ssyncset.done $0x0  }
0x1c7: {  	s21 =	simm.s32 @!p1 $0xA;
	[sflag:s29] =	ssyncadd.s32 $0xFFFFF000  }
0x1c8: {  	_ =	swait.ge @!p1 [sflag:s21], $0x1000  }
0x1c9: {  	[sflag:s21] =	ssyncset.done @!p1 $0x0  }
0x1ca: {  	[sflag:s21] =	ssyncadd.s32 @!p1 $0xFFFFF000  }
0x1cb: {  	_ =	swait.ge @!p1 [sflag:s21], $0x1000  }
0x1cc: {  	[sflag:s21] =	ssyncset.done @!p1 $0x0  }
0x1cd: {  	[sflag:s21] =	ssyncadd.s32 @!p1 $0xFFFFF000  }
0x1ce: {  	_ =	swait.ge @!p1 [sflag:s21], $0x1000  }
0x1cf: {  	[sflag:s21] =	ssyncset.done @!p1 $0x0  }
0x1d0: {  	[sflag:s21] =	ssyncadd.s32 @!p1 $0xFFFFF000  }
0x1d1: {  	_ =	swait.ge @!p1 [sflag:s21], $0x1000  }
0x1d2: {  	[sflag:s21] =	ssyncset.done @!p1 $0x0  }
0x1d3: {  	[sflag:s21] =	ssyncadd.s32 @!p1 $0xFFFFF000;
	s21 =	simm.s32 $0x0  }
.LBB2_5:
0x1d4: {  	s29 =	sshll.u32 s21, $0x7  }
0x1d5: {  	v3 =	vld [tilespmem:s29+$0x5000]  }
0x1d6: {  	v4 =	vld [tilespmem:s29+$0x5200]  }
0x1d7: {  	v5 =	vld [tilespmem:s29+$0x7000]  }
0x1d8: {  	v6 =	vld [tilespmem:s29+$0x7200]  }
0x1d9: {  	v53 =	vld [tilespmem:s29+$0x5280]  }
0x1da: {  	v54 =	vld [tilespmem:s29+$0x7080]  }
0x1db: {  	v55 =	vld [tilespmem:s29+$0x7280]  }
0x1dc: {  	v8 =	vld [tilespmem:s29+$0x5010]  }
0x1dd: {  	v9 =	vld [tilespmem:s29+$0x5210]  }
0x1de: {  	v10 =	vld [tilespmem:s29+$0x7010]  }
0x1df: {  	v11 =	vld [tilespmem:s29+$0x7210]  }
0x1e0: {  	v60 =	vld [tilespmem:s29+$0x5100]  }
0x1e1: {  	v61 =	vld [tilespmem:s29+$0x5300]  }
0x1e2: {  	v62 =	vld [tilespmem:s29+$0x7100]  }
0x1e3: {  	v63 =	vld [tilespmem:s29+$0x5090]  }
0x1e4: {  	v16 =	vld [tilespmem:s29+$0x5290]  }
0x1e5: {  	v17 =	vld [tilespmem:s29+$0x7090]  }
0x1e6: {  	v18 =	vld [tilespmem:s29+$0x7290]  }
0x1e7: {  	v13 =	vld [tilespmem:s29+$0x5020]  }
0x1e8: {  	v19 =	vld [tilespmem:s29+$0x5220]  }
0x1e9: {  	v21 =	vld [tilespmem:s29+$0x7020]  }
0x1ea: {  	v24 =	vld [tilespmem:s29+$0x7220]  }
0x1eb: {  	v31 =	vld [tilespmem:s29+$0x50A0]  }
0x1ec: {  	v32 =	vld [tilespmem:s29+$0x52A0]  }
0x1ed: {  	v33 =	vld [tilespmem:s29+$0x70A0]  }
0x1ee: {  	s22 =	sshll.u32 s21, $0x6;
	v34 =	vld [tilespmem:s29+$0x72A0]  }
0x1ef: {  	s22 =	sand.u32 $0x3FFFFFC0, s22;
	v14 =	vld [tilespmem:s29+$0x5030]  }
0x1f0: {  	v2 =	vld [tilespmem:s22+$0x12000]  }
0x1f1: {  	v15 =	vld [tilespmem:s29+$0x5230]  }
0x1f2: {  	v37 =	vld [tilespmem:s29+$0x5310]  }
0x1f3: {  	v39 =	vld [tilespmem:s29+$0x7110];
	v3 =	vmul.f32 $3.200000000e+01, v3  }
0x1f4: {  	v41 =	vld [tilespmem:s29+$0x7310];
	v4 =	vmul.f32 $3.200000000e+01, v4  }
0x1f5: {  	v46 =	vld [tilespmem:s29+$0x5120];
	v5 =	vmul.f32 $3.200000000e+01, v5;
	v3 =	vadd.f32 v3, v2  }
0x1f6: {  	v48 =	vld [tilespmem:s29+$0x5320];
	v6 =	vmul.f32 $3.200000000e+01, v6;
	v4 =	vadd.f32 v4, v2  }
0x1f7: {  	v50 =	vld [tilespmem:s29+$0x7120];
	[tilespmem:s29+$0x19000] =	vst v3;
	v3 =	vadd.f32 v5, v2  }
0x1f8: {  	v52 =	vld [tilespmem:s29+$0x7320];
	[tilespmem:s29+$0x19200] =	vst v4;
	v2 =	vadd.f32 v6, v2  }
0x1f9: {  	[tilespmem:s29+$0x1B000] =	vst v3;
	v3 =	vld [tilespmem:s29+$0x5080]  }
0x1fa: {  	v7 =	vld [tilespmem:s22+$0x12010];
	[tilespmem:s29+$0x1B200] =	vst v2  }
0x1fb: {  	v2 =	vld [tilespmem:s22+$0x12080]  }
0x1fc: {  	v12 =	vld [tilespmem:s22+$0x12020]  }
0x1fd: {  	v20 =	vmul.f32 $3.200000000e+01, v16;
	v16 =	vld [tilespmem:s29+$0x7030]  }
0x1fe: {  	v35 =	vld [tilespmem:s22+$0x12030];
	v56 =	vmul.f32 $3.200000000e+01, v8;
	v3 =	vmul.f32 $3.200000000e+01, v3  }
0x1ff: {  	v23 =	vmul.f32 $3.200000000e+01, v17;
	v17 =	vld [tilespmem:s29+$0x7230];
	v4 =	vmul.f32 $3.200000000e+01, v53  }
0x200: {  	v25 =	vmul.f32 $3.200000000e+01, v18;
	v18 =	vld [tilespmem:s29+$0x5110];
	v5 =	vmul.f32 $3.200000000e+01, v54;
	v3 =	vadd.f32 v3, v2  }
0x201: {  	v8 =	vmul.f32 $3.200000000e+01, v60;
	v60 =	vld [tilespmem:s29+$0x72B0];
	v6 =	vmul.f32 $3.200000000e+01, v55;
	v4 =	vadd.f32 v4, v2  }
0x202: {  	v40 =	vmul.f32 $3.200000000e+01, v15;
	v15 =	vld [tilespmem:s29+$0x5190];
	v43 =	vmul.f32 $3.200000000e+01, v16;
	[tilespmem:s29+$0x19080] =	vst v3;
	v3 =	vadd.f32 v5, v2  }
0x203: {  	v55 =	vld [tilespmem:s29+$0x50B0];
	[tilespmem:s29+$0x19280] =	vst v4;
	v2 =	vadd.f32 v6, v2  }
0x204: {  	v16 =	vld [tilespmem:s29+$0x5390];
	v47 =	vadd.f32 v43, v35;
	[tilespmem:s29+$0x1B080] =	vst v3;
	v3 =	vmul.f32 $3.200000000e+01, v9  }
0x205: {  	v57 =	vmul.f32 $3.200000000e+01, v10;
	v45 =	vmul.f32 $3.200000000e+01, v17;
	v17 =	vld [tilespmem:s29+$0x7190];
	[tilespmem:s29+$0x1B280] =	vst v2;
	v2 =	vadd.f32 v56, v7  }
0x206: {  	[tilespmem:s29+$0x1B030] =	vst v47;
	v58 =	vld [tilespmem:s22+$0x12100];
	v3 =	vadd.f32 v3, v7  }
0x207: {  	v59 =	vmul.f32 $3.200000000e+01, v11;
	v51 =	vmul.f32 $3.200000000e+01, v18;
	v18 =	vld [tilespmem:s29+$0x7390];
	[tilespmem:s29+$0x19010] =	vst v2;
	v2 =	vadd.f32 v57, v7  }
0x208: {  	v49 =	vadd.f32 v45, v35;
	v45 =	vld [tilespmem:s29+$0x52C0];
	v5 =	vmul.f32 $3.200000000e+01, v21;
	[tilespmem:s29+$0x19210] =	vst v3  }
0x209: {  	v3 =	vadd.f32 v59, v7;
	[tilespmem:s29+$0x1B010] =	vst v2;
	v2 =	vld [tilespmem:s29+$0x7300]  }
0x20a: {  	[tilespmem:s29+$0x1B230] =	vst v49;
	v47 =	vld [tilespmem:s29+$0x72C0];
	v9 =	vmul.f32 $3.200000000e+01, v24;
	v28 =	vadd.f32 v5, v12  }
0x20b: {  	v49 =	vld [tilespmem:s29+$0x5330];
	v4 =	vmul.f32 $3.200000000e+01, v61;
	[tilespmem:s29+$0x1B210] =	vst v3;
	v8 =	vadd.f32 v8, v58  }
0x20c: {  	v6 =	vmul.f32 $3.200000000e+01, v62;
	v29 =	vadd.f32 v9, v12;
	[tilespmem:s29+$0x1B020] =	vst v28;
	v3 =	vld [tilespmem:s22+$0x12090]  }
0x20d: {  	v21 =	vld [tilespmem:s22+$0x12050];
	v4 =	vadd.f32 v4, v58;
	[tilespmem:s29+$0x19100] =	vst v8;
	v8 =	vmul.f32 $3.200000000e+01, v19  }
0x20e: {  	v5 =	vld [tilespmem:s29+$0x7380];
	[tilespmem:s29+$0x1B220] =	vst v29;
	v6 =	vadd.f32 v6, v58;
	v2 =	vmul.f32 $3.200000000e+01, v2  }
0x20f: {  	v27 =	vmul.f32 $3.200000000e+01, v13;
	v24 =	vld [tilespmem:s29+$0x5040];
	v7 =	vmul.f32 $3.200000000e+01, v63;
	[tilespmem:s29+$0x19300] =	vst v4;
	v8 =	vadd.f32 v8, v12  }
0x210: {  	v57 =	vmul.f32 $3.200000000e+01, v46;
	v46 =	vld [tilespmem:s29+$0x70C0];
	[tilespmem:s29+$0x1B100] =	vst v6;
	v2 =	vadd.f32 v2, v58  }
0x211: {  	v63 =	vld [tilespmem:s22+$0x12040];
	v22 =	vadd.f32 v7, v3;
	v7 =	vadd.f32 v27, v12;
	[tilespmem:s29+$0x19220] =	vst v8  }
0x212: {  	v6 =	vld [tilespmem:s29+$0x5380];
	[tilespmem:s29+$0x1B300] =	vst v2  }
0x213: {  	v19 =	vld [tilespmem:s29+$0x52B0];
	v26 =	vadd.f32 v23, v3;
	[tilespmem:s29+$0x19020] =	vst v7  }
0x214: {  	v4 =	vadd.f32 v25, v3;
	[tilespmem:s29+$0x19090] =	vst v22;
	v8 =	vld [tilespmem:s22+$0x120A0]  }
0x215: {  	v58 =	vld [tilespmem:s29+$0x70B0];
	v2 =	vadd.f32 v20, v3;
	[tilespmem:s29+$0x1B090] =	vst v26  }
0x216: {  	v38 =	vmul.f32 $3.200000000e+01, v14;
	v27 =	vld [tilespmem:s29+$0x5240];
	[tilespmem:s29+$0x1B290] =	vst v4  }
0x217: {  	v9 =	vmul.f32 $3.200000000e+01, v31;
	v4 =	vld [tilespmem:s29+$0x7180];
	[tilespmem:s29+$0x19290] =	vst v2  }
0x218: {  	v10 =	vmul.f32 $3.200000000e+01, v32;
	v42 =	vadd.f32 v38, v35;
	v30 =	vld [tilespmem:s22+$0x12110]  }
0x219: {  	v11 =	vmul.f32 $3.200000000e+01, v33;
	v2 =	vld [tilespmem:s22+$0x12180];
	v9 =	vadd.f32 v9, v8  }
0x21a: {  	[tilespmem:s29+$0x19030] =	vst v42;
	v12 =	vmul.f32 $3.200000000e+01, v34;
	v3 =	vld [tilespmem:s29+$0x5180];
	v10 =	vadd.f32 v10, v8  }
0x21b: {  	v14 =	vmul.f32 $3.200000000e+01, v41;
	v20 =	vld [tilespmem:s29+$0x7240];
	v36 =	vadd.f32 v11, v8;
	[tilespmem:s29+$0x190A0] =	vst v9  }
0x21c: {  	v29 =	vmul.f32 $3.200000000e+01, v19;
	v19 =	vld [tilespmem:s29+$0x51A0];
	v4 =	vmul.f32 $3.200000000e+01, v4;
	v8 =	vadd.f32 v12, v8;
	[tilespmem:s29+$0x192A0] =	vst v10  }
0x21d: {  	v32 =	vmul.f32 $3.200000000e+01, v58;
	v58 =	vld [tilespmem:s29+$0x5140];
	v7 =	vadd.f32 v14, v30;
	[tilespmem:s29+$0x1B0A0] =	vst v36  }
0x21e: {  	v53 =	vmul.f32 $3.200000000e+01, v37;
	v37 =	vmul.f32 $3.200000000e+01, v27;
	v27 =	vld [tilespmem:s29+$0x73A0];
	v4 =	vadd.f32 v4, v2;
	[tilespmem:s29+$0x1B2A0] =	vst v8  }
0x21f: {  	v12 =	vmul.f32 $3.200000000e+01, v39;
	v9 =	vadd.f32 v40, v35;
	v35 =	vmul.f32 $3.200000000e+01, v24;
	v24 =	vld [tilespmem:s29+$0x7050];
	[tilespmem:s29+$0x1B310] =	vst v7  }
0x220: {  	v8 =	vadd.f32 v51, v30;
	v44 =	vld [tilespmem:s22+$0x12120];
	[tilespmem:s29+$0x1B180] =	vst v4  }
0x221: {  	v56 =	vadd.f32 v12, v30;
	v51 =	vld [tilespmem:s29+$0x7130];
	[tilespmem:s29+$0x19230] =	vst v9  }
0x222: {  	v40 =	vmul.f32 $3.200000000e+01, v20;
	v9 =	vadd.f32 v53, v30;
	[tilespmem:s29+$0x19110] =	vst v8;
	v54 =	vld [tilespmem:s22+$0x120B0]  }
0x223: {  	v59 =	vmul.f32 $3.200000000e+01, v48;
	v10 =	vmul.f32 $3.200000000e+01, v60;
	v60 =	vld [tilespmem:s29+$0x5340];
	[tilespmem:s29+$0x1B110] =	vst v56;
	v38 =	vadd.f32 v35, v63  }
0x224: {  	v62 =	vmul.f32 $3.200000000e+01, v50;
	v30 =	vld [tilespmem:s29+$0x7040];
	v42 =	vadd.f32 v40, v63;
	[tilespmem:s29+$0x19310] =	vst v9  }
0x225: {  	v26 =	vmul.f32 $3.200000000e+01, v55;
	v53 =	vld [tilespmem:s29+$0x7330];
	[tilespmem:s29+$0x19040] =	vst v38;
	v22 =	vadd.f32 v59, v44  }
0x226: {  	v35 =	vld [tilespmem:s29+$0x52D0];
	[tilespmem:s29+$0x1B240] =	vst v42;
	v25 =	vadd.f32 v62, v44  }
0x227: {  	v40 =	vld [tilespmem:s29+$0x72D0];
	[tilespmem:s29+$0x19320] =	vst v22;
	v31 =	vadd.f32 v26, v54  }
0x228: {  	v9 =	vld [tilespmem:s22+$0x12190];
	[tilespmem:s29+$0x1B120] =	vst v25;
	v33 =	vadd.f32 v29, v54  }
0x229: {  	v34 =	vadd.f32 v32, v54;
	v22 =	vld [tilespmem:s29+$0x5050];
	[tilespmem:s29+$0x190B0] =	vst v31  }
0x22a: {  	v23 =	vmul.f32 $3.200000000e+01, v52;
	v39 =	vmul.f32 $3.200000000e+01, v30;
	v36 =	vadd.f32 v10, v54;
	v25 =	vld [tilespmem:s29+$0x7250];
	[tilespmem:s29+$0x192B0] =	vst v33  }
0x22b: {  	v61 =	vadd.f32 v57, v44;
	v10 =	vadd.f32 v37, v63;
	v26 =	vld [tilespmem:s29+$0x5130];
	[tilespmem:s29+$0x1B0B0] =	vst v34  }
0x22c: {  	v28 =	vadd.f32 v23, v44;
	v44 =	vld [tilespmem:s29+$0x50C0];
	v41 =	vadd.f32 v39, v63;
	[tilespmem:s29+$0x1B2B0] =	vst v36  }
0x22d: {  	v55 =	vmul.f32 $3.200000000e+01, v24;
	[tilespmem:s29+$0x19240] =	vst v10;
	v43 =	vld [tilespmem:s22+$0x12130]  }
0x22e: {  	v24 =	vld [tilespmem:s29+$0x71A0];
	[tilespmem:s29+$0x1B040] =	vst v41;
	v50 =	vmul.f32 $3.200000000e+01, v22  }
0x22f: {  	v59 =	vadd.f32 v55, v21;
	[tilespmem:s29+$0x19120] =	vst v61;
	v11 =	vld [tilespmem:s22+$0x120C0];
	v57 =	vmul.f32 $3.200000000e+01, v25  }
0x230: {  	v23 =	vld [tilespmem:s29+$0x5250];
	[tilespmem:s29+$0x1B320] =	vst v28;
	v62 =	vmul.f32 $3.200000000e+01, v26;
	v54 =	vadd.f32 v50, v21  }
0x231: {  	v32 =	vld [tilespmem:s29+$0x50D0];
	[tilespmem:s29+$0x1B050] =	vst v59;
	v22 =	vmul.f32 $3.200000000e+01, v53;
	v61 =	vadd.f32 v57, v21  }
0x232: {  	v10 =	vld [tilespmem:s29+$0x53A0];
	v12 =	vmul.f32 $3.200000000e+01, v44;
	v30 =	vadd.f32 v62, v43;
	[tilespmem:s29+$0x19050] =	vst v54  }
0x233: {  	v13 =	vmul.f32 $3.200000000e+01, v45;
	v7 =	vld [tilespmem:s22+$0x121A0];
	v8 =	vadd.f32 v22, v43;
	[tilespmem:s29+$0x1B250] =	vst v61  }
0x234: {  	v14 =	vmul.f32 $3.200000000e+01, v46;
	v63 =	vld [tilespmem:s29+$0x7140];
	v12 =	vadd.f32 v12, v11;
	[tilespmem:s29+$0x19130] =	vst v30  }
0x235: {  	v20 =	vmul.f32 $3.200000000e+01, v47;
	v55 =	vld [tilespmem:s29+$0x5260];
	v13 =	vadd.f32 v13, v11;
	[tilespmem:s29+$0x1B330] =	vst v8  }
0x236: {  	v45 =	vmul.f32 $3.200000000e+01, v35;
	v35 =	vld [tilespmem:s29+$0x7270];
	v57 =	vmul.f32 $3.200000000e+01, v17;
	v48 =	vadd.f32 v14, v11;
	[tilespmem:s29+$0x190C0] =	vst v12  }
0x237: {  	v44 =	vmul.f32 $3.200000000e+01, v32;
	v32 =	vld [tilespmem:s29+$0x7070];
	v10 =	vmul.f32 $3.200000000e+01, v10;
	v11 =	vadd.f32 v20, v11;
	[tilespmem:s29+$0x192C0] =	vst v13  }
0x238: {  	v29 =	vld [tilespmem:s29+$0x7340];
	v52 =	vmul.f32 $3.200000000e+01, v23;
	v61 =	vadd.f32 v57, v9;
	[tilespmem:s29+$0x1B0C0] =	vst v48  }
0x239: {  	v28 =	vmul.f32 $3.200000000e+01, v49;
	v39 =	vmul.f32 $3.200000000e+01, v63;
	v63 =	vld [tilespmem:s22+$0x12070];
	v10 =	vadd.f32 v10, v7;
	[tilespmem:s29+$0x1B2C0] =	vst v11  }
0x23a: {  	v37 =	vld [tilespmem:s29+$0x70D0];
	v20 =	vmul.f32 $3.200000000e+01, v51;
	v12 =	vadd.f32 v52, v21;
	[tilespmem:s29+$0x1B190] =	vst v61  }
0x23b: {  	v62 =	vmul.f32 $3.200000000e+01, v19;
	v11 =	vadd.f32 v28, v43;
	v52 =	vld [tilespmem:s22+$0x12060];
	[tilespmem:s29+$0x193A0] =	vst v10  }
0x23c: {  	v49 =	vmul.f32 $3.200000000e+01, v6;
	v17 =	vmul.f32 $3.200000000e+01, v32;
	v33 =	vadd.f32 v20, v43;
	v56 =	vld [tilespmem:s22+$0x12140];
	[tilespmem:s29+$0x19250] =	vst v12  }
0x23d: {  	v6 =	vld [tilespmem:s29+$0x51C0];
	v34 =	vmul.f32 $3.200000000e+01, v58;
	v48 =	vmul.f32 $3.200000000e+01, v3;
	v28 =	vadd.f32 v62, v7;
	[tilespmem:s29+$0x19330] =	vst v11  }
0x23e: {  	v58 =	vld [tilespmem:s29+$0x7060];
	v42 =	vmul.f32 $3.200000000e+01, v29;
	v29 =	vmul.f32 $3.200000000e+01, v55;
	v17 =	vadd.f32 v17, v63;
	[tilespmem:s29+$0x1B130] =	vst v33  }
0x23f: {  	v30 =	vld [tilespmem:s29+$0x5270];
	v50 =	vadd.f32 v48, v2;
	[tilespmem:s29+$0x191A0] =	vst v28  }
0x240: {  	v36 =	vmul.f32 $3.200000000e+01, v60;
	v60 =	vld [tilespmem:s29+$0x7260];
	[tilespmem:s29+$0x1B070] =	vst v17;
	v33 =	vadd.f32 v29, v52  }
0x241: {  	v59 =	vmul.f32 $3.200000000e+01, v18;
	v18 =	vmul.f32 $3.200000000e+01, v35;
	v35 =	vld [tilespmem:s29+$0x7370];
	[tilespmem:s29+$0x19180] =	vst v50;
	v38 =	vadd.f32 v34, v56  }
0x242: {  	v31 =	vld [tilespmem:s22+$0x120D0];
	v41 =	vadd.f32 v36, v56;
	[tilespmem:s29+$0x19260] =	vst v33  }
0x243: {  	v15 =	vmul.f32 $3.200000000e+01, v15;
	v53 =	vld [tilespmem:s29+$0x5060];
	v43 =	vadd.f32 v39, v56;
	[tilespmem:s29+$0x19140] =	vst v38  }
0x244: {  	v26 =	vld [tilespmem:s29+$0x5070];
	v54 =	vmul.f32 $3.200000000e+01, v16;
	v16 =	vmul.f32 $3.200000000e+01, v30;
	v11 =	vadd.f32 v42, v56;
	[tilespmem:s29+$0x19340] =	vst v41  }
0x245: {  	v46 =	vmul.f32 $3.200000000e+01, v37;
	v37 =	vld [tilespmem:s29+$0x5350];
	v56 =	vadd.f32 v15, v9;
	[tilespmem:s29+$0x1B140] =	vst v43  }
0x246: {  	v14 =	vld [tilespmem:s29+$0x51B0];
	v16 =	vadd.f32 v16, v63;
	[tilespmem:s29+$0x1B340] =	vst v11  }
0x247: {  	v57 =	vld [tilespmem:s29+$0x72F0];
	v20 =	vadd.f32 v44, v31;
	[tilespmem:s29+$0x19190] =	vst v56  }
0x248: {  	v22 =	vmul.f32 $3.200000000e+01, v40;
	v13 =	vld [tilespmem:s29+$0x71B0];
	v23 =	vadd.f32 v45, v31;
	[tilespmem:s29+$0x19270] =	vst v16  }
0x249: {  	v8 =	vld [tilespmem:s22+$0x121B0];
	v34 =	vmul.f32 $3.200000000e+01, v60;
	v47 =	vadd.f32 v46, v31;
	[tilespmem:s29+$0x190D0] =	vst v20  }
0x24a: {  	v32 =	vld [tilespmem:s29+$0x7170];
	v21 =	vadd.f32 v22, v31;
	[tilespmem:s29+$0x192D0] =	vst v23  }
0x24b: {  	v5 =	vmul.f32 $3.200000000e+01, v5;
	v61 =	vld [tilespmem:s29+$0x73C0];
	v36 =	vadd.f32 v34, v52;
	[tilespmem:s29+$0x1B0D0] =	vst v47  }
0x24c: {  	v12 =	vld [tilespmem:s29+$0x53B0];
	v14 =	vmul.f32 $3.200000000e+01, v14;
	v43 =	vadd.f32 v18, v63;
	[tilespmem:s29+$0x1B2D0] =	vst v21  }
0x24d: {  	v50 =	vld [tilespmem:s29+$0x50F0];
	v20 =	vadd.f32 v49, v2;
	v2 =	vadd.f32 v5, v2;
	[tilespmem:s29+$0x1B260] =	vst v36  }
0x24e: {  	v13 =	vmul.f32 $3.200000000e+01, v13;
	v29 =	vld [tilespmem:s29+$0x5370];
	v14 =	vadd.f32 v14, v8;
	[tilespmem:s29+$0x1B270] =	vst v43  }
0x24f: {  	v39 =	vld [tilespmem:s29+$0x7350];
	[tilespmem:s29+$0x1B380] =	vst v2;
	v2 =	vadd.f32 v54, v9  }
0x250: {  	v42 =	vld [tilespmem:s29+$0x50E0];
	v31 =	vmul.f32 $3.200000000e+01, v58;
	v13 =	vadd.f32 v13, v8;
	[tilespmem:s29+$0x191B0] =	vst v14  }
0x251: {  	v25 =	vmul.f32 $3.200000000e+01, v53;
	v3 =	vld [tilespmem:s22+$0x121C0];
	[tilespmem:s29+$0x19390] =	vst v2;
	v2 =	vadd.f32 v59, v9  }
0x252: {  	v5 =	vadd.f32 v31, v52;
	v47 =	vld [tilespmem:s29+$0x72E0];
	[tilespmem:s29+$0x1B1B0] =	vst v13;
	v9 =	vmul.f32 $3.200000000e+01, v26  }
0x253: {  	v12 =	vmul.f32 $3.200000000e+01, v12;
	v51 =	vld [tilespmem:s22+$0x12150];
	[tilespmem:s29+$0x1B390] =	vst v2;
	v2 =	vadd.f32 v25, v52  }
0x254: {  	[tilespmem:s29+$0x1B060] =	vst v5;
	v54 =	vld [tilespmem:s29+$0x70F0];
	v9 =	vadd.f32 v9, v63  }
0x255: {  	v41 =	vmul.f32 $3.200000000e+01, v24;
	v12 =	vadd.f32 v12, v8;
	v52 =	vld [tilespmem:s29+$0x52F0];
	[tilespmem:s29+$0x19060] =	vst v2  }
0x256: {  	v58 =	vmul.f32 $3.200000000e+01, v27;
	[tilespmem:s29+$0x19070] =	vst v9;
	v40 =	vld [tilespmem:s22+$0x120E0]  }
0x257: {  	v6 =	vmul.f32 $3.200000000e+01, v6;
	v45 =	vadd.f32 v41, v7;
	[tilespmem:s29+$0x193B0] =	vst v12;
	v48 =	vld [tilespmem:s22+$0x120F0]  }
0x258: {  	v15 =	vmul.f32 $3.200000000e+01, v37;
	v7 =	vadd.f32 v58, v7;
	[tilespmem:s29+$0x19380] =	vst v20;
	v2 =	vld [tilespmem:s29+$0x5150]  }
0x259: {  	v60 =	vld [tilespmem:s29+$0x71C0];
	[tilespmem:s29+$0x1B1A0] =	vst v45;
	v6 =	vadd.f32 v6, v3;
	v56 =	vmul.f32 $3.200000000e+01, v47  }
0x25a: {  	v38 =	vld [tilespmem:s29+$0x7150];
	[tilespmem:s29+$0x1B3A0] =	vst v7;
	v15 =	vadd.f32 v15, v51;
	v9 =	vmul.f32 $3.200000000e+01, v50  }
0x25b: {  	v46 =	vld [tilespmem:s29+$0x70E0];
	[tilespmem:s29+$0x191C0] =	vst v6;
	v62 =	vmul.f32 $3.200000000e+01, v52;
	v59 =	vadd.f32 v56, v40  }
0x25c: {  	v11 =	vld [tilespmem:s29+$0x73B0];
	v17 =	vmul.f32 $3.200000000e+01, v54;
	[tilespmem:s29+$0x19350] =	vst v15;
	v9 =	vadd.f32 v9, v48  }
0x25d: {  	v44 =	vld [tilespmem:s29+$0x52E0];
	v2 =	vmul.f32 $3.200000000e+01, v2;
	v15 =	vadd.f32 v62, v48;
	[tilespmem:s29+$0x1B2E0] =	vst v59  }
0x25e: {  	v16 =	vmul.f32 $3.200000000e+01, v57;
	v24 =	vld [tilespmem:s29+$0x7160];
	v17 =	vadd.f32 v17, v48;
	[tilespmem:s29+$0x190F0] =	vst v9  }
0x25f: {  	v27 =	vld [tilespmem:s29+$0x5170];
	v5 =	vmul.f32 $3.200000000e+01, v38;
	v2 =	vadd.f32 v2, v51;
	[tilespmem:s29+$0x192F0] =	vst v15  }
0x260: {  	v21 =	vld [tilespmem:s29+$0x5160];
	v4 =	vmul.f32 $3.200000000e+01, v39;
	v53 =	vmul.f32 $3.200000000e+01, v46;
	v22 =	vadd.f32 v16, v48;
	[tilespmem:s29+$0x1B0F0] =	vst v17  }
0x261: {  	v23 =	vld [tilespmem:s29+$0x5360];
	v49 =	vmul.f32 $3.200000000e+01, v42;
	[tilespmem:s29+$0x19150] =	vst v2;
	v2 =	vadd.f32 v5, v51  }
0x262: {  	v36 =	vld [tilespmem:s29+$0x51D0];
	v4 =	vadd.f32 v4, v51;
	[tilespmem:s29+$0x1B2F0] =	vst v22;
	v51 =	vmul.f32 $3.200000000e+01, v44;
	v5 =	vadd.f32 v53, v40  }
0x263: {  	v10 =	vmul.f32 $3.200000000e+01, v60;
	v26 =	vld [tilespmem:s22+$0x12170];
	[tilespmem:s29+$0x1B150] =	vst v2;
	v2 =	vadd.f32 v49, v40  }
0x264: {  	v41 =	vld [tilespmem:s29+$0x73D0];
	v11 =	vmul.f32 $3.200000000e+01, v11;
	v55 =	vadd.f32 v51, v40;
	[tilespmem:s29+$0x1B0E0] =	vst v5  }
0x265: {  	v43 =	vld [tilespmem:s29+$0x51E0];
	v10 =	vadd.f32 v10, v3;
	[tilespmem:s29+$0x190E0] =	vst v2  }
0x266: {  	v39 =	vld [tilespmem:s29+$0x71D0];
	v8 =	vadd.f32 v11, v8;
	v11 =	vmul.f32 $3.200000000e+01, v27;
	[tilespmem:s29+$0x192E0] =	vst v55  }
0x267: {  	[tilespmem:s29+$0x1B1C0] =	vst v10;
	v40 =	vmul.f32 $3.200000000e+01, v29;
	v20 =	vld [tilespmem:s22+$0x12160]  }
0x268: {  	v42 =	vmul.f32 $3.200000000e+01, v32;
	v25 =	vld [tilespmem:s29+$0x7360];
	[tilespmem:s29+$0x1B3B0] =	vst v8;
	v11 =	vadd.f32 v11, v26  }
0x269: {  	[tilespmem:s29+$0x1B350] =	vst v4;
	v15 =	vmul.f32 $3.200000000e+01, v35;
	v2 =	vld [tilespmem:s29+$0x53C0];
	v12 =	vadd.f32 v40, v26  }
0x26a: {  	v45 =	vld [tilespmem:s29+$0x53E0];
	v9 =	vmul.f32 $3.200000000e+01, v21;
	v13 =	vadd.f32 v42, v26;
	[tilespmem:s29+$0x19170] =	vst v11  }
0x26b: {  	v38 =	vld [tilespmem:s29+$0x53D0];
	v28 =	vmul.f32 $3.200000000e+01, v23;
	v44 =	vadd.f32 v15, v26;
	[tilespmem:s29+$0x19370] =	vst v12  }
0x26c: {  	v31 =	vmul.f32 $3.200000000e+01, v24;
	v51 =	vld [tilespmem:s29+$0x51F0];
	[tilespmem:s29+$0x1B170] =	vst v13;
	v30 =	vadd.f32 v9, v20  }
0x26d: {  	v34 =	vmul.f32 $3.200000000e+01, v25;
	v63 =	vld [tilespmem:s22+$0x121D0];
	[tilespmem:s29+$0x1B370] =	vst v44;
	v33 =	vadd.f32 v28, v20  }
0x26e: {  	v46 =	vld [tilespmem:s29+$0x71E0];
	v2 =	vmul.f32 $3.200000000e+01, v2;
	v9 =	vadd.f32 v31, v20;
	[tilespmem:s29+$0x19160] =	vst v30  }
0x26f: {  	v5 =	vmul.f32 $3.200000000e+01, v61;
	v49 =	vld [tilespmem:s22+$0x121F0];
	v37 =	vadd.f32 v34, v20;
	[tilespmem:s29+$0x19360] =	vst v33  }
0x270: {  	v8 =	vmul.f32 $3.200000000e+01, v36;
	v48 =	vld [tilespmem:s29+$0x73E0];
	v2 =	vadd.f32 v2, v3;
	[tilespmem:s29+$0x1B160] =	vst v9  }
0x271: {  	v47 =	vmul.f32 $3.200000000e+01, v38;
	v56 =	vld [tilespmem:s29+$0x71F0];
	v3 =	vadd.f32 v5, v3;
	[tilespmem:s29+$0x1B360] =	vst v37  }
0x272: {  	v6 =	vmul.f32 $3.200000000e+01, v51;
	v8 =	vadd.f32 v8, v63;
	[tilespmem:s29+$0x193C0] =	vst v2;
	v2 =	vld [tilespmem:s22+$0x121E0]  }
0x273: {  	v50 =	vmul.f32 $3.200000000e+01, v41;
	[tilespmem:s29+$0x1B3C0] =	vst v3;
	v3 =	vadd.f32 v47, v63  }
0x274: {  	v54 =	vld [tilespmem:s29+$0x53F0];
	[tilespmem:s29+$0x191D0] =	vst v8;
	v9 =	vmul.f32 $3.200000000e+01, v39;
	v62 =	vadd.f32 v6, v49  }
0x275: {  	v55 =	vmul.f32 $3.200000000e+01, v45;
	[tilespmem:s29+$0x193D0] =	vst v3;
	v3 =	vadd.f32 v50, v63  }
0x276: {  	v59 =	vld [tilespmem:s29+$0x73F0];
	v53 =	vmul.f32 $3.200000000e+01, v43;
	v5 =	vmul.f32 $3.200000000e+01, v56;
	v52 =	vadd.f32 v9, v63;
	[tilespmem:s29+$0x191F0] =	vst v62  }
0x277: {  	v58 =	vmul.f32 $3.200000000e+01, v46;
	v60 =	vmul.f32 $3.200000000e+01, v48;
	[tilespmem:s29+$0x1B3D0] =	vst v3;
	v3 =	vadd.f32 v55, v2  }
0x278: {  	v63 =	vadd.f32 v5, v49;
	[tilespmem:s29+$0x1B1D0] =	vst v52;
	v57 =	vadd.f32 v53, v2  }
0x279: {  	v61 =	vadd.f32 v58, v2;
	v2 =	vadd.f32 v60, v2;
	[tilespmem:s29+$0x193E0] =	vst v3;
	v3 =	vmul.f32 $3.200000000e+01, v54  }
0x27a: {  	p1 =	slt.u32 s21, $0x38;
	[tilespmem:s29+$0x1B1F0] =	vst v63  }
.Ltmp1:
0x27b: {  	[tilespmem:s29+$0x1B3E0] =	vst v2;
	v2 =	vadd.f32 v3, v49;
	v3 =	vmul.f32 $3.200000000e+01, v59;
	(pc) =	sbr.rel @p1 .LBB2_5-.Ltmp1, $4  }
0x27c: {  	[tilespmem:s29+$0x191E0] =	vst v57  }
0x27d: {  	[tilespmem:s29+$0x193F0] =	vst v2;
	v2 =	vadd.f32 v3, v49  }
0x27e: {  	s23 =	sadd.s32 $0x8, s21;
	[tilespmem:s29+$0x1B1E0] =	vst v61  }
0x27f: {  	s21 =	smov.u32 s23;
	[tilespmem:s29+$0x1B3F0] =	vst v2  }
0x280: {  	s7 =	sadd.s32 s7, s18;
	s21 =	simm.s32 $0x19000  }
0x281: {  	[hbm4b:s7+s4] =	stream.linear.scatter [tilespmem:s21], [sflag:$0xA], $0x200, $0x38;
	[tilespmem:$0x1D000] =	vst v63  }
0x282: {  	s22 =	simm.s32 $0x19400;
	s29 =	sadd.s32 $0x80, s7  }
0x283: {  	[hbm4b:s29+s4] =	stream.linear.scatter [tilespmem:s22], [sflag:$0xA], $0x200, $0x38;
	[tilespmem:$0x1D000] =	vst v63  }
0x284: {  	s23 =	sadd.s32 $0x100, s7;
	s29 =	simm.s32 $0x19800  }
0x285: {  	[hbm4b:s23+s4] =	stream.linear.scatter [tilespmem:s29], [sflag:$0xA], $0x200, $0x38;
	[tilespmem:$0x1D000] =	vst v63  }
0x286: {  	s23 =	sadd.s32 $0x180, s7;
	s29 =	simm.s32 $0x19C00  }
0x287: {  	[hbm4b:s23+s4] =	stream.linear.scatter [tilespmem:s29], [sflag:$0xA], $0x200, $0x38;
	[tilespmem:$0x1D000] =	vst v63  }
0x288: {  	s23 =	sadd.s32 $0x200, s7;
	s29 =	simm.s32 $0x1A000  }
0x289: {  	[hbm4b:s23+s4] =	stream.linear.scatter [tilespmem:s29], [sflag:$0xA], $0x200, $0x38;
	[tilespmem:$0x1D000] =	vst v63  }
0x28a: {  	s23 =	sadd.s32 $0x280, s7;
	s29 =	simm.s32 $0x1A400  }
0x28b: {  	[hbm4b:s23+s4] =	stream.linear.scatter [tilespmem:s29], [sflag:$0xA], $0x200, $0x38;
	[tilespmem:$0x1D000] =	vst v63  }
0x28c: {  	s22 =	sadd.s32 $0x300, s7;
	s23 =	simm.s32 $0x1A800  }
0x28d: {  	[hbm4b:s22+s4] =	stream.linear.scatter [tilespmem:s23], [sflag:$0xA], $0x200, $0x38;
	[tilespmem:$0x1D000] =	vst v63  }
0x28e: {  	s7 =	sadd.s32 $0x380, s7;
	s29 =	simm.s32 $0x1AC00  }
0x28f: {  	[hbm4b:s7+s4] =	stream.linear.scatter [tilespmem:s29], [sflag:$0xA], $0x200, $0x38;
	[tilespmem:$0x1D000] =	vst v63  }
0x290: {  	s22 =	simm.s32 $0x19200;
	s7 =	sadd.s32 s13, s18  }
0x291: {  	[hbm4b:s7+s4] =	stream.linear.scatter [tilespmem:s22], [sflag:$0xA], $0x200, $0x38;
	[tilespmem:$0x1D000] =	vst v63  }
0x292: {  	s29 =	simm.s32 $0x19600;
	s23 =	sadd.s32 $0x80, s7  }
0x293: {  	[hbm4b:s23+s4] =	stream.linear.scatter [tilespmem:s29], [sflag:$0xA], $0x200, $0x38;
	[tilespmem:$0x1D000] =	vst v63  }
0x294: {  	s21 =	sadd.s32 $0x100, s7;
	s22 =	simm.s32 $0x19A00  }
0x295: {  	[hbm4b:s21+s4] =	stream.linear.scatter [tilespmem:s22], [sflag:$0xA], $0x200, $0x38;
	[tilespmem:$0x1D000] =	vst v63  }
0x296: {  	s23 =	sadd.s32 $0x180, s7;
	s29 =	simm.s32 $0x19E00  }
0x297: {  	[hbm4b:s23+s4] =	stream.linear.scatter [tilespmem:s29], [sflag:$0xA], $0x200, $0x38;
	[tilespmem:$0x1D000] =	vst v63  }
0x298: {  	s21 =	sadd.s32 $0x200, s7;
	s22 =	simm.s32 $0x1A200  }
0x299: {  	[hbm4b:s21+s4] =	stream.linear.scatter [tilespmem:s22], [sflag:$0xA], $0x200, $0x38;
	[tilespmem:$0x1D000] =	vst v63  }
0x29a: {  	s23 =	sadd.s32 $0x280, s7;
	s29 =	simm.s32 $0x1A600  }
0x29b: {  	[hbm4b:s23+s4] =	stream.linear.scatter [tilespmem:s29], [sflag:$0xA], $0x200, $0x38;
	[tilespmem:$0x1D000] =	vst v63  }
0x29c: {  	s22 =	sadd.s32 $0x300, s7;
	s23 =	simm.s32 $0x1AA00  }
0x29d: {  	[hbm4b:s22+s4] =	stream.linear.scatter [tilespmem:s23], [sflag:$0xA], $0x200, $0x38;
	[tilespmem:$0x1D000] =	vst v63  }
0x29e: {  	s7 =	sadd.s32 $0x380, s7;
	s29 =	simm.s32 $0x1AE00  }
0x29f: {  	[hbm4b:s7+s4] =	stream.linear.scatter [tilespmem:s29], [sflag:$0xA], $0x200, $0x38;
	[tilespmem:$0x1D000] =	vst v63  }
0x2a0: {  	s0 =	sadd.s32 s0, s18;
	s13 =	simm.s32 $0x1B000  }
0x2a1: {  	[hbm4b:s0+s4] =	stream.linear.scatter [tilespmem:s13], [sflag:$0xA], $0x200, $0x38;
	[tilespmem:$0x1D000] =	vst v63  }
0x2a2: {  	s21 =	sadd.s32 $0x80, s0;
	s22 =	simm.s32 $0x1B400  }
0x2a3: {  	[hbm4b:s21+s4] =	stream.linear.scatter [tilespmem:s22], [sflag:$0xA], $0x200, $0x38;
	[tilespmem:$0x1D000] =	vst v63  }
0x2a4: {  	s23 =	sadd.s32 $0x100, s0;
	s29 =	simm.s32 $0x1B800  }
0x2a5: {  	[hbm4b:s23+s4] =	stream.linear.scatter [tilespmem:s29], [sflag:$0xA], $0x200, $0x38;
	[tilespmem:$0x1D000] =	vst v63  }
0x2a6: {  	s21 =	sadd.s32 $0x180, s0;
	s22 =	simm.s32 $0x1BC00  }
0x2a7: {  	[hbm4b:s21+s4] =	stream.linear.scatter [tilespmem:s22], [sflag:$0xA], $0x200, $0x38;
	[tilespmem:$0x1D000] =	vst v63  }
0x2a8: {  	s23 =	sadd.s32 $0x200, s0;
	s29 =	simm.s32 $0x1C000  }
0x2a9: {  	[hbm4b:s23+s4] =	stream.linear.scatter [tilespmem:s29], [sflag:$0xA], $0x200, $0x38;
	[tilespmem:$0x1D000] =	vst v63  }
0x2aa: {  	s13 =	sadd.s32 $0x280, s0;
	s21 =	simm.s32 $0x1C400  }
0x2ab: {  	[hbm4b:s13+s4] =	stream.linear.scatter [tilespmem:s21], [sflag:$0xA], $0x200, $0x38;
	[tilespmem:$0x1D000] =	vst v63  }
0x2ac: {  	s22 =	sadd.s32 $0x300, s0;
	s23 =	simm.s32 $0x1C800  }
0x2ad: {  	[hbm4b:s22+s4] =	stream.linear.scatter [tilespmem:s23], [sflag:$0xA], $0x200, $0x38;
	[tilespmem:$0x1D000] =	vst v63  }
0x2ae: {  	s0 =	sadd.s32 $0x380, s0;
	s29 =	simm.s32 $0x1CC00  }
0x2af: {  	[hbm4b:s0+s4] =	stream.linear.scatter [tilespmem:s29], [sflag:$0xA], $0x200, $0x38;
	[tilespmem:$0x1D000] =	vst v63  }
0x2b0: {  	s13 =	simm.s32 $0x1B200;
	s0 =	sadd.s32 s2, s18  }
0x2b1: {  	[hbm4b:s0+s4] =	stream.linear.scatter [tilespmem:s13], [sflag:$0xA], $0x200, $0x38;
	[tilespmem:$0x1D000] =	vst v63  }
0x2b2: {  	s22 =	simm.s32 $0x1B600;
	s21 =	sadd.s32 $0x80, s0  }
0x2b3: {  	[hbm4b:s21+s4] =	stream.linear.scatter [tilespmem:s22], [sflag:$0xA], $0x200, $0x38;
	[tilespmem:$0x1D000] =	vst v63  }
0x2b4: {  	s29 =	simm.s32 $0x1BA00;
	s23 =	sadd.s32 $0x100, s0  }
0x2b5: {  	[hbm4b:s23+s4] =	stream.linear.scatter [tilespmem:s29], [sflag:$0xA], $0x200, $0x38;
	[tilespmem:$0x1D000] =	vst v63  }
0x2b6: {  	s7 =	sadd.s32 $0x180, s0;
	s13 =	simm.s32 $0x1BE00  }
0x2b7: {  	[hbm4b:s7+s4] =	stream.linear.scatter [tilespmem:s13], [sflag:$0xA], $0x200, $0x38;
	[tilespmem:$0x1D000] =	vst v63  }
0x2b8: {  	s21 =	sadd.s32 $0x200, s0;
	s22 =	simm.s32 $0x1C200  }
0x2b9: {  	[hbm4b:s21+s4] =	stream.linear.scatter [tilespmem:s22], [sflag:$0xA], $0x200, $0x38;
	[tilespmem:$0x1D000] =	vst v63  }
0x2ba: {  	s23 =	sadd.s32 $0x280, s0;
	s29 =	simm.s32 $0x1C600  }
0x2bb: {  	[hbm4b:s23+s4] =	stream.linear.scatter [tilespmem:s29], [sflag:$0xA], $0x200, $0x38;
	[tilespmem:$0x1D000] =	vst v63  }
0x2bc: {  	s7 =	sadd.s32 $0x300, s0;
	s13 =	simm.s32 $0x1CA00  }
0x2bd: {  	[hbm4b:s7+s4] =	stream.linear.scatter [tilespmem:s13], [sflag:$0xA], $0x200, $0x38;
	[tilespmem:$0x1D000] =	vst v63  }
0x2be: {  	s0 =	sadd.s32 $0x380, s0;
	s21 =	simm.s32 $0x1CE00  }
0x2bf: {  	[hbm4b:s0+s4] =	stream.linear.scatter [tilespmem:s21], [sflag:$0xA], $0x200, $0x38;
	[tilespmem:$0x1D000] =	vst v63  }
0x2c0: {  	s0 =	sadd.s32 @!p0 $0xA00, s28  }
0x2c1: {  	s2 =	sshrl.u32 @!p0 s0, $0x2  }
0x2c2: {  	v2 =	vld.msk @!p0 [tilespmem:s2+$0x0], $0xff;
	_ =	sdelay $0x4  }
0x2c3: {  	v3 =	vshll.u32 @!p0 v2, $0x3  }
0x2c4: {  	v4 =	vlaneseq.u32 @!p0;
	v2 =	vand.u32 @!p0 $0x7, v2;
	v3 =	vand.u32 @!p0 $0xFFFFFFC0, v3  }
0x2c5: {  	v2 =	vor.u32 @!p0 v2, v3;
	v3 =	vand.u32 @!p0 $0x7, v4;
	v4 =	vshrl.u32 @!p0 v4, $0x3  }
0x2c6: {  	v2 =	vperm.xlane @!p0 v2, v3;
	v4 =	vmul.u32 @!p0 $0x8, v4;
	_ =	sdelay $0x1  }
0x2c7: {  	v2 =	vadd.s32 @!p0 v4, v2;
	_ =	sdelay $0x3  }
0x2c8: {  	s7 =	simm.s32 @!p0 $0x0;
	s13 =	simm.s32 @!p0 $0x5000  }
0x2c9: {  	[tilespmem:s13], [sflag:$0x2] =	stream.indirect_vreg.gather @!p0 [hbm4b:s1+s7], $0x80, v2, vm1, $0xb8;
	[tilespmem:$0x1D000] =	vst v63  }
0x2ca: {  	s13 =	simm.s32 @!p0 $0x5800  }
0x2cb: {  	[tilespmem:s13], [sflag:$0x2] =	stream.indirect_vreg.gather @!p0 [hbm4b:s8+s7], $0x80, v2, vm1, $0xb8;
	[tilespmem:$0x1D000] =	vst v63  }
0x2cc: {  	s13 =	simm.s32 @!p0 $0x6000  }
0x2cd: {  	[tilespmem:s13], [sflag:$0x2] =	stream.indirect_vreg.gather @!p0 [hbm4b:s9+s7], $0x80, v2, vm1, $0xb8;
	[tilespmem:$0x1D000] =	vst v63  }
0x2ce: {  	s2 =	sor.u32 @!p0 $0x8, s2;
	s13 =	simm.s32 @!p0 $0x6800  }
0x2cf: {  	[tilespmem:s13], [sflag:$0x2] =	stream.indirect_vreg.gather @!p0 [hbm4b:s10+s7], $0x80, v2, vm1, $0xb8;
	[tilespmem:$0x1D000] =	vst v63  }
0x2d0: {  	v2 =	vld.msk @!p0 [tilespmem:s2+$0x0], $0xff;
	_ =	sdelay $0x4  }
0x2d1: {  	v5 =	vshll.u32 @!p0 v2, $0x3  }
0x2d2: {  	v2 =	vand.u32 @!p0 $0x7, v2;
	v5 =	vand.u32 @!p0 $0xFFFFFFC0, v5  }
0x2d3: {  	v2 =	vor.u32 @!p0 v2, v5  }
0x2d4: {  	v2 =	vperm.xlane @!p0 v2, v3;
	_ =	sdelay $0x1  }
0x2d5: {  	v2 =	vadd.s32 @!p0 v4, v2;
	_ =	sdelay $0x3  }
0x2d6: {  	s2 =	simm.s32 @!p0 $0x7000  }
0x2d7: {  	[tilespmem:s2], [sflag:$0xC] =	stream.indirect_vreg.gather @!p0 [hbm4b:s1+s7], $0x80, v2, vm1, $0xb8;
	[tilespmem:$0x1D000] =	vst v63  }
0x2d8: {  	s0 =	sadd.s32 @!p0 s5, s0;
	s2 =	simm.s32 @!p0 $0x7800  }
0x2d9: {  	[tilespmem:s2], [sflag:$0xC] =	stream.indirect_vreg.gather @!p0 [hbm4b:s8+s7], $0x80, v2, vm1, $0xb8;
	[tilespmem:$0x1D000] =	vst v63  }
0x2da: {  	s0 =	sand.u32 @!p0 $0xFF800, s0;
	s2 =	simm.s32 @!p0 $0x8000  }
0x2db: {  	[tilespmem:s2], [sflag:$0xC] =	stream.indirect_vreg.gather @!p0 [hbm4b:s9+s7], $0x80, v2, vm1, $0xb8;
	[tilespmem:$0x1D000] =	vst v63  }
0x2dc: {  	s22 =	simm.s32 $0x3;
	s0 =	sadd.s32 @!p0 s0, s11;
	s2 =	simm.s32 @!p0 $0x8800  }
0x2dd: {  	[tilespmem:s2], [sflag:$0xC] =	stream.indirect_vreg.gather @!p0 [hbm4b:s10+s7], $0x80, v2, vm1, $0xb8;
	[tilespmem:$0x1D000] =	vst v63  }
0x2de: {  	s13 =	simm.s32 @!p0 $0x12000;
	s2 =	simm.s32 @!p0 $0x200;
	s7 =	simm.s32 @!p0 $0x400  }
0x2df: {  	[tilespmem:s13], [sflag:$0x6] =	stream.strided.gather @!p0 [hbm4b:s0+s2], $0x1000, s7, s2, $0x38;
	[tilespmem:$0x1D000] =	vst v63  }
0x2e0: {  	_ =	swait.ge [sflag:s22], $0x2000  }
0x2e1: {  	[sflag:s22] =	ssyncset.done $0x0  }
0x2e2: {  	s23 =	simm.s32 $0xD;
	[sflag:s22] =	ssyncadd.s32 $0xFFFFE000  }
0x2e3: {  	_ =	swait.ge [sflag:s23], $0x2000  }
0x2e4: {  	[sflag:s23] =	ssyncset.done $0x0  }
0x2e5: {  	s29 =	simm.s32 $0x7;
	[sflag:s23] =	ssyncadd.s32 $0xFFFFE000  }
0x2e6: {  	_ =	swait.ge [sflag:s29], $0x1000  }
0x2e7: {  	[sflag:s29] =	ssyncset.done $0x0  }
0x2e8: {  	[sflag:s29] =	ssyncadd.s32 $0xFFFFF000  }
0x2e9: {  	_ =	swait.ge [sflag:s24], $0x1000  }
0x2ea: {  	[sflag:s24] =	ssyncset.done $0x0  }
0x2eb: {  	[sflag:s24] =	ssyncadd.s32 $0xFFFFF000  }
0x2ec: {  	_ =	swait.ge [sflag:s24], $0x1000  }
0x2ed: {  	[sflag:s24] =	ssyncset.done $0x0  }
0x2ee: {  	[sflag:s24] =	ssyncadd.s32 $0xFFFFF000  }
0x2ef: {  	_ =	swait.ge [sflag:s24], $0x1000  }
0x2f0: {  	[sflag:s24] =	ssyncset.done $0x0  }
0x2f1: {  	[sflag:s24] =	ssyncadd.s32 $0xFFFFF000  }
0x2f2: {  	_ =	swait.ge [sflag:s24], $0x1000  }
0x2f3: {  	[sflag:s24] =	ssyncset.done $0x0  }
0x2f4: {  	s0 =	simm.s32 $0x0;
	[sflag:s24] =	ssyncadd.s32 $0xFFFFF000  }
.LBB2_7:
0x2f5: {  	s23 =	sshll.u32 s0, $0x7  }
0x2f6: {  	v3 =	vld [tilespmem:s23+$0x9000]  }
0x2f7: {  	v4 =	vld [tilespmem:s23+$0x9200]  }
0x2f8: {  	v5 =	vld [tilespmem:s23+$0xB000]  }
0x2f9: {  	v6 =	vld [tilespmem:s23+$0xB200]  }
0x2fa: {  	v53 =	vld [tilespmem:s23+$0x9280]  }
0x2fb: {  	v54 =	vld [tilespmem:s23+$0xB080]  }
0x2fc: {  	v55 =	vld [tilespmem:s23+$0xB280]  }
0x2fd: {  	v8 =	vld [tilespmem:s23+$0x9010]  }
0x2fe: {  	v9 =	vld [tilespmem:s23+$0x9210]  }
0x2ff: {  	v10 =	vld [tilespmem:s23+$0xB010]  }
0x300: {  	v11 =	vld [tilespmem:s23+$0xB210]  }
0x301: {  	v60 =	vld [tilespmem:s23+$0x9100]  }
0x302: {  	v61 =	vld [tilespmem:s23+$0x9300]  }
0x303: {  	v62 =	vld [tilespmem:s23+$0xB100]  }
0x304: {  	v63 =	vld [tilespmem:s23+$0x9090]  }
0x305: {  	v16 =	vld [tilespmem:s23+$0x9290]  }
0x306: {  	v17 =	vld [tilespmem:s23+$0xB090]  }
0x307: {  	v18 =	vld [tilespmem:s23+$0xB290]  }
0x308: {  	v13 =	vld [tilespmem:s23+$0x9020]  }
0x309: {  	v19 =	vld [tilespmem:s23+$0x9220]  }
0x30a: {  	v21 =	vld [tilespmem:s23+$0xB020]  }
0x30b: {  	v24 =	vld [tilespmem:s23+$0xB220]  }
0x30c: {  	v31 =	vld [tilespmem:s23+$0x90A0]  }
0x30d: {  	v32 =	vld [tilespmem:s23+$0x92A0]  }
0x30e: {  	v33 =	vld [tilespmem:s23+$0xB0A0]  }
0x30f: {  	s2 =	sshll.u32 s0, $0x6;
	v34 =	vld [tilespmem:s23+$0xB2A0]  }
0x310: {  	s7 =	sand.u32 $0x3FFFFFC0, s2;
	v14 =	vld [tilespmem:s23+$0x9030]  }
0x311: {  	v2 =	vld [tilespmem:s7+$0x13000]  }
0x312: {  	v15 =	vld [tilespmem:s23+$0x9230]  }
0x313: {  	v37 =	vld [tilespmem:s23+$0x9310]  }
0x314: {  	v39 =	vld [tilespmem:s23+$0xB110];
	v3 =	vmul.f32 $3.200000000e+01, v3  }
0x315: {  	v41 =	vld [tilespmem:s23+$0xB310];
	v4 =	vmul.f32 $3.200000000e+01, v4  }
0x316: {  	v46 =	vld [tilespmem:s23+$0x9120];
	v5 =	vmul.f32 $3.200000000e+01, v5;
	v3 =	vadd.f32 v3, v2  }
0x317: {  	v48 =	vld [tilespmem:s23+$0x9320];
	v6 =	vmul.f32 $3.200000000e+01, v6;
	v4 =	vadd.f32 v4, v2  }
0x318: {  	v50 =	vld [tilespmem:s23+$0xB120];
	[tilespmem:s23+$0x15000] =	vst v3;
	v3 =	vadd.f32 v5, v2  }
0x319: {  	v52 =	vld [tilespmem:s23+$0xB320];
	[tilespmem:s23+$0x15200] =	vst v4;
	v2 =	vadd.f32 v6, v2  }
0x31a: {  	[tilespmem:s23+$0x17000] =	vst v3;
	v3 =	vld [tilespmem:s23+$0x9080]  }
0x31b: {  	v7 =	vld [tilespmem:s7+$0x13010];
	[tilespmem:s23+$0x17200] =	vst v2  }
0x31c: {  	v2 =	vld [tilespmem:s7+$0x13080]  }
0x31d: {  	v12 =	vld [tilespmem:s7+$0x13020]  }
0x31e: {  	v20 =	vmul.f32 $3.200000000e+01, v16;
	v16 =	vld [tilespmem:s23+$0xB030]  }
0x31f: {  	v35 =	vld [tilespmem:s7+$0x13030];
	v56 =	vmul.f32 $3.200000000e+01, v8;
	v3 =	vmul.f32 $3.200000000e+01, v3  }
0x320: {  	v23 =	vmul.f32 $3.200000000e+01, v17;
	v17 =	vld [tilespmem:s23+$0xB230];
	v4 =	vmul.f32 $3.200000000e+01, v53  }
0x321: {  	v25 =	vmul.f32 $3.200000000e+01, v18;
	v18 =	vld [tilespmem:s23+$0x9110];
	v5 =	vmul.f32 $3.200000000e+01, v54;
	v3 =	vadd.f32 v3, v2  }
0x322: {  	v8 =	vmul.f32 $3.200000000e+01, v60;
	v60 =	vld [tilespmem:s23+$0xB2B0];
	v6 =	vmul.f32 $3.200000000e+01, v55;
	v4 =	vadd.f32 v4, v2  }
0x323: {  	v40 =	vmul.f32 $3.200000000e+01, v15;
	v15 =	vld [tilespmem:s23+$0x9190];
	v43 =	vmul.f32 $3.200000000e+01, v16;
	[tilespmem:s23+$0x15080] =	vst v3;
	v3 =	vadd.f32 v5, v2  }
0x324: {  	v55 =	vld [tilespmem:s23+$0x90B0];
	[tilespmem:s23+$0x15280] =	vst v4;
	v2 =	vadd.f32 v6, v2  }
0x325: {  	v16 =	vld [tilespmem:s23+$0x9390];
	v47 =	vadd.f32 v43, v35;
	[tilespmem:s23+$0x17080] =	vst v3;
	v3 =	vmul.f32 $3.200000000e+01, v9  }
0x326: {  	v57 =	vmul.f32 $3.200000000e+01, v10;
	v45 =	vmul.f32 $3.200000000e+01, v17;
	v17 =	vld [tilespmem:s23+$0xB190];
	[tilespmem:s23+$0x17280] =	vst v2;
	v2 =	vadd.f32 v56, v7  }
0x327: {  	[tilespmem:s23+$0x17030] =	vst v47;
	v58 =	vld [tilespmem:s7+$0x13100];
	v3 =	vadd.f32 v3, v7  }
0x328: {  	v59 =	vmul.f32 $3.200000000e+01, v11;
	v51 =	vmul.f32 $3.200000000e+01, v18;
	v18 =	vld [tilespmem:s23+$0xB390];
	[tilespmem:s23+$0x15010] =	vst v2;
	v2 =	vadd.f32 v57, v7  }
0x329: {  	v49 =	vadd.f32 v45, v35;
	v45 =	vld [tilespmem:s23+$0x92C0];
	v5 =	vmul.f32 $3.200000000e+01, v21;
	[tilespmem:s23+$0x15210] =	vst v3  }
0x32a: {  	v3 =	vadd.f32 v59, v7;
	[tilespmem:s23+$0x17010] =	vst v2;
	v2 =	vld [tilespmem:s23+$0xB300]  }
0x32b: {  	[tilespmem:s23+$0x17230] =	vst v49;
	v47 =	vld [tilespmem:s23+$0xB2C0];
	v9 =	vmul.f32 $3.200000000e+01, v24;
	v28 =	vadd.f32 v5, v12  }
0x32c: {  	v49 =	vld [tilespmem:s23+$0x9330];
	v4 =	vmul.f32 $3.200000000e+01, v61;
	[tilespmem:s23+$0x17210] =	vst v3;
	v8 =	vadd.f32 v8, v58  }
0x32d: {  	v6 =	vmul.f32 $3.200000000e+01, v62;
	v29 =	vadd.f32 v9, v12;
	[tilespmem:s23+$0x17020] =	vst v28;
	v3 =	vld [tilespmem:s7+$0x13090]  }
0x32e: {  	v21 =	vld [tilespmem:s7+$0x13050];
	v4 =	vadd.f32 v4, v58;
	[tilespmem:s23+$0x15100] =	vst v8;
	v8 =	vmul.f32 $3.200000000e+01, v19  }
0x32f: {  	v5 =	vld [tilespmem:s23+$0xB380];
	[tilespmem:s23+$0x17220] =	vst v29;
	v6 =	vadd.f32 v6, v58;
	v2 =	vmul.f32 $3.200000000e+01, v2  }
0x330: {  	v27 =	vmul.f32 $3.200000000e+01, v13;
	v24 =	vld [tilespmem:s23+$0x9040];
	v7 =	vmul.f32 $3.200000000e+01, v63;
	[tilespmem:s23+$0x15300] =	vst v4;
	v8 =	vadd.f32 v8, v12  }
0x331: {  	v57 =	vmul.f32 $3.200000000e+01, v46;
	v46 =	vld [tilespmem:s23+$0xB0C0];
	[tilespmem:s23+$0x17100] =	vst v6;
	v2 =	vadd.f32 v2, v58  }
0x332: {  	v63 =	vld [tilespmem:s7+$0x13040];
	v22 =	vadd.f32 v7, v3;
	v7 =	vadd.f32 v27, v12;
	[tilespmem:s23+$0x15220] =	vst v8  }
0x333: {  	v6 =	vld [tilespmem:s23+$0x9380];
	[tilespmem:s23+$0x17300] =	vst v2  }
0x334: {  	v19 =	vld [tilespmem:s23+$0x92B0];
	v26 =	vadd.f32 v23, v3;
	[tilespmem:s23+$0x15020] =	vst v7  }
0x335: {  	v4 =	vadd.f32 v25, v3;
	[tilespmem:s23+$0x15090] =	vst v22;
	v8 =	vld [tilespmem:s7+$0x130A0]  }
0x336: {  	v58 =	vld [tilespmem:s23+$0xB0B0];
	v2 =	vadd.f32 v20, v3;
	[tilespmem:s23+$0x17090] =	vst v26  }
0x337: {  	v38 =	vmul.f32 $3.200000000e+01, v14;
	v27 =	vld [tilespmem:s23+$0x9240];
	[tilespmem:s23+$0x17290] =	vst v4  }
0x338: {  	v9 =	vmul.f32 $3.200000000e+01, v31;
	v4 =	vld [tilespmem:s23+$0xB180];
	[tilespmem:s23+$0x15290] =	vst v2  }
0x339: {  	v10 =	vmul.f32 $3.200000000e+01, v32;
	v42 =	vadd.f32 v38, v35;
	v30 =	vld [tilespmem:s7+$0x13110]  }
0x33a: {  	v11 =	vmul.f32 $3.200000000e+01, v33;
	v2 =	vld [tilespmem:s7+$0x13180];
	v9 =	vadd.f32 v9, v8  }
0x33b: {  	[tilespmem:s23+$0x15030] =	vst v42;
	v12 =	vmul.f32 $3.200000000e+01, v34;
	v3 =	vld [tilespmem:s23+$0x9180];
	v10 =	vadd.f32 v10, v8  }
0x33c: {  	v14 =	vmul.f32 $3.200000000e+01, v41;
	v20 =	vld [tilespmem:s23+$0xB240];
	v36 =	vadd.f32 v11, v8;
	[tilespmem:s23+$0x150A0] =	vst v9  }
0x33d: {  	v29 =	vmul.f32 $3.200000000e+01, v19;
	v19 =	vld [tilespmem:s23+$0x91A0];
	v4 =	vmul.f32 $3.200000000e+01, v4;
	v8 =	vadd.f32 v12, v8;
	[tilespmem:s23+$0x152A0] =	vst v10  }
0x33e: {  	v32 =	vmul.f32 $3.200000000e+01, v58;
	v58 =	vld [tilespmem:s23+$0x9140];
	v7 =	vadd.f32 v14, v30;
	[tilespmem:s23+$0x170A0] =	vst v36  }
0x33f: {  	v53 =	vmul.f32 $3.200000000e+01, v37;
	v37 =	vmul.f32 $3.200000000e+01, v27;
	v27 =	vld [tilespmem:s23+$0xB3A0];
	v4 =	vadd.f32 v4, v2;
	[tilespmem:s23+$0x172A0] =	vst v8  }
0x340: {  	v12 =	vmul.f32 $3.200000000e+01, v39;
	v9 =	vadd.f32 v40, v35;
	v35 =	vmul.f32 $3.200000000e+01, v24;
	v24 =	vld [tilespmem:s23+$0xB050];
	[tilespmem:s23+$0x17310] =	vst v7  }
0x341: {  	v8 =	vadd.f32 v51, v30;
	v44 =	vld [tilespmem:s7+$0x13120];
	[tilespmem:s23+$0x17180] =	vst v4  }
0x342: {  	v56 =	vadd.f32 v12, v30;
	v51 =	vld [tilespmem:s23+$0xB130];
	[tilespmem:s23+$0x15230] =	vst v9  }
0x343: {  	v40 =	vmul.f32 $3.200000000e+01, v20;
	v9 =	vadd.f32 v53, v30;
	[tilespmem:s23+$0x15110] =	vst v8;
	v54 =	vld [tilespmem:s7+$0x130B0]  }
0x344: {  	v59 =	vmul.f32 $3.200000000e+01, v48;
	v10 =	vmul.f32 $3.200000000e+01, v60;
	v60 =	vld [tilespmem:s23+$0x9340];
	[tilespmem:s23+$0x17110] =	vst v56;
	v38 =	vadd.f32 v35, v63  }
0x345: {  	v62 =	vmul.f32 $3.200000000e+01, v50;
	v30 =	vld [tilespmem:s23+$0xB040];
	v42 =	vadd.f32 v40, v63;
	[tilespmem:s23+$0x15310] =	vst v9  }
0x346: {  	v26 =	vmul.f32 $3.200000000e+01, v55;
	v53 =	vld [tilespmem:s23+$0xB330];
	[tilespmem:s23+$0x15040] =	vst v38;
	v22 =	vadd.f32 v59, v44  }
0x347: {  	v35 =	vld [tilespmem:s23+$0x92D0];
	[tilespmem:s23+$0x17240] =	vst v42;
	v25 =	vadd.f32 v62, v44  }
0x348: {  	v40 =	vld [tilespmem:s23+$0xB2D0];
	[tilespmem:s23+$0x15320] =	vst v22;
	v31 =	vadd.f32 v26, v54  }
0x349: {  	v9 =	vld [tilespmem:s7+$0x13190];
	[tilespmem:s23+$0x17120] =	vst v25;
	v33 =	vadd.f32 v29, v54  }
0x34a: {  	v34 =	vadd.f32 v32, v54;
	v22 =	vld [tilespmem:s23+$0x9050];
	[tilespmem:s23+$0x150B0] =	vst v31  }
0x34b: {  	v23 =	vmul.f32 $3.200000000e+01, v52;
	v39 =	vmul.f32 $3.200000000e+01, v30;
	v36 =	vadd.f32 v10, v54;
	v25 =	vld [tilespmem:s23+$0xB250];
	[tilespmem:s23+$0x152B0] =	vst v33  }
0x34c: {  	v61 =	vadd.f32 v57, v44;
	v10 =	vadd.f32 v37, v63;
	v26 =	vld [tilespmem:s23+$0x9130];
	[tilespmem:s23+$0x170B0] =	vst v34  }
0x34d: {  	v28 =	vadd.f32 v23, v44;
	v44 =	vld [tilespmem:s23+$0x90C0];
	v41 =	vadd.f32 v39, v63;
	[tilespmem:s23+$0x172B0] =	vst v36  }
0x34e: {  	v55 =	vmul.f32 $3.200000000e+01, v24;
	[tilespmem:s23+$0x15240] =	vst v10;
	v43 =	vld [tilespmem:s7+$0x13130]  }
0x34f: {  	v24 =	vld [tilespmem:s23+$0xB1A0];
	[tilespmem:s23+$0x17040] =	vst v41;
	v50 =	vmul.f32 $3.200000000e+01, v22  }
0x350: {  	v59 =	vadd.f32 v55, v21;
	[tilespmem:s23+$0x15120] =	vst v61;
	v11 =	vld [tilespmem:s7+$0x130C0];
	v57 =	vmul.f32 $3.200000000e+01, v25  }
0x351: {  	v23 =	vld [tilespmem:s23+$0x9250];
	[tilespmem:s23+$0x17320] =	vst v28;
	v62 =	vmul.f32 $3.200000000e+01, v26;
	v54 =	vadd.f32 v50, v21  }
0x352: {  	v32 =	vld [tilespmem:s23+$0x90D0];
	[tilespmem:s23+$0x17050] =	vst v59;
	v22 =	vmul.f32 $3.200000000e+01, v53;
	v61 =	vadd.f32 v57, v21  }
0x353: {  	v10 =	vld [tilespmem:s23+$0x93A0];
	v12 =	vmul.f32 $3.200000000e+01, v44;
	v30 =	vadd.f32 v62, v43;
	[tilespmem:s23+$0x15050] =	vst v54  }
0x354: {  	v13 =	vmul.f32 $3.200000000e+01, v45;
	v7 =	vld [tilespmem:s7+$0x131A0];
	v8 =	vadd.f32 v22, v43;
	[tilespmem:s23+$0x17250] =	vst v61  }
0x355: {  	v14 =	vmul.f32 $3.200000000e+01, v46;
	v63 =	vld [tilespmem:s23+$0xB140];
	v12 =	vadd.f32 v12, v11;
	[tilespmem:s23+$0x15130] =	vst v30  }
0x356: {  	v20 =	vmul.f32 $3.200000000e+01, v47;
	v55 =	vld [tilespmem:s23+$0x9260];
	v13 =	vadd.f32 v13, v11;
	[tilespmem:s23+$0x17330] =	vst v8  }
0x357: {  	v45 =	vmul.f32 $3.200000000e+01, v35;
	v35 =	vld [tilespmem:s23+$0xB270];
	v57 =	vmul.f32 $3.200000000e+01, v17;
	v48 =	vadd.f32 v14, v11;
	[tilespmem:s23+$0x150C0] =	vst v12  }
0x358: {  	v44 =	vmul.f32 $3.200000000e+01, v32;
	v32 =	vld [tilespmem:s23+$0xB070];
	v10 =	vmul.f32 $3.200000000e+01, v10;
	v11 =	vadd.f32 v20, v11;
	[tilespmem:s23+$0x152C0] =	vst v13  }
0x359: {  	v29 =	vld [tilespmem:s23+$0xB340];
	v52 =	vmul.f32 $3.200000000e+01, v23;
	v61 =	vadd.f32 v57, v9;
	[tilespmem:s23+$0x170C0] =	vst v48  }
0x35a: {  	v28 =	vmul.f32 $3.200000000e+01, v49;
	v39 =	vmul.f32 $3.200000000e+01, v63;
	v63 =	vld [tilespmem:s7+$0x13070];
	v10 =	vadd.f32 v10, v7;
	[tilespmem:s23+$0x172C0] =	vst v11  }
0x35b: {  	v37 =	vld [tilespmem:s23+$0xB0D0];
	v20 =	vmul.f32 $3.200000000e+01, v51;
	v12 =	vadd.f32 v52, v21;
	[tilespmem:s23+$0x17190] =	vst v61  }
0x35c: {  	v62 =	vmul.f32 $3.200000000e+01, v19;
	v11 =	vadd.f32 v28, v43;
	v52 =	vld [tilespmem:s7+$0x13060];
	[tilespmem:s23+$0x153A0] =	vst v10  }
0x35d: {  	v49 =	vmul.f32 $3.200000000e+01, v6;
	v17 =	vmul.f32 $3.200000000e+01, v32;
	v33 =	vadd.f32 v20, v43;
	v56 =	vld [tilespmem:s7+$0x13140];
	[tilespmem:s23+$0x15250] =	vst v12  }
0x35e: {  	v6 =	vld [tilespmem:s23+$0x91C0];
	v34 =	vmul.f32 $3.200000000e+01, v58;
	v48 =	vmul.f32 $3.200000000e+01, v3;
	v28 =	vadd.f32 v62, v7;
	[tilespmem:s23+$0x15330] =	vst v11  }
0x35f: {  	v58 =	vld [tilespmem:s23+$0xB060];
	v42 =	vmul.f32 $3.200000000e+01, v29;
	v29 =	vmul.f32 $3.200000000e+01, v55;
	v17 =	vadd.f32 v17, v63;
	[tilespmem:s23+$0x17130] =	vst v33  }
0x360: {  	v30 =	vld [tilespmem:s23+$0x9270];
	v50 =	vadd.f32 v48, v2;
	[tilespmem:s23+$0x151A0] =	vst v28  }
0x361: {  	v36 =	vmul.f32 $3.200000000e+01, v60;
	v60 =	vld [tilespmem:s23+$0xB260];
	[tilespmem:s23+$0x17070] =	vst v17;
	v33 =	vadd.f32 v29, v52  }
0x362: {  	v59 =	vmul.f32 $3.200000000e+01, v18;
	v18 =	vmul.f32 $3.200000000e+01, v35;
	v35 =	vld [tilespmem:s23+$0xB370];
	[tilespmem:s23+$0x15180] =	vst v50;
	v38 =	vadd.f32 v34, v56  }
0x363: {  	v31 =	vld [tilespmem:s7+$0x130D0];
	v41 =	vadd.f32 v36, v56;
	[tilespmem:s23+$0x15260] =	vst v33  }
0x364: {  	v15 =	vmul.f32 $3.200000000e+01, v15;
	v53 =	vld [tilespmem:s23+$0x9060];
	v43 =	vadd.f32 v39, v56;
	[tilespmem:s23+$0x15140] =	vst v38  }
0x365: {  	v26 =	vld [tilespmem:s23+$0x9070];
	v54 =	vmul.f32 $3.200000000e+01, v16;
	v16 =	vmul.f32 $3.200000000e+01, v30;
	v11 =	vadd.f32 v42, v56;
	[tilespmem:s23+$0x15340] =	vst v41  }
0x366: {  	v46 =	vmul.f32 $3.200000000e+01, v37;
	v37 =	vld [tilespmem:s23+$0x9350];
	v56 =	vadd.f32 v15, v9;
	[tilespmem:s23+$0x17140] =	vst v43  }
0x367: {  	v14 =	vld [tilespmem:s23+$0x91B0];
	v16 =	vadd.f32 v16, v63;
	[tilespmem:s23+$0x17340] =	vst v11  }
0x368: {  	v57 =	vld [tilespmem:s23+$0xB2F0];
	v20 =	vadd.f32 v44, v31;
	[tilespmem:s23+$0x15190] =	vst v56  }
0x369: {  	v22 =	vmul.f32 $3.200000000e+01, v40;
	v13 =	vld [tilespmem:s23+$0xB1B0];
	v23 =	vadd.f32 v45, v31;
	[tilespmem:s23+$0x15270] =	vst v16  }
0x36a: {  	v8 =	vld [tilespmem:s7+$0x131B0];
	v34 =	vmul.f32 $3.200000000e+01, v60;
	v47 =	vadd.f32 v46, v31;
	[tilespmem:s23+$0x150D0] =	vst v20  }
0x36b: {  	v32 =	vld [tilespmem:s23+$0xB170];
	v21 =	vadd.f32 v22, v31;
	[tilespmem:s23+$0x152D0] =	vst v23  }
0x36c: {  	v5 =	vmul.f32 $3.200000000e+01, v5;
	v61 =	vld [tilespmem:s23+$0xB3C0];
	v36 =	vadd.f32 v34, v52;
	[tilespmem:s23+$0x170D0] =	vst v47  }
0x36d: {  	v12 =	vld [tilespmem:s23+$0x93B0];
	v14 =	vmul.f32 $3.200000000e+01, v14;
	v43 =	vadd.f32 v18, v63;
	[tilespmem:s23+$0x172D0] =	vst v21  }
0x36e: {  	v50 =	vld [tilespmem:s23+$0x90F0];
	v20 =	vadd.f32 v49, v2;
	v2 =	vadd.f32 v5, v2;
	[tilespmem:s23+$0x17260] =	vst v36  }
0x36f: {  	v13 =	vmul.f32 $3.200000000e+01, v13;
	v29 =	vld [tilespmem:s23+$0x9370];
	v14 =	vadd.f32 v14, v8;
	[tilespmem:s23+$0x17270] =	vst v43  }
0x370: {  	v39 =	vld [tilespmem:s23+$0xB350];
	[tilespmem:s23+$0x17380] =	vst v2;
	v2 =	vadd.f32 v54, v9  }
0x371: {  	v42 =	vld [tilespmem:s23+$0x90E0];
	v31 =	vmul.f32 $3.200000000e+01, v58;
	v13 =	vadd.f32 v13, v8;
	[tilespmem:s23+$0x151B0] =	vst v14  }
0x372: {  	v25 =	vmul.f32 $3.200000000e+01, v53;
	v3 =	vld [tilespmem:s7+$0x131C0];
	[tilespmem:s23+$0x15390] =	vst v2;
	v2 =	vadd.f32 v59, v9  }
0x373: {  	v5 =	vadd.f32 v31, v52;
	v47 =	vld [tilespmem:s23+$0xB2E0];
	[tilespmem:s23+$0x171B0] =	vst v13;
	v9 =	vmul.f32 $3.200000000e+01, v26  }
0x374: {  	v12 =	vmul.f32 $3.200000000e+01, v12;
	v51 =	vld [tilespmem:s7+$0x13150];
	[tilespmem:s23+$0x17390] =	vst v2;
	v2 =	vadd.f32 v25, v52  }
0x375: {  	[tilespmem:s23+$0x17060] =	vst v5;
	v54 =	vld [tilespmem:s23+$0xB0F0];
	v9 =	vadd.f32 v9, v63  }
0x376: {  	v41 =	vmul.f32 $3.200000000e+01, v24;
	v12 =	vadd.f32 v12, v8;
	v52 =	vld [tilespmem:s23+$0x92F0];
	[tilespmem:s23+$0x15060] =	vst v2  }
0x377: {  	v58 =	vmul.f32 $3.200000000e+01, v27;
	[tilespmem:s23+$0x15070] =	vst v9;
	v40 =	vld [tilespmem:s7+$0x130E0]  }
0x378: {  	v6 =	vmul.f32 $3.200000000e+01, v6;
	v45 =	vadd.f32 v41, v7;
	[tilespmem:s23+$0x153B0] =	vst v12;
	v48 =	vld [tilespmem:s7+$0x130F0]  }
0x379: {  	v15 =	vmul.f32 $3.200000000e+01, v37;
	v7 =	vadd.f32 v58, v7;
	[tilespmem:s23+$0x15380] =	vst v20;
	v2 =	vld [tilespmem:s23+$0x9150]  }
0x37a: {  	v60 =	vld [tilespmem:s23+$0xB1C0];
	[tilespmem:s23+$0x171A0] =	vst v45;
	v6 =	vadd.f32 v6, v3;
	v56 =	vmul.f32 $3.200000000e+01, v47  }
0x37b: {  	v38 =	vld [tilespmem:s23+$0xB150];
	[tilespmem:s23+$0x173A0] =	vst v7;
	v15 =	vadd.f32 v15, v51;
	v9 =	vmul.f32 $3.200000000e+01, v50  }
0x37c: {  	v46 =	vld [tilespmem:s23+$0xB0E0];
	[tilespmem:s23+$0x151C0] =	vst v6;
	v62 =	vmul.f32 $3.200000000e+01, v52;
	v59 =	vadd.f32 v56, v40  }
0x37d: {  	v11 =	vld [tilespmem:s23+$0xB3B0];
	v17 =	vmul.f32 $3.200000000e+01, v54;
	[tilespmem:s23+$0x15350] =	vst v15;
	v9 =	vadd.f32 v9, v48  }
0x37e: {  	v44 =	vld [tilespmem:s23+$0x92E0];
	v2 =	vmul.f32 $3.200000000e+01, v2;
	v15 =	vadd.f32 v62, v48;
	[tilespmem:s23+$0x172E0] =	vst v59  }
0x37f: {  	v16 =	vmul.f32 $3.200000000e+01, v57;
	v24 =	vld [tilespmem:s23+$0xB160];
	v17 =	vadd.f32 v17, v48;
	[tilespmem:s23+$0x150F0] =	vst v9  }
0x380: {  	v27 =	vld [tilespmem:s23+$0x9170];
	v5 =	vmul.f32 $3.200000000e+01, v38;
	v2 =	vadd.f32 v2, v51;
	[tilespmem:s23+$0x152F0] =	vst v15  }
0x381: {  	v21 =	vld [tilespmem:s23+$0x9160];
	v4 =	vmul.f32 $3.200000000e+01, v39;
	v53 =	vmul.f32 $3.200000000e+01, v46;
	v22 =	vadd.f32 v16, v48;
	[tilespmem:s23+$0x170F0] =	vst v17  }
0x382: {  	v23 =	vld [tilespmem:s23+$0x9360];
	v49 =	vmul.f32 $3.200000000e+01, v42;
	[tilespmem:s23+$0x15150] =	vst v2;
	v2 =	vadd.f32 v5, v51  }
0x383: {  	v36 =	vld [tilespmem:s23+$0x91D0];
	v4 =	vadd.f32 v4, v51;
	[tilespmem:s23+$0x172F0] =	vst v22;
	v51 =	vmul.f32 $3.200000000e+01, v44;
	v5 =	vadd.f32 v53, v40  }
0x384: {  	v10 =	vmul.f32 $3.200000000e+01, v60;
	v26 =	vld [tilespmem:s7+$0x13170];
	[tilespmem:s23+$0x17150] =	vst v2;
	v2 =	vadd.f32 v49, v40  }
0x385: {  	v41 =	vld [tilespmem:s23+$0xB3D0];
	v11 =	vmul.f32 $3.200000000e+01, v11;
	v55 =	vadd.f32 v51, v40;
	[tilespmem:s23+$0x170E0] =	vst v5  }
0x386: {  	v43 =	vld [tilespmem:s23+$0x91E0];
	v10 =	vadd.f32 v10, v3;
	[tilespmem:s23+$0x150E0] =	vst v2  }
0x387: {  	v39 =	vld [tilespmem:s23+$0xB1D0];
	v8 =	vadd.f32 v11, v8;
	v11 =	vmul.f32 $3.200000000e+01, v27;
	[tilespmem:s23+$0x152E0] =	vst v55  }
0x388: {  	[tilespmem:s23+$0x171C0] =	vst v10;
	v40 =	vmul.f32 $3.200000000e+01, v29;
	v20 =	vld [tilespmem:s7+$0x13160]  }
0x389: {  	v42 =	vmul.f32 $3.200000000e+01, v32;
	v25 =	vld [tilespmem:s23+$0xB360];
	[tilespmem:s23+$0x173B0] =	vst v8;
	v11 =	vadd.f32 v11, v26  }
0x38a: {  	[tilespmem:s23+$0x17350] =	vst v4;
	v15 =	vmul.f32 $3.200000000e+01, v35;
	v2 =	vld [tilespmem:s23+$0x93C0];
	v12 =	vadd.f32 v40, v26  }
0x38b: {  	v45 =	vld [tilespmem:s23+$0x93E0];
	v9 =	vmul.f32 $3.200000000e+01, v21;
	v13 =	vadd.f32 v42, v26;
	[tilespmem:s23+$0x15170] =	vst v11  }
0x38c: {  	v38 =	vld [tilespmem:s23+$0x93D0];
	v28 =	vmul.f32 $3.200000000e+01, v23;
	v44 =	vadd.f32 v15, v26;
	[tilespmem:s23+$0x15370] =	vst v12  }
0x38d: {  	v31 =	vmul.f32 $3.200000000e+01, v24;
	v51 =	vld [tilespmem:s23+$0x91F0];
	[tilespmem:s23+$0x17170] =	vst v13;
	v30 =	vadd.f32 v9, v20  }
0x38e: {  	v34 =	vmul.f32 $3.200000000e+01, v25;
	v63 =	vld [tilespmem:s7+$0x131D0];
	[tilespmem:s23+$0x17370] =	vst v44;
	v33 =	vadd.f32 v28, v20  }
0x38f: {  	v46 =	vld [tilespmem:s23+$0xB1E0];
	v2 =	vmul.f32 $3.200000000e+01, v2;
	v9 =	vadd.f32 v31, v20;
	[tilespmem:s23+$0x15160] =	vst v30  }
0x390: {  	v5 =	vmul.f32 $3.200000000e+01, v61;
	v49 =	vld [tilespmem:s7+$0x131F0];
	v37 =	vadd.f32 v34, v20;
	[tilespmem:s23+$0x15360] =	vst v33  }
0x391: {  	v8 =	vmul.f32 $3.200000000e+01, v36;
	v48 =	vld [tilespmem:s23+$0xB3E0];
	v2 =	vadd.f32 v2, v3;
	[tilespmem:s23+$0x17160] =	vst v9  }
0x392: {  	v47 =	vmul.f32 $3.200000000e+01, v38;
	v56 =	vld [tilespmem:s23+$0xB1F0];
	v3 =	vadd.f32 v5, v3;
	[tilespmem:s23+$0x17360] =	vst v37  }
0x393: {  	v6 =	vmul.f32 $3.200000000e+01, v51;
	v8 =	vadd.f32 v8, v63;
	[tilespmem:s23+$0x153C0] =	vst v2;
	v2 =	vld [tilespmem:s7+$0x131E0]  }
0x394: {  	v50 =	vmul.f32 $3.200000000e+01, v41;
	[tilespmem:s23+$0x173C0] =	vst v3;
	v3 =	vadd.f32 v47, v63  }
0x395: {  	v54 =	vld [tilespmem:s23+$0x93F0];
	[tilespmem:s23+$0x151D0] =	vst v8;
	v9 =	vmul.f32 $3.200000000e+01, v39;
	v62 =	vadd.f32 v6, v49  }
0x396: {  	v55 =	vmul.f32 $3.200000000e+01, v45;
	[tilespmem:s23+$0x153D0] =	vst v3;
	v3 =	vadd.f32 v50, v63  }
0x397: {  	v59 =	vld [tilespmem:s23+$0xB3F0];
	v53 =	vmul.f32 $3.200000000e+01, v43;
	v5 =	vmul.f32 $3.200000000e+01, v56;
	v52 =	vadd.f32 v9, v63;
	[tilespmem:s23+$0x151F0] =	vst v62  }
0x398: {  	v58 =	vmul.f32 $3.200000000e+01, v46;
	v60 =	vmul.f32 $3.200000000e+01, v48;
	[tilespmem:s23+$0x173D0] =	vst v3;
	v3 =	vadd.f32 v55, v2  }
0x399: {  	v63 =	vadd.f32 v5, v49;
	[tilespmem:s23+$0x171D0] =	vst v52;
	v57 =	vadd.f32 v53, v2  }
0x39a: {  	v61 =	vadd.f32 v58, v2;
	v2 =	vadd.f32 v60, v2;
	[tilespmem:s23+$0x153E0] =	vst v3;
	v3 =	vmul.f32 $3.200000000e+01, v54  }
0x39b: {  	p1 =	slt.u32 s0, $0x38;
	[tilespmem:s23+$0x171F0] =	vst v63  }
.Ltmp2:
0x39c: {  	[tilespmem:s23+$0x173E0] =	vst v2;
	v2 =	vadd.f32 v3, v49;
	v3 =	vmul.f32 $3.200000000e+01, v59;
	(pc) =	sbr.rel @p1 .LBB2_7-.Ltmp2, $4  }
0x39d: {  	[tilespmem:s23+$0x151E0] =	vst v57  }
0x39e: {  	[tilespmem:s23+$0x153F0] =	vst v2;
	v2 =	vadd.f32 v3, v49  }
0x39f: {  	s29 =	sadd.s32 $0x8, s0;
	[tilespmem:s23+$0x171E0] =	vst v61  }
0x3a0: {  	s0 =	smov.u32 s29;
	[tilespmem:s23+$0x173F0] =	vst v2  }
0x3a1: {  	s0 =	sor.u32 $0x8, s20  }
0x3a2: {  	s2 =	sadd.s32 s6, s0  }
0x3a3: {  	s2 =	sshll.u32 s2, $0x7  }
0x3a4: {  	s2 =	sand.u32 $0x1FFFFC00, s2  }
0x3a5: {  	s21 =	simm.s32 $0x15000;
	s2 =	sadd.s32 s3, s2  }
0x3a6: {  	[hbm4b:s2+s4] =	stream.linear.scatter [tilespmem:s21], [sflag:$0x9], $0x200, $0x38;
	[tilespmem:$0x1D000] =	vst v63  }
0x3a7: {  	s22 =	simm.s32 $0x15400;
	s7 =	sadd.s32 $0x80, s2  }
0x3a8: {  	[hbm4b:s7+s4] =	stream.linear.scatter [tilespmem:s22], [sflag:$0x9], $0x200, $0x38;
	[tilespmem:$0x1D000] =	vst v63  }
0x3a9: {  	s23 =	simm.s32 $0x15800;
	s20 =	sadd.s32 $0x100, s2  }
0x3aa: {  	[hbm4b:s20+s4] =	stream.linear.scatter [tilespmem:s23], [sflag:$0x9], $0x200, $0x38;
	[tilespmem:$0x1D000] =	vst v63  }
0x3ab: {  	s29 =	simm.s32 $0x15C00;
	s13 =	sadd.s32 $0x180, s2  }
0x3ac: {  	[hbm4b:s13+s4] =	stream.linear.scatter [tilespmem:s29], [sflag:$0x9], $0x200, $0x38;
	[tilespmem:$0x1D000] =	vst v63  }
0x3ad: {  	s20 =	sadd.s32 $0x200, s2;
	s13 =	simm.s32 $0x16000  }
0x3ae: {  	[hbm4b:s20+s4] =	stream.linear.scatter [tilespmem:s13], [sflag:$0x9], $0x200, $0x38;
	[tilespmem:$0x1D000] =	vst v63  }
0x3af: {  	s13 =	sadd.s32 $0x280, s2;
	s20 =	simm.s32 $0x16400  }
0x3b0: {  	[hbm4b:s13+s4] =	stream.linear.scatter [tilespmem:s20], [sflag:$0x9], $0x200, $0x38;
	[tilespmem:$0x1D000] =	vst v63  }
0x3b1: {  	s13 =	sadd.s32 $0x300, s2;
	s20 =	simm.s32 $0x16800  }
0x3b2: {  	[hbm4b:s13+s4] =	stream.linear.scatter [tilespmem:s20], [sflag:$0x9], $0x200, $0x38;
	[tilespmem:$0x1D000] =	vst v63  }
0x3b3: {  	s2 =	sadd.s32 $0x380, s2;
	s20 =	simm.s32 $0x16C00;
	s13 =	sadd.s32 s15, s0  }
0x3b4: {  	[hbm4b:s2+s4] =	stream.linear.scatter [tilespmem:s20], [sflag:$0x9], $0x200, $0x38;
	[tilespmem:$0x1D000] =	vst v63  }
0x3b5: {  	s2 =	sshll.u32 s13, $0x7  }
0x3b6: {  	s2 =	sand.u32 $0x1FFFFC00, s2  }
0x3b7: {  	s20 =	simm.s32 $0x15200;
	s2 =	sadd.s32 s3, s2  }
0x3b8: {  	[hbm4b:s2+s4] =	stream.linear.scatter [tilespmem:s20], [sflag:$0x9], $0x200, $0x38;
	[tilespmem:$0x1D000] =	vst v63  }
0x3b9: {  	s13 =	sadd.s32 $0x80, s2;
	s20 =	simm.s32 $0x15600  }
0x3ba: {  	[hbm4b:s13+s4] =	stream.linear.scatter [tilespmem:s20], [sflag:$0x9], $0x200, $0x38;
	[tilespmem:$0x1D000] =	vst v63  }
0x3bb: {  	s13 =	sadd.s32 $0x100, s2;
	s20 =	simm.s32 $0x15A00  }
0x3bc: {  	[hbm4b:s13+s4] =	stream.linear.scatter [tilespmem:s20], [sflag:$0x9], $0x200, $0x38;
	[tilespmem:$0x1D000] =	vst v63  }
0x3bd: {  	s13 =	sadd.s32 $0x180, s2;
	s20 =	simm.s32 $0x15E00  }
0x3be: {  	[hbm4b:s13+s4] =	stream.linear.scatter [tilespmem:s20], [sflag:$0x9], $0x200, $0x38;
	[tilespmem:$0x1D000] =	vst v63  }
0x3bf: {  	s13 =	sadd.s32 $0x200, s2;
	s20 =	simm.s32 $0x16200  }
0x3c0: {  	[hbm4b:s13+s4] =	stream.linear.scatter [tilespmem:s20], [sflag:$0x9], $0x200, $0x38;
	[tilespmem:$0x1D000] =	vst v63  }
0x3c1: {  	s13 =	sadd.s32 $0x280, s2;
	s20 =	simm.s32 $0x16600  }
0x3c2: {  	[hbm4b:s13+s4] =	stream.linear.scatter [tilespmem:s20], [sflag:$0x9], $0x200, $0x38;
	[tilespmem:$0x1D000] =	vst v63  }
0x3c3: {  	s13 =	sadd.s32 $0x300, s2;
	s20 =	simm.s32 $0x16A00  }
0x3c4: {  	[hbm4b:s13+s4] =	stream.linear.scatter [tilespmem:s20], [sflag:$0x9], $0x200, $0x38;
	[tilespmem:$0x1D000] =	vst v63  }
0x3c5: {  	s2 =	sadd.s32 $0x380, s2;
	s20 =	simm.s32 $0x16E00;
	s13 =	sadd.s32 s16, s0  }
0x3c6: {  	[hbm4b:s2+s4] =	stream.linear.scatter [tilespmem:s20], [sflag:$0x9], $0x200, $0x38;
	[tilespmem:$0x1D000] =	vst v63  }
0x3c7: {  	s2 =	sshll.u32 s13, $0x7  }
0x3c8: {  	s2 =	sand.u32 $0x1FFFFC00, s2  }
0x3c9: {  	s20 =	simm.s32 $0x17000;
	s2 =	sadd.s32 s3, s2  }
0x3ca: {  	[hbm4b:s2+s4] =	stream.linear.scatter [tilespmem:s20], [sflag:$0x9], $0x200, $0x38;
	[tilespmem:$0x1D000] =	vst v63  }
0x3cb: {  	s13 =	sadd.s32 $0x80, s2;
	s20 =	simm.s32 $0x17400  }
0x3cc: {  	[hbm4b:s13+s4] =	stream.linear.scatter [tilespmem:s20], [sflag:$0x9], $0x200, $0x38;
	[tilespmem:$0x1D000] =	vst v63  }
0x3cd: {  	s13 =	sadd.s32 $0x100, s2;
	s20 =	simm.s32 $0x17800  }
0x3ce: {  	[hbm4b:s13+s4] =	stream.linear.scatter [tilespmem:s20], [sflag:$0x9], $0x200, $0x38;
	[tilespmem:$0x1D000] =	vst v63  }
0x3cf: {  	s13 =	sadd.s32 $0x180, s2;
	s20 =	simm.s32 $0x17C00  }
0x3d0: {  	[hbm4b:s13+s4] =	stream.linear.scatter [tilespmem:s20], [sflag:$0x9], $0x200, $0x38;
	[tilespmem:$0x1D000] =	vst v63  }
0x3d1: {  	s13 =	sadd.s32 $0x200, s2;
	s20 =	simm.s32 $0x18000  }
0x3d2: {  	[hbm4b:s13+s4] =	stream.linear.scatter [tilespmem:s20], [sflag:$0x9], $0x200, $0x38;
	[tilespmem:$0x1D000] =	vst v63  }
0x3d3: {  	s0 =	sadd.s32 s17, s0;
	s13 =	sadd.s32 $0x280, s2;
	s20 =	simm.s32 $0x18400  }
0x3d4: {  	[hbm4b:s13+s4] =	stream.linear.scatter [tilespmem:s20], [sflag:$0x9], $0x200, $0x38;
	[tilespmem:$0x1D000] =	vst v63  }
0x3d5: {  	s0 =	sshll.u32 s0, $0x7;
	s13 =	sadd.s32 $0x300, s2;
	s20 =	simm.s32 $0x18800  }
0x3d6: {  	[hbm4b:s13+s4] =	stream.linear.scatter [tilespmem:s20], [sflag:$0x9], $0x200, $0x38;
	[tilespmem:$0x1D000] =	vst v63  }
0x3d7: {  	s0 =	sand.u32 $0x1FFFFC00, s0;
	s2 =	sadd.s32 $0x380, s2;
	s20 =	simm.s32 $0x18C00  }
0x3d8: {  	[hbm4b:s2+s4] =	stream.linear.scatter [tilespmem:s20], [sflag:$0x9], $0x200, $0x38;
	[tilespmem:$0x1D000] =	vst v63  }
0x3d9: {  	s7 =	simm.s32 $0x17200;
	s0 =	sadd.s32 s3, s0  }
0x3da: {  	[hbm4b:s0+s4] =	stream.linear.scatter [tilespmem:s7], [sflag:$0x9], $0x200, $0x38;
	[tilespmem:$0x1D000] =	vst v63  }
0x3db: {  	s13 =	sadd.s32 $0x80, s0;
	s20 =	simm.s32 $0x17600  }
0x3dc: {  	[hbm4b:s13+s4] =	stream.linear.scatter [tilespmem:s20], [sflag:$0x9], $0x200, $0x38;
	[tilespmem:$0x1D000] =	vst v63  }
0x3dd: {  	s13 =	sadd.s32 $0x100, s0;
	s20 =	simm.s32 $0x17A00  }
0x3de: {  	[hbm4b:s13+s4] =	stream.linear.scatter [tilespmem:s20], [sflag:$0x9], $0x200, $0x38;
	[tilespmem:$0x1D000] =	vst v63  }
0x3df: {  	s13 =	sadd.s32 $0x180, s0;
	s20 =	simm.s32 $0x17E00  }
0x3e0: {  	[hbm4b:s13+s4] =	stream.linear.scatter [tilespmem:s20], [sflag:$0x9], $0x200, $0x38;
	[tilespmem:$0x1D000] =	vst v63  }
0x3e1: {  	s13 =	sadd.s32 $0x200, s0;
	s20 =	simm.s32 $0x18200  }
0x3e2: {  	[hbm4b:s13+s4] =	stream.linear.scatter [tilespmem:s20], [sflag:$0x9], $0x200, $0x38;
	[tilespmem:$0x1D000] =	vst v63  }
0x3e3: {  	s13 =	sadd.s32 $0x280, s0;
	s20 =	simm.s32 $0x18600  }
0x3e4: {  	[hbm4b:s13+s4] =	stream.linear.scatter [tilespmem:s20], [sflag:$0x9], $0x200, $0x38;
	[tilespmem:$0x1D000] =	vst v63  }
0x3e5: {  	s7 =	sadd.s32 $0x300, s0;
	s13 =	simm.s32 $0x18A00  }
0x3e6: {  	[hbm4b:s7+s4] =	stream.linear.scatter [tilespmem:s13], [sflag:$0x9], $0x200, $0x38;
	[tilespmem:$0x1D000] =	vst v63  }
0x3e7: {  	s0 =	sadd.s32 $0x380, s0;
	s20 =	simm.s32 $0x18E00  }
0x3e8: {  	[hbm4b:s0+s4] =	stream.linear.scatter [tilespmem:s20], [sflag:$0x9], $0x200, $0x38;
	[tilespmem:$0x1D000] =	vst v63  }
0x3e9: {  	s0 =	sadd.s32 @!p0 $0xC00, s28  }
0x3ea: {  	s2 =	sshrl.u32 @!p0 s0, $0x2  }
0x3eb: {  	v2 =	vld.msk @!p0 [tilespmem:s2+$0x0], $0xff;
	_ =	sdelay $0x4  }
0x3ec: {  	v3 =	vshll.u32 @!p0 v2, $0x3  }
0x3ed: {  	v4 =	vlaneseq.u32 @!p0;
	v2 =	vand.u32 @!p0 $0x7, v2;
	v3 =	vand.u32 @!p0 $0xFFFFFFC0, v3  }
0x3ee: {  	v2 =	vor.u32 @!p0 v2, v3;
	v3 =	vand.u32 @!p0 $0x7, v4;
	v4 =	vshrl.u32 @!p0 v4, $0x3  }
0x3ef: {  	v2 =	vperm.xlane @!p0 v2, v3;
	v4 =	vmul.u32 @!p0 $0x8, v4;
	_ =	sdelay $0x1  }
0x3f0: {  	v2 =	vadd.s32 @!p0 v4, v2;
	_ =	sdelay $0x3  }
0x3f1: {  	s7 =	simm.s32 @!p0 $0x0;
	s13 =	simm.s32 @!p0 $0x9000  }
0x3f2: {  	[tilespmem:s13], [sflag:$0x3] =	stream.indirect_vreg.gather @!p0 [hbm4b:s1+s7], $0x80, v2, vm1, $0xb8;
	[tilespmem:$0x1D000] =	vst v63  }
0x3f3: {  	s13 =	simm.s32 @!p0 $0x9800  }
0x3f4: {  	[tilespmem:s13], [sflag:$0x3] =	stream.indirect_vreg.gather @!p0 [hbm4b:s8+s7], $0x80, v2, vm1, $0xb8;
	[tilespmem:$0x1D000] =	vst v63  }
0x3f5: {  	s13 =	simm.s32 @!p0 $0xA000  }
0x3f6: {  	[tilespmem:s13], [sflag:$0x3] =	stream.indirect_vreg.gather @!p0 [hbm4b:s9+s7], $0x80, v2, vm1, $0xb8;
	[tilespmem:$0x1D000] =	vst v63  }
0x3f7: {  	s2 =	sor.u32 @!p0 $0x8, s2;
	s13 =	simm.s32 @!p0 $0xA800  }
0x3f8: {  	[tilespmem:s13], [sflag:$0x3] =	stream.indirect_vreg.gather @!p0 [hbm4b:s10+s7], $0x80, v2, vm1, $0xb8;
	[tilespmem:$0x1D000] =	vst v63  }
0x3f9: {  	v2 =	vld.msk @!p0 [tilespmem:s2+$0x0], $0xff;
	_ =	sdelay $0x4  }
0x3fa: {  	v5 =	vshll.u32 @!p0 v2, $0x3  }
0x3fb: {  	v2 =	vand.u32 @!p0 $0x7, v2;
	v5 =	vand.u32 @!p0 $0xFFFFFFC0, v5  }
0x3fc: {  	v2 =	vor.u32 @!p0 v2, v5  }
0x3fd: {  	v2 =	vperm.xlane @!p0 v2, v3;
	_ =	sdelay $0x1  }
0x3fe: {  	v2 =	vadd.s32 @!p0 v4, v2;
	_ =	sdelay $0x3  }
0x3ff: {  	s2 =	simm.s32 @!p0 $0xB000  }
0x400: {  	[tilespmem:s2], [sflag:$0xD] =	stream.indirect_vreg.gather @!p0 [hbm4b:s1+s7], $0x80, v2, vm1, $0xb8;
	[tilespmem:$0x1D000] =	vst v63  }
0x401: {  	s2 =	simm.s32 @!p0 $0xB800  }
0x402: {  	[tilespmem:s2], [sflag:$0xD] =	stream.indirect_vreg.gather @!p0 [hbm4b:s8+s7], $0x80, v2, vm1, $0xb8;
	[tilespmem:$0x1D000] =	vst v63  }
0x403: {  	s2 =	simm.s32 @!p0 $0xC000  }
0x404: {  	[tilespmem:s2], [sflag:$0xD] =	stream.indirect_vreg.gather @!p0 [hbm4b:s9+s7], $0x80, v2, vm1, $0xb8;
	[tilespmem:$0x1D000] =	vst v63  }
0x405: {  	s0 =	sadd.s32 @!p0 s0, s12;
	s2 =	simm.s32 @!p0 $0xC800  }
0x406: {  	[tilespmem:s2], [sflag:$0xD] =	stream.indirect_vreg.gather @!p0 [hbm4b:s10+s7], $0x80, v2, vm1, $0xb8;
	[tilespmem:$0x1D000] =	vst v63  }
0x407: {  	s13 =	simm.s32 @!p0 $0x13000;
	s2 =	simm.s32 @!p0 $0x200;
	s7 =	simm.s32 @!p0 $0x400  }
0x408: {  	[tilespmem:s13], [sflag:$0x7] =	stream.strided.gather @!p0 [hbm4b:s0+s2], $0x1000, s7, s2, $0x38;
	[tilespmem:$0x1D000] =	vst v63  }
0x409: {  	_ =	swait.ge [sflag:s25], $0x2000  }
0x40a: {  	[sflag:s25] =	ssyncset.done $0x0  }
0x40b: {  	[sflag:s25] =	ssyncadd.s32 $0xFFFFE000  }
0x40c: {  	_ =	swait.ge [sflag:s26], $0x2000  }
0x40d: {  	[sflag:s26] =	ssyncset.done $0x0  }
0x40e: {  	[sflag:s26] =	ssyncadd.s32 $0xFFFFE000  }
0x40f: {  	_ =	swait.ge [sflag:s30], $0x1000  }
0x410: {  	[sflag:s30] =	ssyncset.done $0x0  }
0x411: {  	[sflag:s30] =	ssyncadd.s32 $0xFFFFF000  }
0x412: {  	_ =	swait.ge [sflag:s31], $0x1000  }
0x413: {  	[sflag:s31] =	ssyncset.done $0x0  }
0x414: {  	[sflag:s31] =	ssyncadd.s32 $0xFFFFF000  }
0x415: {  	_ =	swait.ge [sflag:s31], $0x1000  }
0x416: {  	[sflag:s31] =	ssyncset.done $0x0  }
0x417: {  	[sflag:s31] =	ssyncadd.s32 $0xFFFFF000  }
0x418: {  	_ =	swait.ge [sflag:s31], $0x1000  }
0x419: {  	[sflag:s31] =	ssyncset.done $0x0  }
0x41a: {  	[sflag:s31] =	ssyncadd.s32 $0xFFFFF000  }
0x41b: {  	_ =	swait.ge [sflag:s31], $0x1000  }
0x41c: {  	[sflag:s31] =	ssyncset.done $0x0  }
0x41d: {  	s0 =	simm.s32 $0x0;
	[sflag:s31] =	ssyncadd.s32 $0xFFFFF000  }
.LBB2_9:
0x41e: {  	s20 =	sshll.u32 s0, $0x7  }
0x41f: {  	v3 =	vld [tilespmem:s20+$0xD000]  }
0x420: {  	v4 =	vld [tilespmem:s20+$0xD200]  }
0x421: {  	v5 =	vld [tilespmem:s20+$0xF000]  }
0x422: {  	v6 =	vld [tilespmem:s20+$0xF200]  }
0x423: {  	v53 =	vld [tilespmem:s20+$0xD280]  }
0x424: {  	v54 =	vld [tilespmem:s20+$0xF080]  }
0x425: {  	v55 =	vld [tilespmem:s20+$0xF280]  }
0x426: {  	v8 =	vld [tilespmem:s20+$0xD010]  }
0x427: {  	v9 =	vld [tilespmem:s20+$0xD210]  }
0x428: {  	v10 =	vld [tilespmem:s20+$0xF010]  }
0x429: {  	v11 =	vld [tilespmem:s20+$0xF210]  }
0x42a: {  	v60 =	vld [tilespmem:s20+$0xD100]  }
0x42b: {  	v61 =	vld [tilespmem:s20+$0xD300]  }
0x42c: {  	v62 =	vld [tilespmem:s20+$0xF100]  }
0x42d: {  	v63 =	vld [tilespmem:s20+$0xD090]  }
0x42e: {  	v16 =	vld [tilespmem:s20+$0xD290]  }
0x42f: {  	v17 =	vld [tilespmem:s20+$0xF090]  }
0x430: {  	v18 =	vld [tilespmem:s20+$0xF290]  }
0x431: {  	v13 =	vld [tilespmem:s20+$0xD020]  }
0x432: {  	v19 =	vld [tilespmem:s20+$0xD220]  }
0x433: {  	v21 =	vld [tilespmem:s20+$0xF020]  }
0x434: {  	v24 =	vld [tilespmem:s20+$0xF220]  }
0x435: {  	v31 =	vld [tilespmem:s20+$0xD0A0]  }
0x436: {  	v32 =	vld [tilespmem:s20+$0xD2A0]  }
0x437: {  	v33 =	vld [tilespmem:s20+$0xF0A0]  }
0x438: {  	s2 =	sshll.u32 s0, $0x6;
	v34 =	vld [tilespmem:s20+$0xF2A0]  }
0x439: {  	s7 =	sand.u32 $0x3FFFFFC0, s2;
	v14 =	vld [tilespmem:s20+$0xD030]  }
0x43a: {  	v2 =	vld [tilespmem:s7+$0x14000]  }
0x43b: {  	v15 =	vld [tilespmem:s20+$0xD230]  }
0x43c: {  	v37 =	vld [tilespmem:s20+$0xD310]  }
0x43d: {  	v39 =	vld [tilespmem:s20+$0xF110];
	v3 =	vmul.f32 $3.200000000e+01, v3  }
0x43e: {  	v41 =	vld [tilespmem:s20+$0xF310];
	v4 =	vmul.f32 $3.200000000e+01, v4  }
0x43f: {  	v46 =	vld [tilespmem:s20+$0xD120];
	v5 =	vmul.f32 $3.200000000e+01, v5;
	v3 =	vadd.f32 v3, v2  }
0x440: {  	v48 =	vld [tilespmem:s20+$0xD320];
	v6 =	vmul.f32 $3.200000000e+01, v6;
	v4 =	vadd.f32 v4, v2  }
0x441: {  	v50 =	vld [tilespmem:s20+$0xF120];
	[tilespmem:s20+$0x19000] =	vst v3;
	v3 =	vadd.f32 v5, v2  }
0x442: {  	v52 =	vld [tilespmem:s20+$0xF320];
	[tilespmem:s20+$0x19200] =	vst v4;
	v2 =	vadd.f32 v6, v2  }
0x443: {  	[tilespmem:s20+$0x1B000] =	vst v3;
	v3 =	vld [tilespmem:s20+$0xD080]  }
0x444: {  	v7 =	vld [tilespmem:s7+$0x14010];
	[tilespmem:s20+$0x1B200] =	vst v2  }
0x445: {  	v2 =	vld [tilespmem:s7+$0x14080]  }
0x446: {  	v12 =	vld [tilespmem:s7+$0x14020]  }
0x447: {  	v20 =	vmul.f32 $3.200000000e+01, v16;
	v16 =	vld [tilespmem:s20+$0xF030]  }
0x448: {  	v35 =	vld [tilespmem:s7+$0x14030];
	v56 =	vmul.f32 $3.200000000e+01, v8;
	v3 =	vmul.f32 $3.200000000e+01, v3  }
0x449: {  	v23 =	vmul.f32 $3.200000000e+01, v17;
	v17 =	vld [tilespmem:s20+$0xF230];
	v4 =	vmul.f32 $3.200000000e+01, v53  }
0x44a: {  	v25 =	vmul.f32 $3.200000000e+01, v18;
	v18 =	vld [tilespmem:s20+$0xD110];
	v5 =	vmul.f32 $3.200000000e+01, v54;
	v3 =	vadd.f32 v3, v2  }
0x44b: {  	v8 =	vmul.f32 $3.200000000e+01, v60;
	v60 =	vld [tilespmem:s20+$0xF2B0];
	v6 =	vmul.f32 $3.200000000e+01, v55;
	v4 =	vadd.f32 v4, v2  }
0x44c: {  	v40 =	vmul.f32 $3.200000000e+01, v15;
	v15 =	vld [tilespmem:s20+$0xD190];
	v43 =	vmul.f32 $3.200000000e+01, v16;
	[tilespmem:s20+$0x19080] =	vst v3;
	v3 =	vadd.f32 v5, v2  }
0x44d: {  	v55 =	vld [tilespmem:s20+$0xD0B0];
	[tilespmem:s20+$0x19280] =	vst v4;
	v2 =	vadd.f32 v6, v2  }
0x44e: {  	v16 =	vld [tilespmem:s20+$0xD390];
	v47 =	vadd.f32 v43, v35;
	[tilespmem:s20+$0x1B080] =	vst v3;
	v3 =	vmul.f32 $3.200000000e+01, v9  }
0x44f: {  	v57 =	vmul.f32 $3.200000000e+01, v10;
	v45 =	vmul.f32 $3.200000000e+01, v17;
	v17 =	vld [tilespmem:s20+$0xF190];
	[tilespmem:s20+$0x1B280] =	vst v2;
	v2 =	vadd.f32 v56, v7  }
0x450: {  	[tilespmem:s20+$0x1B030] =	vst v47;
	v58 =	vld [tilespmem:s7+$0x14100];
	v3 =	vadd.f32 v3, v7  }
0x451: {  	v59 =	vmul.f32 $3.200000000e+01, v11;
	v51 =	vmul.f32 $3.200000000e+01, v18;
	v18 =	vld [tilespmem:s20+$0xF390];
	[tilespmem:s20+$0x19010] =	vst v2;
	v2 =	vadd.f32 v57, v7  }
0x452: {  	v49 =	vadd.f32 v45, v35;
	v45 =	vld [tilespmem:s20+$0xD2C0];
	v5 =	vmul.f32 $3.200000000e+01, v21;
	[tilespmem:s20+$0x19210] =	vst v3  }
0x453: {  	v3 =	vadd.f32 v59, v7;
	[tilespmem:s20+$0x1B010] =	vst v2;
	v2 =	vld [tilespmem:s20+$0xF300]  }
0x454: {  	[tilespmem:s20+$0x1B230] =	vst v49;
	v47 =	vld [tilespmem:s20+$0xF2C0];
	v9 =	vmul.f32 $3.200000000e+01, v24;
	v28 =	vadd.f32 v5, v12  }
0x455: {  	v49 =	vld [tilespmem:s20+$0xD330];
	v4 =	vmul.f32 $3.200000000e+01, v61;
	[tilespmem:s20+$0x1B210] =	vst v3;
	v8 =	vadd.f32 v8, v58  }
0x456: {  	v6 =	vmul.f32 $3.200000000e+01, v62;
	v29 =	vadd.f32 v9, v12;
	[tilespmem:s20+$0x1B020] =	vst v28;
	v3 =	vld [tilespmem:s7+$0x14090]  }
0x457: {  	v21 =	vld [tilespmem:s7+$0x14050];
	v4 =	vadd.f32 v4, v58;
	[tilespmem:s20+$0x19100] =	vst v8;
	v8 =	vmul.f32 $3.200000000e+01, v19  }
0x458: {  	v5 =	vld [tilespmem:s20+$0xF380];
	[tilespmem:s20+$0x1B220] =	vst v29;
	v6 =	vadd.f32 v6, v58;
	v2 =	vmul.f32 $3.200000000e+01, v2  }
0x459: {  	v27 =	vmul.f32 $3.200000000e+01, v13;
	v24 =	vld [tilespmem:s20+$0xD040];
	v7 =	vmul.f32 $3.200000000e+01, v63;
	[tilespmem:s20+$0x19300] =	vst v4;
	v8 =	vadd.f32 v8, v12  }
0x45a: {  	v57 =	vmul.f32 $3.200000000e+01, v46;
	v46 =	vld [tilespmem:s20+$0xF0C0];
	[tilespmem:s20+$0x1B100] =	vst v6;
	v2 =	vadd.f32 v2, v58  }
0x45b: {  	v63 =	vld [tilespmem:s7+$0x14040];
	v22 =	vadd.f32 v7, v3;
	v7 =	vadd.f32 v27, v12;
	[tilespmem:s20+$0x19220] =	vst v8  }
0x45c: {  	v6 =	vld [tilespmem:s20+$0xD380];
	[tilespmem:s20+$0x1B300] =	vst v2  }
0x45d: {  	v19 =	vld [tilespmem:s20+$0xD2B0];
	v26 =	vadd.f32 v23, v3;
	[tilespmem:s20+$0x19020] =	vst v7  }
0x45e: {  	v4 =	vadd.f32 v25, v3;
	[tilespmem:s20+$0x19090] =	vst v22;
	v8 =	vld [tilespmem:s7+$0x140A0]  }
0x45f: {  	v58 =	vld [tilespmem:s20+$0xF0B0];
	v2 =	vadd.f32 v20, v3;
	[tilespmem:s20+$0x1B090] =	vst v26  }
0x460: {  	v38 =	vmul.f32 $3.200000000e+01, v14;
	v27 =	vld [tilespmem:s20+$0xD240];
	[tilespmem:s20+$0x1B290] =	vst v4  }
0x461: {  	v9 =	vmul.f32 $3.200000000e+01, v31;
	v4 =	vld [tilespmem:s20+$0xF180];
	[tilespmem:s20+$0x19290] =	vst v2  }
0x462: {  	v10 =	vmul.f32 $3.200000000e+01, v32;
	v42 =	vadd.f32 v38, v35;
	v30 =	vld [tilespmem:s7+$0x14110]  }
0x463: {  	v11 =	vmul.f32 $3.200000000e+01, v33;
	v2 =	vld [tilespmem:s7+$0x14180];
	v9 =	vadd.f32 v9, v8  }
0x464: {  	[tilespmem:s20+$0x19030] =	vst v42;
	v12 =	vmul.f32 $3.200000000e+01, v34;
	v3 =	vld [tilespmem:s20+$0xD180];
	v10 =	vadd.f32 v10, v8  }
0x465: {  	v14 =	vmul.f32 $3.200000000e+01, v41;
	v20 =	vld [tilespmem:s20+$0xF240];
	v36 =	vadd.f32 v11, v8;
	[tilespmem:s20+$0x190A0] =	vst v9  }
0x466: {  	v29 =	vmul.f32 $3.200000000e+01, v19;
	v19 =	vld [tilespmem:s20+$0xD1A0];
	v4 =	vmul.f32 $3.200000000e+01, v4;
	v8 =	vadd.f32 v12, v8;
	[tilespmem:s20+$0x192A0] =	vst v10  }
0x467: {  	v32 =	vmul.f32 $3.200000000e+01, v58;
	v58 =	vld [tilespmem:s20+$0xD140];
	v7 =	vadd.f32 v14, v30;
	[tilespmem:s20+$0x1B0A0] =	vst v36  }
0x468: {  	v53 =	vmul.f32 $3.200000000e+01, v37;
	v37 =	vmul.f32 $3.200000000e+01, v27;
	v27 =	vld [tilespmem:s20+$0xF3A0];
	v4 =	vadd.f32 v4, v2;
	[tilespmem:s20+$0x1B2A0] =	vst v8  }
0x469: {  	v12 =	vmul.f32 $3.200000000e+01, v39;
	v9 =	vadd.f32 v40, v35;
	v35 =	vmul.f32 $3.200000000e+01, v24;
	v24 =	vld [tilespmem:s20+$0xF050];
	[tilespmem:s20+$0x1B310] =	vst v7  }
0x46a: {  	v8 =	vadd.f32 v51, v30;
	v44 =	vld [tilespmem:s7+$0x14120];
	[tilespmem:s20+$0x1B180] =	vst v4  }
0x46b: {  	v56 =	vadd.f32 v12, v30;
	v51 =	vld [tilespmem:s20+$0xF130];
	[tilespmem:s20+$0x19230] =	vst v9  }
0x46c: {  	v40 =	vmul.f32 $3.200000000e+01, v20;
	v9 =	vadd.f32 v53, v30;
	[tilespmem:s20+$0x19110] =	vst v8;
	v54 =	vld [tilespmem:s7+$0x140B0]  }
0x46d: {  	v59 =	vmul.f32 $3.200000000e+01, v48;
	v10 =	vmul.f32 $3.200000000e+01, v60;
	v60 =	vld [tilespmem:s20+$0xD340];
	[tilespmem:s20+$0x1B110] =	vst v56;
	v38 =	vadd.f32 v35, v63  }
0x46e: {  	v62 =	vmul.f32 $3.200000000e+01, v50;
	v30 =	vld [tilespmem:s20+$0xF040];
	v42 =	vadd.f32 v40, v63;
	[tilespmem:s20+$0x19310] =	vst v9  }
0x46f: {  	v26 =	vmul.f32 $3.200000000e+01, v55;
	v53 =	vld [tilespmem:s20+$0xF330];
	[tilespmem:s20+$0x19040] =	vst v38;
	v22 =	vadd.f32 v59, v44  }
0x470: {  	v35 =	vld [tilespmem:s20+$0xD2D0];
	[tilespmem:s20+$0x1B240] =	vst v42;
	v25 =	vadd.f32 v62, v44  }
0x471: {  	v40 =	vld [tilespmem:s20+$0xF2D0];
	[tilespmem:s20+$0x19320] =	vst v22;
	v31 =	vadd.f32 v26, v54  }
0x472: {  	v9 =	vld [tilespmem:s7+$0x14190];
	[tilespmem:s20+$0x1B120] =	vst v25;
	v33 =	vadd.f32 v29, v54  }
0x473: {  	v34 =	vadd.f32 v32, v54;
	v22 =	vld [tilespmem:s20+$0xD050];
	[tilespmem:s20+$0x190B0] =	vst v31  }
0x474: {  	v23 =	vmul.f32 $3.200000000e+01, v52;
	v39 =	vmul.f32 $3.200000000e+01, v30;
	v36 =	vadd.f32 v10, v54;
	v25 =	vld [tilespmem:s20+$0xF250];
	[tilespmem:s20+$0x192B0] =	vst v33  }
0x475: {  	v61 =	vadd.f32 v57, v44;
	v10 =	vadd.f32 v37, v63;
	v26 =	vld [tilespmem:s20+$0xD130];
	[tilespmem:s20+$0x1B0B0] =	vst v34  }
0x476: {  	v28 =	vadd.f32 v23, v44;
	v44 =	vld [tilespmem:s20+$0xD0C0];
	v41 =	vadd.f32 v39, v63;
	[tilespmem:s20+$0x1B2B0] =	vst v36  }
0x477: {  	v55 =	vmul.f32 $3.200000000e+01, v24;
	[tilespmem:s20+$0x19240] =	vst v10;
	v43 =	vld [tilespmem:s7+$0x14130]  }
0x478: {  	v24 =	vld [tilespmem:s20+$0xF1A0];
	[tilespmem:s20+$0x1B040] =	vst v41;
	v50 =	vmul.f32 $3.200000000e+01, v22  }
0x479: {  	v59 =	vadd.f32 v55, v21;
	[tilespmem:s20+$0x19120] =	vst v61;
	v11 =	vld [tilespmem:s7+$0x140C0];
	v57 =	vmul.f32 $3.200000000e+01, v25  }
0x47a: {  	v23 =	vld [tilespmem:s20+$0xD250];
	[tilespmem:s20+$0x1B320] =	vst v28;
	v62 =	vmul.f32 $3.200000000e+01, v26;
	v54 =	vadd.f32 v50, v21  }
0x47b: {  	v32 =	vld [tilespmem:s20+$0xD0D0];
	[tilespmem:s20+$0x1B050] =	vst v59;
	v22 =	vmul.f32 $3.200000000e+01, v53;
	v61 =	vadd.f32 v57, v21  }
0x47c: {  	v10 =	vld [tilespmem:s20+$0xD3A0];
	v12 =	vmul.f32 $3.200000000e+01, v44;
	v30 =	vadd.f32 v62, v43;
	[tilespmem:s20+$0x19050] =	vst v54  }
0x47d: {  	v13 =	vmul.f32 $3.200000000e+01, v45;
	v7 =	vld [tilespmem:s7+$0x141A0];
	v8 =	vadd.f32 v22, v43;
	[tilespmem:s20+$0x1B250] =	vst v61  }
0x47e: {  	v14 =	vmul.f32 $3.200000000e+01, v46;
	v63 =	vld [tilespmem:s20+$0xF140];
	v12 =	vadd.f32 v12, v11;
	[tilespmem:s20+$0x19130] =	vst v30  }
0x47f: {  	v20 =	vmul.f32 $3.200000000e+01, v47;
	v55 =	vld [tilespmem:s20+$0xD260];
	v13 =	vadd.f32 v13, v11;
	[tilespmem:s20+$0x1B330] =	vst v8  }
0x480: {  	v45 =	vmul.f32 $3.200000000e+01, v35;
	v35 =	vld [tilespmem:s20+$0xF270];
	v57 =	vmul.f32 $3.200000000e+01, v17;
	v48 =	vadd.f32 v14, v11;
	[tilespmem:s20+$0x190C0] =	vst v12  }
0x481: {  	v44 =	vmul.f32 $3.200000000e+01, v32;
	v32 =	vld [tilespmem:s20+$0xF070];
	v10 =	vmul.f32 $3.200000000e+01, v10;
	v11 =	vadd.f32 v20, v11;
	[tilespmem:s20+$0x192C0] =	vst v13  }
0x482: {  	v29 =	vld [tilespmem:s20+$0xF340];
	v52 =	vmul.f32 $3.200000000e+01, v23;
	v61 =	vadd.f32 v57, v9;
	[tilespmem:s20+$0x1B0C0] =	vst v48  }
0x483: {  	v28 =	vmul.f32 $3.200000000e+01, v49;
	v39 =	vmul.f32 $3.200000000e+01, v63;
	v63 =	vld [tilespmem:s7+$0x14070];
	v10 =	vadd.f32 v10, v7;
	[tilespmem:s20+$0x1B2C0] =	vst v11  }
0x484: {  	v37 =	vld [tilespmem:s20+$0xF0D0];
	v20 =	vmul.f32 $3.200000000e+01, v51;
	v12 =	vadd.f32 v52, v21;
	[tilespmem:s20+$0x1B190] =	vst v61  }
0x485: {  	v62 =	vmul.f32 $3.200000000e+01, v19;
	v11 =	vadd.f32 v28, v43;
	v52 =	vld [tilespmem:s7+$0x14060];
	[tilespmem:s20+$0x193A0] =	vst v10  }
0x486: {  	v49 =	vmul.f32 $3.200000000e+01, v6;
	v17 =	vmul.f32 $3.200000000e+01, v32;
	v33 =	vadd.f32 v20, v43;
	v56 =	vld [tilespmem:s7+$0x14140];
	[tilespmem:s20+$0x19250] =	vst v12  }
0x487: {  	v6 =	vld [tilespmem:s20+$0xD1C0];
	v34 =	vmul.f32 $3.200000000e+01, v58;
	v48 =	vmul.f32 $3.200000000e+01, v3;
	v28 =	vadd.f32 v62, v7;
	[tilespmem:s20+$0x19330] =	vst v11  }
0x488: {  	v58 =	vld [tilespmem:s20+$0xF060];
	v42 =	vmul.f32 $3.200000000e+01, v29;
	v29 =	vmul.f32 $3.200000000e+01, v55;
	v17 =	vadd.f32 v17, v63;
	[tilespmem:s20+$0x1B130] =	vst v33  }
0x489: {  	v30 =	vld [tilespmem:s20+$0xD270];
	v50 =	vadd.f32 v48, v2;
	[tilespmem:s20+$0x191A0] =	vst v28  }
0x48a: {  	v36 =	vmul.f32 $3.200000000e+01, v60;
	v60 =	vld [tilespmem:s20+$0xF260];
	[tilespmem:s20+$0x1B070] =	vst v17;
	v33 =	vadd.f32 v29, v52  }
0x48b: {  	v59 =	vmul.f32 $3.200000000e+01, v18;
	v18 =	vmul.f32 $3.200000000e+01, v35;
	v35 =	vld [tilespmem:s20+$0xF370];
	[tilespmem:s20+$0x19180] =	vst v50;
	v38 =	vadd.f32 v34, v56  }
0x48c: {  	v31 =	vld [tilespmem:s7+$0x140D0];
	v41 =	vadd.f32 v36, v56;
	[tilespmem:s20+$0x19260] =	vst v33  }
0x48d: {  	v15 =	vmul.f32 $3.200000000e+01, v15;
	v53 =	vld [tilespmem:s20+$0xD060];
	v43 =	vadd.f32 v39, v56;
	[tilespmem:s20+$0x19140] =	vst v38  }
0x48e: {  	v26 =	vld [tilespmem:s20+$0xD070];
	v54 =	vmul.f32 $3.200000000e+01, v16;
	v16 =	vmul.f32 $3.200000000e+01, v30;
	v11 =	vadd.f32 v42, v56;
	[tilespmem:s20+$0x19340] =	vst v41  }
0x48f: {  	v46 =	vmul.f32 $3.200000000e+01, v37;
	v37 =	vld [tilespmem:s20+$0xD350];
	v56 =	vadd.f32 v15, v9;
	[tilespmem:s20+$0x1B140] =	vst v43  }
0x490: {  	v14 =	vld [tilespmem:s20+$0xD1B0];
	v16 =	vadd.f32 v16, v63;
	[tilespmem:s20+$0x1B340] =	vst v11  }
0x491: {  	v57 =	vld [tilespmem:s20+$0xF2F0];
	v20 =	vadd.f32 v44, v31;
	[tilespmem:s20+$0x19190] =	vst v56  }
0x492: {  	v22 =	vmul.f32 $3.200000000e+01, v40;
	v13 =	vld [tilespmem:s20+$0xF1B0];
	v23 =	vadd.f32 v45, v31;
	[tilespmem:s20+$0x19270] =	vst v16  }
0x493: {  	v8 =	vld [tilespmem:s7+$0x141B0];
	v34 =	vmul.f32 $3.200000000e+01, v60;
	v47 =	vadd.f32 v46, v31;
	[tilespmem:s20+$0x190D0] =	vst v20  }
0x494: {  	v32 =	vld [tilespmem:s20+$0xF170];
	v21 =	vadd.f32 v22, v31;
	[tilespmem:s20+$0x192D0] =	vst v23  }
0x495: {  	v5 =	vmul.f32 $3.200000000e+01, v5;
	v61 =	vld [tilespmem:s20+$0xF3C0];
	v36 =	vadd.f32 v34, v52;
	[tilespmem:s20+$0x1B0D0] =	vst v47  }
0x496: {  	v12 =	vld [tilespmem:s20+$0xD3B0];
	v14 =	vmul.f32 $3.200000000e+01, v14;
	v43 =	vadd.f32 v18, v63;
	[tilespmem:s20+$0x1B2D0] =	vst v21  }
0x497: {  	v50 =	vld [tilespmem:s20+$0xD0F0];
	v20 =	vadd.f32 v49, v2;
	v2 =	vadd.f32 v5, v2;
	[tilespmem:s20+$0x1B260] =	vst v36  }
0x498: {  	v13 =	vmul.f32 $3.200000000e+01, v13;
	v29 =	vld [tilespmem:s20+$0xD370];
	v14 =	vadd.f32 v14, v8;
	[tilespmem:s20+$0x1B270] =	vst v43  }
0x499: {  	v39 =	vld [tilespmem:s20+$0xF350];
	[tilespmem:s20+$0x1B380] =	vst v2;
	v2 =	vadd.f32 v54, v9  }
0x49a: {  	v42 =	vld [tilespmem:s20+$0xD0E0];
	v31 =	vmul.f32 $3.200000000e+01, v58;
	v13 =	vadd.f32 v13, v8;
	[tilespmem:s20+$0x191B0] =	vst v14  }
0x49b: {  	v25 =	vmul.f32 $3.200000000e+01, v53;
	v3 =	vld [tilespmem:s7+$0x141C0];
	[tilespmem:s20+$0x19390] =	vst v2;
	v2 =	vadd.f32 v59, v9  }
0x49c: {  	v5 =	vadd.f32 v31, v52;
	v47 =	vld [tilespmem:s20+$0xF2E0];
	[tilespmem:s20+$0x1B1B0] =	vst v13;
	v9 =	vmul.f32 $3.200000000e+01, v26  }
0x49d: {  	v12 =	vmul.f32 $3.200000000e+01, v12;
	v51 =	vld [tilespmem:s7+$0x14150];
	[tilespmem:s20+$0x1B390] =	vst v2;
	v2 =	vadd.f32 v25, v52  }
0x49e: {  	[tilespmem:s20+$0x1B060] =	vst v5;
	v54 =	vld [tilespmem:s20+$0xF0F0];
	v9 =	vadd.f32 v9, v63  }
0x49f: {  	v41 =	vmul.f32 $3.200000000e+01, v24;
	v12 =	vadd.f32 v12, v8;
	v52 =	vld [tilespmem:s20+$0xD2F0];
	[tilespmem:s20+$0x19060] =	vst v2  }
0x4a0: {  	v58 =	vmul.f32 $3.200000000e+01, v27;
	[tilespmem:s20+$0x19070] =	vst v9;
	v40 =	vld [tilespmem:s7+$0x140E0]  }
0x4a1: {  	v6 =	vmul.f32 $3.200000000e+01, v6;
	v45 =	vadd.f32 v41, v7;
	[tilespmem:s20+$0x193B0] =	vst v12;
	v48 =	vld [tilespmem:s7+$0x140F0]  }
0x4a2: {  	v15 =	vmul.f32 $3.200000000e+01, v37;
	v7 =	vadd.f32 v58, v7;
	[tilespmem:s20+$0x19380] =	vst v20;
	v2 =	vld [tilespmem:s20+$0xD150]  }
0x4a3: {  	v60 =	vld [tilespmem:s20+$0xF1C0];
	[tilespmem:s20+$0x1B1A0] =	vst v45;
	v6 =	vadd.f32 v6, v3;
	v56 =	vmul.f32 $3.200000000e+01, v47  }
0x4a4: {  	v38 =	vld [tilespmem:s20+$0xF150];
	[tilespmem:s20+$0x1B3A0] =	vst v7;
	v15 =	vadd.f32 v15, v51;
	v9 =	vmul.f32 $3.200000000e+01, v50  }
0x4a5: {  	v46 =	vld [tilespmem:s20+$0xF0E0];
	[tilespmem:s20+$0x191C0] =	vst v6;
	v62 =	vmul.f32 $3.200000000e+01, v52;
	v59 =	vadd.f32 v56, v40  }
0x4a6: {  	v11 =	vld [tilespmem:s20+$0xF3B0];
	v17 =	vmul.f32 $3.200000000e+01, v54;
	[tilespmem:s20+$0x19350] =	vst v15;
	v9 =	vadd.f32 v9, v48  }
0x4a7: {  	v44 =	vld [tilespmem:s20+$0xD2E0];
	v2 =	vmul.f32 $3.200000000e+01, v2;
	v15 =	vadd.f32 v62, v48;
	[tilespmem:s20+$0x1B2E0] =	vst v59  }
0x4a8: {  	v16 =	vmul.f32 $3.200000000e+01, v57;
	v24 =	vld [tilespmem:s20+$0xF160];
	v17 =	vadd.f32 v17, v48;
	[tilespmem:s20+$0x190F0] =	vst v9  }
0x4a9: {  	v27 =	vld [tilespmem:s20+$0xD170];
	v5 =	vmul.f32 $3.200000000e+01, v38;
	v2 =	vadd.f32 v2, v51;
	[tilespmem:s20+$0x192F0] =	vst v15  }
0x4aa: {  	v21 =	vld [tilespmem:s20+$0xD160];
	v4 =	vmul.f32 $3.200000000e+01, v39;
	v53 =	vmul.f32 $3.200000000e+01, v46;
	v22 =	vadd.f32 v16, v48;
	[tilespmem:s20+$0x1B0F0] =	vst v17  }
0x4ab: {  	v23 =	vld [tilespmem:s20+$0xD360];
	v49 =	vmul.f32 $3.200000000e+01, v42;
	[tilespmem:s20+$0x19150] =	vst v2;
	v2 =	vadd.f32 v5, v51  }
0x4ac: {  	v36 =	vld [tilespmem:s20+$0xD1D0];
	v4 =	vadd.f32 v4, v51;
	[tilespmem:s20+$0x1B2F0] =	vst v22;
	v51 =	vmul.f32 $3.200000000e+01, v44;
	v5 =	vadd.f32 v53, v40  }
0x4ad: {  	v10 =	vmul.f32 $3.200000000e+01, v60;
	v26 =	vld [tilespmem:s7+$0x14170];
	[tilespmem:s20+$0x1B150] =	vst v2;
	v2 =	vadd.f32 v49, v40  }
0x4ae: {  	v41 =	vld [tilespmem:s20+$0xF3D0];
	v11 =	vmul.f32 $3.200000000e+01, v11;
	v55 =	vadd.f32 v51, v40;
	[tilespmem:s20+$0x1B0E0] =	vst v5  }
0x4af: {  	v43 =	vld [tilespmem:s20+$0xD1E0];
	v10 =	vadd.f32 v10, v3;
	[tilespmem:s20+$0x190E0] =	vst v2  }
0x4b0: {  	v39 =	vld [tilespmem:s20+$0xF1D0];
	v8 =	vadd.f32 v11, v8;
	v11 =	vmul.f32 $3.200000000e+01, v27;
	[tilespmem:s20+$0x192E0] =	vst v55  }
0x4b1: {  	[tilespmem:s20+$0x1B1C0] =	vst v10;
	v40 =	vmul.f32 $3.200000000e+01, v29;
	v20 =	vld [tilespmem:s7+$0x14160]  }
0x4b2: {  	v42 =	vmul.f32 $3.200000000e+01, v32;
	v25 =	vld [tilespmem:s20+$0xF360];
	[tilespmem:s20+$0x1B3B0] =	vst v8;
	v11 =	vadd.f32 v11, v26  }
0x4b3: {  	[tilespmem:s20+$0x1B350] =	vst v4;
	v15 =	vmul.f32 $3.200000000e+01, v35;
	v2 =	vld [tilespmem:s20+$0xD3C0];
	v12 =	vadd.f32 v40, v26  }
0x4b4: {  	v45 =	vld [tilespmem:s20+$0xD3E0];
	v9 =	vmul.f32 $3.200000000e+01, v21;
	v13 =	vadd.f32 v42, v26;
	[tilespmem:s20+$0x19170] =	vst v11  }
0x4b5: {  	v38 =	vld [tilespmem:s20+$0xD3D0];
	v28 =	vmul.f32 $3.200000000e+01, v23;
	v44 =	vadd.f32 v15, v26;
	[tilespmem:s20+$0x19370] =	vst v12  }
0x4b6: {  	v31 =	vmul.f32 $3.200000000e+01, v24;
	v51 =	vld [tilespmem:s20+$0xD1F0];
	[tilespmem:s20+$0x1B170] =	vst v13;
	v30 =	vadd.f32 v9, v20  }
0x4b7: {  	v34 =	vmul.f32 $3.200000000e+01, v25;
	v63 =	vld [tilespmem:s7+$0x141D0];
	[tilespmem:s20+$0x1B370] =	vst v44;
	v33 =	vadd.f32 v28, v20  }
0x4b8: {  	v46 =	vld [tilespmem:s20+$0xF1E0];
	v2 =	vmul.f32 $3.200000000e+01, v2;
	v9 =	vadd.f32 v31, v20;
	[tilespmem:s20+$0x19160] =	vst v30  }
0x4b9: {  	v5 =	vmul.f32 $3.200000000e+01, v61;
	v49 =	vld [tilespmem:s7+$0x141F0];
	v37 =	vadd.f32 v34, v20;
	[tilespmem:s20+$0x19360] =	vst v33  }
0x4ba: {  	v8 =	vmul.f32 $3.200000000e+01, v36;
	v48 =	vld [tilespmem:s20+$0xF3E0];
	v2 =	vadd.f32 v2, v3;
	[tilespmem:s20+$0x1B160] =	vst v9  }
0x4bb: {  	v47 =	vmul.f32 $3.200000000e+01, v38;
	v56 =	vld [tilespmem:s20+$0xF1F0];
	v3 =	vadd.f32 v5, v3;
	[tilespmem:s20+$0x1B360] =	vst v37  }
0x4bc: {  	v6 =	vmul.f32 $3.200000000e+01, v51;
	v8 =	vadd.f32 v8, v63;
	[tilespmem:s20+$0x193C0] =	vst v2;
	v2 =	vld [tilespmem:s7+$0x141E0]  }
0x4bd: {  	v50 =	vmul.f32 $3.200000000e+01, v41;
	[tilespmem:s20+$0x1B3C0] =	vst v3;
	v3 =	vadd.f32 v47, v63  }
0x4be: {  	v54 =	vld [tilespmem:s20+$0xD3F0];
	[tilespmem:s20+$0x191D0] =	vst v8;
	v9 =	vmul.f32 $3.200000000e+01, v39;
	v62 =	vadd.f32 v6, v49  }
0x4bf: {  	v55 =	vmul.f32 $3.200000000e+01, v45;
	[tilespmem:s20+$0x193D0] =	vst v3;
	v3 =	vadd.f32 v50, v63  }
0x4c0: {  	v59 =	vld [tilespmem:s20+$0xF3F0];
	v53 =	vmul.f32 $3.200000000e+01, v43;
	v5 =	vmul.f32 $3.200000000e+01, v56;
	v52 =	vadd.f32 v9, v63;
	[tilespmem:s20+$0x191F0] =	vst v62  }
0x4c1: {  	v58 =	vmul.f32 $3.200000000e+01, v46;
	v60 =	vmul.f32 $3.200000000e+01, v48;
	[tilespmem:s20+$0x1B3D0] =	vst v3;
	v3 =	vadd.f32 v55, v2  }
0x4c2: {  	v63 =	vadd.f32 v5, v49;
	[tilespmem:s20+$0x1B1D0] =	vst v52;
	v57 =	vadd.f32 v53, v2  }
0x4c3: {  	v61 =	vadd.f32 v58, v2;
	v2 =	vadd.f32 v60, v2;
	[tilespmem:s20+$0x193E0] =	vst v3;
	v3 =	vmul.f32 $3.200000000e+01, v54  }
0x4c4: {  	p0 =	slt.u32 s0, $0x38;
	[tilespmem:s20+$0x1B1F0] =	vst v63  }
.Ltmp3:
0x4c5: {  	[tilespmem:s20+$0x1B3E0] =	vst v2;
	v2 =	vadd.f32 v3, v49;
	v3 =	vmul.f32 $3.200000000e+01, v59;
	(pc) =	sbr.rel @p0 .LBB2_9-.Ltmp3, $4  }
0x4c6: {  	[tilespmem:s20+$0x191E0] =	vst v57  }
0x4c7: {  	[tilespmem:s20+$0x193F0] =	vst v2;
	v2 =	vadd.f32 v3, v49  }
0x4c8: {  	s28 =	sadd.s32 $0x8, s0;
	[tilespmem:s20+$0x1B1E0] =	vst v61  }
0x4c9: {  	s0 =	smov.u32 s28;
	[tilespmem:s20+$0x1B3F0] =	vst v2  }
0x4ca: {  	s0 =	sshll.u32 s19, $0x2  }
0x4cb: {  	s2 =	sadd.s32 s6, s0  }
0x4cc: {  	s2 =	sshll.u32 s2, $0x7  }
0x4cd: {  	s2 =	sand.u32 $0x1FFFFC00, s2  }
0x4ce: {  	s7 =	simm.s32 $0x19000;
	s2 =	sadd.s32 s2, s18  }
0x4cf: {  	[hbm4b:s2+s4] =	stream.linear.scatter [tilespmem:s7], [sflag:$0xA], $0x200, $0x38;
	[tilespmem:$0x1D000] =	vst v63  }
0x4d0: {  	s13 =	simm.s32 $0x19400;
	s28 =	sadd.s32 $0x80, s2  }
0x4d1: {  	[hbm4b:s28+s4] =	stream.linear.scatter [tilespmem:s13], [sflag:$0xA], $0x200, $0x38;
	[tilespmem:$0x1D000] =	vst v63  }
0x4d2: {  	s19 =	simm.s32 $0x19800;
	s13 =	sadd.s32 $0x100, s2  }
0x4d3: {  	[hbm4b:s13+s4] =	stream.linear.scatter [tilespmem:s19], [sflag:$0xA], $0x200, $0x38;
	[tilespmem:$0x1D000] =	vst v63  }
0x4d4: {  	s20 =	sadd.s32 $0x180, s2;
	s28 =	simm.s32 $0x19C00  }
0x4d5: {  	[hbm4b:s20+s4] =	stream.linear.scatter [tilespmem:s28], [sflag:$0xA], $0x200, $0x38;
	[tilespmem:$0x1D000] =	vst v63  }
0x4d6: {  	s13 =	sadd.s32 $0x200, s2;
	s19 =	simm.s32 $0x1A000  }
0x4d7: {  	[hbm4b:s13+s4] =	stream.linear.scatter [tilespmem:s19], [sflag:$0xA], $0x200, $0x38;
	[tilespmem:$0x1D000] =	vst v63  }
0x4d8: {  	s20 =	sadd.s32 $0x280, s2;
	s28 =	simm.s32 $0x1A400  }
0x4d9: {  	[hbm4b:s20+s4] =	stream.linear.scatter [tilespmem:s28], [sflag:$0xA], $0x200, $0x38;
	[tilespmem:$0x1D000] =	vst v63  }
0x4da: {  	s19 =	sadd.s32 $0x300, s2;
	s20 =	simm.s32 $0x1A800  }
0x4db: {  	[hbm4b:s19+s4] =	stream.linear.scatter [tilespmem:s20], [sflag:$0xA], $0x200, $0x38;
	[tilespmem:$0x1D000] =	vst v63  }
0x4dc: {  	s2 =	sadd.s32 $0x380, s2;
	s13 =	sadd.s32 s15, s0;
	s28 =	simm.s32 $0x1AC00  }
0x4dd: {  	[hbm4b:s2+s4] =	stream.linear.scatter [tilespmem:s28], [sflag:$0xA], $0x200, $0x38;
	[tilespmem:$0x1D000] =	vst v63  }
0x4de: {  	s2 =	sshll.u32 s13, $0x7  }
0x4df: {  	s2 =	sand.u32 $0x1FFFFC00, s2  }
0x4e0: {  	s19 =	simm.s32 $0x19200;
	s2 =	sadd.s32 s2, s18  }
0x4e1: {  	[hbm4b:s2+s4] =	stream.linear.scatter [tilespmem:s19], [sflag:$0xA], $0x200, $0x38;
	[tilespmem:$0x1D000] =	vst v63  }
0x4e2: {  	s28 =	simm.s32 $0x19600;
	s20 =	sadd.s32 $0x80, s2  }
0x4e3: {  	[hbm4b:s20+s4] =	stream.linear.scatter [tilespmem:s28], [sflag:$0xA], $0x200, $0x38;
	[tilespmem:$0x1D000] =	vst v63  }
0x4e4: {  	s13 =	sadd.s32 $0x100, s2;
	s19 =	simm.s32 $0x19A00  }
0x4e5: {  	[hbm4b:s13+s4] =	stream.linear.scatter [tilespmem:s19], [sflag:$0xA], $0x200, $0x38;
	[tilespmem:$0x1D000] =	vst v63  }
0x4e6: {  	s20 =	sadd.s32 $0x180, s2;
	s28 =	simm.s32 $0x19E00  }
0x4e7: {  	[hbm4b:s20+s4] =	stream.linear.scatter [tilespmem:s28], [sflag:$0xA], $0x200, $0x38;
	[tilespmem:$0x1D000] =	vst v63  }
0x4e8: {  	s13 =	sadd.s32 $0x200, s2;
	s19 =	simm.s32 $0x1A200  }
0x4e9: {  	[hbm4b:s13+s4] =	stream.linear.scatter [tilespmem:s19], [sflag:$0xA], $0x200, $0x38;
	[tilespmem:$0x1D000] =	vst v63  }
0x4ea: {  	s20 =	sadd.s32 $0x280, s2;
	s28 =	simm.s32 $0x1A600  }
0x4eb: {  	[hbm4b:s20+s4] =	stream.linear.scatter [tilespmem:s28], [sflag:$0xA], $0x200, $0x38;
	[tilespmem:$0x1D000] =	vst v63  }
0x4ec: {  	s19 =	sadd.s32 $0x300, s2;
	s20 =	simm.s32 $0x1AA00  }
0x4ed: {  	[hbm4b:s19+s4] =	stream.linear.scatter [tilespmem:s20], [sflag:$0xA], $0x200, $0x38;
	[tilespmem:$0x1D000] =	vst v63  }
0x4ee: {  	s2 =	sadd.s32 $0x380, s2;
	s13 =	sadd.s32 s16, s0;
	s28 =	simm.s32 $0x1AE00  }
0x4ef: {  	[hbm4b:s2+s4] =	stream.linear.scatter [tilespmem:s28], [sflag:$0xA], $0x200, $0x38;
	[tilespmem:$0x1D000] =	vst v63  }
0x4f0: {  	s2 =	sshll.u32 s13, $0x7  }
0x4f1: {  	s2 =	sand.u32 $0x1FFFFC00, s2  }
0x4f2: {  	s19 =	simm.s32 $0x1B000;
	s2 =	sadd.s32 s2, s18  }
0x4f3: {  	[hbm4b:s2+s4] =	stream.linear.scatter [tilespmem:s19], [sflag:$0xA], $0x200, $0x38;
	[tilespmem:$0x1D000] =	vst v63  }
0x4f4: {  	s28 =	simm.s32 $0x1B400;
	s20 =	sadd.s32 $0x80, s2  }
0x4f5: {  	[hbm4b:s20+s4] =	stream.linear.scatter [tilespmem:s28], [sflag:$0xA], $0x200, $0x38;
	[tilespmem:$0x1D000] =	vst v63  }
0x4f6: {  	s13 =	sadd.s32 $0x100, s2;
	s19 =	simm.s32 $0x1B800  }
0x4f7: {  	[hbm4b:s13+s4] =	stream.linear.scatter [tilespmem:s19], [sflag:$0xA], $0x200, $0x38;
	[tilespmem:$0x1D000] =	vst v63  }
0x4f8: {  	s20 =	sadd.s32 $0x180, s2;
	s28 =	simm.s32 $0x1BC00  }
0x4f9: {  	[hbm4b:s20+s4] =	stream.linear.scatter [tilespmem:s28], [sflag:$0xA], $0x200, $0x38;
	[tilespmem:$0x1D000] =	vst v63  }
0x4fa: {  	s13 =	sadd.s32 $0x200, s2;
	s19 =	simm.s32 $0x1C000  }
0x4fb: {  	[hbm4b:s13+s4] =	stream.linear.scatter [tilespmem:s19], [sflag:$0xA], $0x200, $0x38;
	[tilespmem:$0x1D000] =	vst v63  }
0x4fc: {  	s0 =	sadd.s32 s17, s0;
	s20 =	sadd.s32 $0x280, s2;
	s28 =	simm.s32 $0x1C400  }
0x4fd: {  	[hbm4b:s20+s4] =	stream.linear.scatter [tilespmem:s28], [sflag:$0xA], $0x200, $0x38;
	[tilespmem:$0x1D000] =	vst v63  }
0x4fe: {  	s0 =	sshll.u32 s0, $0x7;
	s19 =	sadd.s32 $0x300, s2;
	s20 =	simm.s32 $0x1C800  }
0x4ff: {  	[hbm4b:s19+s4] =	stream.linear.scatter [tilespmem:s20], [sflag:$0xA], $0x200, $0x38;
	[tilespmem:$0x1D000] =	vst v63  }
0x500: {  	s0 =	sand.u32 $0x1FFFFC00, s0;
	s2 =	sadd.s32 $0x380, s2;
	s28 =	simm.s32 $0x1CC00  }
0x501: {  	[hbm4b:s2+s4] =	stream.linear.scatter [tilespmem:s28], [sflag:$0xA], $0x200, $0x38;
	[tilespmem:$0x1D000] =	vst v63  }
0x502: {  	s7 =	simm.s32 $0x1B200;
	s0 =	sadd.s32 s0, s18  }
0x503: {  	[hbm4b:s0+s4] =	stream.linear.scatter [tilespmem:s7], [sflag:$0xA], $0x200, $0x38;
	[tilespmem:$0x1D000] =	vst v63  }
0x504: {  	s13 =	sadd.s32 $0x80, s0;
	s19 =	simm.s32 $0x1B600  }
0x505: {  	[hbm4b:s13+s4] =	stream.linear.scatter [tilespmem:s19], [sflag:$0xA], $0x200, $0x38;
	[tilespmem:$0x1D000] =	vst v63  }
0x506: {  	s20 =	sadd.s32 $0x100, s0;
	s28 =	simm.s32 $0x1BA00  }
0x507: {  	[hbm4b:s20+s4] =	stream.linear.scatter [tilespmem:s28], [sflag:$0xA], $0x200, $0x38;
	[tilespmem:$0x1D000] =	vst v63  }
0x508: {  	s13 =	sadd.s32 $0x180, s0;
	s19 =	simm.s32 $0x1BE00  }
0x509: {  	[hbm4b:s13+s4] =	stream.linear.scatter [tilespmem:s19], [sflag:$0xA], $0x200, $0x38;
	[tilespmem:$0x1D000] =	vst v63  }
0x50a: {  	s14 =	sadd.s32 $0x1, s14;
	s20 =	sadd.s32 $0x200, s0;
	s28 =	simm.s32 $0x1C200  }
0x50b: {  	[hbm4b:s20+s4] =	stream.linear.scatter [tilespmem:s28], [sflag:$0xA], $0x200, $0x38;
	[tilespmem:$0x1D000] =	vst v63  }
0x50c: {  	p0 =	sne.s32 s14, $0x8;
	s7 =	sadd.s32 $0x280, s0;
	s13 =	simm.s32 $0x1C600  }
0x50d: {  	[hbm4b:s7+s4] =	stream.linear.scatter [tilespmem:s13], [sflag:$0xA], $0x200, $0x38;
	[tilespmem:$0x1D000] =	vst v63  }
.Ltmp4:
0x50e: {  	_ = 	snop;
	(pc) =	sbr.rel @p0 .LBB2_2-.Ltmp4, $4  }
0x50f: {  	s19 =	sadd.s32 $0x300, s0;
	s20 =	simm.s32 $0x1CA00  }
0x510: {  	[hbm4b:s19+s4] =	stream.linear.scatter [tilespmem:s20], [sflag:$0xA], $0x200, $0x38;
	[tilespmem:$0x1D000] =	vst v63  }
0x511: {  	s0 =	sadd.s32 $0x380, s0;
	s28 =	simm.s32 $0x1CE00  }
0x512: {  	[hbm4b:s0+s4] =	stream.linear.scatter [tilespmem:s28], [sflag:$0xA], $0x200, $0x38;
	[tilespmem:$0x1D000] =	vst v63  }
0x513: {  	_ =	swait.ge [sflag:s24], $0x1000  }
0x514: {  	[sflag:s24] =	ssyncset.done $0x0  }
0x515: {  	[sflag:s24] =	ssyncadd.s32 $0xFFFFF000  }
0x516: {  	_ =	swait.ge [sflag:s24], $0x1000  }
0x517: {  	[sflag:s24] =	ssyncset.done $0x0  }
0x518: {  	[sflag:s24] =	ssyncadd.s32 $0xFFFFF000  }
0x519: {  	_ =	swait.ge [sflag:s24], $0x1000  }
0x51a: {  	[sflag:s24] =	ssyncset.done $0x0  }
0x51b: {  	[sflag:s24] =	ssyncadd.s32 $0xFFFFF000  }
0x51c: {  	_ =	swait.ge [sflag:s24], $0x1000  }
0x51d: {  	[sflag:s24] =	ssyncset.done $0x0  }
0x51e: {  	[sflag:s24] =	ssyncadd.s32 $0xFFFFF000  }
0x51f: {  	_ =	swait.ge [sflag:s31], $0x1000  }
0x520: {  	[sflag:s31] =	ssyncset.done $0x0  }
0x521: {  	[sflag:s31] =	ssyncadd.s32 $0xFFFFF000  }
0x522: {  	_ =	swait.ge [sflag:s31], $0x1000  }
0x523: {  	[sflag:s31] =	ssyncset.done $0x0  }
0x524: {  	[sflag:s31] =	ssyncadd.s32 $0xFFFFF000  }
0x525: {  	_ =	swait.ge [sflag:s31], $0x1000  }
0x526: {  	[sflag:s31] =	ssyncset.done $0x0  }
0x527: {  	[sflag:s31] =	ssyncadd.s32 $0xFFFFF000  }
0x528: {  	_ =	swait.ge [sflag:s31], $0x1000  }
0x529: {  	s2 =	rddreg [dreg:$0x8]  }
0x52a: {  	s0 =	rddreg [dreg:$0x7];
	s2 =	sadd.s32 $0x1, s2  }
0x52b: {  	p0 =	sne.s32 s2, s0  }
.Ltmp5:
0x52c: {  	_ = 	snop;
	(pc) =	sbr.rel @p0 .LBB2_1-.Ltmp5, $3  }
0x52d: {  	_ =	sdelay $0x1  }
0x52e: {  	[sflag:s31] =	ssyncset.done $0x0  }
0x52f: {  	[sflag:s31] =	ssyncadd.s32 $0xFFFFF000  }
0x530: {  	_ =	sfence.sel $0x180000  }
0x531: {  	[bflag:$0x0] =	sbarrier.arrive $0xFFFF  }
0x532: {  	_ =	strace $0x90000047  }
0x533: {  	s0 =	stileid.u32;
	[bflag:$0x2] =	sbarrier.arrive $0xFFFF  }
0x534: {  	p0 =	sne.s32 s0, $0x0;
	s0 =	rddreg [dreg:$0x3]  }
0x535: {  	s0 =	sadd.s32 @!p0 $0x100000, s0  }
0x536: {  	[sflag:s0] =	ssyncadd.tile.s32 @!p0 $0x1;
	_ =	shalt  }
.Lfunc_end2:
_tile_overlayer_lowered:
.L_overlay_start_2:
0x537: {  	(tag) =	ssettag $0x2  }
0x538: {  	s0 =	rddreg [dreg:$0x0];
	s2 =	stileid.u32  }
0x539: {  	s1 =	rddreg [dreg:$0x1];
	p0 =	sne.s32 s2, $0x0  }
0x53a: {  	s3 =	rddreg [dreg:$0x2];
	[bflag:$0x3] =	sbarrier.arrive $0xFFFF;
	s2 =	simm.s32 @!p0 $0x1C0F  }
0x53b: {  	[timem:s3], [sflag:s2] =	dma.local @!p0 [hbm:s0], s1  }
0x53c: {  	s0 =	simm.s32 @!p0 $0xF  }
0x53d: {  	_ =	swait.ge @!p0 [sflag:s0], s1  }
0x53e: {  	s1 =	ssub.s32 @!p0 $0x0, s1;
	[sflag:s0] =	ssyncset.done @!p0 $0x0  }
0x53f: {  	[sflag:s0] =	ssyncadd.s32 @!p0 s1  }
0x540: {  	[bflag:$0x3] =	sbarrier.arrive $0xFFFF  }
0x541: {  	_ =	shalt  }

</sc_bundles>
